<compile_context>
chip_gen: v7x
topology: tpu7x:2x2x1
jax: 0.10.2.dev20260603
libtpu: 0.0.44.dev20260713+nightly
codegen_flags: <defaults>
</compile_context>

<pallas_src>
import functools

import jax
import jax.numpy as jnp
from jax import lax
from jax.experimental import pallas as pl
from jax.experimental.pallas import tpu as pltpu
from jax.experimental.pallas import tpu_sc as plsc

N = 50000
E = 800000
G = 50
A = 1000
H = 2
C = 16
NG = 50
HC = H * C

NC = 2
NS = 16
NW = NC * NS

CH = 128
CHE = 48
EPT = 25344
E_pad = NW * EPT
CPT_G = EPT // CH
CPT_E = EPT // CHE
CPT_S = E_pad // NS // CH
NP = 50176
STR = NP // NS
PW = 40

COEFF = -0.5 / float(5.0 / (NG - 1)) ** 2
SLOPE = 0.2

BLKE = 512
BLKN = 1000

_mesh = lambda: plsc.VectorSubcoreMesh(
    core_axis_name="c", subcore_axis_name="s", num_cores=NC, num_subcores=NS)

_f32 = jnp.float32
_HIGH = lax.Precision.HIGHEST


def _leaky(x):
  return jnp.maximum(x, x * SLOPE)



def _sc_gather_pos(pos4, srcp, dstg, interpret=False):

  @functools.partial(
      pl.kernel,
      out_type=(jax.ShapeDtypeStruct((E_pad, 16), _f32),
                jax.ShapeDtypeStruct((E_pad, 16), _f32)),
      mesh=_mesh(),
      compiler_params=pltpu.CompilerParams(use_tc_tiling_on_sc=False, needs_layout_passes=False),
      scratch_types=[
          pltpu.VMEM((CH,), jnp.int32), pltpu.VMEM((CH,), jnp.int32),
          pltpu.VMEM((CH, 16), _f32), pltpu.VMEM((CH, 16), _f32),
          pltpu.SemaphoreType.DMA, pltpu.SemaphoreType.DMA,
      ],
      interpret=interpret)
  def k(pos4_h, srcp_h, dstg_h, ps_h, pd_h, sidx, didx, sbuf, dbuf, sem1, sem2):
    wid = lax.axis_index("s") * NC + lax.axis_index("c")
    tbase = wid * EPT

    def chunk(i, carry):
      base = tbase + i * CH
      pltpu.sync_copy(srcp_h.at[pl.ds(base, CH)], sidx)
      pltpu.sync_copy(dstg_h.at[pl.ds(base, CH)], didx)
      c1 = pltpu.async_copy(pos4_h.at[sidx], sbuf, sem1)
      c2 = pltpu.async_copy(pos4_h.at[didx], dbuf, sem2)
      c1.wait()
      c2.wait()
      pltpu.sync_copy(sbuf, ps_h.at[pl.ds(base, CH)])
      pltpu.sync_copy(dbuf, pd_h.at[pl.ds(base, CH)])
      return carry

    lax.fori_loop(0, CPT_G, chunk, 0)

  return k(pos4, srcp, dstg)


def _sc_scatter_pre(eprojs, dsts, zstripe, interpret=False):

  @functools.partial(
      pl.kernel,
      out_type=jax.ShapeDtypeStruct((2, NP, PW), _f32),
      mesh=_mesh(),
      compiler_params=pltpu.CompilerParams(use_tc_tiling_on_sc=False, needs_layout_passes=False),
      scratch_types=[
          pltpu.VMEM((CH,), jnp.int32),
          pltpu.VMEM((CH, PW), _f32),
          pltpu.VMEM_SHARED((NP, PW), _f32),
      ],
      interpret=interpret)
  def k(eprojs_h, dsts_h, z_h, acc_h, didx, ebuf, acc):
    cid = lax.axis_index("c")
    sid = lax.axis_index("s")
    pltpu.sync_copy(z_h, acc.at[pl.ds(sid * STR, STR)])
    plsc.subcore_barrier()
    tbase = sid * (CPT_S * CH)

    def chunk(i, carry):
      base = tbase + i * CH
      pltpu.sync_copy(dsts_h.at[pl.ds(base, CH)], didx)

      @pl.when(cid == 0)
      def _():
        pltpu.sync_copy(eprojs_h.at[0, pl.ds(base, CH)], ebuf)

      @pl.when(cid == 1)
      def _():
        pltpu.sync_copy(eprojs_h.at[1, pl.ds(base, CH)], ebuf)

      pltpu.sync_copy(ebuf, acc.at[didx], add=True)
      return carry

    lax.fori_loop(0, CPT_S, chunk, 0)
    plsc.subcore_barrier()

    @pl.when(cid == 0)
    def _():
      pltpu.sync_copy(acc.at[pl.ds(sid * STR, STR)],
                      acc_h.at[0, pl.ds(sid * STR, STR)])

    @pl.when(cid == 1)
    def _():
      pltpu.sync_copy(acc.at[pl.ds(sid * STR, STR)],
                      acc_h.at[1, pl.ds(sid * STR, STR)])

  return k(eprojs, dsts, zstripe)


def _sc_edge_pass(sd, eprojs, xl, xr, att, zstripe, slab,
                  interpret=False):

  @functools.partial(
      pl.kernel,
      out_type=jax.ShapeDtypeStruct((2, NP, PW), _f32),
      mesh=_mesh(),
      compiler_params=pltpu.CompilerParams(use_tc_tiling_on_sc=False, needs_layout_passes=False),
      scratch_types=[
          pltpu.VMEM((3, CHE), jnp.int32),
          pltpu.VMEM((CHE, HC), _f32), pltpu.VMEM((CHE, HC), _f32),
          pltpu.VMEM((CHE, PW), _f32),
          pltpu.VMEM((2, 16), _f32),
          pltpu.VMEM_SHARED((NP, PW), _f32),
          pltpu.SemaphoreType.DMA, pltpu.SemaphoreType.DMA,
          pltpu.SemaphoreType.DMA,
      ],
      interpret=interpret)
  def k(sd_h, eprojs_h, xl_h, xr_h, att_h, z_h, acc_h,
        sdb, xlb, xrb, pay, attv, acc, sem1, sem2, sem3):
    cid = lax.axis_index("c")
    sid = lax.axis_index("s")
    pltpu.sync_copy(z_h, acc.at[pl.ds(sid * STR, STR)])
    pltpu.sync_copy(att_h, attv)
    plsc.subcore_barrier()
    wid = cid * NS + sid
    tbase = wid * EPT
    cbase = wid * CPT_E

    def chunk(i, carry):
      base = tbase + i * CHE
      pltpu.sync_copy(sd_h.at[cbase + i], sdb)
      g1 = pltpu.async_copy(xl_h.at[sdb.at[0]], xlb, sem1)
      g2 = pltpu.async_copy(xr_h.at[sdb.at[1]], xrb, sem2)
      g3 = pltpu.async_copy(eprojs_h.at[slab, pl.ds(base, CHE)], pay, sem3)
      g1.wait()
      g2.wait()
      g3.wait()
      att0 = attv[0]
      att1 = attv[1]
      lane = lax.broadcasted_iota(jnp.int32, (16,), 0)

      def edge4(g, carry2):
        for u in range(4):
          e = g * 4 + u
          xl0 = xlb[e, pl.ds(0, 16)]
          xl1v = xlb[e, pl.ds(16, 16)]
          m0 = xl0 + xrb[e, pl.ds(0, 16)] + pay[e, pl.ds(0, 16)]
          m1 = xl1v + xrb[e, pl.ds(16, 16)] + pay[e, pl.ds(16, 16)]
          s0 = jnp.sum(_leaky(m0) * att0)
          s1 = jnp.sum(_leaky(m1) * att1)
          p0 = jnp.exp(lax.broadcast_in_dim(s0, (16,), ()))
          p1 = jnp.exp(lax.broadcast_in_dim(s1, (16,), ()))
          pay[e, pl.ds(24, 16)] = jnp.where(lane == 8, p0, p1)
          pay[e, pl.ds(0, 16)] = p0 * xl0
          pay[e, pl.ds(16, 16)] = p1 * xl1v
        return carry2

      lax.fori_loop(0, CHE // 4, edge4, 0)
      pltpu.sync_copy(pay, acc.at[sdb.at[2]], add=True)
      return carry

    lax.fori_loop(0, CPT_E, chunk, 0)
    plsc.subcore_barrier()

    @pl.when(cid == 0)
    def _():
      pltpu.sync_copy(acc.at[pl.ds(sid * STR, STR)],
                      acc_h.at[0, pl.ds(sid * STR, STR)])

    @pl.when(cid == 1)
    def _():
      pltpu.sync_copy(acc.at[pl.ds(sid * STR, STR)],
                      acc_h.at[1, pl.ds(sid * STR, STR)])

  return k(sd, eprojs, xl, xr, att, zstripe)



def _tc_edge_dense(ps4, pd4, We1, We2, interpret=False):

  def body(ps_ref, pd_ref, w1_ref, w2_ref, out_ref):
    df = ps_ref[...] - pd_ref[...]
    d2 = jnp.sum(df * df, axis=1, keepdims=True)
    d = jnp.sqrt(d2 + 1e-12)
    offs = lax.broadcasted_iota(jnp.int32, (1, NG), 1).astype(_f32) * (
        5.0 / (NG - 1))
    ea = jnp.exp(COEFF * (d - offs) ** 2)
    e1 = jnp.dot(ea, w1_ref[...], precision=_HIGH)
    e2 = jnp.dot(ea, w2_ref[...], precision=_HIGH)
    out_ref[0, :, 0:HC] = e1
    out_ref[0, :, HC:HC + 1] = jnp.ones((BLKE, 1), _f32)
    out_ref[0, :, HC + 1:PW] = jnp.zeros((BLKE, PW - HC - 1), _f32)
    out_ref[1, :, 0:HC] = e2
    out_ref[1, :, HC:PW] = jnp.zeros((BLKE, PW - HC), _f32)

  grid = E_pad // BLKE
  return pl.pallas_call(
      body,
      grid=(grid,),
      in_specs=[
          pl.BlockSpec((BLKE, 16), lambda i: (i, 0)),
          pl.BlockSpec((BLKE, 16), lambda i: (i, 0)),
          pl.BlockSpec((NG, HC), lambda i: (0, 0)),
          pl.BlockSpec((NG, HC), lambda i: (0, 0)),
      ],
      out_specs=pl.BlockSpec((2, BLKE, PW), lambda i: (0, i, 0)),
      out_shape=jax.ShapeDtypeStruct((2, E_pad, PW), _f32),
      interpret=interpret,
  )(ps4, pd4, We1, We2)


def _tc_node_pre(pos, accS, W_init, b_init, Wl1, bl1, Wr1, br1, att1,
                 interpret=False):

  def body(pos_ref, a_ref, wi_ref, bi_ref, wl_ref, bl_ref, wr_ref, br_ref,
           at_ref, xl_o, xr_o, pl_o, le2_o, cf_o):
    x0 = jax.nn.softplus(
        jnp.dot(pos_ref[...], wi_ref[...], precision=_HIGH) + bi_ref[...])
    a0 = a_ref[0]
    a1 = a_ref[1]
    cnt = a0[:, HC:HC + 1]
    ccl = jnp.maximum(cnt, 1.0)
    le1 = a0[:, 0:HC] / ccl
    le2 = a1[:, 0:HC] / ccl
    cf_o[...] = cnt + 1.0
    le2_o[...] = le2
    xl = jnp.dot(x0, wl_ref[...], precision=_HIGH) + bl_ref[...]
    xr = jnp.dot(x0, wr_ref[...], precision=_HIGH) + br_ref[...]
    xl_o[...] = xl
    xr_o[...] = xr
    ml = _leaky(xl + xr + le1).reshape(BLKN, H, C)
    al = jnp.sum(ml * at_ref[...], axis=-1)
    pl_o[...] = jnp.exp(al)

  grid = N // BLKN
  return pl.pallas_call(
      body,
      grid=(grid,),
      in_specs=[
          pl.BlockSpec((BLKN, 3), lambda i: (i, 0)),
          pl.BlockSpec((2, BLKN, PW), lambda i: (0, i, 0)),
          pl.BlockSpec((3, C), lambda i: (0, 0)),
          pl.BlockSpec((1, C), lambda i: (0, 0)),
          pl.BlockSpec((C, HC), lambda i: (0, 0)),
          pl.BlockSpec((1, HC), lambda i: (0, 0)),
          pl.BlockSpec((C, HC), lambda i: (0, 0)),
          pl.BlockSpec((1, HC), lambda i: (0, 0)),
          pl.BlockSpec((1, H, C), lambda i: (0, 0, 0)),
      ],
      out_specs=[
          pl.BlockSpec((BLKN, HC), lambda i: (i, 0)),
          pl.BlockSpec((BLKN, HC), lambda i: (i, 0)),
          pl.BlockSpec((BLKN, H), lambda i: (i, 0)),
          pl.BlockSpec((BLKN, HC), lambda i: (i, 0)),
          pl.BlockSpec((BLKN, 1), lambda i: (i, 0)),
      ],
      out_shape=[
          jax.ShapeDtypeStruct((N, HC), _f32),
          jax.ShapeDtypeStruct((N, HC), _f32),
          jax.ShapeDtypeStruct((N, H), _f32),
          jax.ShapeDtypeStruct((N, HC), _f32),
          jax.ShapeDtypeStruct((N, 1), _f32),
      ],
      interpret=interpret,
  )(pos, accS, W_init, b_init, Wl1, bl1, Wr1, br1, att1)


def _combine(accE, xl, ploop, cntf, bias):
  asum = accE[0] + accE[1]
  num = (asum[:, 0:HC].reshape(BLKN, H, C)
         + ploop[:, :, None] * xl.reshape(BLKN, H, C))
  den = asum[:, HC:HC + H] + ploop
  out = jnp.sum(num / den[:, :, None], axis=1) * (0.5 / cntf) + bias
  return jax.nn.softplus(out)


def _tc_combine_mid(accE, xl, ploop, cntf, bias, le_n, Wl_n, bl_n, Wr_n, br_n,
                    att_n, interpret=False):

  def body(a_ref, xl_ref, pl_ref, cf_ref, b_ref, le_ref, wl_ref, bl_ref,
           wr_ref, br_ref, at_ref, xl_o, xr_o, pl_o):
    xn = _combine(a_ref[...], xl_ref[...], pl_ref[...], cf_ref[...], b_ref[...])
    xln = jnp.dot(xn, wl_ref[...], precision=_HIGH) + bl_ref[...]
    xrn = jnp.dot(xn, wr_ref[...], precision=_HIGH) + br_ref[...]
    xl_o[...] = xln
    xr_o[...] = xrn
    ml = _leaky(xln + xrn + le_ref[...]).reshape(BLKN, H, C)
    pl_o[...] = jnp.exp(jnp.sum(ml * at_ref[...], axis=-1))

  grid = N // BLKN
  return pl.pallas_call(
      body,
      grid=(grid,),
      in_specs=[
          pl.BlockSpec((2, BLKN, PW), lambda i: (0, i, 0)),
          pl.BlockSpec((BLKN, HC), lambda i: (i, 0)),
          pl.BlockSpec((BLKN, H), lambda i: (i, 0)),
          pl.BlockSpec((BLKN, 1), lambda i: (i, 0)),
          pl.BlockSpec((1, C), lambda i: (0, 0)),
          pl.BlockSpec((BLKN, HC), lambda i: (i, 0)),
          pl.BlockSpec((C, HC), lambda i: (0, 0)),
          pl.BlockSpec((1, HC), lambda i: (0, 0)),
          pl.BlockSpec((C, HC), lambda i: (0, 0)),
          pl.BlockSpec((1, HC), lambda i: (0, 0)),
          pl.BlockSpec((1, H, C), lambda i: (0, 0, 0)),
      ],
      out_specs=[
          pl.BlockSpec((BLKN, HC), lambda i: (i, 0)),
          pl.BlockSpec((BLKN, HC), lambda i: (i, 0)),
          pl.BlockSpec((BLKN, H), lambda i: (i, 0)),
      ],
      out_shape=[
          jax.ShapeDtypeStruct((N, HC), _f32),
          jax.ShapeDtypeStruct((N, HC), _f32),
          jax.ShapeDtypeStruct((N, H), _f32),
      ],
      interpret=interpret,
  )(accE, xl, ploop, cntf, bias, le_n, Wl_n, bl_n, Wr_n, br_n, att_n)


def _tc_combine_final(accE, xl, ploop, cntf, bias, W_p1, b_p1, W_p2, b_p2,
                      sig, interpret=False):

  def body(a_ref, xl_ref, pl_ref, cf_ref, b_ref, w1_ref, b1_ref, w2_ref,
           b2_ref, sg_ref, out_o):
    xn = _combine(a_ref[...], xl_ref[...], pl_ref[...], cf_ref[...], b_ref[...])
    y = jax.nn.softplus(
        jnp.dot(xn, w1_ref[...], precision=_HIGH) + b1_ref[...])
    sc = jnp.dot(y, w2_ref[...], precision=_HIGH) + b2_ref[...]
    out_o[...] = sc / sg_ref[...]

  grid = N // BLKN
  return pl.pallas_call(
      body,
      grid=(grid,),
      in_specs=[
          pl.BlockSpec((2, BLKN, PW), lambda i: (0, i, 0)),
          pl.BlockSpec((BLKN, HC), lambda i: (i, 0)),
          pl.BlockSpec((BLKN, H), lambda i: (i, 0)),
          pl.BlockSpec((BLKN, 1), lambda i: (i, 0)),
          pl.BlockSpec((1, C), lambda i: (0, 0)),
          pl.BlockSpec((C, C), lambda i: (0, 0)),
          pl.BlockSpec((1, C), lambda i: (0, 0)),
          pl.BlockSpec((C, 3), lambda i: (0, 0)),
          pl.BlockSpec((1, 3), lambda i: (0, 0)),
          pl.BlockSpec((BLKN, 1), lambda i: (i, 0)),
      ],
      out_specs=pl.BlockSpec((BLKN, 3), lambda i: (i, 0)),
      out_shape=jax.ShapeDtypeStruct((N, 3), _f32),
      interpret=interpret,
  )(accE, xl, ploop, cntf, bias, W_p1, b_p1, W_p2, b_p2, sig)



def kernel(pos, edge_index, sigmas, W_init, b_init, Wl1, bl1, Wr1, br1, We1,
           att1, bias1, Wl2, bl2, Wr2, br2, We2, att2, bias2, W_p1, b_p1,
           W_p2, b_p2):
  src = edge_index[0]
  dst = edge_index[1]
  padn = E_pad - E
  srcp = jnp.concatenate([src, jnp.zeros((padn,), jnp.int32)])
  dstg = jnp.concatenate([dst, jnp.zeros((padn,), jnp.int32)])
  dsts = jnp.concatenate([dst, jnp.full((padn,), N, jnp.int32)])
  pos4 = jnp.pad(pos, ((0, 0), (0, 13)))
  zstripe = jnp.zeros((STR, PW), _f32)
  sig = sigmas.reshape(N, 1)
  b_init2 = b_init.reshape(1, C)
  bl1r, br1r = bl1.reshape(1, HC), br1.reshape(1, HC)
  bl2r, br2r = bl2.reshape(1, HC), br2.reshape(1, HC)
  bias1r, bias2r = bias1.reshape(1, C), bias2.reshape(1, C)
  att1r = att1.reshape(H, C)
  att2r = att2.reshape(H, C)

  sd = jnp.stack([srcp.reshape(-1, CHE), dstg.reshape(-1, CHE),
                  dsts.reshape(-1, CHE)], axis=1)
  ps4, pd4 = _sc_gather_pos(pos4, srcp, dstg)
  eprojs = _tc_edge_dense(ps4, pd4, We1, We2)
  accS = _sc_scatter_pre(eprojs, dsts, zstripe)
  xl, xr, ploop, le2, cntf = _tc_node_pre(
      pos, accS, W_init, b_init2, Wl1, bl1r, Wr1, br1r, att1)

  accE = _sc_edge_pass(sd, eprojs, xl, xr, att1r, zstripe, 0)
  xl, xr, ploop2 = _tc_combine_mid(
      accE, xl, ploop, cntf, bias1r, le2, Wl2, bl2r, Wr2, br2r, att2)
  accE = _sc_edge_pass(sd, eprojs, xl, xr, att2r, zstripe, 1)
  xl, xr, ploop3 = _tc_combine_mid(
      accE, xl, ploop2, cntf, bias2r, le2, Wl2, bl2r, Wr2, br2r, att2)
  accE = _sc_edge_pass(sd, eprojs, xl, xr, att2r, zstripe, 1)
  scores = _tc_combine_final(
      accE, xl, ploop3, cntf, bias2r, W_p1, b_p1.reshape(1, C), W_p2,
      b_p2.reshape(1, 3), sig)
  return scores

# --- scband reference (transcript-rebuilt; emitter-appended) ---
"""Pipeline reference for scband-graph-convolution-score-net-31061203485078 (READ-ONLY COPY).

The authoritative reference and input builder live on the scoring server;
editing this copy changes nothing except your own understanding.
"""

import jax, jax.numpy as jnp
import numpy as np

N = 50000
E = 800000
G = 50
A = 1000
H = 2
C = 16
NG = 50

def _lin(k, fi, fo):
    s = 1.0 / np.sqrt(fi)
    return jax.random.uniform(k, (fi, fo), minval=-s, maxval=s, dtype=jnp.float32)

def setup_inputs(seed: int = 0):
    key = jax.random.key(seed)
    ks = jax.random.split(key, 32)
    inp = {}
    inp['pos'] = jax.random.normal(ks[0], (N, 3), dtype=jnp.float32) * 1.5
    inp['edge_index'] = jax.random.randint(ks[1], (2, E), 0, N, dtype=jnp.int32)
    inp['sigmas'] = jax.random.uniform(ks[2], (G, A), minval=0.5, maxval=1.5, dtype=jnp.float32)
    inp['W_init'] = _lin(ks[3], 3, C)
    inp['b_init'] = jnp.zeros((C,), jnp.float32)
    i = 4
    for c in ('1', '2'):
        inp['Wl' + c] = _lin(ks[i], C, H * C); i += 1
        inp['bl' + c] = jnp.zeros((H * C,), jnp.float32)
        inp['Wr' + c] = _lin(ks[i], C, H * C); i += 1
        inp['br' + c] = jnp.zeros((H * C,), jnp.float32)
        inp['We' + c] = _lin(ks[i], NG, H * C); i += 1
        inp['att' + c] = jax.random.normal(ks[i], (1, H, C), dtype=jnp.float32) * 0.1; i += 1
        inp['bias' + c] = jnp.zeros((C,), jnp.float32)
    inp['W_p1'] = _lin(ks[i], C, C); i += 1
    inp['b_p1'] = jnp.zeros((C,), jnp.float32)
    inp['W_p2'] = _lin(ks[i], C, 3); i += 1
    inp['b_p2'] = jnp.zeros((3,), jnp.float32)
    return inp

def _gatv2(x, src, dst, ea, Wl, bl, Wr, br, We, att, bias):
    # PyG GATv2Conv: heads=2, concat=False, aggr='mean', negative_slope=0.2
    xl = (x @ Wl + bl).reshape(N, H, C)
    xr = (x @ Wr + br).reshape(N, H, C)
    e = (ea @ We).reshape(-1, H, C)
    m = xl[src] + xr[dst] + e
    m = jax.nn.leaky_relu(m, negative_slope=0.2)
    alpha = jnp.sum(m * att, axis=-1)  # [E', H]
    amax = jax.ops.segment_max(alpha, dst, num_segments=N)
    alpha = jnp.exp(alpha - amax[dst])
    denom = jax.ops.segment_sum(alpha, dst, num_segments=N)
    alpha = alpha / denom[dst]
    msg = xl[src] * alpha[:, :, None]
    out = jax.ops.segment_sum(msg, dst, num_segments=N)
    cnt = jax.ops.segment_sum(jnp.ones((dst.shape[0],), jnp.float32), dst, num_segments=N)
    out = out / jnp.clip(cnt, 1.0)[:, None, None]
    return out.mean(axis=1) + bias

def reference(pos, edge_index, sigmas, W_init, b_init, Wl1, bl1, Wr1, br1, We1, att1, bias1, Wl2, bl2, Wr2, br2, We2, att2, bias2, W_p1, b_p1, W_p2, b_p2):
    src = edge_index[0]
    dst = edge_index[1]
    d = jnp.sqrt(jnp.sum((pos[src] - pos[dst]) ** 2, axis=1) + 1e-12)
    offset = jnp.linspace(0.0, 5.0, NG)
    coeff = -0.5 / float(5.0 / (NG - 1)) ** 2
    ea = jnp.exp(coeff * (d[:, None] - offset[None, :]) ** 2)
    # add_self_loops=True with fill_value='mean' (PyG default inside GATv2Conv)
    cnt_in = jax.ops.segment_sum(jnp.ones((E,), jnp.float32), dst, num_segments=N)
    loop_attr = jax.ops.segment_sum(ea, dst, num_segments=N) / jnp.clip(cnt_in, 1.0)[:, None]
    loops = jnp.arange(N, dtype=src.dtype)
    src_f = jnp.concatenate([src, loops])
    dst_f = jnp.concatenate([dst, loops])
    ea_f = jnp.concatenate([ea, loop_attr], axis=0)
    x = jax.nn.softplus(pos @ W_init + b_init)
    x = jax.nn.softplus(_gatv2(x, src_f, dst_f, ea_f, Wl1, bl1, Wr1, br1, We1, att1, bias1))
    x = jax.nn.softplus(_gatv2(x, src_f, dst_f, ea_f, Wl2, bl2, Wr2, br2, We2, att2, bias2))
    # original forward applies gconv2 a second time (gconv3 is unused)
    x = jax.nn.softplus(_gatv2(x, src_f, dst_f, ea_f, Wl2, bl2, Wr2, br2, We2, att2, bias2))
    y = jax.nn.softplus(x @ W_p1 + b_p1)
    scores = (y @ W_p2 + b_p2).reshape(G, A, 3) / sigmas[:, :, None]
    return scores.reshape(G * A, 3)

if __name__ == "__main__":
    import jax
    _d = setup_inputs()
    print(jax.jit(kernel)(*tuple(_d.values())))

</pallas_src>

<mosaic_0001>
#map = affine_map<(d0, d1) -> (0, 0, 0)>
#map1 = affine_map<(d0, d1) -> (0)>
#map2 = affine_map<(d0, d1) -> (0, 0)>
module attributes {stable_mosaic.version = 14 : i64} {
  func.func @k(%arg0: i32, %arg1: i32, %arg2: memref<2x811008x40xf32, #tpu.memory_space<hbm>>, %arg3: memref<811008xi32, #tpu.memory_space<hbm>>, %arg4: memref<3136x40xf32, #tpu.memory_space<hbm>>, %arg5: memref<2x50176x40xf32, #tpu.memory_space<hbm>>, %arg6: memref<128xi32, #tpu.memory_space<vmem>>, %arg7: memref<128x40xf32, #tpu.memory_space<vmem>>, %arg8: memref<50176x40xf32, #tpu.memory_space<vmem_shared>>) attributes {dimension_semantics = [#tpu.dimension_semantics<core_parallel>, #tpu.dimension_semantics<subcore_parallel>], iteration_bounds = array<i64: 2, 16>, scalar_prefetch = 0 : i64, scratch_operands = 3 : i64, tpu.core_type = #tpu.core_type<sc_vector_subcore>, window_params = [{transform_indices = #map}, {transform_indices = #map1}, {transform_indices = #map2}, {transform_indices = #map}]} {
    %mul3A = arith.constant 3136 : i32
    %mul3A_0 = arith.muli %arg1, %mul3A : i32
    "tpu.region"() ({
      %run_scoped3A = tpu.sem_alloc : memref<!tpu.dma_semaphore, #tpu.memory_space<semaphore_mem>>
      %dma_start3A = arith.constant 0 : i32
      %dma_start3A_16 = tpu.memref_slice %arg8[%mul3A_0, %dma_start3A] : memref<50176x40xf32, #tpu.memory_space<vmem_shared>> -> memref<3136x40xf32, #tpu.memory_space<vmem_shared>>
      tpu.enqueue_dma source(%arg4 : memref<3136x40xf32, #tpu.memory_space<hbm>>) target(%dma_start3A_16 : memref<3136x40xf32, #tpu.memory_space<vmem_shared>>) target_semaphore(%run_scoped3A : memref<!tpu.dma_semaphore, #tpu.memory_space<semaphore_mem>>)
      %dma_wait3A = arith.constant 0 : i32
      %dma_wait3A_17 = tpu.memref_slice %arg8[%mul3A_0, %dma_wait3A] : memref<50176x40xf32, #tpu.memory_space<vmem_shared>> -> memref<3136x40xf32, #tpu.memory_space<vmem_shared>>
      tpu.wait_dma2 semaphore(%run_scoped3A : memref<!tpu.dma_semaphore, #tpu.memory_space<semaphore_mem>>) src(%arg4 : memref<3136x40xf32, #tpu.memory_space<hbm>>) dst(%dma_wait3A_17 : memref<3136x40xf32, #tpu.memory_space<vmem_shared>>)
      tpu.yield
    }) : () -> ()
    %barrier3A = arith.constant 0 : index
    tpu.barrier barrier_id(%barrier3A)
    %mul3A_1 = arith.constant 50688 : i32
    %mul3A_2 = arith.muli %arg1, %mul3A_1 : i32
    %scan3A = arith.constant 0 : i32
    %scan3A_3 = arith.constant 0 : i32
    %scan3A_4 = arith.constant 396 : i32
    %scan3A_5 = arith.addi %scan3A_3, %scan3A_4 : i32
    %scan3A_6 = arith.constant 1 : i32
    scf.for %scan3A_16 = %scan3A_3 to %scan3A_5 step %scan3A_6  : i32 {
      %mul3A_17 = arith.constant 128 : i32
      %mul3A_18 = arith.muli %scan3A_16, %mul3A_17 : i32
      %add3A = arith.addi %mul3A_2, %mul3A_18 : i32
      "tpu.region"() ({
        %run_scoped3A = tpu.sem_alloc : memref<!tpu.dma_semaphore, #tpu.memory_space<semaphore_mem>>
        %dma_start3A = tpu.memref_slice %arg3[%add3A] : memref<811008xi32, #tpu.memory_space<hbm>> -> memref<128xi32, #tpu.memory_space<hbm>>
        %dma_start3A_29 = tpu.memref_slice %arg3[%add3A] : memref<811008xi32, #tpu.memory_space<hbm>> -> memref<128xi32, #tpu.memory_space<hbm>>
        tpu.enqueue_dma source(%dma_start3A_29 : memref<128xi32, #tpu.memory_space<hbm>>) target(%arg6 : memref<128xi32, #tpu.memory_space<vmem>>) target_semaphore(%run_scoped3A : memref<!tpu.dma_semaphore, #tpu.memory_space<semaphore_mem>>)
        %dma_wait3A = tpu.memref_slice %arg3[%add3A] : memref<811008xi32, #tpu.memory_space<hbm>> -> memref<128xi32, #tpu.memory_space<hbm>>
        %dma_wait3A_30 = tpu.memref_slice %arg3[%add3A] : memref<811008xi32, #tpu.memory_space<hbm>> -> memref<128xi32, #tpu.memory_space<hbm>>
        tpu.wait_dma2 semaphore(%run_scoped3A : memref<!tpu.dma_semaphore, #tpu.memory_space<semaphore_mem>>) src(%dma_wait3A_30 : memref<128xi32, #tpu.memory_space<hbm>>) dst(%arg6 : memref<128xi32, #tpu.memory_space<vmem>>)
        tpu.yield
      }) : () -> ()
      %eq3A_19 = arith.constant 0 : i32
      %eq3A_20 = arith.cmpi eq, %arg0, %eq3A_19 : i32
      %convert_element_type3A_21 = arith.extui %eq3A_20 : i1 to i32
      %cond3A_22 = arith.constant 0 : i32
      %cond3A_23 = arith.cmpi ne, %convert_element_type3A_21, %cond3A_22 : i32
      scf.if %cond3A_23 {
        %run_scoped3A = arith.constant 0 : i32
        "tpu.region"() ({
          %run_scoped3A_29 = tpu.sem_alloc : memref<!tpu.dma_semaphore, #tpu.memory_space<semaphore_mem>>
          %dma_start3A = arith.constant 0 : i32
          %dma_start3A_30 = tpu.memref_slice %arg2[%run_scoped3A, %add3A, %dma_start3A] : memref<2x811008x40xf32, #tpu.memory_space<hbm>> -> memref<1x128x40xf32, #tpu.memory_space<hbm>>
          %dma_start3A_31 = tpu.memref_squeeze %dma_start3A_30 : memref<1x128x40xf32, #tpu.memory_space<hbm>> -> memref<128x40xf32, #tpu.memory_space<hbm>>
          %dma_start3A_32 = arith.constant 0 : i32
          %dma_start3A_33 = tpu.memref_slice %arg2[%run_scoped3A, %add3A, %dma_start3A_32] : memref<2x811008x40xf32, #tpu.memory_space<hbm>> -> memref<1x128x40xf32, #tpu.memory_space<hbm>>
          %dma_start3A_34 = tpu.memref_squeeze %dma_start3A_33 : memref<1x128x40xf32, #tpu.memory_space<hbm>> -> memref<128x40xf32, #tpu.memory_space<hbm>>
          tpu.enqueue_dma source(%dma_start3A_34 : memref<128x40xf32, #tpu.memory_space<hbm>>) target(%arg7 : memref<128x40xf32, #tpu.memory_space<vmem>>) target_semaphore(%run_scoped3A_29 : memref<!tpu.dma_semaphore, #tpu.memory_space<semaphore_mem>>)
          %dma_wait3A = arith.constant 0 : i32
          %dma_wait3A_35 = tpu.memref_slice %arg2[%run_scoped3A, %add3A, %dma_wait3A] : memref<2x811008x40xf32, #tpu.memory_space<hbm>> -> memref<1x128x40xf32, #tpu.memory_space<hbm>>
          %dma_wait3A_36 = tpu.memref_squeeze %dma_wait3A_35 : memref<1x128x40xf32, #tpu.memory_space<hbm>> -> memref<128x40xf32, #tpu.memory_space<hbm>>
          %dma_wait3A_37 = arith.constant 0 : i32
          %dma_wait3A_38 = tpu.memref_slice %arg2[%run_scoped3A, %add3A, %dma_wait3A_37] : memref<2x811008x40xf32, #tpu.memory_space<hbm>> -> memref<1x128x40xf32, #tpu.memory_space<hbm>>
          %dma_wait3A_39 = tpu.memref_squeeze %dma_wait3A_38 : memref<1x128x40xf32, #tpu.memory_space<hbm>> -> memref<128x40xf32, #tpu.memory_space<hbm>>
          tpu.wait_dma2 semaphore(%run_scoped3A_29 : memref<!tpu.dma_semaphore, #tpu.memory_space<semaphore_mem>>) src(%dma_wait3A_39 : memref<128x40xf32, #tpu.memory_space<hbm>>) dst(%arg7 : memref<128x40xf32, #tpu.memory_space<vmem>>)
          tpu.yield
        }) : () -> ()
      } else {
      }
      %eq3A_24 = arith.constant 1 : i32
      %eq3A_25 = arith.cmpi eq, %arg0, %eq3A_24 : i32
      %convert_element_type3A_26 = arith.extui %eq3A_25 : i1 to i32
      %cond3A_27 = arith.constant 0 : i32
      %cond3A_28 = arith.cmpi ne, %convert_element_type3A_26, %cond3A_27 : i32
      scf.if %cond3A_28 {
        %run_scoped3A = arith.constant 1 : i32
        "tpu.region"() ({
          %run_scoped3A_29 = tpu.sem_alloc : memref<!tpu.dma_semaphore, #tpu.memory_space<semaphore_mem>>
          %dma_start3A = arith.constant 0 : i32
          %dma_start3A_30 = tpu.memref_slice %arg2[%run_scoped3A, %add3A, %dma_start3A] : memref<2x811008x40xf32, #tpu.memory_space<hbm>> -> memref<1x128x40xf32, #tpu.memory_space<hbm>>
          %dma_start3A_31 = tpu.memref_squeeze %dma_start3A_30 : memref<1x128x40xf32, #tpu.memory_space<hbm>> -> memref<128x40xf32, #tpu.memory_space<hbm>>
          %dma_start3A_32 = arith.constant 0 : i32
          %dma_start3A_33 = tpu.memref_slice %arg2[%run_scoped3A, %add3A, %dma_start3A_32] : memref<2x811008x40xf32, #tpu.memory_space<hbm>> -> memref<1x128x40xf32, #tpu.memory_space<hbm>>
          %dma_start3A_34 = tpu.memref_squeeze %dma_start3A_33 : memref<1x128x40xf32, #tpu.memory_space<hbm>> -> memref<128x40xf32, #tpu.memory_space<hbm>>
          tpu.enqueue_dma source(%dma_start3A_34 : memref<128x40xf32, #tpu.memory_space<hbm>>) target(%arg7 : memref<128x40xf32, #tpu.memory_space<vmem>>) target_semaphore(%run_scoped3A_29 : memref<!tpu.dma_semaphore, #tpu.memory_space<semaphore_mem>>)
          %dma_wait3A = arith.constant 0 : i32
          %dma_wait3A_35 = tpu.memref_slice %arg2[%run_scoped3A, %add3A, %dma_wait3A] : memref<2x811008x40xf32, #tpu.memory_space<hbm>> -> memref<1x128x40xf32, #tpu.memory_space<hbm>>
          %dma_wait3A_36 = tpu.memref_squeeze %dma_wait3A_35 : memref<1x128x40xf32, #tpu.memory_space<hbm>> -> memref<128x40xf32, #tpu.memory_space<hbm>>
          %dma_wait3A_37 = arith.constant 0 : i32
          %dma_wait3A_38 = tpu.memref_slice %arg2[%run_scoped3A, %add3A, %dma_wait3A_37] : memref<2x811008x40xf32, #tpu.memory_space<hbm>> -> memref<1x128x40xf32, #tpu.memory_space<hbm>>
          %dma_wait3A_39 = tpu.memref_squeeze %dma_wait3A_38 : memref<1x128x40xf32, #tpu.memory_space<hbm>> -> memref<128x40xf32, #tpu.memory_space<hbm>>
          tpu.wait_dma2 semaphore(%run_scoped3A_29 : memref<!tpu.dma_semaphore, #tpu.memory_space<semaphore_mem>>) src(%dma_wait3A_39 : memref<128x40xf32, #tpu.memory_space<hbm>>) dst(%arg7 : memref<128x40xf32, #tpu.memory_space<vmem>>)
          tpu.yield
        }) : () -> ()
      } else {
      }
      "tpu.region"() ({
        %run_scoped3A = tpu.sem_alloc : memref<!tpu.dma_semaphore, #tpu.memory_space<semaphore_mem>>
        %dma_start3A = arith.constant 0 : i32
        %dma_start3A_29 = arith.constant 0 : i32
        %dma_start3A_30 = tpu.memref_slice %arg8[%dma_start3A, %dma_start3A_29] : memref<50176x40xf32, #tpu.memory_space<vmem_shared>> -> memref<50176x40xf32, #tpu.memory_space<vmem_shared>>
        tpu.enqueue_indirect_dma source(%arg7 : memref<128x40xf32, #tpu.memory_space<vmem>>) target(%dma_start3A_30 : memref<50176x40xf32, #tpu.memory_space<vmem_shared>>) offsets(%arg6 : memref<128xi32, #tpu.memory_space<vmem>>) semaphore(%run_scoped3A : memref<!tpu.dma_semaphore, #tpu.memory_space<semaphore_mem>>) {add = true}
        %dma_wait3A = arith.constant 0 : i32
        %dma_wait3A_31 = arith.constant 0 : i32
        %dma_wait3A_32 = tpu.memref_slice %arg8[%dma_wait3A, %dma_wait3A_31] : memref<50176x40xf32, #tpu.memory_space<vmem_shared>> -> memref<50176x40xf32, #tpu.memory_space<vmem_shared>>
        tpu.wait_indirect_dma semaphore(%run_scoped3A : memref<!tpu.dma_semaphore, #tpu.memory_space<semaphore_mem>>) src(%arg7 : memref<128x40xf32, #tpu.memory_space<vmem>>) dst(%dma_wait3A_32 : memref<50176x40xf32, #tpu.memory_space<vmem_shared>>)
        tpu.yield
      }) : () -> ()
    }
    %scan3A_7 = arith.constant 396 : i32
    %barrier3A_8 = arith.constant 0 : index
    tpu.barrier barrier_id(%barrier3A_8)
    %eq3A = arith.constant 0 : i32
    %eq3A_9 = arith.cmpi eq, %arg0, %eq3A : i32
    %convert_element_type3A = arith.extui %eq3A_9 : i1 to i32
    %cond3A = arith.constant 0 : i32
    %cond3A_10 = arith.cmpi ne, %convert_element_type3A, %cond3A : i32
    scf.if %cond3A_10 {
      %mul3A_16 = arith.constant 3136 : i32
      %mul3A_17 = arith.muli %arg1, %mul3A_16 : i32
      %mul3A_18 = arith.constant 3136 : i32
      %mul3A_19 = arith.muli %arg1, %mul3A_18 : i32
      %run_scoped3A = arith.constant 0 : i32
      "tpu.region"() ({
        %run_scoped3A_20 = tpu.sem_alloc : memref<!tpu.dma_semaphore, #tpu.memory_space<semaphore_mem>>
        %dma_start3A = arith.constant 0 : i32
        %dma_start3A_21 = tpu.memref_slice %arg5[%run_scoped3A, %mul3A_19, %dma_start3A] : memref<2x50176x40xf32, #tpu.memory_space<hbm>> -> memref<1x3136x40xf32, #tpu.memory_space<hbm>>
        %dma_start3A_22 = tpu.memref_squeeze %dma_start3A_21 : memref<1x3136x40xf32, #tpu.memory_space<hbm>> -> memref<3136x40xf32, #tpu.memory_space<hbm>>
        %dma_start3A_23 = arith.constant 0 : i32
        %dma_start3A_24 = tpu.memref_slice %arg8[%mul3A_17, %dma_start3A_23] : memref<50176x40xf32, #tpu.memory_space<vmem_shared>> -> memref<3136x40xf32, #tpu.memory_space<vmem_shared>>
        tpu.enqueue_dma source(%dma_start3A_24 : memref<3136x40xf32, #tpu.memory_space<vmem_shared>>) target(%dma_start3A_22 : memref<3136x40xf32, #tpu.memory_space<hbm>>) target_semaphore(%run_scoped3A_20 : memref<!tpu.dma_semaphore, #tpu.memory_space<semaphore_mem>>)
        %dma_wait3A = arith.constant 0 : i32
        %dma_wait3A_25 = tpu.memref_slice %arg5[%run_scoped3A, %mul3A_19, %dma_wait3A] : memref<2x50176x40xf32, #tpu.memory_space<hbm>> -> memref<1x3136x40xf32, #tpu.memory_space<hbm>>
        %dma_wait3A_26 = tpu.memref_squeeze %dma_wait3A_25 : memref<1x3136x40xf32, #tpu.memory_space<hbm>> -> memref<3136x40xf32, #tpu.memory_space<hbm>>
        %dma_wait3A_27 = arith.constant 0 : i32
        %dma_wait3A_28 = tpu.memref_slice %arg8[%mul3A_17, %dma_wait3A_27] : memref<50176x40xf32, #tpu.memory_space<vmem_shared>> -> memref<3136x40xf32, #tpu.memory_space<vmem_shared>>
        tpu.wait_dma2 semaphore(%run_scoped3A_20 : memref<!tpu.dma_semaphore, #tpu.memory_space<semaphore_mem>>) src(%dma_wait3A_28 : memref<3136x40xf32, #tpu.memory_space<vmem_shared>>) dst(%dma_wait3A_26 : memref<3136x40xf32, #tpu.memory_space<hbm>>)
        tpu.yield
      }) : () -> ()
    } else {
    }
    %eq3A_11 = arith.constant 1 : i32
    %eq3A_12 = arith.cmpi eq, %arg0, %eq3A_11 : i32
    %convert_element_type3A_13 = arith.extui %eq3A_12 : i1 to i32
    %cond3A_14 = arith.constant 0 : i32
    %cond3A_15 = arith.cmpi ne, %convert_element_type3A_13, %cond3A_14 : i32
    scf.if %cond3A_15 {
      %mul3A_16 = arith.constant 3136 : i32
      %mul3A_17 = arith.muli %arg1, %mul3A_16 : i32
      %mul3A_18 = arith.constant 3136 : i32
      %mul3A_19 = arith.muli %arg1, %mul3A_18 : i32
      %run_scoped3A = arith.constant 1 : i32
      "tpu.region"() ({
        %run_scoped3A_20 = tpu.sem_alloc : memref<!tpu.dma_semaphore, #tpu.memory_space<semaphore_mem>>
        %dma_start3A = arith.constant 0 : i32
        %dma_start3A_21 = tpu.memref_slice %arg5[%run_scoped3A, %mul3A_19, %dma_start3A] : memref<2x50176x40xf32, #tpu.memory_space<hbm>> -> memref<1x3136x40xf32, #tpu.memory_space<hbm>>
        %dma_start3A_22 = tpu.memref_squeeze %dma_start3A_21 : memref<1x3136x40xf32, #tpu.memory_space<hbm>> -> memref<3136x40xf32, #tpu.memory_space<hbm>>
        %dma_start3A_23 = arith.constant 0 : i32
        %dma_start3A_24 = tpu.memref_slice %arg8[%mul3A_17, %dma_start3A_23] : memref<50176x40xf32, #tpu.memory_space<vmem_shared>> -> memref<3136x40xf32, #tpu.memory_space<vmem_shared>>
        tpu.enqueue_dma source(%dma_start3A_24 : memref<3136x40xf32, #tpu.memory_space<vmem_shared>>) target(%dma_start3A_22 : memref<3136x40xf32, #tpu.memory_space<hbm>>) target_semaphore(%run_scoped3A_20 : memref<!tpu.dma_semaphore, #tpu.memory_space<semaphore_mem>>)
        %dma_wait3A = arith.constant 0 : i32
        %dma_wait3A_25 = tpu.memref_slice %arg5[%run_scoped3A, %mul3A_19, %dma_wait3A] : memref<2x50176x40xf32, #tpu.memory_space<hbm>> -> memref<1x3136x40xf32, #tpu.memory_space<hbm>>
        %dma_wait3A_26 = tpu.memref_squeeze %dma_wait3A_25 : memref<1x3136x40xf32, #tpu.memory_space<hbm>> -> memref<3136x40xf32, #tpu.memory_space<hbm>>
        %dma_wait3A_27 = arith.constant 0 : i32
        %dma_wait3A_28 = tpu.memref_slice %arg8[%mul3A_17, %dma_wait3A_27] : memref<50176x40xf32, #tpu.memory_space<vmem_shared>> -> memref<3136x40xf32, #tpu.memory_space<vmem_shared>>
        tpu.wait_dma2 semaphore(%run_scoped3A_20 : memref<!tpu.dma_semaphore, #tpu.memory_space<semaphore_mem>>) src(%dma_wait3A_28 : memref<3136x40xf32, #tpu.memory_space<vmem_shared>>) dst(%dma_wait3A_26 : memref<3136x40xf32, #tpu.memory_space<hbm>>)
        tpu.yield
      }) : () -> ()
    } else {
    }
    return
  }
}

#map = affine_map<(d0, d1) -> (0, 0)>
#map1 = affine_map<(d0, d1) -> (0)>
module attributes {stable_mosaic.version = 14 : i64} {
  func.func @k(%arg0: i32, %arg1: i32, %arg2: memref<50000x16xf32, #tpu.memory_space<hbm>>, %arg3: memref<811008xi32, #tpu.memory_space<hbm>>, %arg4: memref<811008xi32, #tpu.memory_space<hbm>>, %arg5: memref<811008x16xf32, #tpu.memory_space<hbm>>, %arg6: memref<811008x16xf32, #tpu.memory_space<hbm>>, %arg7: memref<128xi32, #tpu.memory_space<vmem>>, %arg8: memref<128xi32, #tpu.memory_space<vmem>>, %arg9: memref<128x16xf32, #tpu.memory_space<vmem>>, %arg10: memref<128x16xf32, #tpu.memory_space<vmem>>, %arg11: memref<!tpu.dma_semaphore, #tpu.memory_space<semaphore_mem>>, %arg12: memref<!tpu.dma_semaphore, #tpu.memory_space<semaphore_mem>>) attributes {dimension_semantics = [#tpu.dimension_semantics<core_parallel>, #tpu.dimension_semantics<subcore_parallel>], iteration_bounds = array<i64: 2, 16>, scalar_prefetch = 0 : i64, scratch_operands = 6 : i64, tpu.core_type = #tpu.core_type<sc_vector_subcore>, window_params = [{transform_indices = #map}, {transform_indices = #map1}, {transform_indices = #map1}, {transform_indices = #map}, {transform_indices = #map}]} {
    %mul3A = arith.constant 2 : i32
    %mul3A_0 = arith.muli %arg1, %mul3A : i32
    %add3A = arith.addi %mul3A_0, %arg0 : i32
    %mul3A_1 = arith.constant 25344 : i32
    %mul3A_2 = arith.muli %add3A, %mul3A_1 : i32
    %scan3A = arith.constant 0 : i32
    %scan3A_3 = arith.constant 0 : i32
    %scan3A_4 = arith.constant 198 : i32
    %scan3A_5 = arith.addi %scan3A_3, %scan3A_4 : i32
    %scan3A_6 = arith.constant 1 : i32
    scf.for %scan3A_8 = %scan3A_3 to %scan3A_5 step %scan3A_6  : i32 {
      %mul3A_9 = arith.constant 128 : i32
      %mul3A_10 = arith.muli %scan3A_8, %mul3A_9 : i32
      %add3A_11 = arith.addi %mul3A_2, %mul3A_10 : i32
      "tpu.region"() ({
        %run_scoped3A = tpu.sem_alloc : memref<!tpu.dma_semaphore, #tpu.memory_space<semaphore_mem>>
        %dma_start3A_22 = tpu.memref_slice %arg3[%add3A_11] : memref<811008xi32, #tpu.memory_space<hbm>> -> memref<128xi32, #tpu.memory_space<hbm>>
        %dma_start3A_23 = tpu.memref_slice %arg3[%add3A_11] : memref<811008xi32, #tpu.memory_space<hbm>> -> memref<128xi32, #tpu.memory_space<hbm>>
        tpu.enqueue_dma source(%dma_start3A_23 : memref<128xi32, #tpu.memory_space<hbm>>) target(%arg7 : memref<128xi32, #tpu.memory_space<vmem>>) target_semaphore(%run_scoped3A : memref<!tpu.dma_semaphore, #tpu.memory_space<semaphore_mem>>)
        %dma_wait3A_24 = tpu.memref_slice %arg3[%add3A_11] : memref<811008xi32, #tpu.memory_space<hbm>> -> memref<128xi32, #tpu.memory_space<hbm>>
        %dma_wait3A_25 = tpu.memref_slice %arg3[%add3A_11] : memref<811008xi32, #tpu.memory_space<hbm>> -> memref<128xi32, #tpu.memory_space<hbm>>
        tpu.wait_dma2 semaphore(%run_scoped3A : memref<!tpu.dma_semaphore, #tpu.memory_space<semaphore_mem>>) src(%dma_wait3A_25 : memref<128xi32, #tpu.memory_space<hbm>>) dst(%arg7 : memref<128xi32, #tpu.memory_space<vmem>>)
        tpu.yield
      }) : () -> ()
      "tpu.region"() ({
        %run_scoped3A = tpu.sem_alloc : memref<!tpu.dma_semaphore, #tpu.memory_space<semaphore_mem>>
        %dma_start3A_22 = tpu.memref_slice %arg4[%add3A_11] : memref<811008xi32, #tpu.memory_space<hbm>> -> memref<128xi32, #tpu.memory_space<hbm>>
        %dma_start3A_23 = tpu.memref_slice %arg4[%add3A_11] : memref<811008xi32, #tpu.memory_space<hbm>> -> memref<128xi32, #tpu.memory_space<hbm>>
        tpu.enqueue_dma source(%dma_start3A_23 : memref<128xi32, #tpu.memory_space<hbm>>) target(%arg8 : memref<128xi32, #tpu.memory_space<vmem>>) target_semaphore(%run_scoped3A : memref<!tpu.dma_semaphore, #tpu.memory_space<semaphore_mem>>)
        %dma_wait3A_24 = tpu.memref_slice %arg4[%add3A_11] : memref<811008xi32, #tpu.memory_space<hbm>> -> memref<128xi32, #tpu.memory_space<hbm>>
        %dma_wait3A_25 = tpu.memref_slice %arg4[%add3A_11] : memref<811008xi32, #tpu.memory_space<hbm>> -> memref<128xi32, #tpu.memory_space<hbm>>
        tpu.wait_dma2 semaphore(%run_scoped3A : memref<!tpu.dma_semaphore, #tpu.memory_space<semaphore_mem>>) src(%dma_wait3A_25 : memref<128xi32, #tpu.memory_space<hbm>>) dst(%arg8 : memref<128xi32, #tpu.memory_space<vmem>>)
        tpu.yield
      }) : () -> ()
      %dma_start3A = arith.constant 0 : i32
      %dma_start3A_12 = arith.constant 0 : i32
      %dma_start3A_13 = tpu.memref_slice %arg2[%dma_start3A, %dma_start3A_12] : memref<50000x16xf32, #tpu.memory_space<hbm>> -> memref<50000x16xf32, #tpu.memory_space<hbm>>
      tpu.enqueue_indirect_dma source(%dma_start3A_13 : memref<50000x16xf32, #tpu.memory_space<hbm>>) target(%arg9 : memref<128x16xf32, #tpu.memory_space<vmem>>) offsets(%arg7 : memref<128xi32, #tpu.memory_space<vmem>>) semaphore(%arg11 : memref<!tpu.dma_semaphore, #tpu.memory_space<semaphore_mem>>)
      %dma_start3A_14 = arith.constant 0 : i32
      %dma_start3A_15 = arith.constant 0 : i32
      %dma_start3A_16 = tpu.memref_slice %arg2[%dma_start3A_14, %dma_start3A_15] : memref<50000x16xf32, #tpu.memory_space<hbm>> -> memref<50000x16xf32, #tpu.memory_space<hbm>>
      tpu.enqueue_indirect_dma source(%dma_start3A_16 : memref<50000x16xf32, #tpu.memory_space<hbm>>) target(%arg10 : memref<128x16xf32, #tpu.memory_space<vmem>>) offsets(%arg8 : memref<128xi32, #tpu.memory_space<vmem>>) semaphore(%arg12 : memref<!tpu.dma_semaphore, #tpu.memory_space<semaphore_mem>>)
      %dma_wait3A = arith.constant 0 : i32
      %dma_wait3A_17 = arith.constant 0 : i32
      %dma_wait3A_18 = tpu.memref_slice %arg2[%dma_wait3A, %dma_wait3A_17] : memref<50000x16xf32, #tpu.memory_space<hbm>> -> memref<50000x16xf32, #tpu.memory_space<hbm>>
      tpu.wait_indirect_dma semaphore(%arg11 : memref<!tpu.dma_semaphore, #tpu.memory_space<semaphore_mem>>) src(%dma_wait3A_18 : memref<50000x16xf32, #tpu.memory_space<hbm>>) dst(%arg9 : memref<128x16xf32, #tpu.memory_space<vmem>>)
      %dma_wait3A_19 = arith.constant 0 : i32
      %dma_wait3A_20 = arith.constant 0 : i32
      %dma_wait3A_21 = tpu.memref_slice %arg2[%dma_wait3A_19, %dma_wait3A_20] : memref<50000x16xf32, #tpu.memory_space<hbm>> -> memref<50000x16xf32, #tpu.memory_space<hbm>>
      tpu.wait_indirect_dma semaphore(%arg12 : memref<!tpu.dma_semaphore, #tpu.memory_space<semaphore_mem>>) src(%dma_wait3A_21 : memref<50000x16xf32, #tpu.memory_space<hbm>>) dst(%arg10 : memref<128x16xf32, #tpu.memory_space<vmem>>)
      "tpu.region"() ({
        %run_scoped3A = tpu.sem_alloc : memref<!tpu.dma_semaphore, #tpu.memory_space<semaphore_mem>>
        %dma_start3A_22 = arith.constant 0 : i32
        %dma_start3A_23 = tpu.memref_slice %arg5[%add3A_11, %dma_start3A_22] : memref<811008x16xf32, #tpu.memory_space<hbm>> -> memref<128x16xf32, #tpu.memory_space<hbm>>
        %dma_start3A_24 = arith.constant 0 : i32
        %dma_start3A_25 = tpu.memref_slice %arg5[%add3A_11, %dma_start3A_24] : memref<811008x16xf32, #tpu.memory_space<hbm>> -> memref<128x16xf32, #tpu.memory_space<hbm>>
        tpu.enqueue_dma source(%arg9 : memref<128x16xf32, #tpu.memory_space<vmem>>) target(%dma_start3A_25 : memref<128x16xf32, #tpu.memory_space<hbm>>) target_semaphore(%run_scoped3A : memref<!tpu.dma_semaphore, #tpu.memory_space<semaphore_mem>>)
        %dma_wait3A_26 = arith.constant 0 : i32
        %dma_wait3A_27 = tpu.memref_slice %arg5[%add3A_11, %dma_wait3A_26] : memref<811008x16xf32, #tpu.memory_space<hbm>> -> memref<128x16xf32, #tpu.memory_space<hbm>>
        %dma_wait3A_28 = arith.constant 0 : i32
        %dma_wait3A_29 = tpu.memref_slice %arg5[%add3A_11, %dma_wait3A_28] : memref<811008x16xf32, #tpu.memory_space<hbm>> -> memref<128x16xf32, #tpu.memory_space<hbm>>
        tpu.wait_dma2 semaphore(%run_scoped3A : memref<!tpu.dma_semaphore, #tpu.memory_space<semaphore_mem>>) src(%arg9 : memref<128x16xf32, #tpu.memory_space<vmem>>) dst(%dma_wait3A_29 : memref<128x16xf32, #tpu.memory_space<hbm>>)
        tpu.yield
      }) : () -> ()
      "tpu.region"() ({
        %run_scoped3A = tpu.sem_alloc : memref<!tpu.dma_semaphore, #tpu.memory_space<semaphore_mem>>
        %dma_start3A_22 = arith.constant 0 : i32
        %dma_start3A_23 = tpu.memref_slice %arg6[%add3A_11, %dma_start3A_22] : memref<811008x16xf32, #tpu.memory_space<hbm>> -> memref<128x16xf32, #tpu.memory_space<hbm>>
        %dma_start3A_24 = arith.constant 0 : i32
        %dma_start3A_25 = tpu.memref_slice %arg6[%add3A_11, %dma_start3A_24] : memref<811008x16xf32, #tpu.memory_space<hbm>> -> memref<128x16xf32, #tpu.memory_space<hbm>>
        tpu.enqueue_dma source(%arg10 : memref<128x16xf32, #tpu.memory_space<vmem>>) target(%dma_start3A_25 : memref<128x16xf32, #tpu.memory_space<hbm>>) target_semaphore(%run_scoped3A : memref<!tpu.dma_semaphore, #tpu.memory_space<semaphore_mem>>)
        %dma_wait3A_26 = arith.constant 0 : i32
        %dma_wait3A_27 = tpu.memref_slice %arg6[%add3A_11, %dma_wait3A_26] : memref<811008x16xf32, #tpu.memory_space<hbm>> -> memref<128x16xf32, #tpu.memory_space<hbm>>
        %dma_wait3A_28 = arith.constant 0 : i32
        %dma_wait3A_29 = tpu.memref_slice %arg6[%add3A_11, %dma_wait3A_28] : memref<811008x16xf32, #tpu.memory_space<hbm>> -> memref<128x16xf32, #tpu.memory_space<hbm>>
        tpu.wait_dma2 semaphore(%run_scoped3A : memref<!tpu.dma_semaphore, #tpu.memory_space<semaphore_mem>>) src(%arg10 : memref<128x16xf32, #tpu.memory_space<vmem>>) dst(%dma_wait3A_29 : memref<128x16xf32, #tpu.memory_space<hbm>>)
        tpu.yield
      }) : () -> ()
    }
    %scan3A_7 = arith.constant 198 : i32
    return
  }
}

#map = affine_map<(d0, d1) -> (0, 0, 0)>
#map1 = affine_map<(d0, d1) -> (0, 0)>
module attributes {stable_mosaic.version = 14 : i64} {
  func.func @k(%arg0: i32, %arg1: i32, %arg2: memref<16896x3x48xi32, #tpu.memory_space<hbm>>, %arg3: memref<2x811008x40xf32, #tpu.memory_space<hbm>>, %arg4: memref<50000x32xf32, #tpu.memory_space<hbm>>, %arg5: memref<50000x32xf32, #tpu.memory_space<hbm>>, %arg6: memref<2x16xf32, #tpu.memory_space<hbm>>, %arg7: memref<3136x40xf32, #tpu.memory_space<hbm>>, %arg8: memref<2x50176x40xf32, #tpu.memory_space<hbm>>, %arg9: memref<3x48xi32, #tpu.memory_space<vmem>>, %arg10: memref<48x32xf32, #tpu.memory_space<vmem>>, %arg11: memref<48x32xf32, #tpu.memory_space<vmem>>, %arg12: memref<48x40xf32, #tpu.memory_space<vmem>>, %arg13: memref<2x16xf32, #tpu.memory_space<vmem>>, %arg14: memref<50176x40xf32, #tpu.memory_space<vmem_shared>>, %arg15: memref<!tpu.dma_semaphore, #tpu.memory_space<semaphore_mem>>, %arg16: memref<!tpu.dma_semaphore, #tpu.memory_space<semaphore_mem>>, %arg17: memref<!tpu.dma_semaphore, #tpu.memory_space<semaphore_mem>>) attributes {dimension_semantics = [#tpu.dimension_semantics<core_parallel>, #tpu.dimension_semantics<subcore_parallel>], iteration_bounds = array<i64: 2, 16>, scalar_prefetch = 0 : i64, scratch_operands = 9 : i64, tpu.core_type = #tpu.core_type<sc_vector_subcore>, window_params = [{transform_indices = #map}, {transform_indices = #map}, {transform_indices = #map1}, {transform_indices = #map1}, {transform_indices = #map1}, {transform_indices = #map1}, {transform_indices = #map}]} {
    %mul3A = arith.constant 3136 : i32
    %mul3A_0 = arith.muli %arg1, %mul3A : i32
    "tpu.region"() ({
      %run_scoped3A = tpu.sem_alloc : memref<!tpu.dma_semaphore, #tpu.memory_space<semaphore_mem>>
      %dma_start3A = arith.constant 0 : i32
      %dma_start3A_20 = tpu.memref_slice %arg14[%mul3A_0, %dma_start3A] : memref<50176x40xf32, #tpu.memory_space<vmem_shared>> -> memref<3136x40xf32, #tpu.memory_space<vmem_shared>>
      tpu.enqueue_dma source(%arg7 : memref<3136x40xf32, #tpu.memory_space<hbm>>) target(%dma_start3A_20 : memref<3136x40xf32, #tpu.memory_space<vmem_shared>>) target_semaphore(%run_scoped3A : memref<!tpu.dma_semaphore, #tpu.memory_space<semaphore_mem>>)
      %dma_wait3A = arith.constant 0 : i32
      %dma_wait3A_21 = tpu.memref_slice %arg14[%mul3A_0, %dma_wait3A] : memref<50176x40xf32, #tpu.memory_space<vmem_shared>> -> memref<3136x40xf32, #tpu.memory_space<vmem_shared>>
      tpu.wait_dma2 semaphore(%run_scoped3A : memref<!tpu.dma_semaphore, #tpu.memory_space<semaphore_mem>>) src(%arg7 : memref<3136x40xf32, #tpu.memory_space<hbm>>) dst(%dma_wait3A_21 : memref<3136x40xf32, #tpu.memory_space<vmem_shared>>)
      tpu.yield
    }) : () -> ()
    "tpu.region"() ({
      %run_scoped3A = tpu.sem_alloc : memref<!tpu.dma_semaphore, #tpu.memory_space<semaphore_mem>>
      tpu.enqueue_dma source(%arg6 : memref<2x16xf32, #tpu.memory_space<hbm>>) target(%arg13 : memref<2x16xf32, #tpu.memory_space<vmem>>) target_semaphore(%run_scoped3A : memref<!tpu.dma_semaphore, #tpu.memory_space<semaphore_mem>>)
      tpu.wait_dma2 semaphore(%run_scoped3A : memref<!tpu.dma_semaphore, #tpu.memory_space<semaphore_mem>>) src(%arg6 : memref<2x16xf32, #tpu.memory_space<hbm>>) dst(%arg13 : memref<2x16xf32, #tpu.memory_space<vmem>>)
      tpu.yield
    }) : () -> ()
    %barrier3A = arith.constant 0 : index
    tpu.barrier barrier_id(%barrier3A)
    %mul3A_1 = arith.constant 16 : i32
    %mul3A_2 = arith.muli %arg0, %mul3A_1 : i32
    %add3A = arith.addi %mul3A_2, %arg1 : i32
    %mul3A_3 = arith.constant 25344 : i32
    %mul3A_4 = arith.muli %add3A, %mul3A_3 : i32
    %mul3A_5 = arith.constant 528 : i32
    %mul3A_6 = arith.muli %add3A, %mul3A_5 : i32
    %scan3A = arith.constant 0 : i32
    %scan3A_7 = arith.constant 0 : i32
    %scan3A_8 = arith.constant 528 : i32
    %scan3A_9 = arith.addi %scan3A_7, %scan3A_8 : i32
    %scan3A_10 = arith.constant 1 : i32
    scf.for %scan3A_20 = %scan3A_7 to %scan3A_9 step %scan3A_10  : i32 {
      %mul3A_21 = arith.constant 48 : i32
      %mul3A_22 = arith.muli %scan3A_20, %mul3A_21 : i32
      %add3A_23 = arith.addi %mul3A_4, %mul3A_22 : i32
      %add3A_24 = arith.addi %mul3A_6, %scan3A_20 : i32
      "tpu.region"() ({
        %run_scoped3A_78 = tpu.sem_alloc : memref<!tpu.dma_semaphore, #tpu.memory_space<semaphore_mem>>
        %dma_start3A_79 = arith.constant 0 : i32
        %dma_start3A_80 = arith.constant 0 : i32
        %dma_start3A_81 = tpu.memref_slice %arg2[%add3A_24, %dma_start3A_79, %dma_start3A_80] : memref<16896x3x48xi32, #tpu.memory_space<hbm>> -> memref<1x3x48xi32, #tpu.memory_space<hbm>>
        %dma_start3A_82 = tpu.memref_squeeze %dma_start3A_81 : memref<1x3x48xi32, #tpu.memory_space<hbm>> -> memref<3x48xi32, #tpu.memory_space<hbm>>
        %dma_start3A_83 = arith.constant 0 : i32
        %dma_start3A_84 = arith.constant 0 : i32
        %dma_start3A_85 = tpu.memref_slice %arg2[%add3A_24, %dma_start3A_83, %dma_start3A_84] : memref<16896x3x48xi32, #tpu.memory_space<hbm>> -> memref<1x3x48xi32, #tpu.memory_space<hbm>>
        %dma_start3A_86 = tpu.memref_squeeze %dma_start3A_85 : memref<1x3x48xi32, #tpu.memory_space<hbm>> -> memref<3x48xi32, #tpu.memory_space<hbm>>
        tpu.enqueue_dma source(%dma_start3A_86 : memref<3x48xi32, #tpu.memory_space<hbm>>) target(%arg9 : memref<3x48xi32, #tpu.memory_space<vmem>>) target_semaphore(%run_scoped3A_78 : memref<!tpu.dma_semaphore, #tpu.memory_space<semaphore_mem>>)
        %dma_wait3A_87 = arith.constant 0 : i32
        %dma_wait3A_88 = arith.constant 0 : i32
        %dma_wait3A_89 = tpu.memref_slice %arg2[%add3A_24, %dma_wait3A_87, %dma_wait3A_88] : memref<16896x3x48xi32, #tpu.memory_space<hbm>> -> memref<1x3x48xi32, #tpu.memory_space<hbm>>
        %dma_wait3A_90 = tpu.memref_squeeze %dma_wait3A_89 : memref<1x3x48xi32, #tpu.memory_space<hbm>> -> memref<3x48xi32, #tpu.memory_space<hbm>>
        %dma_wait3A_91 = arith.constant 0 : i32
        %dma_wait3A_92 = arith.constant 0 : i32
        %dma_wait3A_93 = tpu.memref_slice %arg2[%add3A_24, %dma_wait3A_91, %dma_wait3A_92] : memref<16896x3x48xi32, #tpu.memory_space<hbm>> -> memref<1x3x48xi32, #tpu.memory_space<hbm>>
        %dma_wait3A_94 = tpu.memref_squeeze %dma_wait3A_93 : memref<1x3x48xi32, #tpu.memory_space<hbm>> -> memref<3x48xi32, #tpu.memory_space<hbm>>
        tpu.wait_dma2 semaphore(%run_scoped3A_78 : memref<!tpu.dma_semaphore, #tpu.memory_space<semaphore_mem>>) src(%dma_wait3A_94 : memref<3x48xi32, #tpu.memory_space<hbm>>) dst(%arg9 : memref<3x48xi32, #tpu.memory_space<vmem>>)
        tpu.yield
      }) : () -> ()
      %dma_start3A = arith.constant 0 : i32
      %dma_start3A_25 = arith.constant 0 : i32
      %dma_start3A_26 = tpu.memref_slice %arg9[%dma_start3A, %dma_start3A_25] : memref<3x48xi32, #tpu.memory_space<vmem>> -> memref<1x48xi32, #tpu.memory_space<vmem>>
      %dma_start3A_27 = tpu.memref_squeeze %dma_start3A_26 : memref<1x48xi32, #tpu.memory_space<vmem>> -> memref<48xi32, #tpu.memory_space<vmem>>
      %dma_start3A_28 = arith.constant 0 : i32
      %dma_start3A_29 = arith.constant 0 : i32
      %dma_start3A_30 = tpu.memref_slice %arg4[%dma_start3A_28, %dma_start3A_29] : memref<50000x32xf32, #tpu.memory_space<hbm>> -> memref<50000x32xf32, #tpu.memory_space<hbm>>
      tpu.enqueue_indirect_dma source(%dma_start3A_30 : memref<50000x32xf32, #tpu.memory_space<hbm>>) target(%arg10 : memref<48x32xf32, #tpu.memory_space<vmem>>) offsets(%dma_start3A_27 : memref<48xi32, #tpu.memory_space<vmem>>) semaphore(%arg15 : memref<!tpu.dma_semaphore, #tpu.memory_space<semaphore_mem>>)
      %dma_start3A_31 = arith.constant 1 : i32
      %dma_start3A_32 = arith.constant 0 : i32
      %dma_start3A_33 = tpu.memref_slice %arg9[%dma_start3A_31, %dma_start3A_32] : memref<3x48xi32, #tpu.memory_space<vmem>> -> memref<1x48xi32, #tpu.memory_space<vmem>>
      %dma_start3A_34 = tpu.memref_squeeze %dma_start3A_33 : memref<1x48xi32, #tpu.memory_space<vmem>> -> memref<48xi32, #tpu.memory_space<vmem>>
      %dma_start3A_35 = arith.constant 0 : i32
      %dma_start3A_36 = arith.constant 0 : i32
      %dma_start3A_37 = tpu.memref_slice %arg5[%dma_start3A_35, %dma_start3A_36] : memref<50000x32xf32, #tpu.memory_space<hbm>> -> memref<50000x32xf32, #tpu.memory_space<hbm>>
      tpu.enqueue_indirect_dma source(%dma_start3A_37 : memref<50000x32xf32, #tpu.memory_space<hbm>>) target(%arg11 : memref<48x32xf32, #tpu.memory_space<vmem>>) offsets(%dma_start3A_34 : memref<48xi32, #tpu.memory_space<vmem>>) semaphore(%arg16 : memref<!tpu.dma_semaphore, #tpu.memory_space<semaphore_mem>>)
      %dma_start3A_38 = arith.constant 1 : i32
      %dma_start3A_39 = arith.constant 0 : i32
      %dma_start3A_40 = tpu.memref_slice %arg3[%dma_start3A_38, %add3A_23, %dma_start3A_39] : memref<2x811008x40xf32, #tpu.memory_space<hbm>> -> memref<1x48x40xf32, #tpu.memory_space<hbm>>
      %dma_start3A_41 = tpu.memref_squeeze %dma_start3A_40 : memref<1x48x40xf32, #tpu.memory_space<hbm>> -> memref<48x40xf32, #tpu.memory_space<hbm>>
      %dma_start3A_42 = arith.constant 0 : i32
      %dma_start3A_43 = tpu.memref_slice %arg3[%dma_start3A_38, %add3A_23, %dma_start3A_42] : memref<2x811008x40xf32, #tpu.memory_space<hbm>> -> memref<1x48x40xf32, #tpu.memory_space<hbm>>
      %dma_start3A_44 = tpu.memref_squeeze %dma_start3A_43 : memref<1x48x40xf32, #tpu.memory_space<hbm>> -> memref<48x40xf32, #tpu.memory_space<hbm>>
      tpu.enqueue_dma source(%dma_start3A_44 : memref<48x40xf32, #tpu.memory_space<hbm>>) target(%arg12 : memref<48x40xf32, #tpu.memory_space<vmem>>) target_semaphore(%arg17 : memref<!tpu.dma_semaphore, #tpu.memory_space<semaphore_mem>>)
      %dma_wait3A = arith.constant 0 : i32
      %dma_wait3A_45 = arith.constant 0 : i32
      %dma_wait3A_46 = tpu.memref_slice %arg9[%dma_wait3A, %dma_wait3A_45] : memref<3x48xi32, #tpu.memory_space<vmem>> -> memref<1x48xi32, #tpu.memory_space<vmem>>
      %dma_wait3A_47 = tpu.memref_squeeze %dma_wait3A_46 : memref<1x48xi32, #tpu.memory_space<vmem>> -> memref<48xi32, #tpu.memory_space<vmem>>
      %dma_wait3A_48 = arith.constant 0 : i32
      %dma_wait3A_49 = arith.constant 0 : i32
      %dma_wait3A_50 = tpu.memref_slice %arg4[%dma_wait3A_48, %dma_wait3A_49] : memref<50000x32xf32, #tpu.memory_space<hbm>> -> memref<50000x32xf32, #tpu.memory_space<hbm>>
      tpu.wait_indirect_dma semaphore(%arg15 : memref<!tpu.dma_semaphore, #tpu.memory_space<semaphore_mem>>) src(%dma_wait3A_50 : memref<50000x32xf32, #tpu.memory_space<hbm>>) dst(%arg10 : memref<48x32xf32, #tpu.memory_space<vmem>>)
      %dma_wait3A_51 = arith.constant 1 : i32
      %dma_wait3A_52 = arith.constant 0 : i32
      %dma_wait3A_53 = tpu.memref_slice %arg9[%dma_wait3A_51, %dma_wait3A_52] : memref<3x48xi32, #tpu.memory_space<vmem>> -> memref<1x48xi32, #tpu.memory_space<vmem>>
      %dma_wait3A_54 = tpu.memref_squeeze %dma_wait3A_53 : memref<1x48xi32, #tpu.memory_space<vmem>> -> memref<48xi32, #tpu.memory_space<vmem>>
      %dma_wait3A_55 = arith.constant 0 : i32
      %dma_wait3A_56 = arith.constant 0 : i32
      %dma_wait3A_57 = tpu.memref_slice %arg5[%dma_wait3A_55, %dma_wait3A_56] : memref<50000x32xf32, #tpu.memory_space<hbm>> -> memref<50000x32xf32, #tpu.memory_space<hbm>>
      tpu.wait_indirect_dma semaphore(%arg16 : memref<!tpu.dma_semaphore, #tpu.memory_space<semaphore_mem>>) src(%dma_wait3A_57 : memref<50000x32xf32, #tpu.memory_space<hbm>>) dst(%arg11 : memref<48x32xf32, #tpu.memory_space<vmem>>)
      %dma_wait3A_58 = arith.constant 1 : i32
      %dma_wait3A_59 = arith.constant 0 : i32
      %dma_wait3A_60 = tpu.memref_slice %arg3[%dma_wait3A_58, %add3A_23, %dma_wait3A_59] : memref<2x811008x40xf32, #tpu.memory_space<hbm>> -> memref<1x48x40xf32, #tpu.memory_space<hbm>>
      %dma_wait3A_61 = tpu.memref_squeeze %dma_wait3A_60 : memref<1x48x40xf32, #tpu.memory_space<hbm>> -> memref<48x40xf32, #tpu.memory_space<hbm>>
      %dma_wait3A_62 = arith.constant 0 : i32
      %dma_wait3A_63 = tpu.memref_slice %arg3[%dma_wait3A_58, %add3A_23, %dma_wait3A_62] : memref<2x811008x40xf32, #tpu.memory_space<hbm>> -> memref<1x48x40xf32, #tpu.memory_space<hbm>>
      %dma_wait3A_64 = tpu.memref_squeeze %dma_wait3A_63 : memref<1x48x40xf32, #tpu.memory_space<hbm>> -> memref<48x40xf32, #tpu.memory_space<hbm>>
      tpu.wait_dma2 semaphore(%arg17 : memref<!tpu.dma_semaphore, #tpu.memory_space<semaphore_mem>>) src(%dma_wait3A_64 : memref<48x40xf32, #tpu.memory_space<hbm>>) dst(%arg12 : memref<48x40xf32, #tpu.memory_space<vmem>>)
      %get3A = arith.constant 0 : i32
      %get3A_65 = arith.index_cast %get3A : i32 to index
      %get3A_66 = arith.constant 0 : index
      %get3A_67 = tpu.vector_load %arg13[%get3A_65, %get3A_66] {strides = array<i32>} : memref<2x16xf32, #tpu.memory_space<vmem>>, vector<16xf32>,
      %get3A_68 = arith.constant 1 : i32
      %get3A_69 = arith.index_cast %get3A_68 : i32 to index
      %get3A_70 = arith.constant 0 : index
      %get3A_71 = tpu.vector_load %arg13[%get3A_69, %get3A_70] {strides = array<i32>} : memref<2x16xf32, #tpu.memory_space<vmem>>, vector<16xf32>,
      %iota3A = tpu.iota {dimensions = array<i32: 0>} : vector<16xi32>
      %scan3A_72 = arith.constant 0 : i32
      %scan3A_73 = arith.constant 0 : i32
      %scan3A_74 = arith.constant 12 : i32
      %scan3A_75 = arith.addi %scan3A_73, %scan3A_74 : i32
      %scan3A_76 = arith.constant 1 : i32
      scf.for %scan3A_78 = %scan3A_73 to %scan3A_75 step %scan3A_76  : i32 {
        %mul3A_79 = arith.constant 4 : i32
        %mul3A_80 = arith.muli %scan3A_78, %mul3A_79 : i32
        %add3A_81 = arith.constant 0 : i32
        %add3A_82 = arith.addi %mul3A_80, %add3A_81 : i32
        %get3A_83 = arith.index_cast %add3A_82 : i32 to index
        %get3A_84 = arith.constant 0 : index
        %get3A_85 = tpu.vector_load %arg10[%get3A_83, %get3A_84] {strides = array<i32>} : memref<48x32xf32, #tpu.memory_space<vmem>>, vector<16xf32>,
        %get3A_86 = arith.index_cast %add3A_82 : i32 to index
        %get3A_87 = arith.constant 16 : index
        %get3A_88 = tpu.vector_load %arg10[%get3A_86, %get3A_87] {strides = array<i32>} : memref<48x32xf32, #tpu.memory_space<vmem>>, vector<16xf32>,
        %get3A_89 = arith.index_cast %add3A_82 : i32 to index
        %get3A_90 = arith.constant 0 : index
        %get3A_91 = tpu.vector_load %arg11[%get3A_89, %get3A_90] {strides = array<i32>} : memref<48x32xf32, #tpu.memory_space<vmem>>, vector<16xf32>,
        %add3A_92 = arith.addf %get3A_85, %get3A_91 : vector<16xf32>
        %get3A_93 = arith.index_cast %add3A_82 : i32 to index
        %get3A_94 = arith.constant 0 : index
        %get3A_95 = tpu.vector_load %arg12[%get3A_93, %get3A_94] {strides = array<i32>} : memref<48x40xf32, #tpu.memory_space<vmem>>, vector<16xf32>,
        %add3A_96 = arith.addf %add3A_92, %get3A_95 : vector<16xf32>
        %get3A_97 = arith.index_cast %add3A_82 : i32 to index
        %get3A_98 = arith.constant 16 : index
        %get3A_99 = tpu.vector_load %arg11[%get3A_97, %get3A_98] {strides = array<i32>} : memref<48x32xf32, #tpu.memory_space<vmem>>, vector<16xf32>,
        %add3A_100 = arith.addf %get3A_88, %get3A_99 : vector<16xf32>
        %get3A_101 = arith.index_cast %add3A_82 : i32 to index
        %get3A_102 = arith.constant 16 : index
        %get3A_103 = tpu.vector_load %arg12[%get3A_101, %get3A_102] {strides = array<i32>} : memref<48x40xf32, #tpu.memory_space<vmem>>, vector<16xf32>,
        %add3A_104 = arith.addf %add3A_100, %get3A_103 : vector<16xf32>
        %mul3A_105 = arith.constant 2.000000e-01 : f32
        %mul3A_106 = vector.broadcast %mul3A_105 : f32 to vector<16xf32>
        %mul3A_107 = arith.mulf %add3A_96, %mul3A_106 : vector<16xf32>
        %max3A = arith.maximumf %add3A_96, %mul3A_107 : vector<16xf32>
        %mul3A_108 = arith.mulf %max3A, %get3A_67 : vector<16xf32>
        %reduce_sum3A = arith.constant true
        %reduce_sum3A_109 = vector.broadcast %reduce_sum3A : i1 to vector<16xi1>
        %reduce_sum3A_110 = tpu.scan <sum>, %mul3A_108 masked %reduce_sum3A_109 : vector<16xf32>, vector<16xi1> -> vector<16xf32>
        %reduce_sum3A_111 = vector.extract %reduce_sum3A_110[15] : f32 from vector<16xf32>
        %mul3A_112 = arith.constant 2.000000e-01 : f32
        %mul3A_113 = vector.broadcast %mul3A_112 : f32 to vector<16xf32>
        %mul3A_114 = arith.mulf %add3A_104, %mul3A_113 : vector<16xf32>
        %max3A_115 = arith.maximumf %add3A_104, %mul3A_114 : vector<16xf32>
        %mul3A_116 = arith.mulf %max3A_115, %get3A_71 : vector<16xf32>
        %reduce_sum3A_117 = arith.constant true
        %reduce_sum3A_118 = vector.broadcast %reduce_sum3A_117 : i1 to vector<16xi1>
        %reduce_sum3A_119 = tpu.scan <sum>, %mul3A_116 masked %reduce_sum3A_118 : vector<16xf32>, vector<16xi1> -> vector<16xf32>
        %reduce_sum3A_120 = vector.extract %reduce_sum3A_119[15] : f32 from vector<16xf32>
        %broadcast_in_dim3A = vector.broadcast %reduce_sum3A_111 : f32 to vector<16xf32>
        %exp3A = math.exp %broadcast_in_dim3A : vector<16xf32>
        %broadcast_in_dim3A_121 = vector.broadcast %reduce_sum3A_120 : f32 to vector<16xf32>
        %exp3A_122 = math.exp %broadcast_in_dim3A_121 : vector<16xf32>
        %eq3A_123 = arith.constant 8 : i32
        %eq3A_124 = vector.broadcast %eq3A_123 : i32 to vector<16xi32>
        %eq3A_125 = arith.cmpi eq, %iota3A, %eq3A_124 : vector<16xi32>
        %select_n3A = arith.select %eq3A_125, %exp3A, %exp3A_122 : vector<16xi1>, vector<16xf32>
        %swap3A = arith.index_cast %add3A_82 : i32 to index
        %swap3A_126 = arith.constant 24 : index
        %swap3A_127 = tpu.vector_load %arg12[%swap3A, %swap3A_126] {strides = array<i32>} : memref<48x40xf32, #tpu.memory_space<vmem>>, vector<16xf32>,
        tpu.vector_store %arg12[%swap3A, %swap3A_126], %select_n3A {strides = array<i32>} : memref<48x40xf32, #tpu.memory_space<vmem>>, vector<16xf32>,
        %mul3A_128 = arith.mulf %exp3A, %get3A_85 : vector<16xf32>
        %swap3A_129 = arith.index_cast %add3A_82 : i32 to index
        %swap3A_130 = arith.constant 0 : index
        %swap3A_131 = tpu.vector_load %arg12[%swap3A_129, %swap3A_130] {strides = array<i32>} : memref<48x40xf32, #tpu.memory_space<vmem>>, vector<16xf32>,
        tpu.vector_store %arg12[%swap3A_129, %swap3A_130], %mul3A_128 {strides = array<i32>} : memref<48x40xf32, #tpu.memory_space<vmem>>, vector<16xf32>,
        %mul3A_132 = arith.mulf %exp3A_122, %get3A_88 : vector<16xf32>
        %swap3A_133 = arith.index_cast %add3A_82 : i32 to index
        %swap3A_134 = arith.constant 16 : index
        %swap3A_135 = tpu.vector_load %arg12[%swap3A_133, %swap3A_134] {strides = array<i32>} : memref<48x40xf32, #tpu.memory_space<vmem>>, vector<16xf32>,
        tpu.vector_store %arg12[%swap3A_133, %swap3A_134], %mul3A_132 {strides = array<i32>} : memref<48x40xf32, #tpu.memory_space<vmem>>, vector<16xf32>,
        %mul3A_136 = arith.constant 4 : i32
        %mul3A_137 = arith.muli %scan3A_78, %mul3A_136 : i32
        %add3A_138 = arith.constant 1 : i32
        %add3A_139 = arith.addi %mul3A_137, %add3A_138 : i32
        %get3A_140 = arith.index_cast %add3A_139 : i32 to index
        %get3A_141 = arith.constant 0 : index
        %get3A_142 = tpu.vector_load %arg10[%get3A_140, %get3A_141] {strides = array<i32>} : memref<48x32xf32, #tpu.memory_space<vmem>>, vector<16xf32>,
        %get3A_143 = arith.index_cast %add3A_139 : i32 to index
        %get3A_144 = arith.constant 16 : index
        %get3A_145 = tpu.vector_load %arg10[%get3A_143, %get3A_144] {strides = array<i32>} : memref<48x32xf32, #tpu.memory_space<vmem>>, vector<16xf32>,
        %get3A_146 = arith.index_cast %add3A_139 : i32 to index
        %get3A_147 = arith.constant 0 : index
        %get3A_148 = tpu.vector_load %arg11[%get3A_146, %get3A_147] {strides = array<i32>} : memref<48x32xf32, #tpu.memory_space<vmem>>, vector<16xf32>,
        %add3A_149 = arith.addf %get3A_142, %get3A_148 : vector<16xf32>
        %get3A_150 = arith.index_cast %add3A_139 : i32 to index
        %get3A_151 = arith.constant 0 : index
        %get3A_152 = tpu.vector_load %arg12[%get3A_150, %get3A_151] {strides = array<i32>} : memref<48x40xf32, #tpu.memory_space<vmem>>, vector<16xf32>,
        %add3A_153 = arith.addf %add3A_149, %get3A_152 : vector<16xf32>
        %get3A_154 = arith.index_cast %add3A_139 : i32 to index
        %get3A_155 = arith.constant 16 : index
        %get3A_156 = tpu.vector_load %arg11[%get3A_154, %get3A_155] {strides = array<i32>} : memref<48x32xf32, #tpu.memory_space<vmem>>, vector<16xf32>,
        %add3A_157 = arith.addf %get3A_145, %get3A_156 : vector<16xf32>
        %get3A_158 = arith.index_cast %add3A_139 : i32 to index
        %get3A_159 = arith.constant 16 : index
        %get3A_160 = tpu.vector_load %arg12[%get3A_158, %get3A_159] {strides = array<i32>} : memref<48x40xf32, #tpu.memory_space<vmem>>, vector<16xf32>,
        %add3A_161 = arith.addf %add3A_157, %get3A_160 : vector<16xf32>
        %mul3A_162 = arith.constant 2.000000e-01 : f32
        %mul3A_163 = vector.broadcast %mul3A_162 : f32 to vector<16xf32>
        %mul3A_164 = arith.mulf %add3A_153, %mul3A_163 : vector<16xf32>
        %max3A_165 = arith.maximumf %add3A_153, %mul3A_164 : vector<16xf32>
        %mul3A_166 = arith.mulf %max3A_165, %get3A_67 : vector<16xf32>
        %reduce_sum3A_167 = arith.constant true
        %reduce_sum3A_168 = vector.broadcast %reduce_sum3A_167 : i1 to vector<16xi1>
        %reduce_sum3A_169 = tpu.scan <sum>, %mul3A_166 masked %reduce_sum3A_168 : vector<16xf32>, vector<16xi1> -> vector<16xf32>
        %reduce_sum3A_170 = vector.extract %reduce_sum3A_169[15] : f32 from vector<16xf32>
        %mul3A_171 = arith.constant 2.000000e-01 : f32
        %mul3A_172 = vector.broadcast %mul3A_171 : f32 to vector<16xf32>
        %mul3A_173 = arith.mulf %add3A_161, %mul3A_172 : vector<16xf32>
        %max3A_174 = arith.maximumf %add3A_161, %mul3A_173 : vector<16xf32>
        %mul3A_175 = arith.mulf %max3A_174, %get3A_71 : vector<16xf32>
        %reduce_sum3A_176 = arith.constant true
        %reduce_sum3A_177 = vector.broadcast %reduce_sum3A_176 : i1 to vector<16xi1>
        %reduce_sum3A_178 = tpu.scan <sum>, %mul3A_175 masked %reduce_sum3A_177 : vector<16xf32>, vector<16xi1> -> vector<16xf32>
        %reduce_sum3A_179 = vector.extract %reduce_sum3A_178[15] : f32 from vector<16xf32>
        %broadcast_in_dim3A_180 = vector.broadcast %reduce_sum3A_170 : f32 to vector<16xf32>
        %exp3A_181 = math.exp %broadcast_in_dim3A_180 : vector<16xf32>
        %broadcast_in_dim3A_182 = vector.broadcast %reduce_sum3A_179 : f32 to vector<16xf32>
        %exp3A_183 = math.exp %broadcast_in_dim3A_182 : vector<16xf32>
        %eq3A_184 = arith.constant 8 : i32
        %eq3A_185 = vector.broadcast %eq3A_184 : i32 to vector<16xi32>
        %eq3A_186 = arith.cmpi eq, %iota3A, %eq3A_185 : vector<16xi32>
        %select_n3A_187 = arith.select %eq3A_186, %exp3A_181, %exp3A_183 : vector<16xi1>, vector<16xf32>
        %swap3A_188 = arith.index_cast %add3A_139 : i32 to index
        %swap3A_189 = arith.constant 24 : index
        %swap3A_190 = tpu.vector_load %arg12[%swap3A_188, %swap3A_189] {strides = array<i32>} : memref<48x40xf32, #tpu.memory_space<vmem>>, vector<16xf32>,
        tpu.vector_store %arg12[%swap3A_188, %swap3A_189], %select_n3A_187 {strides = array<i32>} : memref<48x40xf32, #tpu.memory_space<vmem>>, vector<16xf32>,
        %mul3A_191 = arith.mulf %exp3A_181, %get3A_142 : vector<16xf32>
        %swap3A_192 = arith.index_cast %add3A_139 : i32 to index
        %swap3A_193 = arith.constant 0 : index
        %swap3A_194 = tpu.vector_load %arg12[%swap3A_192, %swap3A_193] {strides = array<i32>} : memref<48x40xf32, #tpu.memory_space<vmem>>, vector<16xf32>,
        tpu.vector_store %arg12[%swap3A_192, %swap3A_193], %mul3A_191 {strides = array<i32>} : memref<48x40xf32, #tpu.memory_space<vmem>>, vector<16xf32>,
        %mul3A_195 = arith.mulf %exp3A_183, %get3A_145 : vector<16xf32>
        %swap3A_196 = arith.index_cast %add3A_139 : i32 to index
        %swap3A_197 = arith.constant 16 : index
        %swap3A_198 = tpu.vector_load %arg12[%swap3A_196, %swap3A_197] {strides = array<i32>} : memref<48x40xf32, #tpu.memory_space<vmem>>, vector<16xf32>,
        tpu.vector_store %arg12[%swap3A_196, %swap3A_197], %mul3A_195 {strides = array<i32>} : memref<48x40xf32, #tpu.memory_space<vmem>>, vector<16xf32>,
        %mul3A_199 = arith.constant 4 : i32
        %mul3A_200 = arith.muli %scan3A_78, %mul3A_199 : i32
        %add3A_201 = arith.constant 2 : i32
        %add3A_202 = arith.addi %mul3A_200, %add3A_201 : i32
        %get3A_203 = arith.index_cast %add3A_202 : i32 to index
        %get3A_204 = arith.constant 0 : index
        %get3A_205 = tpu.vector_load %arg10[%get3A_203, %get3A_204] {strides = array<i32>} : memref<48x32xf32, #tpu.memory_space<vmem>>, vector<16xf32>,
        %get3A_206 = arith.index_cast %add3A_202 : i32 to index
        %get3A_207 = arith.constant 16 : index
        %get3A_208 = tpu.vector_load %arg10[%get3A_206, %get3A_207] {strides = array<i32>} : memref<48x32xf32, #tpu.memory_space<vmem>>, vector<16xf32>,
        %get3A_209 = arith.index_cast %add3A_202 : i32 to index
        %get3A_210 = arith.constant 0 : index
        %get3A_211 = tpu.vector_load %arg11[%get3A_209, %get3A_210] {strides = array<i32>} : memref<48x32xf32, #tpu.memory_space<vmem>>, vector<16xf32>,
        %add3A_212 = arith.addf %get3A_205, %get3A_211 : vector<16xf32>
        %get3A_213 = arith.index_cast %add3A_202 : i32 to index
        %get3A_214 = arith.constant 0 : index
        %get3A_215 = tpu.vector_load %arg12[%get3A_213, %get3A_214] {strides = array<i32>} : memref<48x40xf32, #tpu.memory_space<vmem>>, vector<16xf32>,
        %add3A_216 = arith.addf %add3A_212, %get3A_215 : vector<16xf32>
        %get3A_217 = arith.index_cast %add3A_202 : i32 to index
        %get3A_218 = arith.constant 16 : index
        %get3A_219 = tpu.vector_load %arg11[%get3A_217, %get3A_218] {strides = array<i32>} : memref<48x32xf32, #tpu.memory_space<vmem>>, vector<16xf32>,
        %add3A_220 = arith.addf %get3A_208, %get3A_219 : vector<16xf32>
        %get3A_221 = arith.index_cast %add3A_202 : i32 to index
        %get3A_222 = arith.constant 16 : index
        %get3A_223 = tpu.vector_load %arg12[%get3A_221, %get3A_222] {strides = array<i32>} : memref<48x40xf32, #tpu.memory_space<vmem>>, vector<16xf32>,
        %add3A_224 = arith.addf %add3A_220, %get3A_223 : vector<16xf32>
        %mul3A_225 = arith.constant 2.000000e-01 : f32
        %mul3A_226 = vector.broadcast %mul3A_225 : f32 to vector<16xf32>
        %mul3A_227 = arith.mulf %add3A_216, %mul3A_226 : vector<16xf32>
        %max3A_228 = arith.maximumf %add3A_216, %mul3A_227 : vector<16xf32>
        %mul3A_229 = arith.mulf %max3A_228, %get3A_67 : vector<16xf32>
        %reduce_sum3A_230 = arith.constant true
        %reduce_sum3A_231 = vector.broadcast %reduce_sum3A_230 : i1 to vector<16xi1>
        %reduce_sum3A_232 = tpu.scan <sum>, %mul3A_229 masked %reduce_sum3A_231 : vector<16xf32>, vector<16xi1> -> vector<16xf32>
        %reduce_sum3A_233 = vector.extract %reduce_sum3A_232[15] : f32 from vector<16xf32>
        %mul3A_234 = arith.constant 2.000000e-01 : f32
        %mul3A_235 = vector.broadcast %mul3A_234 : f32 to vector<16xf32>
        %mul3A_236 = arith.mulf %add3A_224, %mul3A_235 : vector<16xf32>
        %max3A_237 = arith.maximumf %add3A_224, %mul3A_236 : vector<16xf32>
        %mul3A_238 = arith.mulf %max3A_237, %get3A_71 : vector<16xf32>
        %reduce_sum3A_239 = arith.constant true
        %reduce_sum3A_240 = vector.broadcast %reduce_sum3A_239 : i1 to vector<16xi1>
        %reduce_sum3A_241 = tpu.scan <sum>, %mul3A_238 masked %reduce_sum3A_240 : vector<16xf32>, vector<16xi1> -> vector<16xf32>
        %reduce_sum3A_242 = vector.extract %reduce_sum3A_241[15] : f32 from vector<16xf32>
        %broadcast_in_dim3A_243 = vector.broadcast %reduce_sum3A_233 : f32 to vector<16xf32>
        %exp3A_244 = math.exp %broadcast_in_dim3A_243 : vector<16xf32>
        %broadcast_in_dim3A_245 = vector.broadcast %reduce_sum3A_242 : f32 to vector<16xf32>
        %exp3A_246 = math.exp %broadcast_in_dim3A_245 : vector<16xf32>
        %eq3A_247 = arith.constant 8 : i32
        %eq3A_248 = vector.broadcast %eq3A_247 : i32 to vector<16xi32>
        %eq3A_249 = arith.cmpi eq, %iota3A, %eq3A_248 : vector<16xi32>
        %select_n3A_250 = arith.select %eq3A_249, %exp3A_244, %exp3A_246 : vector<16xi1>, vector<16xf32>
        %swap3A_251 = arith.index_cast %add3A_202 : i32 to index
        %swap3A_252 = arith.constant 24 : index
        %swap3A_253 = tpu.vector_load %arg12[%swap3A_251, %swap3A_252] {strides = array<i32>} : memref<48x40xf32, #tpu.memory_space<vmem>>, vector<16xf32>,
        tpu.vector_store %arg12[%swap3A_251, %swap3A_252], %select_n3A_250 {strides = array<i32>} : memref<48x40xf32, #tpu.memory_space<vmem>>, vector<16xf32>,
        %mul3A_254 = arith.mulf %exp3A_244, %get3A_205 : vector<16xf32>
        %swap3A_255 = arith.index_cast %add3A_202 : i32 to index
        %swap3A_256 = arith.constant 0 : index
        %swap3A_257 = tpu.vector_load %arg12[%swap3A_255, %swap3A_256] {strides = array<i32>} : memref<48x40xf32, #tpu.memory_space<vmem>>, vector<16xf32>,
        tpu.vector_store %arg12[%swap3A_255, %swap3A_256], %mul3A_254 {strides = array<i32>} : memref<48x40xf32, #tpu.memory_space<vmem>>, vector<16xf32>,
        %mul3A_258 = arith.mulf %exp3A_246, %get3A_208 : vector<16xf32>
        %swap3A_259 = arith.index_cast %add3A_202 : i32 to index
        %swap3A_260 = arith.constant 16 : index
        %swap3A_261 = tpu.vector_load %arg12[%swap3A_259, %swap3A_260] {strides = array<i32>} : memref<48x40xf32, #tpu.memory_space<vmem>>, vector<16xf32>,
        tpu.vector_store %arg12[%swap3A_259, %swap3A_260], %mul3A_258 {strides = array<i32>} : memref<48x40xf32, #tpu.memory_space<vmem>>, vector<16xf32>,
        %mul3A_262 = arith.constant 4 : i32
        %mul3A_263 = arith.muli %scan3A_78, %mul3A_262 : i32
        %add3A_264 = arith.constant 3 : i32
        %add3A_265 = arith.addi %mul3A_263, %add3A_264 : i32
        %get3A_266 = arith.index_cast %add3A_265 : i32 to index
        %get3A_267 = arith.constant 0 : index
        %get3A_268 = tpu.vector_load %arg10[%get3A_266, %get3A_267] {strides = array<i32>} : memref<48x32xf32, #tpu.memory_space<vmem>>, vector<16xf32>,
        %get3A_269 = arith.index_cast %add3A_265 : i32 to index
        %get3A_270 = arith.constant 16 : index
        %get3A_271 = tpu.vector_load %arg10[%get3A_269, %get3A_270] {strides = array<i32>} : memref<48x32xf32, #tpu.memory_space<vmem>>, vector<16xf32>,
        %get3A_272 = arith.index_cast %add3A_265 : i32 to index
        %get3A_273 = arith.constant 0 : index
        %get3A_274 = tpu.vector_load %arg11[%get3A_272, %get3A_273] {strides = array<i32>} : memref<48x32xf32, #tpu.memory_space<vmem>>, vector<16xf32>,
        %add3A_275 = arith.addf %get3A_268, %get3A_274 : vector<16xf32>
        %get3A_276 = arith.index_cast %add3A_265 : i32 to index
        %get3A_277 = arith.constant 0 : index
        %get3A_278 = tpu.vector_load %arg12[%get3A_276, %get3A_277] {strides = array<i32>} : memref<48x40xf32, #tpu.memory_space<vmem>>, vector<16xf32>,
        %add3A_279 = arith.addf %add3A_275, %get3A_278 : vector<16xf32>
        %get3A_280 = arith.index_cast %add3A_265 : i32 to index
        %get3A_281 = arith.constant 16 : index
        %get3A_282 = tpu.vector_load %arg11[%get3A_280, %get3A_281] {strides = array<i32>} : memref<48x32xf32, #tpu.memory_space<vmem>>, vector<16xf32>,
        %add3A_283 = arith.addf %get3A_271, %get3A_282 : vector<16xf32>
        %get3A_284 = arith.index_cast %add3A_265 : i32 to index
        %get3A_285 = arith.constant 16 : index
        %get3A_286 = tpu.vector_load %arg12[%get3A_284, %get3A_285] {strides = array<i32>} : memref<48x40xf32, #tpu.memory_space<vmem>>, vector<16xf32>,
        %add3A_287 = arith.addf %add3A_283, %get3A_286 : vector<16xf32>
        %mul3A_288 = arith.constant 2.000000e-01 : f32
        %mul3A_289 = vector.broadcast %mul3A_288 : f32 to vector<16xf32>
        %mul3A_290 = arith.mulf %add3A_279, %mul3A_289 : vector<16xf32>
        %max3A_291 = arith.maximumf %add3A_279, %mul3A_290 : vector<16xf32>
        %mul3A_292 = arith.mulf %max3A_291, %get3A_67 : vector<16xf32>
        %reduce_sum3A_293 = arith.constant true
        %reduce_sum3A_294 = vector.broadcast %reduce_sum3A_293 : i1 to vector<16xi1>
        %reduce_sum3A_295 = tpu.scan <sum>, %mul3A_292 masked %reduce_sum3A_294 : vector<16xf32>, vector<16xi1> -> vector<16xf32>
        %reduce_sum3A_296 = vector.extract %reduce_sum3A_295[15] : f32 from vector<16xf32>
        %mul3A_297 = arith.constant 2.000000e-01 : f32
        %mul3A_298 = vector.broadcast %mul3A_297 : f32 to vector<16xf32>
        %mul3A_299 = arith.mulf %add3A_287, %mul3A_298 : vector<16xf32>
        %max3A_300 = arith.maximumf %add3A_287, %mul3A_299 : vector<16xf32>
        %mul3A_301 = arith.mulf %max3A_300, %get3A_71 : vector<16xf32>
        %reduce_sum3A_302 = arith.constant true
        %reduce_sum3A_303 = vector.broadcast %reduce_sum3A_302 : i1 to vector<16xi1>
        %reduce_sum3A_304 = tpu.scan <sum>, %mul3A_301 masked %reduce_sum3A_303 : vector<16xf32>, vector<16xi1> -> vector<16xf32>
        %reduce_sum3A_305 = vector.extract %reduce_sum3A_304[15] : f32 from vector<16xf32>
        %broadcast_in_dim3A_306 = vector.broadcast %reduce_sum3A_296 : f32 to vector<16xf32>
        %exp3A_307 = math.exp %broadcast_in_dim3A_306 : vector<16xf32>
        %broadcast_in_dim3A_308 = vector.broadcast %reduce_sum3A_305 : f32 to vector<16xf32>
        %exp3A_309 = math.exp %broadcast_in_dim3A_308 : vector<16xf32>
        %eq3A_310 = arith.constant 8 : i32
        %eq3A_311 = vector.broadcast %eq3A_310 : i32 to vector<16xi32>
        %eq3A_312 = arith.cmpi eq, %iota3A, %eq3A_311 : vector<16xi32>
        %select_n3A_313 = arith.select %eq3A_312, %exp3A_307, %exp3A_309 : vector<16xi1>, vector<16xf32>
        %swap3A_314 = arith.index_cast %add3A_265 : i32 to index
        %swap3A_315 = arith.constant 24 : index
        %swap3A_316 = tpu.vector_load %arg12[%swap3A_314, %swap3A_315] {strides = array<i32>} : memref<48x40xf32, #tpu.memory_space<vmem>>, vector<16xf32>,
        tpu.vector_store %arg12[%swap3A_314, %swap3A_315], %select_n3A_313 {strides = array<i32>} : memref<48x40xf32, #tpu.memory_space<vmem>>, vector<16xf32>,
        %mul3A_317 = arith.mulf %exp3A_307, %get3A_268 : vector<16xf32>
        %swap3A_318 = arith.index_cast %add3A_265 : i32 to index
        %swap3A_319 = arith.constant 0 : index
        %swap3A_320 = tpu.vector_load %arg12[%swap3A_318, %swap3A_319] {strides = array<i32>} : memref<48x40xf32, #tpu.memory_space<vmem>>, vector<16xf32>,
        tpu.vector_store %arg12[%swap3A_318, %swap3A_319], %mul3A_317 {strides = array<i32>} : memref<48x40xf32, #tpu.memory_space<vmem>>, vector<16xf32>,
        %mul3A_321 = arith.mulf %exp3A_309, %get3A_271 : vector<16xf32>
        %swap3A_322 = arith.index_cast %add3A_265 : i32 to index
        %swap3A_323 = arith.constant 16 : index
        %swap3A_324 = tpu.vector_load %arg12[%swap3A_322, %swap3A_323] {strides = array<i32>} : memref<48x40xf32, #tpu.memory_space<vmem>>, vector<16xf32>,
        tpu.vector_store %arg12[%swap3A_322, %swap3A_323], %mul3A_321 {strides = array<i32>} : memref<48x40xf32, #tpu.memory_space<vmem>>, vector<16xf32>,
      }
      %scan3A_77 = arith.constant 12 : i32
      %run_scoped3A = arith.constant 2 : i32
      "tpu.region"() ({
        %run_scoped3A_78 = tpu.sem_alloc : memref<!tpu.dma_semaphore, #tpu.memory_space<semaphore_mem>>
        %dma_start3A_79 = arith.constant 0 : i32
        %dma_start3A_80 = tpu.memref_slice %arg9[%run_scoped3A, %dma_start3A_79] : memref<3x48xi32, #tpu.memory_space<vmem>> -> memref<1x48xi32, #tpu.memory_space<vmem>>
        %dma_start3A_81 = tpu.memref_squeeze %dma_start3A_80 : memref<1x48xi32, #tpu.memory_space<vmem>> -> memref<48xi32, #tpu.memory_space<vmem>>
        %dma_start3A_82 = arith.constant 0 : i32
        %dma_start3A_83 = arith.constant 0 : i32
        %dma_start3A_84 = tpu.memref_slice %arg14[%dma_start3A_82, %dma_start3A_83] : memref<50176x40xf32, #tpu.memory_space<vmem_shared>> -> memref<50176x40xf32, #tpu.memory_space<vmem_shared>>
        tpu.enqueue_indirect_dma source(%arg12 : memref<48x40xf32, #tpu.memory_space<vmem>>) target(%dma_start3A_84 : memref<50176x40xf32, #tpu.memory_space<vmem_shared>>) offsets(%dma_start3A_81 : memref<48xi32, #tpu.memory_space<vmem>>) semaphore(%run_scoped3A_78 : memref<!tpu.dma_semaphore, #tpu.memory_space<semaphore_mem>>) {add = true}
        %dma_wait3A_85 = arith.constant 0 : i32
        %dma_wait3A_86 = tpu.memref_slice %arg9[%run_scoped3A, %dma_wait3A_85] : memref<3x48xi32, #tpu.memory_space<vmem>> -> memref<1x48xi32, #tpu.memory_space<vmem>>
        %dma_wait3A_87 = tpu.memref_squeeze %dma_wait3A_86 : memref<1x48xi32, #tpu.memory_space<vmem>> -> memref<48xi32, #tpu.memory_space<vmem>>
        %dma_wait3A_88 = arith.constant 0 : i32
        %dma_wait3A_89 = arith.constant 0 : i32
        %dma_wait3A_90 = tpu.memref_slice %arg14[%dma_wait3A_88, %dma_wait3A_89] : memref<50176x40xf32, #tpu.memory_space<vmem_shared>> -> memref<50176x40xf32, #tpu.memory_space<vmem_shared>>
        tpu.wait_indirect_dma semaphore(%run_scoped3A_78 : memref<!tpu.dma_semaphore, #tpu.memory_space<semaphore_mem>>) src(%arg12 : memref<48x40xf32, #tpu.memory_space<vmem>>) dst(%dma_wait3A_90 : memref<50176x40xf32, #tpu.memory_space<vmem_shared>>)
        tpu.yield
      }) : () -> ()
    }
    %scan3A_11 = arith.constant 528 : i32
    %barrier3A_12 = arith.constant 0 : index
    tpu.barrier barrier_id(%barrier3A_12)
    %eq3A = arith.constant 0 : i32
    %eq3A_13 = arith.cmpi eq, %arg0, %eq3A : i32
    %convert_element_type3A = arith.extui %eq3A_13 : i1 to i32
    %cond3A = arith.constant 0 : i32
    %cond3A_14 = arith.cmpi ne, %convert_element_type3A, %cond3A : i32
    scf.if %cond3A_14 {
      %mul3A_20 = arith.constant 3136 : i32
      %mul3A_21 = arith.muli %arg1, %mul3A_20 : i32
      %mul3A_22 = arith.constant 3136 : i32
      %mul3A_23 = arith.muli %arg1, %mul3A_22 : i32
      %run_scoped3A = arith.constant 0 : i32
      "tpu.region"() ({
        %run_scoped3A_24 = tpu.sem_alloc : memref<!tpu.dma_semaphore, #tpu.memory_space<semaphore_mem>>
        %dma_start3A = arith.constant 0 : i32
        %dma_start3A_25 = tpu.memref_slice %arg8[%run_scoped3A, %mul3A_23, %dma_start3A] : memref<2x50176x40xf32, #tpu.memory_space<hbm>> -> memref<1x3136x40xf32, #tpu.memory_space<hbm>>
        %dma_start3A_26 = tpu.memref_squeeze %dma_start3A_25 : memref<1x3136x40xf32, #tpu.memory_space<hbm>> -> memref<3136x40xf32, #tpu.memory_space<hbm>>
        %dma_start3A_27 = arith.constant 0 : i32
        %dma_start3A_28 = tpu.memref_slice %arg14[%mul3A_21, %dma_start3A_27] : memref<50176x40xf32, #tpu.memory_space<vmem_shared>> -> memref<3136x40xf32, #tpu.memory_space<vmem_shared>>
        tpu.enqueue_dma source(%dma_start3A_28 : memref<3136x40xf32, #tpu.memory_space<vmem_shared>>) target(%dma_start3A_26 : memref<3136x40xf32, #tpu.memory_space<hbm>>) target_semaphore(%run_scoped3A_24 : memref<!tpu.dma_semaphore, #tpu.memory_space<semaphore_mem>>)
        %dma_wait3A = arith.constant 0 : i32
        %dma_wait3A_29 = tpu.memref_slice %arg8[%run_scoped3A, %mul3A_23, %dma_wait3A] : memref<2x50176x40xf32, #tpu.memory_space<hbm>> -> memref<1x3136x40xf32, #tpu.memory_space<hbm>>
        %dma_wait3A_30 = tpu.memref_squeeze %dma_wait3A_29 : memref<1x3136x40xf32, #tpu.memory_space<hbm>> -> memref<3136x40xf32, #tpu.memory_space<hbm>>
        %dma_wait3A_31 = arith.constant 0 : i32
        %dma_wait3A_32 = tpu.memref_slice %arg14[%mul3A_21, %dma_wait3A_31] : memref<50176x40xf32, #tpu.memory_space<vmem_shared>> -> memref<3136x40xf32, #tpu.memory_space<vmem_shared>>
        tpu.wait_dma2 semaphore(%run_scoped3A_24 : memref<!tpu.dma_semaphore, #tpu.memory_space<semaphore_mem>>) src(%dma_wait3A_32 : memref<3136x40xf32, #tpu.memory_space<vmem_shared>>) dst(%dma_wait3A_30 : memref<3136x40xf32, #tpu.memory_space<hbm>>)
        tpu.yield
      }) : () -> ()
    } else {
    }
    %eq3A_15 = arith.constant 1 : i32
    %eq3A_16 = arith.cmpi eq, %arg0, %eq3A_15 : i32
    %convert_element_type3A_17 = arith.extui %eq3A_16 : i1 to i32
    %cond3A_18 = arith.constant 0 : i32
    %cond3A_19 = arith.cmpi ne, %convert_element_type3A_17, %cond3A_18 : i32
    scf.if %cond3A_19 {
      %mul3A_20 = arith.constant 3136 : i32
      %mul3A_21 = arith.muli %arg1, %mul3A_20 : i32
      %mul3A_22 = arith.constant 3136 : i32
      %mul3A_23 = arith.muli %arg1, %mul3A_22 : i32
      %run_scoped3A = arith.constant 1 : i32
      "tpu.region"() ({
        %run_scoped3A_24 = tpu.sem_alloc : memref<!tpu.dma_semaphore, #tpu.memory_space<semaphore_mem>>
        %dma_start3A = arith.constant 0 : i32
        %dma_start3A_25 = tpu.memref_slice %arg8[%run_scoped3A, %mul3A_23, %dma_start3A] : memref<2x50176x40xf32, #tpu.memory_space<hbm>> -> memref<1x3136x40xf32, #tpu.memory_space<hbm>>
        %dma_start3A_26 = tpu.memref_squeeze %dma_start3A_25 : memref<1x3136x40xf32, #tpu.memory_space<hbm>> -> memref<3136x40xf32, #tpu.memory_space<hbm>>
        %dma_start3A_27 = arith.constant 0 : i32
        %dma_start3A_28 = tpu.memref_slice %arg14[%mul3A_21, %dma_start3A_27] : memref<50176x40xf32, #tpu.memory_space<vmem_shared>> -> memref<3136x40xf32, #tpu.memory_space<vmem_shared>>
        tpu.enqueue_dma source(%dma_start3A_28 : memref<3136x40xf32, #tpu.memory_space<vmem_shared>>) target(%dma_start3A_26 : memref<3136x40xf32, #tpu.memory_space<hbm>>) target_semaphore(%run_scoped3A_24 : memref<!tpu.dma_semaphore, #tpu.memory_space<semaphore_mem>>)
        %dma_wait3A = arith.constant 0 : i32
        %dma_wait3A_29 = tpu.memref_slice %arg8[%run_scoped3A, %mul3A_23, %dma_wait3A] : memref<2x50176x40xf32, #tpu.memory_space<hbm>> -> memref<1x3136x40xf32, #tpu.memory_space<hbm>>
        %dma_wait3A_30 = tpu.memref_squeeze %dma_wait3A_29 : memref<1x3136x40xf32, #tpu.memory_space<hbm>> -> memref<3136x40xf32, #tpu.memory_space<hbm>>
        %dma_wait3A_31 = arith.constant 0 : i32
        %dma_wait3A_32 = tpu.memref_slice %arg14[%mul3A_21, %dma_wait3A_31] : memref<50176x40xf32, #tpu.memory_space<vmem_shared>> -> memref<3136x40xf32, #tpu.memory_space<vmem_shared>>
        tpu.wait_dma2 semaphore(%run_scoped3A_24 : memref<!tpu.dma_semaphore, #tpu.memory_space<semaphore_mem>>) src(%dma_wait3A_32 : memref<3136x40xf32, #tpu.memory_space<vmem_shared>>) dst(%dma_wait3A_30 : memref<3136x40xf32, #tpu.memory_space<hbm>>)
        tpu.yield
      }) : () -> ()
    } else {
    }
    return
  }
}

#map = affine_map<(d0, d1) -> (0, 0, 0)>
#map1 = affine_map<(d0, d1) -> (0, 0)>
module attributes {stable_mosaic.version = 14 : i64} {
  func.func @k(%arg0: i32, %arg1: i32, %arg2: memref<16896x3x48xi32, #tpu.memory_space<hbm>>, %arg3: memref<2x811008x40xf32, #tpu.memory_space<hbm>>, %arg4: memref<50000x32xf32, #tpu.memory_space<hbm>>, %arg5: memref<50000x32xf32, #tpu.memory_space<hbm>>, %arg6: memref<2x16xf32, #tpu.memory_space<hbm>>, %arg7: memref<3136x40xf32, #tpu.memory_space<hbm>>, %arg8: memref<2x50176x40xf32, #tpu.memory_space<hbm>>, %arg9: memref<3x48xi32, #tpu.memory_space<vmem>>, %arg10: memref<48x32xf32, #tpu.memory_space<vmem>>, %arg11: memref<48x32xf32, #tpu.memory_space<vmem>>, %arg12: memref<48x40xf32, #tpu.memory_space<vmem>>, %arg13: memref<2x16xf32, #tpu.memory_space<vmem>>, %arg14: memref<50176x40xf32, #tpu.memory_space<vmem_shared>>, %arg15: memref<!tpu.dma_semaphore, #tpu.memory_space<semaphore_mem>>, %arg16: memref<!tpu.dma_semaphore, #tpu.memory_space<semaphore_mem>>, %arg17: memref<!tpu.dma_semaphore, #tpu.memory_space<semaphore_mem>>) attributes {dimension_semantics = [#tpu.dimension_semantics<core_parallel>, #tpu.dimension_semantics<subcore_parallel>], iteration_bounds = array<i64: 2, 16>, scalar_prefetch = 0 : i64, scratch_operands = 9 : i64, tpu.core_type = #tpu.core_type<sc_vector_subcore>, window_params = [{transform_indices = #map}, {transform_indices = #map}, {transform_indices = #map1}, {transform_indices = #map1}, {transform_indices = #map1}, {transform_indices = #map1}, {transform_indices = #map}]} {
    %mul3A = arith.constant 3136 : i32
    %mul3A_0 = arith.muli %arg1, %mul3A : i32
    "tpu.region"() ({
      %run_scoped3A = tpu.sem_alloc : memref<!tpu.dma_semaphore, #tpu.memory_space<semaphore_mem>>
      %dma_start3A = arith.constant 0 : i32
      %dma_start3A_20 = tpu.memref_slice %arg14[%mul3A_0, %dma_start3A] : memref<50176x40xf32, #tpu.memory_space<vmem_shared>> -> memref<3136x40xf32, #tpu.memory_space<vmem_shared>>
      tpu.enqueue_dma source(%arg7 : memref<3136x40xf32, #tpu.memory_space<hbm>>) target(%dma_start3A_20 : memref<3136x40xf32, #tpu.memory_space<vmem_shared>>) target_semaphore(%run_scoped3A : memref<!tpu.dma_semaphore, #tpu.memory_space<semaphore_mem>>)
      %dma_wait3A = arith.constant 0 : i32
      %dma_wait3A_21 = tpu.memref_slice %arg14[%mul3A_0, %dma_wait3A] : memref<50176x40xf32, #tpu.memory_space<vmem_shared>> -> memref<3136x40xf32, #tpu.memory_space<vmem_shared>>
      tpu.wait_dma2 semaphore(%run_scoped3A : memref<!tpu.dma_semaphore, #tpu.memory_space<semaphore_mem>>) src(%arg7 : memref<3136x40xf32, #tpu.memory_space<hbm>>) dst(%dma_wait3A_21 : memref<3136x40xf32, #tpu.memory_space<vmem_shared>>)
      tpu.yield
    }) : () -> ()
    "tpu.region"() ({
      %run_scoped3A = tpu.sem_alloc : memref<!tpu.dma_semaphore, #tpu.memory_space<semaphore_mem>>
      tpu.enqueue_dma source(%arg6 : memref<2x16xf32, #tpu.memory_space<hbm>>) target(%arg13 : memref<2x16xf32, #tpu.memory_space<vmem>>) target_semaphore(%run_scoped3A : memref<!tpu.dma_semaphore, #tpu.memory_space<semaphore_mem>>)
      tpu.wait_dma2 semaphore(%run_scoped3A : memref<!tpu.dma_semaphore, #tpu.memory_space<semaphore_mem>>) src(%arg6 : memref<2x16xf32, #tpu.memory_space<hbm>>) dst(%arg13 : memref<2x16xf32, #tpu.memory_space<vmem>>)
      tpu.yield
    }) : () -> ()
    %barrier3A = arith.constant 0 : index
    tpu.barrier barrier_id(%barrier3A)
    %mul3A_1 = arith.constant 16 : i32
    %mul3A_2 = arith.muli %arg0, %mul3A_1 : i32
    %add3A = arith.addi %mul3A_2, %arg1 : i32
    %mul3A_3 = arith.constant 25344 : i32
    %mul3A_4 = arith.muli %add3A, %mul3A_3 : i32
    %mul3A_5 = arith.constant 528 : i32
    %mul3A_6 = arith.muli %add3A, %mul3A_5 : i32
    %scan3A = arith.constant 0 : i32
    %scan3A_7 = arith.constant 0 : i32
    %scan3A_8 = arith.constant 528 : i32
    %scan3A_9 = arith.addi %scan3A_7, %scan3A_8 : i32
    %scan3A_10 = arith.constant 1 : i32
    scf.for %scan3A_20 = %scan3A_7 to %scan3A_9 step %scan3A_10  : i32 {
      %mul3A_21 = arith.constant 48 : i32
      %mul3A_22 = arith.muli %scan3A_20, %mul3A_21 : i32
      %add3A_23 = arith.addi %mul3A_4, %mul3A_22 : i32
      %add3A_24 = arith.addi %mul3A_6, %scan3A_20 : i32
      "tpu.region"() ({
        %run_scoped3A_78 = tpu.sem_alloc : memref<!tpu.dma_semaphore, #tpu.memory_space<semaphore_mem>>
        %dma_start3A_79 = arith.constant 0 : i32
        %dma_start3A_80 = arith.constant 0 : i32
        %dma_start3A_81 = tpu.memref_slice %arg2[%add3A_24, %dma_start3A_79, %dma_start3A_80] : memref<16896x3x48xi32, #tpu.memory_space<hbm>> -> memref<1x3x48xi32, #tpu.memory_space<hbm>>
        %dma_start3A_82 = tpu.memref_squeeze %dma_start3A_81 : memref<1x3x48xi32, #tpu.memory_space<hbm>> -> memref<3x48xi32, #tpu.memory_space<hbm>>
        %dma_start3A_83 = arith.constant 0 : i32
        %dma_start3A_84 = arith.constant 0 : i32
        %dma_start3A_85 = tpu.memref_slice %arg2[%add3A_24, %dma_start3A_83, %dma_start3A_84] : memref<16896x3x48xi32, #tpu.memory_space<hbm>> -> memref<1x3x48xi32, #tpu.memory_space<hbm>>
        %dma_start3A_86 = tpu.memref_squeeze %dma_start3A_85 : memref<1x3x48xi32, #tpu.memory_space<hbm>> -> memref<3x48xi32, #tpu.memory_space<hbm>>
        tpu.enqueue_dma source(%dma_start3A_86 : memref<3x48xi32, #tpu.memory_space<hbm>>) target(%arg9 : memref<3x48xi32, #tpu.memory_space<vmem>>) target_semaphore(%run_scoped3A_78 : memref<!tpu.dma_semaphore, #tpu.memory_space<semaphore_mem>>)
        %dma_wait3A_87 = arith.constant 0 : i32
        %dma_wait3A_88 = arith.constant 0 : i32
        %dma_wait3A_89 = tpu.memref_slice %arg2[%add3A_24, %dma_wait3A_87, %dma_wait3A_88] : memref<16896x3x48xi32, #tpu.memory_space<hbm>> -> memref<1x3x48xi32, #tpu.memory_space<hbm>>
        %dma_wait3A_90 = tpu.memref_squeeze %dma_wait3A_89 : memref<1x3x48xi32, #tpu.memory_space<hbm>> -> memref<3x48xi32, #tpu.memory_space<hbm>>
        %dma_wait3A_91 = arith.constant 0 : i32
        %dma_wait3A_92 = arith.constant 0 : i32
        %dma_wait3A_93 = tpu.memref_slice %arg2[%add3A_24, %dma_wait3A_91, %dma_wait3A_92] : memref<16896x3x48xi32, #tpu.memory_space<hbm>> -> memref<1x3x48xi32, #tpu.memory_space<hbm>>
        %dma_wait3A_94 = tpu.memref_squeeze %dma_wait3A_93 : memref<1x3x48xi32, #tpu.memory_space<hbm>> -> memref<3x48xi32, #tpu.memory_space<hbm>>
        tpu.wait_dma2 semaphore(%run_scoped3A_78 : memref<!tpu.dma_semaphore, #tpu.memory_space<semaphore_mem>>) src(%dma_wait3A_94 : memref<3x48xi32, #tpu.memory_space<hbm>>) dst(%arg9 : memref<3x48xi32, #tpu.memory_space<vmem>>)
        tpu.yield
      }) : () -> ()
      %dma_start3A = arith.constant 0 : i32
      %dma_start3A_25 = arith.constant 0 : i32
      %dma_start3A_26 = tpu.memref_slice %arg9[%dma_start3A, %dma_start3A_25] : memref<3x48xi32, #tpu.memory_space<vmem>> -> memref<1x48xi32, #tpu.memory_space<vmem>>
      %dma_start3A_27 = tpu.memref_squeeze %dma_start3A_26 : memref<1x48xi32, #tpu.memory_space<vmem>> -> memref<48xi32, #tpu.memory_space<vmem>>
      %dma_start3A_28 = arith.constant 0 : i32
      %dma_start3A_29 = arith.constant 0 : i32
      %dma_start3A_30 = tpu.memref_slice %arg4[%dma_start3A_28, %dma_start3A_29] : memref<50000x32xf32, #tpu.memory_space<hbm>> -> memref<50000x32xf32, #tpu.memory_space<hbm>>
      tpu.enqueue_indirect_dma source(%dma_start3A_30 : memref<50000x32xf32, #tpu.memory_space<hbm>>) target(%arg10 : memref<48x32xf32, #tpu.memory_space<vmem>>) offsets(%dma_start3A_27 : memref<48xi32, #tpu.memory_space<vmem>>) semaphore(%arg15 : memref<!tpu.dma_semaphore, #tpu.memory_space<semaphore_mem>>)
      %dma_start3A_31 = arith.constant 1 : i32
      %dma_start3A_32 = arith.constant 0 : i32
      %dma_start3A_33 = tpu.memref_slice %arg9[%dma_start3A_31, %dma_start3A_32] : memref<3x48xi32, #tpu.memory_space<vmem>> -> memref<1x48xi32, #tpu.memory_space<vmem>>
      %dma_start3A_34 = tpu.memref_squeeze %dma_start3A_33 : memref<1x48xi32, #tpu.memory_space<vmem>> -> memref<48xi32, #tpu.memory_space<vmem>>
      %dma_start3A_35 = arith.constant 0 : i32
      %dma_start3A_36 = arith.constant 0 : i32
      %dma_start3A_37 = tpu.memref_slice %arg5[%dma_start3A_35, %dma_start3A_36] : memref<50000x32xf32, #tpu.memory_space<hbm>> -> memref<50000x32xf32, #tpu.memory_space<hbm>>
      tpu.enqueue_indirect_dma source(%dma_start3A_37 : memref<50000x32xf32, #tpu.memory_space<hbm>>) target(%arg11 : memref<48x32xf32, #tpu.memory_space<vmem>>) offsets(%dma_start3A_34 : memref<48xi32, #tpu.memory_space<vmem>>) semaphore(%arg16 : memref<!tpu.dma_semaphore, #tpu.memory_space<semaphore_mem>>)
      %dma_start3A_38 = arith.constant 0 : i32
      %dma_start3A_39 = arith.constant 0 : i32
      %dma_start3A_40 = tpu.memref_slice %arg3[%dma_start3A_38, %add3A_23, %dma_start3A_39] : memref<2x811008x40xf32, #tpu.memory_space<hbm>> -> memref<1x48x40xf32, #tpu.memory_space<hbm>>
      %dma_start3A_41 = tpu.memref_squeeze %dma_start3A_40 : memref<1x48x40xf32, #tpu.memory_space<hbm>> -> memref<48x40xf32, #tpu.memory_space<hbm>>
      %dma_start3A_42 = arith.constant 0 : i32
      %dma_start3A_43 = tpu.memref_slice %arg3[%dma_start3A_38, %add3A_23, %dma_start3A_42] : memref<2x811008x40xf32, #tpu.memory_space<hbm>> -> memref<1x48x40xf32, #tpu.memory_space<hbm>>
      %dma_start3A_44 = tpu.memref_squeeze %dma_start3A_43 : memref<1x48x40xf32, #tpu.memory_space<hbm>> -> memref<48x40xf32, #tpu.memory_space<hbm>>
      tpu.enqueue_dma source(%dma_start3A_44 : memref<48x40xf32, #tpu.memory_space<hbm>>) target(%arg12 : memref<48x40xf32, #tpu.memory_space<vmem>>) target_semaphore(%arg17 : memref<!tpu.dma_semaphore, #tpu.memory_space<semaphore_mem>>)
      %dma_wait3A = arith.constant 0 : i32
      %dma_wait3A_45 = arith.constant 0 : i32
      %dma_wait3A_46 = tpu.memref_slice %arg9[%dma_wait3A, %dma_wait3A_45] : memref<3x48xi32, #tpu.memory_space<vmem>> -> memref<1x48xi32, #tpu.memory_space<vmem>>
      %dma_wait3A_47 = tpu.memref_squeeze %dma_wait3A_46 : memref<1x48xi32, #tpu.memory_space<vmem>> -> memref<48xi32, #tpu.memory_space<vmem>>
      %dma_wait3A_48 = arith.constant 0 : i32
      %dma_wait3A_49 = arith.constant 0 : i32
      %dma_wait3A_50 = tpu.memref_slice %arg4[%dma_wait3A_48, %dma_wait3A_49] : memref<50000x32xf32, #tpu.memory_space<hbm>> -> memref<50000x32xf32, #tpu.memory_space<hbm>>
      tpu.wait_indirect_dma semaphore(%arg15 : memref<!tpu.dma_semaphore, #tpu.memory_space<semaphore_mem>>) src(%dma_wait3A_50 : memref<50000x32xf32, #tpu.memory_space<hbm>>) dst(%arg10 : memref<48x32xf32, #tpu.memory_space<vmem>>)
      %dma_wait3A_51 = arith.constant 1 : i32
      %dma_wait3A_52 = arith.constant 0 : i32
      %dma_wait3A_53 = tpu.memref_slice %arg9[%dma_wait3A_51, %dma_wait3A_52] : memref<3x48xi32, #tpu.memory_space<vmem>> -> memref<1x48xi32, #tpu.memory_space<vmem>>
      %dma_wait3A_54 = tpu.memref_squeeze %dma_wait3A_53 : memref<1x48xi32, #tpu.memory_space<vmem>> -> memref<48xi32, #tpu.memory_space<vmem>>
      %dma_wait3A_55 = arith.constant 0 : i32
      %dma_wait3A_56 = arith.constant 0 : i32
      %dma_wait3A_57 = tpu.memref_slice %arg5[%dma_wait3A_55, %dma_wait3A_56] : memref<50000x32xf32, #tpu.memory_space<hbm>> -> memref<50000x32xf32, #tpu.memory_space<hbm>>
      tpu.wait_indirect_dma semaphore(%arg16 : memref<!tpu.dma_semaphore, #tpu.memory_space<semaphore_mem>>) src(%dma_wait3A_57 : memref<50000x32xf32, #tpu.memory_space<hbm>>) dst(%arg11 : memref<48x32xf32, #tpu.memory_space<vmem>>)
      %dma_wait3A_58 = arith.constant 0 : i32
      %dma_wait3A_59 = arith.constant 0 : i32
      %dma_wait3A_60 = tpu.memref_slice %arg3[%dma_wait3A_58, %add3A_23, %dma_wait3A_59] : memref<2x811008x40xf32, #tpu.memory_space<hbm>> -> memref<1x48x40xf32, #tpu.memory_space<hbm>>
      %dma_wait3A_61 = tpu.memref_squeeze %dma_wait3A_60 : memref<1x48x40xf32, #tpu.memory_space<hbm>> -> memref<48x40xf32, #tpu.memory_space<hbm>>
      %dma_wait3A_62 = arith.constant 0 : i32
      %dma_wait3A_63 = tpu.memref_slice %arg3[%dma_wait3A_58, %add3A_23, %dma_wait3A_62] : memref<2x811008x40xf32, #tpu.memory_space<hbm>> -> memref<1x48x40xf32, #tpu.memory_space<hbm>>
      %dma_wait3A_64 = tpu.memref_squeeze %dma_wait3A_63 : memref<1x48x40xf32, #tpu.memory_space<hbm>> -> memref<48x40xf32, #tpu.memory_space<hbm>>
      tpu.wait_dma2 semaphore(%arg17 : memref<!tpu.dma_semaphore, #tpu.memory_space<semaphore_mem>>) src(%dma_wait3A_64 : memref<48x40xf32, #tpu.memory_space<hbm>>) dst(%arg12 : memref<48x40xf32, #tpu.memory_space<vmem>>)
      %get3A = arith.constant 0 : i32
      %get3A_65 = arith.index_cast %get3A : i32 to index
      %get3A_66 = arith.constant 0 : index
      %get3A_67 = tpu.vector_load %arg13[%get3A_65, %get3A_66] {strides = array<i32>} : memref<2x16xf32, #tpu.memory_space<vmem>>, vector<16xf32>,
      %get3A_68 = arith.constant 1 : i32
      %get3A_69 = arith.index_cast %get3A_68 : i32 to index
      %get3A_70 = arith.constant 0 : index
      %get3A_71 = tpu.vector_load %arg13[%get3A_69, %get3A_70] {strides = array<i32>} : memref<2x16xf32, #tpu.memory_space<vmem>>, vector<16xf32>,
      %iota3A = tpu.iota {dimensions = array<i32: 0>} : vector<16xi32>
      %scan3A_72 = arith.constant 0 : i32
      %scan3A_73 = arith.constant 0 : i32
      %scan3A_74 = arith.constant 12 : i32
      %scan3A_75 = arith.addi %scan3A_73, %scan3A_74 : i32
      %scan3A_76 = arith.constant 1 : i32
      scf.for %scan3A_78 = %scan3A_73 to %scan3A_75 step %scan3A_76  : i32 {
        %mul3A_79 = arith.constant 4 : i32
        %mul3A_80 = arith.muli %scan3A_78, %mul3A_79 : i32
        %add3A_81 = arith.constant 0 : i32
        %add3A_82 = arith.addi %mul3A_80, %add3A_81 : i32
        %get3A_83 = arith.index_cast %add3A_82 : i32 to index
        %get3A_84 = arith.constant 0 : index
        %get3A_85 = tpu.vector_load %arg10[%get3A_83, %get3A_84] {strides = array<i32>} : memref<48x32xf32, #tpu.memory_space<vmem>>, vector<16xf32>,
        %get3A_86 = arith.index_cast %add3A_82 : i32 to index
        %get3A_87 = arith.constant 16 : index
        %get3A_88 = tpu.vector_load %arg10[%get3A_86, %get3A_87] {strides = array<i32>} : memref<48x32xf32, #tpu.memory_space<vmem>>, vector<16xf32>,
        %get3A_89 = arith.index_cast %add3A_82 : i32 to index
        %get3A_90 = arith.constant 0 : index
        %get3A_91 = tpu.vector_load %arg11[%get3A_89, %get3A_90] {strides = array<i32>} : memref<48x32xf32, #tpu.memory_space<vmem>>, vector<16xf32>,
        %add3A_92 = arith.addf %get3A_85, %get3A_91 : vector<16xf32>
        %get3A_93 = arith.index_cast %add3A_82 : i32 to index
        %get3A_94 = arith.constant 0 : index
        %get3A_95 = tpu.vector_load %arg12[%get3A_93, %get3A_94] {strides = array<i32>} : memref<48x40xf32, #tpu.memory_space<vmem>>, vector<16xf32>,
        %add3A_96 = arith.addf %add3A_92, %get3A_95 : vector<16xf32>
        %get3A_97 = arith.index_cast %add3A_82 : i32 to index
        %get3A_98 = arith.constant 16 : index
        %get3A_99 = tpu.vector_load %arg11[%get3A_97, %get3A_98] {strides = array<i32>} : memref<48x32xf32, #tpu.memory_space<vmem>>, vector<16xf32>,
        %add3A_100 = arith.addf %get3A_88, %get3A_99 : vector<16xf32>
        %get3A_101 = arith.index_cast %add3A_82 : i32 to index
        %get3A_102 = arith.constant 16 : index
        %get3A_103 = tpu.vector_load %arg12[%get3A_101, %get3A_102] {strides = array<i32>} : memref<48x40xf32, #tpu.memory_space<vmem>>, vector<16xf32>,
        %add3A_104 = arith.addf %add3A_100, %get3A_103 : vector<16xf32>
        %mul3A_105 = arith.constant 2.000000e-01 : f32
        %mul3A_106 = vector.broadcast %mul3A_105 : f32 to vector<16xf32>
        %mul3A_107 = arith.mulf %add3A_96, %mul3A_106 : vector<16xf32>
        %max3A = arith.maximumf %add3A_96, %mul3A_107 : vector<16xf32>
        %mul3A_108 = arith.mulf %max3A, %get3A_67 : vector<16xf32>
        %reduce_sum3A = arith.constant true
        %reduce_sum3A_109 = vector.broadcast %reduce_sum3A : i1 to vector<16xi1>
        %reduce_sum3A_110 = tpu.scan <sum>, %mul3A_108 masked %reduce_sum3A_109 : vector<16xf32>, vector<16xi1> -> vector<16xf32>
        %reduce_sum3A_111 = vector.extract %reduce_sum3A_110[15] : f32 from vector<16xf32>
        %mul3A_112 = arith.constant 2.000000e-01 : f32
        %mul3A_113 = vector.broadcast %mul3A_112 : f32 to vector<16xf32>
        %mul3A_114 = arith.mulf %add3A_104, %mul3A_113 : vector<16xf32>
        %max3A_115 = arith.maximumf %add3A_104, %mul3A_114 : vector<16xf32>
        %mul3A_116 = arith.mulf %max3A_115, %get3A_71 : vector<16xf32>
        %reduce_sum3A_117 = arith.constant true
        %reduce_sum3A_118 = vector.broadcast %reduce_sum3A_117 : i1 to vector<16xi1>
        %reduce_sum3A_119 = tpu.scan <sum>, %mul3A_116 masked %reduce_sum3A_118 : vector<16xf32>, vector<16xi1> -> vector<16xf32>
        %reduce_sum3A_120 = vector.extract %reduce_sum3A_119[15] : f32 from vector<16xf32>
        %broadcast_in_dim3A = vector.broadcast %reduce_sum3A_111 : f32 to vector<16xf32>
        %exp3A = math.exp %broadcast_in_dim3A : vector<16xf32>
        %broadcast_in_dim3A_121 = vector.broadcast %reduce_sum3A_120 : f32 to vector<16xf32>
        %exp3A_122 = math.exp %broadcast_in_dim3A_121 : vector<16xf32>
        %eq3A_123 = arith.constant 8 : i32
        %eq3A_124 = vector.broadcast %eq3A_123 : i32 to vector<16xi32>
        %eq3A_125 = arith.cmpi eq, %iota3A, %eq3A_124 : vector<16xi32>
        %select_n3A = arith.select %eq3A_125, %exp3A, %exp3A_122 : vector<16xi1>, vector<16xf32>
        %swap3A = arith.index_cast %add3A_82 : i32 to index
        %swap3A_126 = arith.constant 24 : index
        %swap3A_127 = tpu.vector_load %arg12[%swap3A, %swap3A_126] {strides = array<i32>} : memref<48x40xf32, #tpu.memory_space<vmem>>, vector<16xf32>,
        tpu.vector_store %arg12[%swap3A, %swap3A_126], %select_n3A {strides = array<i32>} : memref<48x40xf32, #tpu.memory_space<vmem>>, vector<16xf32>,
        %mul3A_128 = arith.mulf %exp3A, %get3A_85 : vector<16xf32>
        %swap3A_129 = arith.index_cast %add3A_82 : i32 to index
        %swap3A_130 = arith.constant 0 : index
        %swap3A_131 = tpu.vector_load %arg12[%swap3A_129, %swap3A_130] {strides = array<i32>} : memref<48x40xf32, #tpu.memory_space<vmem>>, vector<16xf32>,
        tpu.vector_store %arg12[%swap3A_129, %swap3A_130], %mul3A_128 {strides = array<i32>} : memref<48x40xf32, #tpu.memory_space<vmem>>, vector<16xf32>,
        %mul3A_132 = arith.mulf %exp3A_122, %get3A_88 : vector<16xf32>
        %swap3A_133 = arith.index_cast %add3A_82 : i32 to index
        %swap3A_134 = arith.constant 16 : index
        %swap3A_135 = tpu.vector_load %arg12[%swap3A_133, %swap3A_134] {strides = array<i32>} : memref<48x40xf32, #tpu.memory_space<vmem>>, vector<16xf32>,
        tpu.vector_store %arg12[%swap3A_133, %swap3A_134], %mul3A_132 {strides = array<i32>} : memref<48x40xf32, #tpu.memory_space<vmem>>, vector<16xf32>,
        %mul3A_136 = arith.constant 4 : i32
        %mul3A_137 = arith.muli %scan3A_78, %mul3A_136 : i32
        %add3A_138 = arith.constant 1 : i32
        %add3A_139 = arith.addi %mul3A_137, %add3A_138 : i32
        %get3A_140 = arith.index_cast %add3A_139 : i32 to index
        %get3A_141 = arith.constant 0 : index
        %get3A_142 = tpu.vector_load %arg10[%get3A_140, %get3A_141] {strides = array<i32>} : memref<48x32xf32, #tpu.memory_space<vmem>>, vector<16xf32>,
        %get3A_143 = arith.index_cast %add3A_139 : i32 to index
        %get3A_144 = arith.constant 16 : index
        %get3A_145 = tpu.vector_load %arg10[%get3A_143, %get3A_144] {strides = array<i32>} : memref<48x32xf32, #tpu.memory_space<vmem>>, vector<16xf32>,
        %get3A_146 = arith.index_cast %add3A_139 : i32 to index
        %get3A_147 = arith.constant 0 : index
        %get3A_148 = tpu.vector_load %arg11[%get3A_146, %get3A_147] {strides = array<i32>} : memref<48x32xf32, #tpu.memory_space<vmem>>, vector<16xf32>,
        %add3A_149 = arith.addf %get3A_142, %get3A_148 : vector<16xf32>
        %get3A_150 = arith.index_cast %add3A_139 : i32 to index
        %get3A_151 = arith.constant 0 : index
        %get3A_152 = tpu.vector_load %arg12[%get3A_150, %get3A_151] {strides = array<i32>} : memref<48x40xf32, #tpu.memory_space<vmem>>, vector<16xf32>,
        %add3A_153 = arith.addf %add3A_149, %get3A_152 : vector<16xf32>
        %get3A_154 = arith.index_cast %add3A_139 : i32 to index
        %get3A_155 = arith.constant 16 : index
        %get3A_156 = tpu.vector_load %arg11[%get3A_154, %get3A_155] {strides = array<i32>} : memref<48x32xf32, #tpu.memory_space<vmem>>, vector<16xf32>,
        %add3A_157 = arith.addf %get3A_145, %get3A_156 : vector<16xf32>
        %get3A_158 = arith.index_cast %add3A_139 : i32 to index
        %get3A_159 = arith.constant 16 : index
        %get3A_160 = tpu.vector_load %arg12[%get3A_158, %get3A_159] {strides = array<i32>} : memref<48x40xf32, #tpu.memory_space<vmem>>, vector<16xf32>,
        %add3A_161 = arith.addf %add3A_157, %get3A_160 : vector<16xf32>
        %mul3A_162 = arith.constant 2.000000e-01 : f32
        %mul3A_163 = vector.broadcast %mul3A_162 : f32 to vector<16xf32>
        %mul3A_164 = arith.mulf %add3A_153, %mul3A_163 : vector<16xf32>
        %max3A_165 = arith.maximumf %add3A_153, %mul3A_164 : vector<16xf32>
        %mul3A_166 = arith.mulf %max3A_165, %get3A_67 : vector<16xf32>
        %reduce_sum3A_167 = arith.constant true
        %reduce_sum3A_168 = vector.broadcast %reduce_sum3A_167 : i1 to vector<16xi1>
        %reduce_sum3A_169 = tpu.scan <sum>, %mul3A_166 masked %reduce_sum3A_168 : vector<16xf32>, vector<16xi1> -> vector<16xf32>
        %reduce_sum3A_170 = vector.extract %reduce_sum3A_169[15] : f32 from vector<16xf32>
        %mul3A_171 = arith.constant 2.000000e-01 : f32
        %mul3A_172 = vector.broadcast %mul3A_171 : f32 to vector<16xf32>
        %mul3A_173 = arith.mulf %add3A_161, %mul3A_172 : vector<16xf32>
        %max3A_174 = arith.maximumf %add3A_161, %mul3A_173 : vector<16xf32>
        %mul3A_175 = arith.mulf %max3A_174, %get3A_71 : vector<16xf32>
        %reduce_sum3A_176 = arith.constant true
        %reduce_sum3A_177 = vector.broadcast %reduce_sum3A_176 : i1 to vector<16xi1>
        %reduce_sum3A_178 = tpu.scan <sum>, %mul3A_175 masked %reduce_sum3A_177 : vector<16xf32>, vector<16xi1> -> vector<16xf32>
        %reduce_sum3A_179 = vector.extract %reduce_sum3A_178[15] : f32 from vector<16xf32>
        %broadcast_in_dim3A_180 = vector.broadcast %reduce_sum3A_170 : f32 to vector<16xf32>
        %exp3A_181 = math.exp %broadcast_in_dim3A_180 : vector<16xf32>
        %broadcast_in_dim3A_182 = vector.broadcast %reduce_sum3A_179 : f32 to vector<16xf32>
        %exp3A_183 = math.exp %broadcast_in_dim3A_182 : vector<16xf32>
        %eq3A_184 = arith.constant 8 : i32
        %eq3A_185 = vector.broadcast %eq3A_184 : i32 to vector<16xi32>
        %eq3A_186 = arith.cmpi eq, %iota3A, %eq3A_185 : vector<16xi32>
        %select_n3A_187 = arith.select %eq3A_186, %exp3A_181, %exp3A_183 : vector<16xi1>, vector<16xf32>
        %swap3A_188 = arith.index_cast %add3A_139 : i32 to index
        %swap3A_189 = arith.constant 24 : index
        %swap3A_190 = tpu.vector_load %arg12[%swap3A_188, %swap3A_189] {strides = array<i32>} : memref<48x40xf32, #tpu.memory_space<vmem>>, vector<16xf32>,
        tpu.vector_store %arg12[%swap3A_188, %swap3A_189], %select_n3A_187 {strides = array<i32>} : memref<48x40xf32, #tpu.memory_space<vmem>>, vector<16xf32>,
        %mul3A_191 = arith.mulf %exp3A_181, %get3A_142 : vector<16xf32>
        %swap3A_192 = arith.index_cast %add3A_139 : i32 to index
        %swap3A_193 = arith.constant 0 : index
        %swap3A_194 = tpu.vector_load %arg12[%swap3A_192, %swap3A_193] {strides = array<i32>} : memref<48x40xf32, #tpu.memory_space<vmem>>, vector<16xf32>,
        tpu.vector_store %arg12[%swap3A_192, %swap3A_193], %mul3A_191 {strides = array<i32>} : memref<48x40xf32, #tpu.memory_space<vmem>>, vector<16xf32>,
        %mul3A_195 = arith.mulf %exp3A_183, %get3A_145 : vector<16xf32>
        %swap3A_196 = arith.index_cast %add3A_139 : i32 to index
        %swap3A_197 = arith.constant 16 : index
        %swap3A_198 = tpu.vector_load %arg12[%swap3A_196, %swap3A_197] {strides = array<i32>} : memref<48x40xf32, #tpu.memory_space<vmem>>, vector<16xf32>,
        tpu.vector_store %arg12[%swap3A_196, %swap3A_197], %mul3A_195 {strides = array<i32>} : memref<48x40xf32, #tpu.memory_space<vmem>>, vector<16xf32>,
        %mul3A_199 = arith.constant 4 : i32
        %mul3A_200 = arith.muli %scan3A_78, %mul3A_199 : i32
        %add3A_201 = arith.constant 2 : i32
        %add3A_202 = arith.addi %mul3A_200, %add3A_201 : i32
        %get3A_203 = arith.index_cast %add3A_202 : i32 to index
        %get3A_204 = arith.constant 0 : index
        %get3A_205 = tpu.vector_load %arg10[%get3A_203, %get3A_204] {strides = array<i32>} : memref<48x32xf32, #tpu.memory_space<vmem>>, vector<16xf32>,
        %get3A_206 = arith.index_cast %add3A_202 : i32 to index
        %get3A_207 = arith.constant 16 : index
        %get3A_208 = tpu.vector_load %arg10[%get3A_206, %get3A_207] {strides = array<i32>} : memref<48x32xf32, #tpu.memory_space<vmem>>, vector<16xf32>,
        %get3A_209 = arith.index_cast %add3A_202 : i32 to index
        %get3A_210 = arith.constant 0 : index
        %get3A_211 = tpu.vector_load %arg11[%get3A_209, %get3A_210] {strides = array<i32>} : memref<48x32xf32, #tpu.memory_space<vmem>>, vector<16xf32>,
        %add3A_212 = arith.addf %get3A_205, %get3A_211 : vector<16xf32>
        %get3A_213 = arith.index_cast %add3A_202 : i32 to index
        %get3A_214 = arith.constant 0 : index
        %get3A_215 = tpu.vector_load %arg12[%get3A_213, %get3A_214] {strides = array<i32>} : memref<48x40xf32, #tpu.memory_space<vmem>>, vector<16xf32>,
        %add3A_216 = arith.addf %add3A_212, %get3A_215 : vector<16xf32>
        %get3A_217 = arith.index_cast %add3A_202 : i32 to index
        %get3A_218 = arith.constant 16 : index
        %get3A_219 = tpu.vector_load %arg11[%get3A_217, %get3A_218] {strides = array<i32>} : memref<48x32xf32, #tpu.memory_space<vmem>>, vector<16xf32>,
        %add3A_220 = arith.addf %get3A_208, %get3A_219 : vector<16xf32>
        %get3A_221 = arith.index_cast %add3A_202 : i32 to index
        %get3A_222 = arith.constant 16 : index
        %get3A_223 = tpu.vector_load %arg12[%get3A_221, %get3A_222] {strides = array<i32>} : memref<48x40xf32, #tpu.memory_space<vmem>>, vector<16xf32>,
        %add3A_224 = arith.addf %add3A_220, %get3A_223 : vector<16xf32>
        %mul3A_225 = arith.constant 2.000000e-01 : f32
        %mul3A_226 = vector.broadcast %mul3A_225 : f32 to vector<16xf32>
        %mul3A_227 = arith.mulf %add3A_216, %mul3A_226 : vector<16xf32>
        %max3A_228 = arith.maximumf %add3A_216, %mul3A_227 : vector<16xf32>
        %mul3A_229 = arith.mulf %max3A_228, %get3A_67 : vector<16xf32>
        %reduce_sum3A_230 = arith.constant true
        %reduce_sum3A_231 = vector.broadcast %reduce_sum3A_230 : i1 to vector<16xi1>
        %reduce_sum3A_232 = tpu.scan <sum>, %mul3A_229 masked %reduce_sum3A_231 : vector<16xf32>, vector<16xi1> -> vector<16xf32>
        %reduce_sum3A_233 = vector.extract %reduce_sum3A_232[15] : f32 from vector<16xf32>
        %mul3A_234 = arith.constant 2.000000e-01 : f32
        %mul3A_235 = vector.broadcast %mul3A_234 : f32 to vector<16xf32>
        %mul3A_236 = arith.mulf %add3A_224, %mul3A_235 : vector<16xf32>
        %max3A_237 = arith.maximumf %add3A_224, %mul3A_236 : vector<16xf32>
        %mul3A_238 = arith.mulf %max3A_237, %get3A_71 : vector<16xf32>
        %reduce_sum3A_239 = arith.constant true
        %reduce_sum3A_240 = vector.broadcast %reduce_sum3A_239 : i1 to vector<16xi1>
        %reduce_sum3A_241 = tpu.scan <sum>, %mul3A_238 masked %reduce_sum3A_240 : vector<16xf32>, vector<16xi1> -> vector<16xf32>
        %reduce_sum3A_242 = vector.extract %reduce_sum3A_241[15] : f32 from vector<16xf32>
        %broadcast_in_dim3A_243 = vector.broadcast %reduce_sum3A_233 : f32 to vector<16xf32>
        %exp3A_244 = math.exp %broadcast_in_dim3A_243 : vector<16xf32>
        %broadcast_in_dim3A_245 = vector.broadcast %reduce_sum3A_242 : f32 to vector<16xf32>
        %exp3A_246 = math.exp %broadcast_in_dim3A_245 : vector<16xf32>
        %eq3A_247 = arith.constant 8 : i32
        %eq3A_248 = vector.broadcast %eq3A_247 : i32 to vector<16xi32>
        %eq3A_249 = arith.cmpi eq, %iota3A, %eq3A_248 : vector<16xi32>
        %select_n3A_250 = arith.select %eq3A_249, %exp3A_244, %exp3A_246 : vector<16xi1>, vector<16xf32>
        %swap3A_251 = arith.index_cast %add3A_202 : i32 to index
        %swap3A_252 = arith.constant 24 : index
        %swap3A_253 = tpu.vector_load %arg12[%swap3A_251, %swap3A_252] {strides = array<i32>} : memref<48x40xf32, #tpu.memory_space<vmem>>, vector<16xf32>,
        tpu.vector_store %arg12[%swap3A_251, %swap3A_252], %select_n3A_250 {strides = array<i32>} : memref<48x40xf32, #tpu.memory_space<vmem>>, vector<16xf32>,
        %mul3A_254 = arith.mulf %exp3A_244, %get3A_205 : vector<16xf32>
        %swap3A_255 = arith.index_cast %add3A_202 : i32 to index
        %swap3A_256 = arith.constant 0 : index
        %swap3A_257 = tpu.vector_load %arg12[%swap3A_255, %swap3A_256] {strides = array<i32>} : memref<48x40xf32, #tpu.memory_space<vmem>>, vector<16xf32>,
        tpu.vector_store %arg12[%swap3A_255, %swap3A_256], %mul3A_254 {strides = array<i32>} : memref<48x40xf32, #tpu.memory_space<vmem>>, vector<16xf32>,
        %mul3A_258 = arith.mulf %exp3A_246, %get3A_208 : vector<16xf32>
        %swap3A_259 = arith.index_cast %add3A_202 : i32 to index
        %swap3A_260 = arith.constant 16 : index
        %swap3A_261 = tpu.vector_load %arg12[%swap3A_259, %swap3A_260] {strides = array<i32>} : memref<48x40xf32, #tpu.memory_space<vmem>>, vector<16xf32>,
        tpu.vector_store %arg12[%swap3A_259, %swap3A_260], %mul3A_258 {strides = array<i32>} : memref<48x40xf32, #tpu.memory_space<vmem>>, vector<16xf32>,
        %mul3A_262 = arith.constant 4 : i32
        %mul3A_263 = arith.muli %scan3A_78, %mul3A_262 : i32
        %add3A_264 = arith.constant 3 : i32
        %add3A_265 = arith.addi %mul3A_263, %add3A_264 : i32
        %get3A_266 = arith.index_cast %add3A_265 : i32 to index
        %get3A_267 = arith.constant 0 : index
        %get3A_268 = tpu.vector_load %arg10[%get3A_266, %get3A_267] {strides = array<i32>} : memref<48x32xf32, #tpu.memory_space<vmem>>, vector<16xf32>,
        %get3A_269 = arith.index_cast %add3A_265 : i32 to index
        %get3A_270 = arith.constant 16 : index
        %get3A_271 = tpu.vector_load %arg10[%get3A_269, %get3A_270] {strides = array<i32>} : memref<48x32xf32, #tpu.memory_space<vmem>>, vector<16xf32>,
        %get3A_272 = arith.index_cast %add3A_265 : i32 to index
        %get3A_273 = arith.constant 0 : index
        %get3A_274 = tpu.vector_load %arg11[%get3A_272, %get3A_273] {strides = array<i32>} : memref<48x32xf32, #tpu.memory_space<vmem>>, vector<16xf32>,
        %add3A_275 = arith.addf %get3A_268, %get3A_274 : vector<16xf32>
        %get3A_276 = arith.index_cast %add3A_265 : i32 to index
        %get3A_277 = arith.constant 0 : index
        %get3A_278 = tpu.vector_load %arg12[%get3A_276, %get3A_277] {strides = array<i32>} : memref<48x40xf32, #tpu.memory_space<vmem>>, vector<16xf32>,
        %add3A_279 = arith.addf %add3A_275, %get3A_278 : vector<16xf32>
        %get3A_280 = arith.index_cast %add3A_265 : i32 to index
        %get3A_281 = arith.constant 16 : index
        %get3A_282 = tpu.vector_load %arg11[%get3A_280, %get3A_281] {strides = array<i32>} : memref<48x32xf32, #tpu.memory_space<vmem>>, vector<16xf32>,
        %add3A_283 = arith.addf %get3A_271, %get3A_282 : vector<16xf32>
        %get3A_284 = arith.index_cast %add3A_265 : i32 to index
        %get3A_285 = arith.constant 16 : index
        %get3A_286 = tpu.vector_load %arg12[%get3A_284, %get3A_285] {strides = array<i32>} : memref<48x40xf32, #tpu.memory_space<vmem>>, vector<16xf32>,
        %add3A_287 = arith.addf %add3A_283, %get3A_286 : vector<16xf32>
        %mul3A_288 = arith.constant 2.000000e-01 : f32
        %mul3A_289 = vector.broadcast %mul3A_288 : f32 to vector<16xf32>
        %mul3A_290 = arith.mulf %add3A_279, %mul3A_289 : vector<16xf32>
        %max3A_291 = arith.maximumf %add3A_279, %mul3A_290 : vector<16xf32>
        %mul3A_292 = arith.mulf %max3A_291, %get3A_67 : vector<16xf32>
        %reduce_sum3A_293 = arith.constant true
        %reduce_sum3A_294 = vector.broadcast %reduce_sum3A_293 : i1 to vector<16xi1>
        %reduce_sum3A_295 = tpu.scan <sum>, %mul3A_292 masked %reduce_sum3A_294 : vector<16xf32>, vector<16xi1> -> vector<16xf32>
        %reduce_sum3A_296 = vector.extract %reduce_sum3A_295[15] : f32 from vector<16xf32>
        %mul3A_297 = arith.constant 2.000000e-01 : f32
        %mul3A_298 = vector.broadcast %mul3A_297 : f32 to vector<16xf32>
        %mul3A_299 = arith.mulf %add3A_287, %mul3A_298 : vector<16xf32>
        %max3A_300 = arith.maximumf %add3A_287, %mul3A_299 : vector<16xf32>
        %mul3A_301 = arith.mulf %max3A_300, %get3A_71 : vector<16xf32>
        %reduce_sum3A_302 = arith.constant true
        %reduce_sum3A_303 = vector.broadcast %reduce_sum3A_302 : i1 to vector<16xi1>
        %reduce_sum3A_304 = tpu.scan <sum>, %mul3A_301 masked %reduce_sum3A_303 : vector<16xf32>, vector<16xi1> -> vector<16xf32>
        %reduce_sum3A_305 = vector.extract %reduce_sum3A_304[15] : f32 from vector<16xf32>
        %broadcast_in_dim3A_306 = vector.broadcast %reduce_sum3A_296 : f32 to vector<16xf32>
        %exp3A_307 = math.exp %broadcast_in_dim3A_306 : vector<16xf32>
        %broadcast_in_dim3A_308 = vector.broadcast %reduce_sum3A_305 : f32 to vector<16xf32>
        %exp3A_309 = math.exp %broadcast_in_dim3A_308 : vector<16xf32>
        %eq3A_310 = arith.constant 8 : i32
        %eq3A_311 = vector.broadcast %eq3A_310 : i32 to vector<16xi32>
        %eq3A_312 = arith.cmpi eq, %iota3A, %eq3A_311 : vector<16xi32>
        %select_n3A_313 = arith.select %eq3A_312, %exp3A_307, %exp3A_309 : vector<16xi1>, vector<16xf32>
        %swap3A_314 = arith.index_cast %add3A_265 : i32 to index
        %swap3A_315 = arith.constant 24 : index
        %swap3A_316 = tpu.vector_load %arg12[%swap3A_314, %swap3A_315] {strides = array<i32>} : memref<48x40xf32, #tpu.memory_space<vmem>>, vector<16xf32>,
        tpu.vector_store %arg12[%swap3A_314, %swap3A_315], %select_n3A_313 {strides = array<i32>} : memref<48x40xf32, #tpu.memory_space<vmem>>, vector<16xf32>,
        %mul3A_317 = arith.mulf %exp3A_307, %get3A_268 : vector<16xf32>
        %swap3A_318 = arith.index_cast %add3A_265 : i32 to index
        %swap3A_319 = arith.constant 0 : index
        %swap3A_320 = tpu.vector_load %arg12[%swap3A_318, %swap3A_319] {strides = array<i32>} : memref<48x40xf32, #tpu.memory_space<vmem>>, vector<16xf32>,
        tpu.vector_store %arg12[%swap3A_318, %swap3A_319], %mul3A_317 {strides = array<i32>} : memref<48x40xf32, #tpu.memory_space<vmem>>, vector<16xf32>,
        %mul3A_321 = arith.mulf %exp3A_309, %get3A_271 : vector<16xf32>
        %swap3A_322 = arith.index_cast %add3A_265 : i32 to index
        %swap3A_323 = arith.constant 16 : index
        %swap3A_324 = tpu.vector_load %arg12[%swap3A_322, %swap3A_323] {strides = array<i32>} : memref<48x40xf32, #tpu.memory_space<vmem>>, vector<16xf32>,
        tpu.vector_store %arg12[%swap3A_322, %swap3A_323], %mul3A_321 {strides = array<i32>} : memref<48x40xf32, #tpu.memory_space<vmem>>, vector<16xf32>,
      }
      %scan3A_77 = arith.constant 12 : i32
      %run_scoped3A = arith.constant 2 : i32
      "tpu.region"() ({
        %run_scoped3A_78 = tpu.sem_alloc : memref<!tpu.dma_semaphore, #tpu.memory_space<semaphore_mem>>
        %dma_start3A_79 = arith.constant 0 : i32
        %dma_start3A_80 = tpu.memref_slice %arg9[%run_scoped3A, %dma_start3A_79] : memref<3x48xi32, #tpu.memory_space<vmem>> -> memref<1x48xi32, #tpu.memory_space<vmem>>
        %dma_start3A_81 = tpu.memref_squeeze %dma_start3A_80 : memref<1x48xi32, #tpu.memory_space<vmem>> -> memref<48xi32, #tpu.memory_space<vmem>>
        %dma_start3A_82 = arith.constant 0 : i32
        %dma_start3A_83 = arith.constant 0 : i32
        %dma_start3A_84 = tpu.memref_slice %arg14[%dma_start3A_82, %dma_start3A_83] : memref<50176x40xf32, #tpu.memory_space<vmem_shared>> -> memref<50176x40xf32, #tpu.memory_space<vmem_shared>>
        tpu.enqueue_indirect_dma source(%arg12 : memref<48x40xf32, #tpu.memory_space<vmem>>) target(%dma_start3A_84 : memref<50176x40xf32, #tpu.memory_space<vmem_shared>>) offsets(%dma_start3A_81 : memref<48xi32, #tpu.memory_space<vmem>>) semaphore(%run_scoped3A_78 : memref<!tpu.dma_semaphore, #tpu.memory_space<semaphore_mem>>) {add = true}
        %dma_wait3A_85 = arith.constant 0 : i32
        %dma_wait3A_86 = tpu.memref_slice %arg9[%run_scoped3A, %dma_wait3A_85] : memref<3x48xi32, #tpu.memory_space<vmem>> -> memref<1x48xi32, #tpu.memory_space<vmem>>
        %dma_wait3A_87 = tpu.memref_squeeze %dma_wait3A_86 : memref<1x48xi32, #tpu.memory_space<vmem>> -> memref<48xi32, #tpu.memory_space<vmem>>
        %dma_wait3A_88 = arith.constant 0 : i32
        %dma_wait3A_89 = arith.constant 0 : i32
        %dma_wait3A_90 = tpu.memref_slice %arg14[%dma_wait3A_88, %dma_wait3A_89] : memref<50176x40xf32, #tpu.memory_space<vmem_shared>> -> memref<50176x40xf32, #tpu.memory_space<vmem_shared>>
        tpu.wait_indirect_dma semaphore(%run_scoped3A_78 : memref<!tpu.dma_semaphore, #tpu.memory_space<semaphore_mem>>) src(%arg12 : memref<48x40xf32, #tpu.memory_space<vmem>>) dst(%dma_wait3A_90 : memref<50176x40xf32, #tpu.memory_space<vmem_shared>>)
        tpu.yield
      }) : () -> ()
    }
    %scan3A_11 = arith.constant 528 : i32
    %barrier3A_12 = arith.constant 0 : index
    tpu.barrier barrier_id(%barrier3A_12)
    %eq3A = arith.constant 0 : i32
    %eq3A_13 = arith.cmpi eq, %arg0, %eq3A : i32
    %convert_element_type3A = arith.extui %eq3A_13 : i1 to i32
    %cond3A = arith.constant 0 : i32
    %cond3A_14 = arith.cmpi ne, %convert_element_type3A, %cond3A : i32
    scf.if %cond3A_14 {
      %mul3A_20 = arith.constant 3136 : i32
      %mul3A_21 = arith.muli %arg1, %mul3A_20 : i32
      %mul3A_22 = arith.constant 3136 : i32
      %mul3A_23 = arith.muli %arg1, %mul3A_22 : i32
      %run_scoped3A = arith.constant 0 : i32
      "tpu.region"() ({
        %run_scoped3A_24 = tpu.sem_alloc : memref<!tpu.dma_semaphore, #tpu.memory_space<semaphore_mem>>
        %dma_start3A = arith.constant 0 : i32
        %dma_start3A_25 = tpu.memref_slice %arg8[%run_scoped3A, %mul3A_23, %dma_start3A] : memref<2x50176x40xf32, #tpu.memory_space<hbm>> -> memref<1x3136x40xf32, #tpu.memory_space<hbm>>
        %dma_start3A_26 = tpu.memref_squeeze %dma_start3A_25 : memref<1x3136x40xf32, #tpu.memory_space<hbm>> -> memref<3136x40xf32, #tpu.memory_space<hbm>>
        %dma_start3A_27 = arith.constant 0 : i32
        %dma_start3A_28 = tpu.memref_slice %arg14[%mul3A_21, %dma_start3A_27] : memref<50176x40xf32, #tpu.memory_space<vmem_shared>> -> memref<3136x40xf32, #tpu.memory_space<vmem_shared>>
        tpu.enqueue_dma source(%dma_start3A_28 : memref<3136x40xf32, #tpu.memory_space<vmem_shared>>) target(%dma_start3A_26 : memref<3136x40xf32, #tpu.memory_space<hbm>>) target_semaphore(%run_scoped3A_24 : memref<!tpu.dma_semaphore, #tpu.memory_space<semaphore_mem>>)
        %dma_wait3A = arith.constant 0 : i32
        %dma_wait3A_29 = tpu.memref_slice %arg8[%run_scoped3A, %mul3A_23, %dma_wait3A] : memref<2x50176x40xf32, #tpu.memory_space<hbm>> -> memref<1x3136x40xf32, #tpu.memory_space<hbm>>
        %dma_wait3A_30 = tpu.memref_squeeze %dma_wait3A_29 : memref<1x3136x40xf32, #tpu.memory_space<hbm>> -> memref<3136x40xf32, #tpu.memory_space<hbm>>
        %dma_wait3A_31 = arith.constant 0 : i32
        %dma_wait3A_32 = tpu.memref_slice %arg14[%mul3A_21, %dma_wait3A_31] : memref<50176x40xf32, #tpu.memory_space<vmem_shared>> -> memref<3136x40xf32, #tpu.memory_space<vmem_shared>>
        tpu.wait_dma2 semaphore(%run_scoped3A_24 : memref<!tpu.dma_semaphore, #tpu.memory_space<semaphore_mem>>) src(%dma_wait3A_32 : memref<3136x40xf32, #tpu.memory_space<vmem_shared>>) dst(%dma_wait3A_30 : memref<3136x40xf32, #tpu.memory_space<hbm>>)
        tpu.yield
      }) : () -> ()
    } else {
    }
    %eq3A_15 = arith.constant 1 : i32
    %eq3A_16 = arith.cmpi eq, %arg0, %eq3A_15 : i32
    %convert_element_type3A_17 = arith.extui %eq3A_16 : i1 to i32
    %cond3A_18 = arith.constant 0 : i32
    %cond3A_19 = arith.cmpi ne, %convert_element_type3A_17, %cond3A_18 : i32
    scf.if %cond3A_19 {
      %mul3A_20 = arith.constant 3136 : i32
      %mul3A_21 = arith.muli %arg1, %mul3A_20 : i32
      %mul3A_22 = arith.constant 3136 : i32
      %mul3A_23 = arith.muli %arg1, %mul3A_22 : i32
      %run_scoped3A = arith.constant 1 : i32
      "tpu.region"() ({
        %run_scoped3A_24 = tpu.sem_alloc : memref<!tpu.dma_semaphore, #tpu.memory_space<semaphore_mem>>
        %dma_start3A = arith.constant 0 : i32
        %dma_start3A_25 = tpu.memref_slice %arg8[%run_scoped3A, %mul3A_23, %dma_start3A] : memref<2x50176x40xf32, #tpu.memory_space<hbm>> -> memref<1x3136x40xf32, #tpu.memory_space<hbm>>
        %dma_start3A_26 = tpu.memref_squeeze %dma_start3A_25 : memref<1x3136x40xf32, #tpu.memory_space<hbm>> -> memref<3136x40xf32, #tpu.memory_space<hbm>>
        %dma_start3A_27 = arith.constant 0 : i32
        %dma_start3A_28 = tpu.memref_slice %arg14[%mul3A_21, %dma_start3A_27] : memref<50176x40xf32, #tpu.memory_space<vmem_shared>> -> memref<3136x40xf32, #tpu.memory_space<vmem_shared>>
        tpu.enqueue_dma source(%dma_start3A_28 : memref<3136x40xf32, #tpu.memory_space<vmem_shared>>) target(%dma_start3A_26 : memref<3136x40xf32, #tpu.memory_space<hbm>>) target_semaphore(%run_scoped3A_24 : memref<!tpu.dma_semaphore, #tpu.memory_space<semaphore_mem>>)
        %dma_wait3A = arith.constant 0 : i32
        %dma_wait3A_29 = tpu.memref_slice %arg8[%run_scoped3A, %mul3A_23, %dma_wait3A] : memref<2x50176x40xf32, #tpu.memory_space<hbm>> -> memref<1x3136x40xf32, #tpu.memory_space<hbm>>
        %dma_wait3A_30 = tpu.memref_squeeze %dma_wait3A_29 : memref<1x3136x40xf32, #tpu.memory_space<hbm>> -> memref<3136x40xf32, #tpu.memory_space<hbm>>
        %dma_wait3A_31 = arith.constant 0 : i32
        %dma_wait3A_32 = tpu.memref_slice %arg14[%mul3A_21, %dma_wait3A_31] : memref<50176x40xf32, #tpu.memory_space<vmem_shared>> -> memref<3136x40xf32, #tpu.memory_space<vmem_shared>>
        tpu.wait_dma2 semaphore(%run_scoped3A_24 : memref<!tpu.dma_semaphore, #tpu.memory_space<semaphore_mem>>) src(%dma_wait3A_32 : memref<3136x40xf32, #tpu.memory_space<vmem_shared>>) dst(%dma_wait3A_30 : memref<3136x40xf32, #tpu.memory_space<hbm>>)
        tpu.yield
      }) : () -> ()
    } else {
    }
    return
  }
}

#map = affine_map<(d0, d1) -> (0, 0, 0)>
#map1 = affine_map<(d0, d1) -> (0, 0)>
module attributes {stable_mosaic.version = 14 : i64} {
  func.func @k(%arg0: i32, %arg1: i32, %arg2: memref<16896x3x48xi32, #tpu.memory_space<hbm>>, %arg3: memref<2x811008x40xf32, #tpu.memory_space<hbm>>, %arg4: memref<50000x32xf32, #tpu.memory_space<hbm>>, %arg5: memref<50000x32xf32, #tpu.memory_space<hbm>>, %arg6: memref<2x16xf32, #tpu.memory_space<hbm>>, %arg7: memref<3136x40xf32, #tpu.memory_space<hbm>>, %arg8: memref<2x50176x40xf32, #tpu.memory_space<hbm>>, %arg9: memref<3x48xi32, #tpu.memory_space<vmem>>, %arg10: memref<48x32xf32, #tpu.memory_space<vmem>>, %arg11: memref<48x32xf32, #tpu.memory_space<vmem>>, %arg12: memref<48x40xf32, #tpu.memory_space<vmem>>, %arg13: memref<2x16xf32, #tpu.memory_space<vmem>>, %arg14: memref<50176x40xf32, #tpu.memory_space<vmem_shared>>, %arg15: memref<!tpu.dma_semaphore, #tpu.memory_space<semaphore_mem>>, %arg16: memref<!tpu.dma_semaphore, #tpu.memory_space<semaphore_mem>>, %arg17: memref<!tpu.dma_semaphore, #tpu.memory_space<semaphore_mem>>) attributes {dimension_semantics = [#tpu.dimension_semantics<core_parallel>, #tpu.dimension_semantics<subcore_parallel>], iteration_bounds = array<i64: 2, 16>, scalar_prefetch = 0 : i64, scratch_operands = 9 : i64, tpu.core_type = #tpu.core_type<sc_vector_subcore>, window_params = [{transform_indices = #map}, {transform_indices = #map}, {transform_indices = #map1}, {transform_indices = #map1}, {transform_indices = #map1}, {transform_indices = #map1}, {transform_indices = #map}]} {
    %mul3A = arith.constant 3136 : i32
    %mul3A_0 = arith.muli %arg1, %mul3A : i32
    "tpu.region"() ({
      %run_scoped3A = tpu.sem_alloc : memref<!tpu.dma_semaphore, #tpu.memory_space<semaphore_mem>>
      %dma_start3A = arith.constant 0 : i32
      %dma_start3A_20 = tpu.memref_slice %arg14[%mul3A_0, %dma_start3A] : memref<50176x40xf32, #tpu.memory_space<vmem_shared>> -> memref<3136x40xf32, #tpu.memory_space<vmem_shared>>
      tpu.enqueue_dma source(%arg7 : memref<3136x40xf32, #tpu.memory_space<hbm>>) target(%dma_start3A_20 : memref<3136x40xf32, #tpu.memory_space<vmem_shared>>) target_semaphore(%run_scoped3A : memref<!tpu.dma_semaphore, #tpu.memory_space<semaphore_mem>>)
      %dma_wait3A = arith.constant 0 : i32
      %dma_wait3A_21 = tpu.memref_slice %arg14[%mul3A_0, %dma_wait3A] : memref<50176x40xf32, #tpu.memory_space<vmem_shared>> -> memref<3136x40xf32, #tpu.memory_space<vmem_shared>>
      tpu.wait_dma2 semaphore(%run_scoped3A : memref<!tpu.dma_semaphore, #tpu.memory_space<semaphore_mem>>) src(%arg7 : memref<3136x40xf32, #tpu.memory_space<hbm>>) dst(%dma_wait3A_21 : memref<3136x40xf32, #tpu.memory_space<vmem_shared>>)
      tpu.yield
    }) : () -> ()
    "tpu.region"() ({
      %run_scoped3A = tpu.sem_alloc : memref<!tpu.dma_semaphore, #tpu.memory_space<semaphore_mem>>
      tpu.enqueue_dma source(%arg6 : memref<2x16xf32, #tpu.memory_space<hbm>>) target(%arg13 : memref<2x16xf32, #tpu.memory_space<vmem>>) target_semaphore(%run_scoped3A : memref<!tpu.dma_semaphore, #tpu.memory_space<semaphore_mem>>)
      tpu.wait_dma2 semaphore(%run_scoped3A : memref<!tpu.dma_semaphore, #tpu.memory_space<semaphore_mem>>) src(%arg6 : memref<2x16xf32, #tpu.memory_space<hbm>>) dst(%arg13 : memref<2x16xf32, #tpu.memory_space<vmem>>)
      tpu.yield
    }) : () -> ()
    %barrier3A = arith.constant 0 : index
    tpu.barrier barrier_id(%barrier3A)
    %mul3A_1 = arith.constant 16 : i32
    %mul3A_2 = arith.muli %arg0, %mul3A_1 : i32
    %add3A = arith.addi %mul3A_2, %arg1 : i32
    %mul3A_3 = arith.constant 25344 : i32
    %mul3A_4 = arith.muli %add3A, %mul3A_3 : i32
    %mul3A_5 = arith.constant 528 : i32
    %mul3A_6 = arith.muli %add3A, %mul3A_5 : i32
    %scan3A = arith.constant 0 : i32
    %scan3A_7 = arith.constant 0 : i32
    %scan3A_8 = arith.constant 528 : i32
    %scan3A_9 = arith.addi %scan3A_7, %scan3A_8 : i32
    %scan3A_10 = arith.constant 1 : i32
    scf.for %scan3A_20 = %scan3A_7 to %scan3A_9 step %scan3A_10  : i32 {
      %mul3A_21 = arith.constant 48 : i32
      %mul3A_22 = arith.muli %scan3A_20, %mul3A_21 : i32
      %add3A_23 = arith.addi %mul3A_4, %mul3A_22 : i32
      %add3A_24 = arith.addi %mul3A_6, %scan3A_20 : i32
      "tpu.region"() ({
        %run_scoped3A_78 = tpu.sem_alloc : memref<!tpu.dma_semaphore, #tpu.memory_space<semaphore_mem>>
        %dma_start3A_79 = arith.constant 0 : i32
        %dma_start3A_80 = arith.constant 0 : i32
        %dma_start3A_81 = tpu.memref_slice %arg2[%add3A_24, %dma_start3A_79, %dma_start3A_80] : memref<16896x3x48xi32, #tpu.memory_space<hbm>> -> memref<1x3x48xi32, #tpu.memory_space<hbm>>
        %dma_start3A_82 = tpu.memref_squeeze %dma_start3A_81 : memref<1x3x48xi32, #tpu.memory_space<hbm>> -> memref<3x48xi32, #tpu.memory_space<hbm>>
        %dma_start3A_83 = arith.constant 0 : i32
        %dma_start3A_84 = arith.constant 0 : i32
        %dma_start3A_85 = tpu.memref_slice %arg2[%add3A_24, %dma_start3A_83, %dma_start3A_84] : memref<16896x3x48xi32, #tpu.memory_space<hbm>> -> memref<1x3x48xi32, #tpu.memory_space<hbm>>
        %dma_start3A_86 = tpu.memref_squeeze %dma_start3A_85 : memref<1x3x48xi32, #tpu.memory_space<hbm>> -> memref<3x48xi32, #tpu.memory_space<hbm>>
        tpu.enqueue_dma source(%dma_start3A_86 : memref<3x48xi32, #tpu.memory_space<hbm>>) target(%arg9 : memref<3x48xi32, #tpu.memory_space<vmem>>) target_semaphore(%run_scoped3A_78 : memref<!tpu.dma_semaphore, #tpu.memory_space<semaphore_mem>>)
        %dma_wait3A_87 = arith.constant 0 : i32
        %dma_wait3A_88 = arith.constant 0 : i32
        %dma_wait3A_89 = tpu.memref_slice %arg2[%add3A_24, %dma_wait3A_87, %dma_wait3A_88] : memref<16896x3x48xi32, #tpu.memory_space<hbm>> -> memref<1x3x48xi32, #tpu.memory_space<hbm>>
        %dma_wait3A_90 = tpu.memref_squeeze %dma_wait3A_89 : memref<1x3x48xi32, #tpu.memory_space<hbm>> -> memref<3x48xi32, #tpu.memory_space<hbm>>
        %dma_wait3A_91 = arith.constant 0 : i32
        %dma_wait3A_92 = arith.constant 0 : i32
        %dma_wait3A_93 = tpu.memref_slice %arg2[%add3A_24, %dma_wait3A_91, %dma_wait3A_92] : memref<16896x3x48xi32, #tpu.memory_space<hbm>> -> memref<1x3x48xi32, #tpu.memory_space<hbm>>
        %dma_wait3A_94 = tpu.memref_squeeze %dma_wait3A_93 : memref<1x3x48xi32, #tpu.memory_space<hbm>> -> memref<3x48xi32, #tpu.memory_space<hbm>>
        tpu.wait_dma2 semaphore(%run_scoped3A_78 : memref<!tpu.dma_semaphore, #tpu.memory_space<semaphore_mem>>) src(%dma_wait3A_94 : memref<3x48xi32, #tpu.memory_space<hbm>>) dst(%arg9 : memref<3x48xi32, #tpu.memory_space<vmem>>)
        tpu.yield
      }) : () -> ()
      %dma_start3A = arith.constant 0 : i32
      %dma_start3A_25 = arith.constant 0 : i32
      %dma_start3A_26 = tpu.memref_slice %arg9[%dma_start3A, %dma_start3A_25] : memref<3x48xi32, #tpu.memory_space<vmem>> -> memref<1x48xi32, #tpu.memory_space<vmem>>
      %dma_start3A_27 = tpu.memref_squeeze %dma_start3A_26 : memref<1x48xi32, #tpu.memory_space<vmem>> -> memref<48xi32, #tpu.memory_space<vmem>>
      %dma_start3A_28 = arith.constant 0 : i32
      %dma_start3A_29 = arith.constant 0 : i32
      %dma_start3A_30 = tpu.memref_slice %arg4[%dma_start3A_28, %dma_start3A_29] : memref<50000x32xf32, #tpu.memory_space<hbm>> -> memref<50000x32xf32, #tpu.memory_space<hbm>>
      tpu.enqueue_indirect_dma source(%dma_start3A_30 : memref<50000x32xf32, #tpu.memory_space<hbm>>) target(%arg10 : memref<48x32xf32, #tpu.memory_space<vmem>>) offsets(%dma_start3A_27 : memref<48xi32, #tpu.memory_space<vmem>>) semaphore(%arg15 : memref<!tpu.dma_semaphore, #tpu.memory_space<semaphore_mem>>)
      %dma_start3A_31 = arith.constant 1 : i32
      %dma_start3A_32 = arith.constant 0 : i32
      %dma_start3A_33 = tpu.memref_slice %arg9[%dma_start3A_31, %dma_start3A_32] : memref<3x48xi32, #tpu.memory_space<vmem>> -> memref<1x48xi32, #tpu.memory_space<vmem>>
      %dma_start3A_34 = tpu.memref_squeeze %dma_start3A_33 : memref<1x48xi32, #tpu.memory_space<vmem>> -> memref<48xi32, #tpu.memory_space<vmem>>
      %dma_start3A_35 = arith.constant 0 : i32
      %dma_start3A_36 = arith.constant 0 : i32
      %dma_start3A_37 = tpu.memref_slice %arg5[%dma_start3A_35, %dma_start3A_36] : memref<50000x32xf32, #tpu.memory_space<hbm>> -> memref<50000x32xf32, #tpu.memory_space<hbm>>
      tpu.enqueue_indirect_dma source(%dma_start3A_37 : memref<50000x32xf32, #tpu.memory_space<hbm>>) target(%arg11 : memref<48x32xf32, #tpu.memory_space<vmem>>) offsets(%dma_start3A_34 : memref<48xi32, #tpu.memory_space<vmem>>) semaphore(%arg16 : memref<!tpu.dma_semaphore, #tpu.memory_space<semaphore_mem>>)
      %dma_start3A_38 = arith.constant 1 : i32
      %dma_start3A_39 = arith.constant 0 : i32
      %dma_start3A_40 = tpu.memref_slice %arg3[%dma_start3A_38, %add3A_23, %dma_start3A_39] : memref<2x811008x40xf32, #tpu.memory_space<hbm>> -> memref<1x48x40xf32, #tpu.memory_space<hbm>>
      %dma_start3A_41 = tpu.memref_squeeze %dma_start3A_40 : memref<1x48x40xf32, #tpu.memory_space<hbm>> -> memref<48x40xf32, #tpu.memory_space<hbm>>
      %dma_start3A_42 = arith.constant 0 : i32
      %dma_start3A_43 = tpu.memref_slice %arg3[%dma_start3A_38, %add3A_23, %dma_start3A_42] : memref<2x811008x40xf32, #tpu.memory_space<hbm>> -> memref<1x48x40xf32, #tpu.memory_space<hbm>>
      %dma_start3A_44 = tpu.memref_squeeze %dma_start3A_43 : memref<1x48x40xf32, #tpu.memory_space<hbm>> -> memref<48x40xf32, #tpu.memory_space<hbm>>
      tpu.enqueue_dma source(%dma_start3A_44 : memref<48x40xf32, #tpu.memory_space<hbm>>) target(%arg12 : memref<48x40xf32, #tpu.memory_space<vmem>>) target_semaphore(%arg17 : memref<!tpu.dma_semaphore, #tpu.memory_space<semaphore_mem>>)
      %dma_wait3A = arith.constant 0 : i32
      %dma_wait3A_45 = arith.constant 0 : i32
      %dma_wait3A_46 = tpu.memref_slice %arg9[%dma_wait3A, %dma_wait3A_45] : memref<3x48xi32, #tpu.memory_space<vmem>> -> memref<1x48xi32, #tpu.memory_space<vmem>>
      %dma_wait3A_47 = tpu.memref_squeeze %dma_wait3A_46 : memref<1x48xi32, #tpu.memory_space<vmem>> -> memref<48xi32, #tpu.memory_space<vmem>>
      %dma_wait3A_48 = arith.constant 0 : i32
      %dma_wait3A_49 = arith.constant 0 : i32
      %dma_wait3A_50 = tpu.memref_slice %arg4[%dma_wait3A_48, %dma_wait3A_49] : memref<50000x32xf32, #tpu.memory_space<hbm>> -> memref<50000x32xf32, #tpu.memory_space<hbm>>
      tpu.wait_indirect_dma semaphore(%arg15 : memref<!tpu.dma_semaphore, #tpu.memory_space<semaphore_mem>>) src(%dma_wait3A_50 : memref<50000x32xf32, #tpu.memory_space<hbm>>) dst(%arg10 : memref<48x32xf32, #tpu.memory_space<vmem>>)
      %dma_wait3A_51 = arith.constant 1 : i32
      %dma_wait3A_52 = arith.constant 0 : i32
      %dma_wait3A_53 = tpu.memref_slice %arg9[%dma_wait3A_51, %dma_wait3A_52] : memref<3x48xi32, #tpu.memory_space<vmem>> -> memref<1x48xi32, #tpu.memory_space<vmem>>
      %dma_wait3A_54 = tpu.memref_squeeze %dma_wait3A_53 : memref<1x48xi32, #tpu.memory_space<vmem>> -> memref<48xi32, #tpu.memory_space<vmem>>
      %dma_wait3A_55 = arith.constant 0 : i32
      %dma_wait3A_56 = arith.constant 0 : i32
      %dma_wait3A_57 = tpu.memref_slice %arg5[%dma_wait3A_55, %dma_wait3A_56] : memref<50000x32xf32, #tpu.memory_space<hbm>> -> memref<50000x32xf32, #tpu.memory_space<hbm>>
      tpu.wait_indirect_dma semaphore(%arg16 : memref<!tpu.dma_semaphore, #tpu.memory_space<semaphore_mem>>) src(%dma_wait3A_57 : memref<50000x32xf32, #tpu.memory_space<hbm>>) dst(%arg11 : memref<48x32xf32, #tpu.memory_space<vmem>>)
      %dma_wait3A_58 = arith.constant 1 : i32
      %dma_wait3A_59 = arith.constant 0 : i32
      %dma_wait3A_60 = tpu.memref_slice %arg3[%dma_wait3A_58, %add3A_23, %dma_wait3A_59] : memref<2x811008x40xf32, #tpu.memory_space<hbm>> -> memref<1x48x40xf32, #tpu.memory_space<hbm>>
      %dma_wait3A_61 = tpu.memref_squeeze %dma_wait3A_60 : memref<1x48x40xf32, #tpu.memory_space<hbm>> -> memref<48x40xf32, #tpu.memory_space<hbm>>
      %dma_wait3A_62 = arith.constant 0 : i32
      %dma_wait3A_63 = tpu.memref_slice %arg3[%dma_wait3A_58, %add3A_23, %dma_wait3A_62] : memref<2x811008x40xf32, #tpu.memory_space<hbm>> -> memref<1x48x40xf32, #tpu.memory_space<hbm>>
      %dma_wait3A_64 = tpu.memref_squeeze %dma_wait3A_63 : memref<1x48x40xf32, #tpu.memory_space<hbm>> -> memref<48x40xf32, #tpu.memory_space<hbm>>
      tpu.wait_dma2 semaphore(%arg17 : memref<!tpu.dma_semaphore, #tpu.memory_space<semaphore_mem>>) src(%dma_wait3A_64 : memref<48x40xf32, #tpu.memory_space<hbm>>) dst(%arg12 : memref<48x40xf32, #tpu.memory_space<vmem>>)
      %get3A = arith.constant 0 : i32
      %get3A_65 = arith.index_cast %get3A : i32 to index
      %get3A_66 = arith.constant 0 : index
      %get3A_67 = tpu.vector_load %arg13[%get3A_65, %get3A_66] {strides = array<i32>} : memref<2x16xf32, #tpu.memory_space<vmem>>, vector<16xf32>,
      %get3A_68 = arith.constant 1 : i32
      %get3A_69 = arith.index_cast %get3A_68 : i32 to index
      %get3A_70 = arith.constant 0 : index
      %get3A_71 = tpu.vector_load %arg13[%get3A_69, %get3A_70] {strides = array<i32>} : memref<2x16xf32, #tpu.memory_space<vmem>>, vector<16xf32>,
      %iota3A = tpu.iota {dimensions = array<i32: 0>} : vector<16xi32>
      %scan3A_72 = arith.constant 0 : i32
      %scan3A_73 = arith.constant 0 : i32
      %scan3A_74 = arith.constant 12 : i32
      %scan3A_75 = arith.addi %scan3A_73, %scan3A_74 : i32
      %scan3A_76 = arith.constant 1 : i32
      scf.for %scan3A_78 = %scan3A_73 to %scan3A_75 step %scan3A_76  : i32 {
        %mul3A_79 = arith.constant 4 : i32
        %mul3A_80 = arith.muli %scan3A_78, %mul3A_79 : i32
        %add3A_81 = arith.constant 0 : i32
        %add3A_82 = arith.addi %mul3A_80, %add3A_81 : i32
        %get3A_83 = arith.index_cast %add3A_82 : i32 to index
        %get3A_84 = arith.constant 0 : index
        %get3A_85 = tpu.vector_load %arg10[%get3A_83, %get3A_84] {strides = array<i32>} : memref<48x32xf32, #tpu.memory_space<vmem>>, vector<16xf32>,
        %get3A_86 = arith.index_cast %add3A_82 : i32 to index
        %get3A_87 = arith.constant 16 : index
        %get3A_88 = tpu.vector_load %arg10[%get3A_86, %get3A_87] {strides = array<i32>} : memref<48x32xf32, #tpu.memory_space<vmem>>, vector<16xf32>,
        %get3A_89 = arith.index_cast %add3A_82 : i32 to index
        %get3A_90 = arith.constant 0 : index
        %get3A_91 = tpu.vector_load %arg11[%get3A_89, %get3A_90] {strides = array<i32>} : memref<48x32xf32, #tpu.memory_space<vmem>>, vector<16xf32>,
        %add3A_92 = arith.addf %get3A_85, %get3A_91 : vector<16xf32>
        %get3A_93 = arith.index_cast %add3A_82 : i32 to index
        %get3A_94 = arith.constant 0 : index
        %get3A_95 = tpu.vector_load %arg12[%get3A_93, %get3A_94] {strides = array<i32>} : memref<48x40xf32, #tpu.memory_space<vmem>>, vector<16xf32>,
        %add3A_96 = arith.addf %add3A_92, %get3A_95 : vector<16xf32>
        %get3A_97 = arith.index_cast %add3A_82 : i32 to index
        %get3A_98 = arith.constant 16 : index
        %get3A_99 = tpu.vector_load %arg11[%get3A_97, %get3A_98] {strides = array<i32>} : memref<48x32xf32, #tpu.memory_space<vmem>>, vector<16xf32>,
        %add3A_100 = arith.addf %get3A_88, %get3A_99 : vector<16xf32>
        %get3A_101 = arith.index_cast %add3A_82 : i32 to index
        %get3A_102 = arith.constant 16 : index
        %get3A_103 = tpu.vector_load %arg12[%get3A_101, %get3A_102] {strides = array<i32>} : memref<48x40xf32, #tpu.memory_space<vmem>>, vector<16xf32>,
        %add3A_104 = arith.addf %add3A_100, %get3A_103 : vector<16xf32>
        %mul3A_105 = arith.constant 2.000000e-01 : f32
        %mul3A_106 = vector.broadcast %mul3A_105 : f32 to vector<16xf32>
        %mul3A_107 = arith.mulf %add3A_96, %mul3A_106 : vector<16xf32>
        %max3A = arith.maximumf %add3A_96, %mul3A_107 : vector<16xf32>
        %mul3A_108 = arith.mulf %max3A, %get3A_67 : vector<16xf32>
        %reduce_sum3A = arith.constant true
        %reduce_sum3A_109 = vector.broadcast %reduce_sum3A : i1 to vector<16xi1>
        %reduce_sum3A_110 = tpu.scan <sum>, %mul3A_108 masked %reduce_sum3A_109 : vector<16xf32>, vector<16xi1> -> vector<16xf32>
        %reduce_sum3A_111 = vector.extract %reduce_sum3A_110[15] : f32 from vector<16xf32>
        %mul3A_112 = arith.constant 2.000000e-01 : f32
        %mul3A_113 = vector.broadcast %mul3A_112 : f32 to vector<16xf32>
        %mul3A_114 = arith.mulf %add3A_104, %mul3A_113 : vector<16xf32>
        %max3A_115 = arith.maximumf %add3A_104, %mul3A_114 : vector<16xf32>
        %mul3A_116 = arith.mulf %max3A_115, %get3A_71 : vector<16xf32>
        %reduce_sum3A_117 = arith.constant true
        %reduce_sum3A_118 = vector.broadcast %reduce_sum3A_117 : i1 to vector<16xi1>
        %reduce_sum3A_119 = tpu.scan <sum>, %mul3A_116 masked %reduce_sum3A_118 : vector<16xf32>, vector<16xi1> -> vector<16xf32>
        %reduce_sum3A_120 = vector.extract %reduce_sum3A_119[15] : f32 from vector<16xf32>
        %broadcast_in_dim3A = vector.broadcast %reduce_sum3A_111 : f32 to vector<16xf32>
        %exp3A = math.exp %broadcast_in_dim3A : vector<16xf32>
        %broadcast_in_dim3A_121 = vector.broadcast %reduce_sum3A_120 : f32 to vector<16xf32>
        %exp3A_122 = math.exp %broadcast_in_dim3A_121 : vector<16xf32>
        %eq3A_123 = arith.constant 8 : i32
        %eq3A_124 = vector.broadcast %eq3A_123 : i32 to vector<16xi32>
        %eq3A_125 = arith.cmpi eq, %iota3A, %eq3A_124 : vector<16xi32>
        %select_n3A = arith.select %eq3A_125, %exp3A, %exp3A_122 : vector<16xi1>, vector<16xf32>
        %swap3A = arith.index_cast %add3A_82 : i32 to index
        %swap3A_126 = arith.constant 24 : index
        %swap3A_127 = tpu.vector_load %arg12[%swap3A, %swap3A_126] {strides = array<i32>} : memref<48x40xf32, #tpu.memory_space<vmem>>, vector<16xf32>,
        tpu.vector_store %arg12[%swap3A, %swap3A_126], %select_n3A {strides = array<i32>} : memref<48x40xf32, #tpu.memory_space<vmem>>, vector<16xf32>,
        %mul3A_128 = arith.mulf %exp3A, %get3A_85 : vector<16xf32>
        %swap3A_129 = arith.index_cast %add3A_82 : i32 to index
        %swap3A_130 = arith.constant 0 : index
        %swap3A_131 = tpu.vector_load %arg12[%swap3A_129, %swap3A_130] {strides = array<i32>} : memref<48x40xf32, #tpu.memory_space<vmem>>, vector<16xf32>,
        tpu.vector_store %arg12[%swap3A_129, %swap3A_130], %mul3A_128 {strides = array<i32>} : memref<48x40xf32, #tpu.memory_space<vmem>>, vector<16xf32>,
        %mul3A_132 = arith.mulf %exp3A_122, %get3A_88 : vector<16xf32>
        %swap3A_133 = arith.index_cast %add3A_82 : i32 to index
        %swap3A_134 = arith.constant 16 : index
        %swap3A_135 = tpu.vector_load %arg12[%swap3A_133, %swap3A_134] {strides = array<i32>} : memref<48x40xf32, #tpu.memory_space<vmem>>, vector<16xf32>,
        tpu.vector_store %arg12[%swap3A_133, %swap3A_134], %mul3A_132 {strides = array<i32>} : memref<48x40xf32, #tpu.memory_space<vmem>>, vector<16xf32>,
        %mul3A_136 = arith.constant 4 : i32
        %mul3A_137 = arith.muli %scan3A_78, %mul3A_136 : i32
        %add3A_138 = arith.constant 1 : i32
        %add3A_139 = arith.addi %mul3A_137, %add3A_138 : i32
        %get3A_140 = arith.index_cast %add3A_139 : i32 to index
        %get3A_141 = arith.constant 0 : index
        %get3A_142 = tpu.vector_load %arg10[%get3A_140, %get3A_141] {strides = array<i32>} : memref<48x32xf32, #tpu.memory_space<vmem>>, vector<16xf32>,
        %get3A_143 = arith.index_cast %add3A_139 : i32 to index
        %get3A_144 = arith.constant 16 : index
        %get3A_145 = tpu.vector_load %arg10[%get3A_143, %get3A_144] {strides = array<i32>} : memref<48x32xf32, #tpu.memory_space<vmem>>, vector<16xf32>,
        %get3A_146 = arith.index_cast %add3A_139 : i32 to index
        %get3A_147 = arith.constant 0 : index
        %get3A_148 = tpu.vector_load %arg11[%get3A_146, %get3A_147] {strides = array<i32>} : memref<48x32xf32, #tpu.memory_space<vmem>>, vector<16xf32>,
        %add3A_149 = arith.addf %get3A_142, %get3A_148 : vector<16xf32>
        %get3A_150 = arith.index_cast %add3A_139 : i32 to index
        %get3A_151 = arith.constant 0 : index
        %get3A_152 = tpu.vector_load %arg12[%get3A_150, %get3A_151] {strides = array<i32>} : memref<48x40xf32, #tpu.memory_space<vmem>>, vector<16xf32>,
        %add3A_153 = arith.addf %add3A_149, %get3A_152 : vector<16xf32>
        %get3A_154 = arith.index_cast %add3A_139 : i32 to index
        %get3A_155 = arith.constant 16 : index
        %get3A_156 = tpu.vector_load %arg11[%get3A_154, %get3A_155] {strides = array<i32>} : memref<48x32xf32, #tpu.memory_space<vmem>>, vector<16xf32>,
        %add3A_157 = arith.addf %get3A_145, %get3A_156 : vector<16xf32>
        %get3A_158 = arith.index_cast %add3A_139 : i32 to index
        %get3A_159 = arith.constant 16 : index
        %get3A_160 = tpu.vector_load %arg12[%get3A_158, %get3A_159] {strides = array<i32>} : memref<48x40xf32, #tpu.memory_space<vmem>>, vector<16xf32>,
        %add3A_161 = arith.addf %add3A_157, %get3A_160 : vector<16xf32>
        %mul3A_162 = arith.constant 2.000000e-01 : f32
        %mul3A_163 = vector.broadcast %mul3A_162 : f32 to vector<16xf32>
        %mul3A_164 = arith.mulf %add3A_153, %mul3A_163 : vector<16xf32>
        %max3A_165 = arith.maximumf %add3A_153, %mul3A_164 : vector<16xf32>
        %mul3A_166 = arith.mulf %max3A_165, %get3A_67 : vector<16xf32>
        %reduce_sum3A_167 = arith.constant true
        %reduce_sum3A_168 = vector.broadcast %reduce_sum3A_167 : i1 to vector<16xi1>
        %reduce_sum3A_169 = tpu.scan <sum>, %mul3A_166 masked %reduce_sum3A_168 : vector<16xf32>, vector<16xi1> -> vector<16xf32>
        %reduce_sum3A_170 = vector.extract %reduce_sum3A_169[15] : f32 from vector<16xf32>
        %mul3A_171 = arith.constant 2.000000e-01 : f32
        %mul3A_172 = vector.broadcast %mul3A_171 : f32 to vector<16xf32>
        %mul3A_173 = arith.mulf %add3A_161, %mul3A_172 : vector<16xf32>
        %max3A_174 = arith.maximumf %add3A_161, %mul3A_173 : vector<16xf32>
        %mul3A_175 = arith.mulf %max3A_174, %get3A_71 : vector<16xf32>
        %reduce_sum3A_176 = arith.constant true
        %reduce_sum3A_177 = vector.broadcast %reduce_sum3A_176 : i1 to vector<16xi1>
        %reduce_sum3A_178 = tpu.scan <sum>, %mul3A_175 masked %reduce_sum3A_177 : vector<16xf32>, vector<16xi1> -> vector<16xf32>
        %reduce_sum3A_179 = vector.extract %reduce_sum3A_178[15] : f32 from vector<16xf32>
        %broadcast_in_dim3A_180 = vector.broadcast %reduce_sum3A_170 : f32 to vector<16xf32>
        %exp3A_181 = math.exp %broadcast_in_dim3A_180 : vector<16xf32>
        %broadcast_in_dim3A_182 = vector.broadcast %reduce_sum3A_179 : f32 to vector<16xf32>
        %exp3A_183 = math.exp %broadcast_in_dim3A_182 : vector<16xf32>
        %eq3A_184 = arith.constant 8 : i32
        %eq3A_185 = vector.broadcast %eq3A_184 : i32 to vector<16xi32>
        %eq3A_186 = arith.cmpi eq, %iota3A, %eq3A_185 : vector<16xi32>
        %select_n3A_187 = arith.select %eq3A_186, %exp3A_181, %exp3A_183 : vector<16xi1>, vector<16xf32>
        %swap3A_188 = arith.index_cast %add3A_139 : i32 to index
        %swap3A_189 = arith.constant 24 : index
        %swap3A_190 = tpu.vector_load %arg12[%swap3A_188, %swap3A_189] {strides = array<i32>} : memref<48x40xf32, #tpu.memory_space<vmem>>, vector<16xf32>,
        tpu.vector_store %arg12[%swap3A_188, %swap3A_189], %select_n3A_187 {strides = array<i32>} : memref<48x40xf32, #tpu.memory_space<vmem>>, vector<16xf32>,
        %mul3A_191 = arith.mulf %exp3A_181, %get3A_142 : vector<16xf32>
        %swap3A_192 = arith.index_cast %add3A_139 : i32 to index
        %swap3A_193 = arith.constant 0 : index
        %swap3A_194 = tpu.vector_load %arg12[%swap3A_192, %swap3A_193] {strides = array<i32>} : memref<48x40xf32, #tpu.memory_space<vmem>>, vector<16xf32>,
        tpu.vector_store %arg12[%swap3A_192, %swap3A_193], %mul3A_191 {strides = array<i32>} : memref<48x40xf32, #tpu.memory_space<vmem>>, vector<16xf32>,
        %mul3A_195 = arith.mulf %exp3A_183, %get3A_145 : vector<16xf32>
        %swap3A_196 = arith.index_cast %add3A_139 : i32 to index
        %swap3A_197 = arith.constant 16 : index
        %swap3A_198 = tpu.vector_load %arg12[%swap3A_196, %swap3A_197] {strides = array<i32>} : memref<48x40xf32, #tpu.memory_space<vmem>>, vector<16xf32>,
        tpu.vector_store %arg12[%swap3A_196, %swap3A_197], %mul3A_195 {strides = array<i32>} : memref<48x40xf32, #tpu.memory_space<vmem>>, vector<16xf32>,
        %mul3A_199 = arith.constant 4 : i32
        %mul3A_200 = arith.muli %scan3A_78, %mul3A_199 : i32
        %add3A_201 = arith.constant 2 : i32
        %add3A_202 = arith.addi %mul3A_200, %add3A_201 : i32
        %get3A_203 = arith.index_cast %add3A_202 : i32 to index
        %get3A_204 = arith.constant 0 : index
        %get3A_205 = tpu.vector_load %arg10[%get3A_203, %get3A_204] {strides = array<i32>} : memref<48x32xf32, #tpu.memory_space<vmem>>, vector<16xf32>,
        %get3A_206 = arith.index_cast %add3A_202 : i32 to index
        %get3A_207 = arith.constant 16 : index
        %get3A_208 = tpu.vector_load %arg10[%get3A_206, %get3A_207] {strides = array<i32>} : memref<48x32xf32, #tpu.memory_space<vmem>>, vector<16xf32>,
        %get3A_209 = arith.index_cast %add3A_202 : i32 to index
        %get3A_210 = arith.constant 0 : index
        %get3A_211 = tpu.vector_load %arg11[%get3A_209, %get3A_210] {strides = array<i32>} : memref<48x32xf32, #tpu.memory_space<vmem>>, vector<16xf32>,
        %add3A_212 = arith.addf %get3A_205, %get3A_211 : vector<16xf32>
        %get3A_213 = arith.index_cast %add3A_202 : i32 to index
        %get3A_214 = arith.constant 0 : index
        %get3A_215 = tpu.vector_load %arg12[%get3A_213, %get3A_214] {strides = array<i32>} : memref<48x40xf32, #tpu.memory_space<vmem>>, vector<16xf32>,
        %add3A_216 = arith.addf %add3A_212, %get3A_215 : vector<16xf32>
        %get3A_217 = arith.index_cast %add3A_202 : i32 to index
        %get3A_218 = arith.constant 16 : index
        %get3A_219 = tpu.vector_load %arg11[%get3A_217, %get3A_218] {strides = array<i32>} : memref<48x32xf32, #tpu.memory_space<vmem>>, vector<16xf32>,
        %add3A_220 = arith.addf %get3A_208, %get3A_219 : vector<16xf32>
        %get3A_221 = arith.index_cast %add3A_202 : i32 to index
        %get3A_222 = arith.constant 16 : index
        %get3A_223 = tpu.vector_load %arg12[%get3A_221, %get3A_222] {strides = array<i32>} : memref<48x40xf32, #tpu.memory_space<vmem>>, vector<16xf32>,
        %add3A_224 = arith.addf %add3A_220, %get3A_223 : vector<16xf32>
        %mul3A_225 = arith.constant 2.000000e-01 : f32
        %mul3A_226 = vector.broadcast %mul3A_225 : f32 to vector<16xf32>
        %mul3A_227 = arith.mulf %add3A_216, %mul3A_226 : vector<16xf32>
        %max3A_228 = arith.maximumf %add3A_216, %mul3A_227 : vector<16xf32>
        %mul3A_229 = arith.mulf %max3A_228, %get3A_67 : vector<16xf32>
        %reduce_sum3A_230 = arith.constant true
        %reduce_sum3A_231 = vector.broadcast %reduce_sum3A_230 : i1 to vector<16xi1>
        %reduce_sum3A_232 = tpu.scan <sum>, %mul3A_229 masked %reduce_sum3A_231 : vector<16xf32>, vector<16xi1> -> vector<16xf32>
        %reduce_sum3A_233 = vector.extract %reduce_sum3A_232[15] : f32 from vector<16xf32>
        %mul3A_234 = arith.constant 2.000000e-01 : f32
        %mul3A_235 = vector.broadcast %mul3A_234 : f32 to vector<16xf32>
        %mul3A_236 = arith.mulf %add3A_224, %mul3A_235 : vector<16xf32>
        %max3A_237 = arith.maximumf %add3A_224, %mul3A_236 : vector<16xf32>
        %mul3A_238 = arith.mulf %max3A_237, %get3A_71 : vector<16xf32>
        %reduce_sum3A_239 = arith.constant true
        %reduce_sum3A_240 = vector.broadcast %reduce_sum3A_239 : i1 to vector<16xi1>
        %reduce_sum3A_241 = tpu.scan <sum>, %mul3A_238 masked %reduce_sum3A_240 : vector<16xf32>, vector<16xi1> -> vector<16xf32>
        %reduce_sum3A_242 = vector.extract %reduce_sum3A_241[15] : f32 from vector<16xf32>
        %broadcast_in_dim3A_243 = vector.broadcast %reduce_sum3A_233 : f32 to vector<16xf32>
        %exp3A_244 = math.exp %broadcast_in_dim3A_243 : vector<16xf32>
        %broadcast_in_dim3A_245 = vector.broadcast %reduce_sum3A_242 : f32 to vector<16xf32>
        %exp3A_246 = math.exp %broadcast_in_dim3A_245 : vector<16xf32>
        %eq3A_247 = arith.constant 8 : i32
        %eq3A_248 = vector.broadcast %eq3A_247 : i32 to vector<16xi32>
        %eq3A_249 = arith.cmpi eq, %iota3A, %eq3A_248 : vector<16xi32>
        %select_n3A_250 = arith.select %eq3A_249, %exp3A_244, %exp3A_246 : vector<16xi1>, vector<16xf32>
        %swap3A_251 = arith.index_cast %add3A_202 : i32 to index
        %swap3A_252 = arith.constant 24 : index
        %swap3A_253 = tpu.vector_load %arg12[%swap3A_251, %swap3A_252] {strides = array<i32>} : memref<48x40xf32, #tpu.memory_space<vmem>>, vector<16xf32>,
        tpu.vector_store %arg12[%swap3A_251, %swap3A_252], %select_n3A_250 {strides = array<i32>} : memref<48x40xf32, #tpu.memory_space<vmem>>, vector<16xf32>,
        %mul3A_254 = arith.mulf %exp3A_244, %get3A_205 : vector<16xf32>
        %swap3A_255 = arith.index_cast %add3A_202 : i32 to index
        %swap3A_256 = arith.constant 0 : index
        %swap3A_257 = tpu.vector_load %arg12[%swap3A_255, %swap3A_256] {strides = array<i32>} : memref<48x40xf32, #tpu.memory_space<vmem>>, vector<16xf32>,
        tpu.vector_store %arg12[%swap3A_255, %swap3A_256], %mul3A_254 {strides = array<i32>} : memref<48x40xf32, #tpu.memory_space<vmem>>, vector<16xf32>,
        %mul3A_258 = arith.mulf %exp3A_246, %get3A_208 : vector<16xf32>
        %swap3A_259 = arith.index_cast %add3A_202 : i32 to index
        %swap3A_260 = arith.constant 16 : index
        %swap3A_261 = tpu.vector_load %arg12[%swap3A_259, %swap3A_260] {strides = array<i32>} : memref<48x40xf32, #tpu.memory_space<vmem>>, vector<16xf32>,
        tpu.vector_store %arg12[%swap3A_259, %swap3A_260], %mul3A_258 {strides = array<i32>} : memref<48x40xf32, #tpu.memory_space<vmem>>, vector<16xf32>,
        %mul3A_262 = arith.constant 4 : i32
        %mul3A_263 = arith.muli %scan3A_78, %mul3A_262 : i32
        %add3A_264 = arith.constant 3 : i32
        %add3A_265 = arith.addi %mul3A_263, %add3A_264 : i32
        %get3A_266 = arith.index_cast %add3A_265 : i32 to index
        %get3A_267 = arith.constant 0 : index
        %get3A_268 = tpu.vector_load %arg10[%get3A_266, %get3A_267] {strides = array<i32>} : memref<48x32xf32, #tpu.memory_space<vmem>>, vector<16xf32>,
        %get3A_269 = arith.index_cast %add3A_265 : i32 to index
        %get3A_270 = arith.constant 16 : index
        %get3A_271 = tpu.vector_load %arg10[%get3A_269, %get3A_270] {strides = array<i32>} : memref<48x32xf32, #tpu.memory_space<vmem>>, vector<16xf32>,
        %get3A_272 = arith.index_cast %add3A_265 : i32 to index
        %get3A_273 = arith.constant 0 : index
        %get3A_274 = tpu.vector_load %arg11[%get3A_272, %get3A_273] {strides = array<i32>} : memref<48x32xf32, #tpu.memory_space<vmem>>, vector<16xf32>,
        %add3A_275 = arith.addf %get3A_268, %get3A_274 : vector<16xf32>
        %get3A_276 = arith.index_cast %add3A_265 : i32 to index
        %get3A_277 = arith.constant 0 : index
        %get3A_278 = tpu.vector_load %arg12[%get3A_276, %get3A_277] {strides = array<i32>} : memref<48x40xf32, #tpu.memory_space<vmem>>, vector<16xf32>,
        %add3A_279 = arith.addf %add3A_275, %get3A_278 : vector<16xf32>
        %get3A_280 = arith.index_cast %add3A_265 : i32 to index
        %get3A_281 = arith.constant 16 : index
        %get3A_282 = tpu.vector_load %arg11[%get3A_280, %get3A_281] {strides = array<i32>} : memref<48x32xf32, #tpu.memory_space<vmem>>, vector<16xf32>,
        %add3A_283 = arith.addf %get3A_271, %get3A_282 : vector<16xf32>
        %get3A_284 = arith.index_cast %add3A_265 : i32 to index
        %get3A_285 = arith.constant 16 : index
        %get3A_286 = tpu.vector_load %arg12[%get3A_284, %get3A_285] {strides = array<i32>} : memref<48x40xf32, #tpu.memory_space<vmem>>, vector<16xf32>,
        %add3A_287 = arith.addf %add3A_283, %get3A_286 : vector<16xf32>
        %mul3A_288 = arith.constant 2.000000e-01 : f32
        %mul3A_289 = vector.broadcast %mul3A_288 : f32 to vector<16xf32>
        %mul3A_290 = arith.mulf %add3A_279, %mul3A_289 : vector<16xf32>
        %max3A_291 = arith.maximumf %add3A_279, %mul3A_290 : vector<16xf32>
        %mul3A_292 = arith.mulf %max3A_291, %get3A_67 : vector<16xf32>
        %reduce_sum3A_293 = arith.constant true
        %reduce_sum3A_294 = vector.broadcast %reduce_sum3A_293 : i1 to vector<16xi1>
        %reduce_sum3A_295 = tpu.scan <sum>, %mul3A_292 masked %reduce_sum3A_294 : vector<16xf32>, vector<16xi1> -> vector<16xf32>
        %reduce_sum3A_296 = vector.extract %reduce_sum3A_295[15] : f32 from vector<16xf32>
        %mul3A_297 = arith.constant 2.000000e-01 : f32
        %mul3A_298 = vector.broadcast %mul3A_297 : f32 to vector<16xf32>
        %mul3A_299 = arith.mulf %add3A_287, %mul3A_298 : vector<16xf32>
        %max3A_300 = arith.maximumf %add3A_287, %mul3A_299 : vector<16xf32>
        %mul3A_301 = arith.mulf %max3A_300, %get3A_71 : vector<16xf32>
        %reduce_sum3A_302 = arith.constant true
        %reduce_sum3A_303 = vector.broadcast %reduce_sum3A_302 : i1 to vector<16xi1>
        %reduce_sum3A_304 = tpu.scan <sum>, %mul3A_301 masked %reduce_sum3A_303 : vector<16xf32>, vector<16xi1> -> vector<16xf32>
        %reduce_sum3A_305 = vector.extract %reduce_sum3A_304[15] : f32 from vector<16xf32>
        %broadcast_in_dim3A_306 = vector.broadcast %reduce_sum3A_296 : f32 to vector<16xf32>
        %exp3A_307 = math.exp %broadcast_in_dim3A_306 : vector<16xf32>
        %broadcast_in_dim3A_308 = vector.broadcast %reduce_sum3A_305 : f32 to vector<16xf32>
        %exp3A_309 = math.exp %broadcast_in_dim3A_308 : vector<16xf32>
        %eq3A_310 = arith.constant 8 : i32
        %eq3A_311 = vector.broadcast %eq3A_310 : i32 to vector<16xi32>
        %eq3A_312 = arith.cmpi eq, %iota3A, %eq3A_311 : vector<16xi32>
        %select_n3A_313 = arith.select %eq3A_312, %exp3A_307, %exp3A_309 : vector<16xi1>, vector<16xf32>
        %swap3A_314 = arith.index_cast %add3A_265 : i32 to index
        %swap3A_315 = arith.constant 24 : index
        %swap3A_316 = tpu.vector_load %arg12[%swap3A_314, %swap3A_315] {strides = array<i32>} : memref<48x40xf32, #tpu.memory_space<vmem>>, vector<16xf32>,
        tpu.vector_store %arg12[%swap3A_314, %swap3A_315], %select_n3A_313 {strides = array<i32>} : memref<48x40xf32, #tpu.memory_space<vmem>>, vector<16xf32>,
        %mul3A_317 = arith.mulf %exp3A_307, %get3A_268 : vector<16xf32>
        %swap3A_318 = arith.index_cast %add3A_265 : i32 to index
        %swap3A_319 = arith.constant 0 : index
        %swap3A_320 = tpu.vector_load %arg12[%swap3A_318, %swap3A_319] {strides = array<i32>} : memref<48x40xf32, #tpu.memory_space<vmem>>, vector<16xf32>,
        tpu.vector_store %arg12[%swap3A_318, %swap3A_319], %mul3A_317 {strides = array<i32>} : memref<48x40xf32, #tpu.memory_space<vmem>>, vector<16xf32>,
        %mul3A_321 = arith.mulf %exp3A_309, %get3A_271 : vector<16xf32>
        %swap3A_322 = arith.index_cast %add3A_265 : i32 to index
        %swap3A_323 = arith.constant 16 : index
        %swap3A_324 = tpu.vector_load %arg12[%swap3A_322, %swap3A_323] {strides = array<i32>} : memref<48x40xf32, #tpu.memory_space<vmem>>, vector<16xf32>,
        tpu.vector_store %arg12[%swap3A_322, %swap3A_323], %mul3A_321 {strides = array<i32>} : memref<48x40xf32, #tpu.memory_space<vmem>>, vector<16xf32>,
      }
      %scan3A_77 = arith.constant 12 : i32
      %run_scoped3A = arith.constant 2 : i32
      "tpu.region"() ({
        %run_scoped3A_78 = tpu.sem_alloc : memref<!tpu.dma_semaphore, #tpu.memory_space<semaphore_mem>>
        %dma_start3A_79 = arith.constant 0 : i32
        %dma_start3A_80 = tpu.memref_slice %arg9[%run_scoped3A, %dma_start3A_79] : memref<3x48xi32, #tpu.memory_space<vmem>> -> memref<1x48xi32, #tpu.memory_space<vmem>>
        %dma_start3A_81 = tpu.memref_squeeze %dma_start3A_80 : memref<1x48xi32, #tpu.memory_space<vmem>> -> memref<48xi32, #tpu.memory_space<vmem>>
        %dma_start3A_82 = arith.constant 0 : i32
        %dma_start3A_83 = arith.constant 0 : i32
        %dma_start3A_84 = tpu.memref_slice %arg14[%dma_start3A_82, %dma_start3A_83] : memref<50176x40xf32, #tpu.memory_space<vmem_shared>> -> memref<50176x40xf32, #tpu.memory_space<vmem_shared>>
        tpu.enqueue_indirect_dma source(%arg12 : memref<48x40xf32, #tpu.memory_space<vmem>>) target(%dma_start3A_84 : memref<50176x40xf32, #tpu.memory_space<vmem_shared>>) offsets(%dma_start3A_81 : memref<48xi32, #tpu.memory_space<vmem>>) semaphore(%run_scoped3A_78 : memref<!tpu.dma_semaphore, #tpu.memory_space<semaphore_mem>>) {add = true}
        %dma_wait3A_85 = arith.constant 0 : i32
        %dma_wait3A_86 = tpu.memref_slice %arg9[%run_scoped3A, %dma_wait3A_85] : memref<3x48xi32, #tpu.memory_space<vmem>> -> memref<1x48xi32, #tpu.memory_space<vmem>>
        %dma_wait3A_87 = tpu.memref_squeeze %dma_wait3A_86 : memref<1x48xi32, #tpu.memory_space<vmem>> -> memref<48xi32, #tpu.memory_space<vmem>>
        %dma_wait3A_88 = arith.constant 0 : i32
        %dma_wait3A_89 = arith.constant 0 : i32
        %dma_wait3A_90 = tpu.memref_slice %arg14[%dma_wait3A_88, %dma_wait3A_89] : memref<50176x40xf32, #tpu.memory_space<vmem_shared>> -> memref<50176x40xf32, #tpu.memory_space<vmem_shared>>
        tpu.wait_indirect_dma semaphore(%run_scoped3A_78 : memref<!tpu.dma_semaphore, #tpu.memory_space<semaphore_mem>>) src(%arg12 : memref<48x40xf32, #tpu.memory_space<vmem>>) dst(%dma_wait3A_90 : memref<50176x40xf32, #tpu.memory_space<vmem_shared>>)
        tpu.yield
      }) : () -> ()
    }
    %scan3A_11 = arith.constant 528 : i32
    %barrier3A_12 = arith.constant 0 : index
    tpu.barrier barrier_id(%barrier3A_12)
    %eq3A = arith.constant 0 : i32
    %eq3A_13 = arith.cmpi eq, %arg0, %eq3A : i32
    %convert_element_type3A = arith.extui %eq3A_13 : i1 to i32
    %cond3A = arith.constant 0 : i32
    %cond3A_14 = arith.cmpi ne, %convert_element_type3A, %cond3A : i32
    scf.if %cond3A_14 {
      %mul3A_20 = arith.constant 3136 : i32
      %mul3A_21 = arith.muli %arg1, %mul3A_20 : i32
      %mul3A_22 = arith.constant 3136 : i32
      %mul3A_23 = arith.muli %arg1, %mul3A_22 : i32
      %run_scoped3A = arith.constant 0 : i32
      "tpu.region"() ({
        %run_scoped3A_24 = tpu.sem_alloc : memref<!tpu.dma_semaphore, #tpu.memory_space<semaphore_mem>>
        %dma_start3A = arith.constant 0 : i32
        %dma_start3A_25 = tpu.memref_slice %arg8[%run_scoped3A, %mul3A_23, %dma_start3A] : memref<2x50176x40xf32, #tpu.memory_space<hbm>> -> memref<1x3136x40xf32, #tpu.memory_space<hbm>>
        %dma_start3A_26 = tpu.memref_squeeze %dma_start3A_25 : memref<1x3136x40xf32, #tpu.memory_space<hbm>> -> memref<3136x40xf32, #tpu.memory_space<hbm>>
        %dma_start3A_27 = arith.constant 0 : i32
        %dma_start3A_28 = tpu.memref_slice %arg14[%mul3A_21, %dma_start3A_27] : memref<50176x40xf32, #tpu.memory_space<vmem_shared>> -> memref<3136x40xf32, #tpu.memory_space<vmem_shared>>
        tpu.enqueue_dma source(%dma_start3A_28 : memref<3136x40xf32, #tpu.memory_space<vmem_shared>>) target(%dma_start3A_26 : memref<3136x40xf32, #tpu.memory_space<hbm>>) target_semaphore(%run_scoped3A_24 : memref<!tpu.dma_semaphore, #tpu.memory_space<semaphore_mem>>)
        %dma_wait3A = arith.constant 0 : i32
        %dma_wait3A_29 = tpu.memref_slice %arg8[%run_scoped3A, %mul3A_23, %dma_wait3A] : memref<2x50176x40xf32, #tpu.memory_space<hbm>> -> memref<1x3136x40xf32, #tpu.memory_space<hbm>>
        %dma_wait3A_30 = tpu.memref_squeeze %dma_wait3A_29 : memref<1x3136x40xf32, #tpu.memory_space<hbm>> -> memref<3136x40xf32, #tpu.memory_space<hbm>>
        %dma_wait3A_31 = arith.constant 0 : i32
        %dma_wait3A_32 = tpu.memref_slice %arg14[%mul3A_21, %dma_wait3A_31] : memref<50176x40xf32, #tpu.memory_space<vmem_shared>> -> memref<3136x40xf32, #tpu.memory_space<vmem_shared>>
        tpu.wait_dma2 semaphore(%run_scoped3A_24 : memref<!tpu.dma_semaphore, #tpu.memory_space<semaphore_mem>>) src(%dma_wait3A_32 : memref<3136x40xf32, #tpu.memory_space<vmem_shared>>) dst(%dma_wait3A_30 : memref<3136x40xf32, #tpu.memory_space<hbm>>)
        tpu.yield
      }) : () -> ()
    } else {
    }
    %eq3A_15 = arith.constant 1 : i32
    %eq3A_16 = arith.cmpi eq, %arg0, %eq3A_15 : i32
    %convert_element_type3A_17 = arith.extui %eq3A_16 : i1 to i32
    %cond3A_18 = arith.constant 0 : i32
    %cond3A_19 = arith.cmpi ne, %convert_element_type3A_17, %cond3A_18 : i32
    scf.if %cond3A_19 {
      %mul3A_20 = arith.constant 3136 : i32
      %mul3A_21 = arith.muli %arg1, %mul3A_20 : i32
      %mul3A_22 = arith.constant 3136 : i32
      %mul3A_23 = arith.muli %arg1, %mul3A_22 : i32
      %run_scoped3A = arith.constant 1 : i32
      "tpu.region"() ({
        %run_scoped3A_24 = tpu.sem_alloc : memref<!tpu.dma_semaphore, #tpu.memory_space<semaphore_mem>>
        %dma_start3A = arith.constant 0 : i32
        %dma_start3A_25 = tpu.memref_slice %arg8[%run_scoped3A, %mul3A_23, %dma_start3A] : memref<2x50176x40xf32, #tpu.memory_space<hbm>> -> memref<1x3136x40xf32, #tpu.memory_space<hbm>>
        %dma_start3A_26 = tpu.memref_squeeze %dma_start3A_25 : memref<1x3136x40xf32, #tpu.memory_space<hbm>> -> memref<3136x40xf32, #tpu.memory_space<hbm>>
        %dma_start3A_27 = arith.constant 0 : i32
        %dma_start3A_28 = tpu.memref_slice %arg14[%mul3A_21, %dma_start3A_27] : memref<50176x40xf32, #tpu.memory_space<vmem_shared>> -> memref<3136x40xf32, #tpu.memory_space<vmem_shared>>
        tpu.enqueue_dma source(%dma_start3A_28 : memref<3136x40xf32, #tpu.memory_space<vmem_shared>>) target(%dma_start3A_26 : memref<3136x40xf32, #tpu.memory_space<hbm>>) target_semaphore(%run_scoped3A_24 : memref<!tpu.dma_semaphore, #tpu.memory_space<semaphore_mem>>)
        %dma_wait3A = arith.constant 0 : i32
        %dma_wait3A_29 = tpu.memref_slice %arg8[%run_scoped3A, %mul3A_23, %dma_wait3A] : memref<2x50176x40xf32, #tpu.memory_space<hbm>> -> memref<1x3136x40xf32, #tpu.memory_space<hbm>>
        %dma_wait3A_30 = tpu.memref_squeeze %dma_wait3A_29 : memref<1x3136x40xf32, #tpu.memory_space<hbm>> -> memref<3136x40xf32, #tpu.memory_space<hbm>>
        %dma_wait3A_31 = arith.constant 0 : i32
        %dma_wait3A_32 = tpu.memref_slice %arg14[%mul3A_21, %dma_wait3A_31] : memref<50176x40xf32, #tpu.memory_space<vmem_shared>> -> memref<3136x40xf32, #tpu.memory_space<vmem_shared>>
        tpu.wait_dma2 semaphore(%run_scoped3A_24 : memref<!tpu.dma_semaphore, #tpu.memory_space<semaphore_mem>>) src(%dma_wait3A_32 : memref<3136x40xf32, #tpu.memory_space<vmem_shared>>) dst(%dma_wait3A_30 : memref<3136x40xf32, #tpu.memory_space<hbm>>)
        tpu.yield
      }) : () -> ()
    } else {
    }
    return
  }
}

module attributes {stable_mosaic.version = 14 : i64} {
  func.func @body(%arg0: i32, %arg1: memref<512x16xf32, #tpu.memory_space<vmem>>, %arg2: memref<512x16xf32, #tpu.memory_space<vmem>>, %arg3: memref<50x32xf32, #tpu.memory_space<vmem>>, %arg4: memref<50x32xf32, #tpu.memory_space<vmem>>, %arg5: memref<2x512x40xf32, #tpu.memory_space<vmem>>) attributes {dimension_semantics = [#tpu.dimension_semantics<arbitrary>], iteration_bounds = array<i64: 1584>, scalar_prefetch = 0 : i64, scratch_operands = 0 : i64, tpu.core_type = #tpu.core_type<tc>, window_params = [{transform_indices = @transform_0, window_bounds = array<i64: 512, 16>}, {transform_indices = @transform_1, window_bounds = array<i64: 512, 16>}, {pipeline_mode = #tpu.pipeline_mode<synchronous>, transform_indices = @transform_2, window_bounds = array<i64: 50, 32>}, {pipeline_mode = #tpu.pipeline_mode<synchronous>, transform_indices = @transform_3, window_bounds = array<i64: 50, 32>}, {transform_indices = @transform_4, window_bounds = array<i64: 2, 512, 40>}]} {
    %get3A = arith.constant 0 : index
    %get3A_0 = arith.constant 0 : index
    %get3A_1 = vector.load %arg1[%get3A, %get3A_0] : memref<512x16xf32, #tpu.memory_space<vmem>>, vector<512x16xf32>
    %get3A_2 = arith.constant 0 : index
    %get3A_3 = arith.constant 0 : index
    %get3A_4 = vector.load %arg2[%get3A_2, %get3A_3] : memref<512x16xf32, #tpu.memory_space<vmem>>, vector<512x16xf32>
    %sub3A = arith.subf %get3A_1, %get3A_4 : vector<512x16xf32>
    %mul3A = arith.mulf %sub3A, %sub3A : vector<512x16xf32>
    %reduce_sum3A = arith.constant dense<0.000000e+00> : vector<512xf32>
    %reduce_sum3A_5 = vector.multi_reduction <add>, %mul3A, %reduce_sum3A [1] : vector<512x16xf32> to vector<512xf32>
    %broadcast_in_dim3A = vector.shape_cast %reduce_sum3A_5 : vector<512xf32> to vector<512x1xf32>
    %add3A = arith.constant 9.99999996E-13 : f32
    %add3A_6 = vector.broadcast %add3A : f32 to vector<512x1xf32>
    %add3A_7 = arith.addf %broadcast_in_dim3A, %add3A_6 : vector<512x1xf32>
    %sqrt3A = math.sqrt %add3A_7 : vector<512x1xf32>
    %iota3A = tpu.iota {dimensions = array<i32: 1>} : vector<1x50xi32>
    %convert_element_type3A = arith.sitofp %iota3A : vector<1x50xi32> to vector<1x50xf32>
    %mul3A_8 = arith.constant 0.10204082 : f32
    %mul3A_9 = vector.broadcast %mul3A_8 : f32 to vector<1x50xf32>
    %mul3A_10 = arith.mulf %convert_element_type3A, %mul3A_9 : vector<1x50xf32>
    %sub3A_11 = vector.broadcast %sqrt3A : vector<512x1xf32> to vector<512x50xf32>
    %sub3A_12 = vector.broadcast %mul3A_10 : vector<1x50xf32> to vector<512x50xf32>
    %sub3A_13 = arith.subf %sub3A_11, %sub3A_12 : vector<512x50xf32>
    %integer_pow3A = arith.mulf %sub3A_13, %sub3A_13 : vector<512x50xf32>
    %mul3A_14 = arith.constant -4.802000e+01 : f32
    %mul3A_15 = vector.broadcast %mul3A_14 : f32 to vector<512x50xf32>
    %mul3A_16 = arith.mulf %mul3A_15, %integer_pow3A : vector<512x50xf32>
    %exp3A = math.exp %mul3A_16 : vector<512x50xf32>
    %get3A_17 = arith.constant 0 : index
    %get3A_18 = arith.constant 0 : index
    %get3A_19 = vector.load %arg3[%get3A_17, %get3A_18] : memref<50x32xf32, #tpu.memory_space<vmem>>, vector<50x32xf32>
    %dot_general3A = arith.constant dense<0.000000e+00> : vector<512x32xf32>
    %dot_general3A_20 = tpu.matmul %exp3A, %get3A_19, %dot_general3A {dimension_numbers = #tpu.dot_dimension_numbers<[1], [0], [0], [1], [0, 0, 1, 1], [], []>, precision = #tpu.contract_precision<fp32>, transpose_lhs_hint = false} : vector<512x50xf32>, vector<50x32xf32>, vector<512x32xf32> -> vector<512x32xf32>
    %get3A_21 = arith.constant 0 : index
    %get3A_22 = arith.constant 0 : index
    %get3A_23 = vector.load %arg4[%get3A_21, %get3A_22] : memref<50x32xf32, #tpu.memory_space<vmem>>, vector<50x32xf32>
    %dot_general3A_24 = arith.constant dense<0.000000e+00> : vector<512x32xf32>
    %dot_general3A_25 = tpu.matmul %exp3A, %get3A_23, %dot_general3A_24 {dimension_numbers = #tpu.dot_dimension_numbers<[1], [0], [0], [1], [0, 0, 1, 1], [], []>, precision = #tpu.contract_precision<fp32>, transpose_lhs_hint = false} : vector<512x50xf32>, vector<50x32xf32>, vector<512x32xf32> -> vector<512x32xf32>
    %swap3A = arith.constant 0 : index
    %swap3A_26 = arith.constant 0 : index
    %swap3A_27 = arith.constant 0 : index
    %swap3A_28 = vector.load %arg5[%swap3A, %swap3A_26, %swap3A_27] : memref<2x512x40xf32, #tpu.memory_space<vmem>>, vector<1x512x32xf32>
    %swap3A_29 = vector.shape_cast %swap3A_28 : vector<1x512x32xf32> to vector<512x32xf32>
    %swap3A_30 = vector.shape_cast %dot_general3A_20 : vector<512x32xf32> to vector<1x512x32xf32>
    tpu.vector_store %arg5[%swap3A, %swap3A_26, %swap3A_27], %swap3A_30 {strides = array<i32>} : memref<2x512x40xf32, #tpu.memory_space<vmem>>, vector<1x512x32xf32>,
    %broadcast_in_dim3A_31 = arith.constant 1.000000e+00 : f32
    %broadcast_in_dim3A_32 = vector.broadcast %broadcast_in_dim3A_31 : f32 to vector<512x1xf32>
    %swap3A_33 = arith.constant 0 : index
    %swap3A_34 = arith.constant 0 : index
    %swap3A_35 = arith.constant 32 : index
    %swap3A_36 = vector.load %arg5[%swap3A_33, %swap3A_34, %swap3A_35] : memref<2x512x40xf32, #tpu.memory_space<vmem>>, vector<1x512x1xf32>
    %swap3A_37 = vector.shape_cast %swap3A_36 : vector<1x512x1xf32> to vector<512x1xf32>
    %swap3A_38 = vector.shape_cast %broadcast_in_dim3A_32 : vector<512x1xf32> to vector<1x512x1xf32>
    tpu.vector_store %arg5[%swap3A_33, %swap3A_34, %swap3A_35], %swap3A_38 {strides = array<i32>} : memref<2x512x40xf32, #tpu.memory_space<vmem>>, vector<1x512x1xf32>,
    %broadcast_in_dim3A_39 = arith.constant 0.000000e+00 : f32
    %broadcast_in_dim3A_40 = vector.broadcast %broadcast_in_dim3A_39 : f32 to vector<512x7xf32>
    %swap3A_41 = arith.constant 0 : index
    %swap3A_42 = arith.constant 0 : index
    %swap3A_43 = arith.constant 33 : index
    %swap3A_44 = vector.load %arg5[%swap3A_41, %swap3A_42, %swap3A_43] : memref<2x512x40xf32, #tpu.memory_space<vmem>>, vector<1x512x7xf32>
    %swap3A_45 = vector.shape_cast %swap3A_44 : vector<1x512x7xf32> to vector<512x7xf32>
    %swap3A_46 = vector.shape_cast %broadcast_in_dim3A_40 : vector<512x7xf32> to vector<1x512x7xf32>
    tpu.vector_store %arg5[%swap3A_41, %swap3A_42, %swap3A_43], %swap3A_46 {strides = array<i32>} : memref<2x512x40xf32, #tpu.memory_space<vmem>>, vector<1x512x7xf32>,
    %swap3A_47 = arith.constant 1 : index
    %swap3A_48 = arith.constant 0 : index
    %swap3A_49 = arith.constant 0 : index
    %swap3A_50 = vector.load %arg5[%swap3A_47, %swap3A_48, %swap3A_49] : memref<2x512x40xf32, #tpu.memory_space<vmem>>, vector<1x512x32xf32>
    %swap3A_51 = vector.shape_cast %swap3A_50 : vector<1x512x32xf32> to vector<512x32xf32>
    %swap3A_52 = vector.shape_cast %dot_general3A_25 : vector<512x32xf32> to vector<1x512x32xf32>
    tpu.vector_store %arg5[%swap3A_47, %swap3A_48, %swap3A_49], %swap3A_52 {strides = array<i32>} : memref<2x512x40xf32, #tpu.memory_space<vmem>>, vector<1x512x32xf32>,
    %broadcast_in_dim3A_53 = arith.constant 0.000000e+00 : f32
    %broadcast_in_dim3A_54 = vector.broadcast %broadcast_in_dim3A_53 : f32 to vector<512x8xf32>
    %swap3A_55 = arith.constant 1 : index
    %swap3A_56 = arith.constant 0 : index
    %swap3A_57 = arith.constant 32 : index
    %swap3A_58 = vector.load %arg5[%swap3A_55, %swap3A_56, %swap3A_57] : memref<2x512x40xf32, #tpu.memory_space<vmem>>, vector<1x512x8xf32>
    %swap3A_59 = vector.shape_cast %swap3A_58 : vector<1x512x8xf32> to vector<512x8xf32>
    %swap3A_60 = vector.shape_cast %broadcast_in_dim3A_54 : vector<512x8xf32> to vector<1x512x8xf32>
    tpu.vector_store %arg5[%swap3A_55, %swap3A_56, %swap3A_57], %swap3A_60 {strides = array<i32>} : memref<2x512x40xf32, #tpu.memory_space<vmem>>, vector<1x512x8xf32>,
    return
  }
  func.func @transform_0(%arg0: i32) -> (i32, i32) {
    %c0_i32 = arith.constant 0 : i32
    %c0_i32_0 = arith.constant 0 : i32
    return %arg0, %c0_i32 : i32, i32
  }
  func.func @transform_1(%arg0: i32) -> (i32, i32) {
    %c0_i32 = arith.constant 0 : i32
    %c0_i32_0 = arith.constant 0 : i32
    return %arg0, %c0_i32 : i32, i32
  }
  func.func @transform_2(%arg0: i32) -> (i32, i32) {
    %c0_i32 = arith.constant 0 : i32
    %c0_i32_0 = arith.constant 0 : i32
    %c0_i32_1 = arith.constant 0 : i32
    return %c0_i32, %c0_i32_0 : i32, i32
  }
  func.func @transform_3(%arg0: i32) -> (i32, i32) {
    %c0_i32 = arith.constant 0 : i32
    %c0_i32_0 = arith.constant 0 : i32
    %c0_i32_1 = arith.constant 0 : i32
    return %c0_i32, %c0_i32_0 : i32, i32
  }
  func.func @transform_4(%arg0: i32) -> (i32, i32, i32) {
    %c0_i32 = arith.constant 0 : i32
    %c0_i32_0 = arith.constant 0 : i32
    %c0_i32_1 = arith.constant 0 : i32
    return %c0_i32, %arg0, %c0_i32_0 : i32, i32, i32
  }
}

module attributes {stable_mosaic.version = 14 : i64} {
  func.func @body(%arg0: i32, %arg1: memref<1000x3xf32, #tpu.memory_space<vmem>>, %arg2: memref<2x1000x40xf32, #tpu.memory_space<vmem>>, %arg3: memref<3x16xf32, #tpu.memory_space<vmem>>, %arg4: memref<1x16xf32, #tpu.memory_space<vmem>>, %arg5: memref<16x32xf32, #tpu.memory_space<vmem>>, %arg6: memref<1x32xf32, #tpu.memory_space<vmem>>, %arg7: memref<16x32xf32, #tpu.memory_space<vmem>>, %arg8: memref<1x32xf32, #tpu.memory_space<vmem>>, %arg9: memref<1x2x16xf32, #tpu.memory_space<vmem>>, %arg10: memref<1000x32xf32, #tpu.memory_space<vmem>>, %arg11: memref<1000x32xf32, #tpu.memory_space<vmem>>, %arg12: memref<1000x2xf32, #tpu.memory_space<vmem>>, %arg13: memref<1000x32xf32, #tpu.memory_space<vmem>>, %arg14: memref<1000x1xf32, #tpu.memory_space<vmem>>) attributes {dimension_semantics = [#tpu.dimension_semantics<arbitrary>], iteration_bounds = array<i64: 50>, scalar_prefetch = 0 : i64, scratch_operands = 0 : i64, tpu.core_type = #tpu.core_type<tc>, window_params = [{transform_indices = @transform_0, window_bounds = array<i64: 1000, 3>}, {transform_indices = @transform_1, window_bounds = array<i64: 2, 1000, 40>}, {pipeline_mode = #tpu.pipeline_mode<synchronous>, transform_indices = @transform_2, window_bounds = array<i64: 3, 16>}, {pipeline_mode = #tpu.pipeline_mode<synchronous>, transform_indices = @transform_3, window_bounds = array<i64: 1, 16>}, {pipeline_mode = #tpu.pipeline_mode<synchronous>, transform_indices = @transform_4, window_bounds = array<i64: 16, 32>}, {pipeline_mode = #tpu.pipeline_mode<synchronous>, transform_indices = @transform_5, window_bounds = array<i64: 1, 32>}, {pipeline_mode = #tpu.pipeline_mode<synchronous>, transform_indices = @transform_6, window_bounds = array<i64: 16, 32>}, {pipeline_mode = #tpu.pipeline_mode<synchronous>, transform_indices = @transform_7, window_bounds = array<i64: 1, 32>}, {pipeline_mode = #tpu.pipeline_mode<synchronous>, transform_indices = @transform_8, window_bounds = array<i64: 1, 2, 16>}, {transform_indices = @transform_9, window_bounds = array<i64: 1000, 32>}, {transform_indices = @transform_10, window_bounds = array<i64: 1000, 32>}, {transform_indices = @transform_11, window_bounds = array<i64: 1000, 2>}, {transform_indices = @transform_12, window_bounds = array<i64: 1000, 32>}, {transform_indices = @transform_13, window_bounds = array<i64: 1000, 1>}]} {
    %get3A = arith.constant 0 : index
    %get3A_0 = arith.constant 0 : index
    %get3A_1 = vector.load %arg1[%get3A, %get3A_0] : memref<1000x3xf32, #tpu.memory_space<vmem>>, vector<1000x3xf32>
    %get3A_2 = arith.constant 0 : index
    %get3A_3 = arith.constant 0 : index
    %get3A_4 = vector.load %arg3[%get3A_2, %get3A_3] : memref<3x16xf32, #tpu.memory_space<vmem>>, vector<3x16xf32>
    %dot_general3A = arith.constant dense<0.000000e+00> : vector<1000x16xf32>
    %dot_general3A_5 = tpu.matmul %get3A_1, %get3A_4, %dot_general3A {dimension_numbers = #tpu.dot_dimension_numbers<[1], [0], [0], [1], [0, 0, 1, 1], [], []>, precision = #tpu.contract_precision<fp32>, transpose_lhs_hint = false} : vector<1000x3xf32>, vector<3x16xf32>, vector<1000x16xf32> -> vector<1000x16xf32>
    %get3A_6 = arith.constant 0 : index
    %get3A_7 = arith.constant 0 : index
    %get3A_8 = vector.load %arg4[%get3A_6, %get3A_7] : memref<1x16xf32, #tpu.memory_space<vmem>>, vector<1x16xf32>
    %add3A = vector.broadcast %get3A_8 : vector<1x16xf32> to vector<1000x16xf32>
    %add3A_9 = arith.addf %dot_general3A_5, %add3A : vector<1000x16xf32>
    %custom_jvp_call3A = arith.constant 0.000000e+00 : f32
    %max3A = vector.broadcast %custom_jvp_call3A : f32 to vector<1000x16xf32>
    %max3A_10 = arith.maximumf %add3A_9, %max3A : vector<1000x16xf32>
    %sub3A = vector.broadcast %custom_jvp_call3A : f32 to vector<1000x16xf32>
    %sub3A_11 = arith.subf %add3A_9, %sub3A : vector<1000x16xf32>
    %ne3A = arith.cmpf one, %sub3A_11, %sub3A_11 : vector<1000x16xf32>
    %add3A_12 = vector.broadcast %custom_jvp_call3A : f32 to vector<1000x16xf32>
    %add3A_13 = arith.addf %add3A_9, %add3A_12 : vector<1000x16xf32>
    %abs3A = math.absf %sub3A_11 : vector<1000x16xf32>
    %neg3A = arith.constant 0.000000e+00 : f32
    %neg3A_14 = vector.broadcast %neg3A : f32 to vector<1000x16xf32>
    %neg3A_15 = arith.subf %neg3A_14, %abs3A : vector<1000x16xf32>
    %exp3A = math.exp %neg3A_15 : vector<1000x16xf32>
    %log1p3A = math.log1p %exp3A : vector<1000x16xf32>
    %add3A_16 = arith.addf %max3A_10, %log1p3A : vector<1000x16xf32>
    %select_n3A = arith.select %ne3A, %add3A_13, %add3A_16 : vector<1000x16xi1>, vector<1000x16xf32>
    %get3A_17 = arith.constant 0 : index
    %get3A_18 = arith.constant 0 : index
    %get3A_19 = arith.constant 0 : index
    %get3A_20 = vector.load %arg2[%get3A_17, %get3A_18, %get3A_19] : memref<2x1000x40xf32, #tpu.memory_space<vmem>>, vector<1x1000x40xf32>
    %get3A_21 = vector.shape_cast %get3A_20 : vector<1x1000x40xf32> to vector<1000x40xf32>
    %get3A_22 = arith.constant 1 : index
    %get3A_23 = arith.constant 0 : index
    %get3A_24 = arith.constant 0 : index
    %get3A_25 = vector.load %arg2[%get3A_22, %get3A_23, %get3A_24] : memref<2x1000x40xf32, #tpu.memory_space<vmem>>, vector<1x1000x40xf32>
    %get3A_26 = vector.shape_cast %get3A_25 : vector<1x1000x40xf32> to vector<1000x40xf32>
    %slice3A = vector.extract_strided_slice %get3A_21 {offsets = [0, 32], sizes = [1000, 1], strides = [1, 1]} : vector<1000x40xf32> to vector<1000x1xf32>
    %max3A_27 = arith.constant 1.000000e+00 : f32
    %max3A_28 = vector.broadcast %max3A_27 : f32 to vector<1000x1xf32>
    %max3A_29 = arith.maximumf %slice3A, %max3A_28 : vector<1000x1xf32>
    %slice3A_30 = vector.extract_strided_slice %get3A_21 {offsets = [0, 0], sizes = [1000, 32], strides = [1, 1]} : vector<1000x40xf32> to vector<1000x32xf32>
    %div3A = vector.broadcast %max3A_29 : vector<1000x1xf32> to vector<1000x32xf32>
    %div3A_31 = arith.divf %slice3A_30, %div3A : vector<1000x32xf32>
    %slice3A_32 = vector.extract_strided_slice %get3A_26 {offsets = [0, 0], sizes = [1000, 32], strides = [1, 1]} : vector<1000x40xf32> to vector<1000x32xf32>
    %div3A_33 = vector.broadcast %max3A_29 : vector<1000x1xf32> to vector<1000x32xf32>
    %div3A_34 = arith.divf %slice3A_32, %div3A_33 : vector<1000x32xf32>
    %add3A_35 = arith.constant 1.000000e+00 : f32
    %add3A_36 = vector.broadcast %add3A_35 : f32 to vector<1000x1xf32>
    %add3A_37 = arith.addf %slice3A, %add3A_36 : vector<1000x1xf32>
    %swap3A = arith.constant 0 : index
    %swap3A_38 = arith.constant 0 : index
    %swap3A_39 = vector.load %arg14[%swap3A, %swap3A_38] : memref<1000x1xf32, #tpu.memory_space<vmem>>, vector<1000x1xf32>
    tpu.vector_store %arg14[%swap3A, %swap3A_38], %add3A_37 {strides = array<i32>} : memref<1000x1xf32, #tpu.memory_space<vmem>>, vector<1000x1xf32>,
    %swap3A_40 = arith.constant 0 : index
    %swap3A_41 = arith.constant 0 : index
    %swap3A_42 = vector.load %arg13[%swap3A_40, %swap3A_41] : memref<1000x32xf32, #tpu.memory_space<vmem>>, vector<1000x32xf32>
    tpu.vector_store %arg13[%swap3A_40, %swap3A_41], %div3A_34 {strides = array<i32>} : memref<1000x32xf32, #tpu.memory_space<vmem>>, vector<1000x32xf32>,
    %get3A_43 = arith.constant 0 : index
    %get3A_44 = arith.constant 0 : index
    %get3A_45 = vector.load %arg5[%get3A_43, %get3A_44] : memref<16x32xf32, #tpu.memory_space<vmem>>, vector<16x32xf32>
    %dot_general3A_46 = arith.constant dense<0.000000e+00> : vector<1000x32xf32>
    %dot_general3A_47 = tpu.matmul %select_n3A, %get3A_45, %dot_general3A_46 {dimension_numbers = #tpu.dot_dimension_numbers<[1], [0], [0], [1], [0, 0, 1, 1], [], []>, precision = #tpu.contract_precision<fp32>, transpose_lhs_hint = false} : vector<1000x16xf32>, vector<16x32xf32>, vector<1000x32xf32> -> vector<1000x32xf32>
    %get3A_48 = arith.constant 0 : index
    %get3A_49 = arith.constant 0 : index
    %get3A_50 = vector.load %arg6[%get3A_48, %get3A_49] : memref<1x32xf32, #tpu.memory_space<vmem>>, vector<1x32xf32>
    %add3A_51 = vector.broadcast %get3A_50 : vector<1x32xf32> to vector<1000x32xf32>
    %add3A_52 = arith.addf %dot_general3A_47, %add3A_51 : vector<1000x32xf32>
    %get3A_53 = arith.constant 0 : index
    %get3A_54 = arith.constant 0 : index
    %get3A_55 = vector.load %arg7[%get3A_53, %get3A_54] : memref<16x32xf32, #tpu.memory_space<vmem>>, vector<16x32xf32>
    %dot_general3A_56 = arith.constant dense<0.000000e+00> : vector<1000x32xf32>
    %dot_general3A_57 = tpu.matmul %select_n3A, %get3A_55, %dot_general3A_56 {dimension_numbers = #tpu.dot_dimension_numbers<[1], [0], [0], [1], [0, 0, 1, 1], [], []>, precision = #tpu.contract_precision<fp32>, transpose_lhs_hint = false} : vector<1000x16xf32>, vector<16x32xf32>, vector<1000x32xf32> -> vector<1000x32xf32>
    %get3A_58 = arith.constant 0 : index
    %get3A_59 = arith.constant 0 : index
    %get3A_60 = vector.load %arg8[%get3A_58, %get3A_59] : memref<1x32xf32, #tpu.memory_space<vmem>>, vector<1x32xf32>
    %add3A_61 = vector.broadcast %get3A_60 : vector<1x32xf32> to vector<1000x32xf32>
    %add3A_62 = arith.addf %dot_general3A_57, %add3A_61 : vector<1000x32xf32>
    %swap3A_63 = arith.constant 0 : index
    %swap3A_64 = arith.constant 0 : index
    %swap3A_65 = vector.load %arg10[%swap3A_63, %swap3A_64] : memref<1000x32xf32, #tpu.memory_space<vmem>>, vector<1000x32xf32>
    tpu.vector_store %arg10[%swap3A_63, %swap3A_64], %add3A_52 {strides = array<i32>} : memref<1000x32xf32, #tpu.memory_space<vmem>>, vector<1000x32xf32>,
    %swap3A_66 = arith.constant 0 : index
    %swap3A_67 = arith.constant 0 : index
    %swap3A_68 = vector.load %arg11[%swap3A_66, %swap3A_67] : memref<1000x32xf32, #tpu.memory_space<vmem>>, vector<1000x32xf32>
    tpu.vector_store %arg11[%swap3A_66, %swap3A_67], %add3A_62 {strides = array<i32>} : memref<1000x32xf32, #tpu.memory_space<vmem>>, vector<1000x32xf32>,
    %add3A_69 = arith.addf %add3A_52, %add3A_62 : vector<1000x32xf32>
    %add3A_70 = arith.addf %add3A_69, %div3A_31 : vector<1000x32xf32>
    %mul3A = arith.constant 2.000000e-01 : f32
    %mul3A_71 = vector.broadcast %mul3A : f32 to vector<1000x32xf32>
    %mul3A_72 = arith.mulf %add3A_70, %mul3A_71 : vector<1000x32xf32>
    %max3A_73 = arith.maximumf %add3A_70, %mul3A_72 : vector<1000x32xf32>
    %reshape3A = vector.shape_cast %max3A_73 : vector<1000x32xf32> to vector<1000x2x16xf32>
    %get3A_74 = arith.constant 0 : index
    %get3A_75 = arith.constant 0 : index
    %get3A_76 = arith.constant 0 : index
    %get3A_77 = vector.load %arg9[%get3A_74, %get3A_75, %get3A_76] : memref<1x2x16xf32, #tpu.memory_space<vmem>>, vector<1x2x16xf32>
    %mul3A_78 = vector.broadcast %get3A_77 : vector<1x2x16xf32> to vector<1000x2x16xf32>
    %mul3A_79 = arith.mulf %reshape3A, %mul3A_78 : vector<1000x2x16xf32>
    %reduce_sum3A = arith.constant dense<0.000000e+00> : vector<1000x2xf32>
    %reduce_sum3A_80 = vector.multi_reduction <add>, %mul3A_79, %reduce_sum3A [2] : vector<1000x2x16xf32> to vector<1000x2xf32>
    %exp3A_81 = math.exp %reduce_sum3A_80 : vector<1000x2xf32>
    %swap3A_82 = arith.constant 0 : index
    %swap3A_83 = arith.constant 0 : index
    %swap3A_84 = vector.load %arg12[%swap3A_82, %swap3A_83] : memref<1000x2xf32, #tpu.memory_space<vmem>>, vector<1000x2xf32>
    tpu.vector_store %arg12[%swap3A_82, %swap3A_83], %exp3A_81 {strides = array<i32>} : memref<1000x2xf32, #tpu.memory_space<vmem>>, vector<1000x2xf32>,
    return
  }
  func.func @transform_0(%arg0: i32) -> (i32, i32) {
    %c0_i32 = arith.constant 0 : i32
    %c0_i32_0 = arith.constant 0 : i32
    return %arg0, %c0_i32 : i32, i32
  }
  func.func @transform_1(%arg0: i32) -> (i32, i32, i32) {
    %c0_i32 = arith.constant 0 : i32
    %c0_i32_0 = arith.constant 0 : i32
    %c0_i32_1 = arith.constant 0 : i32
    return %c0_i32, %arg0, %c0_i32_0 : i32, i32, i32
  }
  func.func @transform_2(%arg0: i32) -> (i32, i32) {
    %c0_i32 = arith.constant 0 : i32
    %c0_i32_0 = arith.constant 0 : i32
    %c0_i32_1 = arith.constant 0 : i32
    return %c0_i32, %c0_i32_0 : i32, i32
  }
  func.func @transform_3(%arg0: i32) -> (i32, i32) {
    %c0_i32 = arith.constant 0 : i32
    %c0_i32_0 = arith.constant 0 : i32
    %c0_i32_1 = arith.constant 0 : i32
    return %c0_i32, %c0_i32_0 : i32, i32
  }
  func.func @transform_4(%arg0: i32) -> (i32, i32) {
    %c0_i32 = arith.constant 0 : i32
    %c0_i32_0 = arith.constant 0 : i32
    %c0_i32_1 = arith.constant 0 : i32
    return %c0_i32, %c0_i32_0 : i32, i32
  }
  func.func @transform_5(%arg0: i32) -> (i32, i32) {
    %c0_i32 = arith.constant 0 : i32
    %c0_i32_0 = arith.constant 0 : i32
    %c0_i32_1 = arith.constant 0 : i32
    return %c0_i32, %c0_i32_0 : i32, i32
  }
  func.func @transform_6(%arg0: i32) -> (i32, i32) {
    %c0_i32 = arith.constant 0 : i32
    %c0_i32_0 = arith.constant 0 : i32
    %c0_i32_1 = arith.constant 0 : i32
    return %c0_i32, %c0_i32_0 : i32, i32
  }
  func.func @transform_7(%arg0: i32) -> (i32, i32) {
    %c0_i32 = arith.constant 0 : i32
    %c0_i32_0 = arith.constant 0 : i32
    %c0_i32_1 = arith.constant 0 : i32
    return %c0_i32, %c0_i32_0 : i32, i32
  }
  func.func @transform_8(%arg0: i32) -> (i32, i32, i32) {
    %c0_i32 = arith.constant 0 : i32
    %c0_i32_0 = arith.constant 0 : i32
    %c0_i32_1 = arith.constant 0 : i32
    %c0_i32_2 = arith.constant 0 : i32
    return %c0_i32, %c0_i32_0, %c0_i32_1 : i32, i32, i32
  }
  func.func @transform_9(%arg0: i32) -> (i32, i32) {
    %c0_i32 = arith.constant 0 : i32
    %c0_i32_0 = arith.constant 0 : i32
    return %arg0, %c0_i32 : i32, i32
  }
  func.func @transform_10(%arg0: i32) -> (i32, i32) {
    %c0_i32 = arith.constant 0 : i32
    %c0_i32_0 = arith.constant 0 : i32
    return %arg0, %c0_i32 : i32, i32
  }
  func.func @transform_11(%arg0: i32) -> (i32, i32) {
    %c0_i32 = arith.constant 0 : i32
    %c0_i32_0 = arith.constant 0 : i32
    return %arg0, %c0_i32 : i32, i32
  }
  func.func @transform_12(%arg0: i32) -> (i32, i32) {
    %c0_i32 = arith.constant 0 : i32
    %c0_i32_0 = arith.constant 0 : i32
    return %arg0, %c0_i32 : i32, i32
  }
  func.func @transform_13(%arg0: i32) -> (i32, i32) {
    %c0_i32 = arith.constant 0 : i32
    %c0_i32_0 = arith.constant 0 : i32
    return %arg0, %c0_i32 : i32, i32
  }
}

module attributes {stable_mosaic.version = 14 : i64} {
  func.func @body(%arg0: i32, %arg1: memref<2x1000x40xf32, #tpu.memory_space<vmem>>, %arg2: memref<1000x32xf32, #tpu.memory_space<vmem>>, %arg3: memref<1000x2xf32, #tpu.memory_space<vmem>>, %arg4: memref<1000x1xf32, #tpu.memory_space<vmem>>, %arg5: memref<1x16xf32, #tpu.memory_space<vmem>>, %arg6: memref<1000x32xf32, #tpu.memory_space<vmem>>, %arg7: memref<16x32xf32, #tpu.memory_space<vmem>>, %arg8: memref<1x32xf32, #tpu.memory_space<vmem>>, %arg9: memref<16x32xf32, #tpu.memory_space<vmem>>, %arg10: memref<1x32xf32, #tpu.memory_space<vmem>>, %arg11: memref<1x2x16xf32, #tpu.memory_space<vmem>>, %arg12: memref<1000x32xf32, #tpu.memory_space<vmem>>, %arg13: memref<1000x32xf32, #tpu.memory_space<vmem>>, %arg14: memref<1000x2xf32, #tpu.memory_space<vmem>>) attributes {dimension_semantics = [#tpu.dimension_semantics<arbitrary>], iteration_bounds = array<i64: 50>, scalar_prefetch = 0 : i64, scratch_operands = 0 : i64, tpu.core_type = #tpu.core_type<tc>, window_params = [{transform_indices = @transform_0, window_bounds = array<i64: 2, 1000, 40>}, {transform_indices = @transform_1, window_bounds = array<i64: 1000, 32>}, {transform_indices = @transform_2, window_bounds = array<i64: 1000, 2>}, {transform_indices = @transform_3, window_bounds = array<i64: 1000, 1>}, {pipeline_mode = #tpu.pipeline_mode<synchronous>, transform_indices = @transform_4, window_bounds = array<i64: 1, 16>}, {transform_indices = @transform_5, window_bounds = array<i64: 1000, 32>}, {pipeline_mode = #tpu.pipeline_mode<synchronous>, transform_indices = @transform_6, window_bounds = array<i64: 16, 32>}, {pipeline_mode = #tpu.pipeline_mode<synchronous>, transform_indices = @transform_7, window_bounds = array<i64: 1, 32>}, {pipeline_mode = #tpu.pipeline_mode<synchronous>, transform_indices = @transform_8, window_bounds = array<i64: 16, 32>}, {pipeline_mode = #tpu.pipeline_mode<synchronous>, transform_indices = @transform_9, window_bounds = array<i64: 1, 32>}, {pipeline_mode = #tpu.pipeline_mode<synchronous>, transform_indices = @transform_10, window_bounds = array<i64: 1, 2, 16>}, {transform_indices = @transform_11, window_bounds = array<i64: 1000, 32>}, {transform_indices = @transform_12, window_bounds = array<i64: 1000, 32>}, {transform_indices = @transform_13, window_bounds = array<i64: 1000, 2>}]} {
    %get3A = arith.constant 0 : index
    %get3A_0 = arith.constant 0 : index
    %get3A_1 = arith.constant 0 : index
    %get3A_2 = vector.load %arg1[%get3A, %get3A_0, %get3A_1] : memref<2x1000x40xf32, #tpu.memory_space<vmem>>, vector<2x1000x40xf32>
    %get3A_3 = arith.constant 0 : index
    %get3A_4 = arith.constant 0 : index
    %get3A_5 = vector.load %arg2[%get3A_3, %get3A_4] : memref<1000x32xf32, #tpu.memory_space<vmem>>, vector<1000x32xf32>
    %get3A_6 = arith.constant 0 : index
    %get3A_7 = arith.constant 0 : index
    %get3A_8 = vector.load %arg3[%get3A_6, %get3A_7] : memref<1000x2xf32, #tpu.memory_space<vmem>>, vector<1000x2xf32>
    %get3A_9 = arith.constant 0 : index
    %get3A_10 = arith.constant 0 : index
    %get3A_11 = vector.load %arg4[%get3A_9, %get3A_10] : memref<1000x1xf32, #tpu.memory_space<vmem>>, vector<1000x1xf32>
    %get3A_12 = arith.constant 0 : index
    %get3A_13 = arith.constant 0 : index
    %get3A_14 = vector.load %arg5[%get3A_12, %get3A_13] : memref<1x16xf32, #tpu.memory_space<vmem>>, vector<1x16xf32>
    %slice3A = vector.extract_strided_slice %get3A_2 {offsets = [0, 0, 0], sizes = [1, 1000, 40], strides = [1, 1, 1]} : vector<2x1000x40xf32> to vector<1x1000x40xf32>
    %squeeze3A = vector.shape_cast %slice3A : vector<1x1000x40xf32> to vector<1000x40xf32>
    %slice3A_15 = vector.extract_strided_slice %get3A_2 {offsets = [1, 0, 0], sizes = [1, 1000, 40], strides = [1, 1, 1]} : vector<2x1000x40xf32> to vector<1x1000x40xf32>
    %squeeze3A_16 = vector.shape_cast %slice3A_15 : vector<1x1000x40xf32> to vector<1000x40xf32>
    %add3A = arith.addf %squeeze3A, %squeeze3A_16 : vector<1000x40xf32>
    %slice3A_17 = vector.extract_strided_slice %add3A {offsets = [0, 0], sizes = [1000, 32], strides = [1, 1]} : vector<1000x40xf32> to vector<1000x32xf32>
    %reshape3A = vector.shape_cast %slice3A_17 : vector<1000x32xf32> to vector<1000x2x16xf32>
    %broadcast_in_dim3A = vector.shape_cast %get3A_8 : vector<1000x2xf32> to vector<1000x2x1xf32>
    %reshape3A_18 = vector.shape_cast %get3A_5 : vector<1000x32xf32> to vector<1000x2x16xf32>
    %mul3A = vector.broadcast %broadcast_in_dim3A : vector<1000x2x1xf32> to vector<1000x2x16xf32>
    %mul3A_19 = arith.mulf %mul3A, %reshape3A_18 : vector<1000x2x16xf32>
    %add3A_20 = arith.addf %reshape3A, %mul3A_19 : vector<1000x2x16xf32>
    %slice3A_21 = vector.extract_strided_slice %add3A {offsets = [0, 32], sizes = [1000, 2], strides = [1, 1]} : vector<1000x40xf32> to vector<1000x2xf32>
    %add3A_22 = arith.addf %slice3A_21, %get3A_8 : vector<1000x2xf32>
    %broadcast_in_dim3A_23 = vector.shape_cast %add3A_22 : vector<1000x2xf32> to vector<1000x2x1xf32>
    %div3A = vector.broadcast %broadcast_in_dim3A_23 : vector<1000x2x1xf32> to vector<1000x2x16xf32>
    %div3A_24 = arith.divf %add3A_20, %div3A : vector<1000x2x16xf32>
    %reduce_sum3A = arith.constant dense<0.000000e+00> : vector<1000x16xf32>
    %reduce_sum3A_25 = vector.multi_reduction <add>, %div3A_24, %reduce_sum3A [1] : vector<1000x2x16xf32> to vector<1000x16xf32>
    %div3A_26 = arith.constant 5.000000e-01 : f32
    %div3A_27 = vector.broadcast %div3A_26 : f32 to vector<1000x1xf32>
    %div3A_28 = arith.divf %div3A_27, %get3A_11 : vector<1000x1xf32>
    %mul3A_29 = vector.broadcast %div3A_28 : vector<1000x1xf32> to vector<1000x16xf32>
    %mul3A_30 = arith.mulf %reduce_sum3A_25, %mul3A_29 : vector<1000x16xf32>
    %add3A_31 = vector.broadcast %get3A_14 : vector<1x16xf32> to vector<1000x16xf32>
    %add3A_32 = arith.addf %mul3A_30, %add3A_31 : vector<1000x16xf32>
    %custom_jvp_call3A = arith.constant 0.000000e+00 : f32
    %max3A = vector.broadcast %custom_jvp_call3A : f32 to vector<1000x16xf32>
    %max3A_33 = arith.maximumf %add3A_32, %max3A : vector<1000x16xf32>
    %sub3A = vector.broadcast %custom_jvp_call3A : f32 to vector<1000x16xf32>
    %sub3A_34 = arith.subf %add3A_32, %sub3A : vector<1000x16xf32>
    %ne3A = arith.cmpf one, %sub3A_34, %sub3A_34 : vector<1000x16xf32>
    %add3A_35 = vector.broadcast %custom_jvp_call3A : f32 to vector<1000x16xf32>
    %add3A_36 = arith.addf %add3A_32, %add3A_35 : vector<1000x16xf32>
    %abs3A = math.absf %sub3A_34 : vector<1000x16xf32>
    %neg3A = arith.constant 0.000000e+00 : f32
    %neg3A_37 = vector.broadcast %neg3A : f32 to vector<1000x16xf32>
    %neg3A_38 = arith.subf %neg3A_37, %abs3A : vector<1000x16xf32>
    %exp3A = math.exp %neg3A_38 : vector<1000x16xf32>
    %log1p3A = math.log1p %exp3A : vector<1000x16xf32>
    %add3A_39 = arith.addf %max3A_33, %log1p3A : vector<1000x16xf32>
    %select_n3A = arith.select %ne3A, %add3A_36, %add3A_39 : vector<1000x16xi1>, vector<1000x16xf32>
    %get3A_40 = arith.constant 0 : index
    %get3A_41 = arith.constant 0 : index
    %get3A_42 = vector.load %arg7[%get3A_40, %get3A_41] : memref<16x32xf32, #tpu.memory_space<vmem>>, vector<16x32xf32>
    %dot_general3A = arith.constant dense<0.000000e+00> : vector<1000x32xf32>
    %dot_general3A_43 = tpu.matmul %select_n3A, %get3A_42, %dot_general3A {dimension_numbers = #tpu.dot_dimension_numbers<[1], [0], [0], [1], [0, 0, 1, 1], [], []>, precision = #tpu.contract_precision<fp32>, transpose_lhs_hint = false} : vector<1000x16xf32>, vector<16x32xf32>, vector<1000x32xf32> -> vector<1000x32xf32>
    %get3A_44 = arith.constant 0 : index
    %get3A_45 = arith.constant 0 : index
    %get3A_46 = vector.load %arg8[%get3A_44, %get3A_45] : memref<1x32xf32, #tpu.memory_space<vmem>>, vector<1x32xf32>
    %add3A_47 = vector.broadcast %get3A_46 : vector<1x32xf32> to vector<1000x32xf32>
    %add3A_48 = arith.addf %dot_general3A_43, %add3A_47 : vector<1000x32xf32>
    %get3A_49 = arith.constant 0 : index
    %get3A_50 = arith.constant 0 : index
    %get3A_51 = vector.load %arg9[%get3A_49, %get3A_50] : memref<16x32xf32, #tpu.memory_space<vmem>>, vector<16x32xf32>
    %dot_general3A_52 = arith.constant dense<0.000000e+00> : vector<1000x32xf32>
    %dot_general3A_53 = tpu.matmul %select_n3A, %get3A_51, %dot_general3A_52 {dimension_numbers = #tpu.dot_dimension_numbers<[1], [0], [0], [1], [0, 0, 1, 1], [], []>, precision = #tpu.contract_precision<fp32>, transpose_lhs_hint = false} : vector<1000x16xf32>, vector<16x32xf32>, vector<1000x32xf32> -> vector<1000x32xf32>
    %get3A_54 = arith.constant 0 : index
    %get3A_55 = arith.constant 0 : index
    %get3A_56 = vector.load %arg10[%get3A_54, %get3A_55] : memref<1x32xf32, #tpu.memory_space<vmem>>, vector<1x32xf32>
    %add3A_57 = vector.broadcast %get3A_56 : vector<1x32xf32> to vector<1000x32xf32>
    %add3A_58 = arith.addf %dot_general3A_53, %add3A_57 : vector<1000x32xf32>
    %swap3A = arith.constant 0 : index
    %swap3A_59 = arith.constant 0 : index
    %swap3A_60 = vector.load %arg12[%swap3A, %swap3A_59] : memref<1000x32xf32, #tpu.memory_space<vmem>>, vector<1000x32xf32>
    tpu.vector_store %arg12[%swap3A, %swap3A_59], %add3A_48 {strides = array<i32>} : memref<1000x32xf32, #tpu.memory_space<vmem>>, vector<1000x32xf32>,
    %swap3A_61 = arith.constant 0 : index
    %swap3A_62 = arith.constant 0 : index
    %swap3A_63 = vector.load %arg13[%swap3A_61, %swap3A_62] : memref<1000x32xf32, #tpu.memory_space<vmem>>, vector<1000x32xf32>
    tpu.vector_store %arg13[%swap3A_61, %swap3A_62], %add3A_58 {strides = array<i32>} : memref<1000x32xf32, #tpu.memory_space<vmem>>, vector<1000x32xf32>,
    %add3A_64 = arith.addf %add3A_48, %add3A_58 : vector<1000x32xf32>
    %get3A_65 = arith.constant 0 : index
    %get3A_66 = arith.constant 0 : index
    %get3A_67 = vector.load %arg6[%get3A_65, %get3A_66] : memref<1000x32xf32, #tpu.memory_space<vmem>>, vector<1000x32xf32>
    %add3A_68 = arith.addf %add3A_64, %get3A_67 : vector<1000x32xf32>
    %mul3A_69 = arith.constant 2.000000e-01 : f32
    %mul3A_70 = vector.broadcast %mul3A_69 : f32 to vector<1000x32xf32>
    %mul3A_71 = arith.mulf %add3A_68, %mul3A_70 : vector<1000x32xf32>
    %max3A_72 = arith.maximumf %add3A_68, %mul3A_71 : vector<1000x32xf32>
    %reshape3A_73 = vector.shape_cast %max3A_72 : vector<1000x32xf32> to vector<1000x2x16xf32>
    %get3A_74 = arith.constant 0 : index
    %get3A_75 = arith.constant 0 : index
    %get3A_76 = arith.constant 0 : index
    %get3A_77 = vector.load %arg11[%get3A_74, %get3A_75, %get3A_76] : memref<1x2x16xf32, #tpu.memory_space<vmem>>, vector<1x2x16xf32>
    %mul3A_78 = vector.broadcast %get3A_77 : vector<1x2x16xf32> to vector<1000x2x16xf32>
    %mul3A_79 = arith.mulf %reshape3A_73, %mul3A_78 : vector<1000x2x16xf32>
    %reduce_sum3A_80 = arith.constant dense<0.000000e+00> : vector<1000x2xf32>
    %reduce_sum3A_81 = vector.multi_reduction <add>, %mul3A_79, %reduce_sum3A_80 [2] : vector<1000x2x16xf32> to vector<1000x2xf32>
    %exp3A_82 = math.exp %reduce_sum3A_81 : vector<1000x2xf32>
    %swap3A_83 = arith.constant 0 : index
    %swap3A_84 = arith.constant 0 : index
    %swap3A_85 = vector.load %arg14[%swap3A_83, %swap3A_84] : memref<1000x2xf32, #tpu.memory_space<vmem>>, vector<1000x2xf32>
    tpu.vector_store %arg14[%swap3A_83, %swap3A_84], %exp3A_82 {strides = array<i32>} : memref<1000x2xf32, #tpu.memory_space<vmem>>, vector<1000x2xf32>,
    return
  }
  func.func @transform_0(%arg0: i32) -> (i32, i32, i32) {
    %c0_i32 = arith.constant 0 : i32
    %c0_i32_0 = arith.constant 0 : i32
    %c0_i32_1 = arith.constant 0 : i32
    return %c0_i32, %arg0, %c0_i32_0 : i32, i32, i32
  }
  func.func @transform_1(%arg0: i32) -> (i32, i32) {
    %c0_i32 = arith.constant 0 : i32
    %c0_i32_0 = arith.constant 0 : i32
    return %arg0, %c0_i32 : i32, i32
  }
  func.func @transform_2(%arg0: i32) -> (i32, i32) {
    %c0_i32 = arith.constant 0 : i32
    %c0_i32_0 = arith.constant 0 : i32
    return %arg0, %c0_i32 : i32, i32
  }
  func.func @transform_3(%arg0: i32) -> (i32, i32) {
    %c0_i32 = arith.constant 0 : i32
    %c0_i32_0 = arith.constant 0 : i32
    return %arg0, %c0_i32 : i32, i32
  }
  func.func @transform_4(%arg0: i32) -> (i32, i32) {
    %c0_i32 = arith.constant 0 : i32
    %c0_i32_0 = arith.constant 0 : i32
    %c0_i32_1 = arith.constant 0 : i32
    return %c0_i32, %c0_i32_0 : i32, i32
  }
  func.func @transform_5(%arg0: i32) -> (i32, i32) {
    %c0_i32 = arith.constant 0 : i32
    %c0_i32_0 = arith.constant 0 : i32
    return %arg0, %c0_i32 : i32, i32
  }
  func.func @transform_6(%arg0: i32) -> (i32, i32) {
    %c0_i32 = arith.constant 0 : i32
    %c0_i32_0 = arith.constant 0 : i32
    %c0_i32_1 = arith.constant 0 : i32
    return %c0_i32, %c0_i32_0 : i32, i32
  }
  func.func @transform_7(%arg0: i32) -> (i32, i32) {
    %c0_i32 = arith.constant 0 : i32
    %c0_i32_0 = arith.constant 0 : i32
    %c0_i32_1 = arith.constant 0 : i32
    return %c0_i32, %c0_i32_0 : i32, i32
  }
  func.func @transform_8(%arg0: i32) -> (i32, i32) {
    %c0_i32 = arith.constant 0 : i32
    %c0_i32_0 = arith.constant 0 : i32
    %c0_i32_1 = arith.constant 0 : i32
    return %c0_i32, %c0_i32_0 : i32, i32
  }
  func.func @transform_9(%arg0: i32) -> (i32, i32) {
    %c0_i32 = arith.constant 0 : i32
    %c0_i32_0 = arith.constant 0 : i32
    %c0_i32_1 = arith.constant 0 : i32
    return %c0_i32, %c0_i32_0 : i32, i32
  }
  func.func @transform_10(%arg0: i32) -> (i32, i32, i32) {
    %c0_i32 = arith.constant 0 : i32
    %c0_i32_0 = arith.constant 0 : i32
    %c0_i32_1 = arith.constant 0 : i32
    %c0_i32_2 = arith.constant 0 : i32
    return %c0_i32, %c0_i32_0, %c0_i32_1 : i32, i32, i32
  }
  func.func @transform_11(%arg0: i32) -> (i32, i32) {
    %c0_i32 = arith.constant 0 : i32
    %c0_i32_0 = arith.constant 0 : i32
    return %arg0, %c0_i32 : i32, i32
  }
  func.func @transform_12(%arg0: i32) -> (i32, i32) {
    %c0_i32 = arith.constant 0 : i32
    %c0_i32_0 = arith.constant 0 : i32
    return %arg0, %c0_i32 : i32, i32
  }
  func.func @transform_13(%arg0: i32) -> (i32, i32) {
    %c0_i32 = arith.constant 0 : i32
    %c0_i32_0 = arith.constant 0 : i32
    return %arg0, %c0_i32 : i32, i32
  }
}

module attributes {stable_mosaic.version = 14 : i64} {
  func.func @body(%arg0: i32, %arg1: memref<2x1000x40xf32, #tpu.memory_space<vmem>>, %arg2: memref<1000x32xf32, #tpu.memory_space<vmem>>, %arg3: memref<1000x2xf32, #tpu.memory_space<vmem>>, %arg4: memref<1000x1xf32, #tpu.memory_space<vmem>>, %arg5: memref<1x16xf32, #tpu.memory_space<vmem>>, %arg6: memref<16x16xf32, #tpu.memory_space<vmem>>, %arg7: memref<1x16xf32, #tpu.memory_space<vmem>>, %arg8: memref<16x3xf32, #tpu.memory_space<vmem>>, %arg9: memref<1x3xf32, #tpu.memory_space<vmem>>, %arg10: memref<1000x1xf32, #tpu.memory_space<vmem>>, %arg11: memref<1000x3xf32, #tpu.memory_space<vmem>>) attributes {dimension_semantics = [#tpu.dimension_semantics<arbitrary>], iteration_bounds = array<i64: 50>, scalar_prefetch = 0 : i64, scratch_operands = 0 : i64, tpu.core_type = #tpu.core_type<tc>, window_params = [{transform_indices = @transform_0, window_bounds = array<i64: 2, 1000, 40>}, {transform_indices = @transform_1, window_bounds = array<i64: 1000, 32>}, {transform_indices = @transform_2, window_bounds = array<i64: 1000, 2>}, {transform_indices = @transform_3, window_bounds = array<i64: 1000, 1>}, {pipeline_mode = #tpu.pipeline_mode<synchronous>, transform_indices = @transform_4, window_bounds = array<i64: 1, 16>}, {pipeline_mode = #tpu.pipeline_mode<synchronous>, transform_indices = @transform_5, window_bounds = array<i64: 16, 16>}, {pipeline_mode = #tpu.pipeline_mode<synchronous>, transform_indices = @transform_6, window_bounds = array<i64: 1, 16>}, {pipeline_mode = #tpu.pipeline_mode<synchronous>, transform_indices = @transform_7, window_bounds = array<i64: 16, 3>}, {pipeline_mode = #tpu.pipeline_mode<synchronous>, transform_indices = @transform_8, window_bounds = array<i64: 1, 3>}, {transform_indices = @transform_9, window_bounds = array<i64: 1000, 1>}, {transform_indices = @transform_10, window_bounds = array<i64: 1000, 3>}]} {
    %get3A = arith.constant 0 : index
    %get3A_0 = arith.constant 0 : index
    %get3A_1 = arith.constant 0 : index
    %get3A_2 = vector.load %arg1[%get3A, %get3A_0, %get3A_1] : memref<2x1000x40xf32, #tpu.memory_space<vmem>>, vector<2x1000x40xf32>
    %get3A_3 = arith.constant 0 : index
    %get3A_4 = arith.constant 0 : index
    %get3A_5 = vector.load %arg2[%get3A_3, %get3A_4] : memref<1000x32xf32, #tpu.memory_space<vmem>>, vector<1000x32xf32>
    %get3A_6 = arith.constant 0 : index
    %get3A_7 = arith.constant 0 : index
    %get3A_8 = vector.load %arg3[%get3A_6, %get3A_7] : memref<1000x2xf32, #tpu.memory_space<vmem>>, vector<1000x2xf32>
    %get3A_9 = arith.constant 0 : index
    %get3A_10 = arith.constant 0 : index
    %get3A_11 = vector.load %arg4[%get3A_9, %get3A_10] : memref<1000x1xf32, #tpu.memory_space<vmem>>, vector<1000x1xf32>
    %get3A_12 = arith.constant 0 : index
    %get3A_13 = arith.constant 0 : index
    %get3A_14 = vector.load %arg5[%get3A_12, %get3A_13] : memref<1x16xf32, #tpu.memory_space<vmem>>, vector<1x16xf32>
    %slice3A = vector.extract_strided_slice %get3A_2 {offsets = [0, 0, 0], sizes = [1, 1000, 40], strides = [1, 1, 1]} : vector<2x1000x40xf32> to vector<1x1000x40xf32>
    %squeeze3A = vector.shape_cast %slice3A : vector<1x1000x40xf32> to vector<1000x40xf32>
    %slice3A_15 = vector.extract_strided_slice %get3A_2 {offsets = [1, 0, 0], sizes = [1, 1000, 40], strides = [1, 1, 1]} : vector<2x1000x40xf32> to vector<1x1000x40xf32>
    %squeeze3A_16 = vector.shape_cast %slice3A_15 : vector<1x1000x40xf32> to vector<1000x40xf32>
    %add3A = arith.addf %squeeze3A, %squeeze3A_16 : vector<1000x40xf32>
    %slice3A_17 = vector.extract_strided_slice %add3A {offsets = [0, 0], sizes = [1000, 32], strides = [1, 1]} : vector<1000x40xf32> to vector<1000x32xf32>
    %reshape3A = vector.shape_cast %slice3A_17 : vector<1000x32xf32> to vector<1000x2x16xf32>
    %broadcast_in_dim3A = vector.shape_cast %get3A_8 : vector<1000x2xf32> to vector<1000x2x1xf32>
    %reshape3A_18 = vector.shape_cast %get3A_5 : vector<1000x32xf32> to vector<1000x2x16xf32>
    %mul3A = vector.broadcast %broadcast_in_dim3A : vector<1000x2x1xf32> to vector<1000x2x16xf32>
    %mul3A_19 = arith.mulf %mul3A, %reshape3A_18 : vector<1000x2x16xf32>
    %add3A_20 = arith.addf %reshape3A, %mul3A_19 : vector<1000x2x16xf32>
    %slice3A_21 = vector.extract_strided_slice %add3A {offsets = [0, 32], sizes = [1000, 2], strides = [1, 1]} : vector<1000x40xf32> to vector<1000x2xf32>
    %add3A_22 = arith.addf %slice3A_21, %get3A_8 : vector<1000x2xf32>
    %broadcast_in_dim3A_23 = vector.shape_cast %add3A_22 : vector<1000x2xf32> to vector<1000x2x1xf32>
    %div3A = vector.broadcast %broadcast_in_dim3A_23 : vector<1000x2x1xf32> to vector<1000x2x16xf32>
    %div3A_24 = arith.divf %add3A_20, %div3A : vector<1000x2x16xf32>
    %reduce_sum3A = arith.constant dense<0.000000e+00> : vector<1000x16xf32>
    %reduce_sum3A_25 = vector.multi_reduction <add>, %div3A_24, %reduce_sum3A [1] : vector<1000x2x16xf32> to vector<1000x16xf32>
    %div3A_26 = arith.constant 5.000000e-01 : f32
    %div3A_27 = vector.broadcast %div3A_26 : f32 to vector<1000x1xf32>
    %div3A_28 = arith.divf %div3A_27, %get3A_11 : vector<1000x1xf32>
    %mul3A_29 = vector.broadcast %div3A_28 : vector<1000x1xf32> to vector<1000x16xf32>
    %mul3A_30 = arith.mulf %reduce_sum3A_25, %mul3A_29 : vector<1000x16xf32>
    %add3A_31 = vector.broadcast %get3A_14 : vector<1x16xf32> to vector<1000x16xf32>
    %add3A_32 = arith.addf %mul3A_30, %add3A_31 : vector<1000x16xf32>
    %custom_jvp_call3A = arith.constant 0.000000e+00 : f32
    %max3A = vector.broadcast %custom_jvp_call3A : f32 to vector<1000x16xf32>
    %max3A_33 = arith.maximumf %add3A_32, %max3A : vector<1000x16xf32>
    %sub3A = vector.broadcast %custom_jvp_call3A : f32 to vector<1000x16xf32>
    %sub3A_34 = arith.subf %add3A_32, %sub3A : vector<1000x16xf32>
    %ne3A = arith.cmpf one, %sub3A_34, %sub3A_34 : vector<1000x16xf32>
    %add3A_35 = vector.broadcast %custom_jvp_call3A : f32 to vector<1000x16xf32>
    %add3A_36 = arith.addf %add3A_32, %add3A_35 : vector<1000x16xf32>
    %abs3A = math.absf %sub3A_34 : vector<1000x16xf32>
    %neg3A = arith.constant 0.000000e+00 : f32
    %neg3A_37 = vector.broadcast %neg3A : f32 to vector<1000x16xf32>
    %neg3A_38 = arith.subf %neg3A_37, %abs3A : vector<1000x16xf32>
    %exp3A = math.exp %neg3A_38 : vector<1000x16xf32>
    %log1p3A = math.log1p %exp3A : vector<1000x16xf32>
    %add3A_39 = arith.addf %max3A_33, %log1p3A : vector<1000x16xf32>
    %select_n3A = arith.select %ne3A, %add3A_36, %add3A_39 : vector<1000x16xi1>, vector<1000x16xf32>
    %get3A_40 = arith.constant 0 : index
    %get3A_41 = arith.constant 0 : index
    %get3A_42 = vector.load %arg6[%get3A_40, %get3A_41] : memref<16x16xf32, #tpu.memory_space<vmem>>, vector<16x16xf32>
    %dot_general3A = arith.constant dense<0.000000e+00> : vector<1000x16xf32>
    %dot_general3A_43 = tpu.matmul %select_n3A, %get3A_42, %dot_general3A {dimension_numbers = #tpu.dot_dimension_numbers<[1], [0], [0], [1], [0, 0, 1, 1], [], []>, precision = #tpu.contract_precision<fp32>, transpose_lhs_hint = false} : vector<1000x16xf32>, vector<16x16xf32>, vector<1000x16xf32> -> vector<1000x16xf32>
    %get3A_44 = arith.constant 0 : index
    %get3A_45 = arith.constant 0 : index
    %get3A_46 = vector.load %arg7[%get3A_44, %get3A_45] : memref<1x16xf32, #tpu.memory_space<vmem>>, vector<1x16xf32>
    %add3A_47 = vector.broadcast %get3A_46 : vector<1x16xf32> to vector<1000x16xf32>
    %add3A_48 = arith.addf %dot_general3A_43, %add3A_47 : vector<1000x16xf32>
    %custom_jvp_call3A_49 = arith.constant 0.000000e+00 : f32
    %max3A_50 = vector.broadcast %custom_jvp_call3A_49 : f32 to vector<1000x16xf32>
    %max3A_51 = arith.maximumf %add3A_48, %max3A_50 : vector<1000x16xf32>
    %sub3A_52 = vector.broadcast %custom_jvp_call3A_49 : f32 to vector<1000x16xf32>
    %sub3A_53 = arith.subf %add3A_48, %sub3A_52 : vector<1000x16xf32>
    %ne3A_54 = arith.cmpf one, %sub3A_53, %sub3A_53 : vector<1000x16xf32>
    %add3A_55 = vector.broadcast %custom_jvp_call3A_49 : f32 to vector<1000x16xf32>
    %add3A_56 = arith.addf %add3A_48, %add3A_55 : vector<1000x16xf32>
    %abs3A_57 = math.absf %sub3A_53 : vector<1000x16xf32>
    %neg3A_58 = arith.constant 0.000000e+00 : f32
    %neg3A_59 = vector.broadcast %neg3A_58 : f32 to vector<1000x16xf32>
    %neg3A_60 = arith.subf %neg3A_59, %abs3A_57 : vector<1000x16xf32>
    %exp3A_61 = math.exp %neg3A_60 : vector<1000x16xf32>
    %log1p3A_62 = math.log1p %exp3A_61 : vector<1000x16xf32>
    %add3A_63 = arith.addf %max3A_51, %log1p3A_62 : vector<1000x16xf32>
    %select_n3A_64 = arith.select %ne3A_54, %add3A_56, %add3A_63 : vector<1000x16xi1>, vector<1000x16xf32>
    %get3A_65 = arith.constant 0 : index
    %get3A_66 = arith.constant 0 : index
    %get3A_67 = vector.load %arg8[%get3A_65, %get3A_66] : memref<16x3xf32, #tpu.memory_space<vmem>>, vector<16x3xf32>
    %dot_general3A_68 = arith.constant dense<0.000000e+00> : vector<1000x3xf32>
    %dot_general3A_69 = tpu.matmul %select_n3A_64, %get3A_67, %dot_general3A_68 {dimension_numbers = #tpu.dot_dimension_numbers<[1], [0], [0], [1], [0, 0, 1, 1], [], []>, precision = #tpu.contract_precision<fp32>, transpose_lhs_hint = false} : vector<1000x16xf32>, vector<16x3xf32>, vector<1000x3xf32> -> vector<1000x3xf32>
    %get3A_70 = arith.constant 0 : index
    %get3A_71 = arith.constant 0 : index
    %get3A_72 = vector.load %arg9[%get3A_70, %get3A_71] : memref<1x3xf32, #tpu.memory_space<vmem>>, vector<1x3xf32>
    %add3A_73 = vector.broadcast %get3A_72 : vector<1x3xf32> to vector<1000x3xf32>
    %add3A_74 = arith.addf %dot_general3A_69, %add3A_73 : vector<1000x3xf32>
    %get3A_75 = arith.constant 0 : index
    %get3A_76 = arith.constant 0 : index
    %get3A_77 = vector.load %arg10[%get3A_75, %get3A_76] : memref<1000x1xf32, #tpu.memory_space<vmem>>, vector<1000x1xf32>
    %div3A_78 = vector.broadcast %get3A_77 : vector<1000x1xf32> to vector<1000x3xf32>
    %div3A_79 = arith.divf %add3A_74, %div3A_78 : vector<1000x3xf32>
    %swap3A = arith.constant 0 : index
    %swap3A_80 = arith.constant 0 : index
    %swap3A_81 = vector.load %arg11[%swap3A, %swap3A_80] : memref<1000x3xf32, #tpu.memory_space<vmem>>, vector<1000x3xf32>
    tpu.vector_store %arg11[%swap3A, %swap3A_80], %div3A_79 {strides = array<i32>} : memref<1000x3xf32, #tpu.memory_space<vmem>>, vector<1000x3xf32>,
    return
  }
  func.func @transform_0(%arg0: i32) -> (i32, i32, i32) {
    %c0_i32 = arith.constant 0 : i32
    %c0_i32_0 = arith.constant 0 : i32
    %c0_i32_1 = arith.constant 0 : i32
    return %c0_i32, %arg0, %c0_i32_0 : i32, i32, i32
  }
  func.func @transform_1(%arg0: i32) -> (i32, i32) {
    %c0_i32 = arith.constant 0 : i32
    %c0_i32_0 = arith.constant 0 : i32
    return %arg0, %c0_i32 : i32, i32
  }
  func.func @transform_2(%arg0: i32) -> (i32, i32) {
    %c0_i32 = arith.constant 0 : i32
    %c0_i32_0 = arith.constant 0 : i32
    return %arg0, %c0_i32 : i32, i32
  }
  func.func @transform_3(%arg0: i32) -> (i32, i32) {
    %c0_i32 = arith.constant 0 : i32
    %c0_i32_0 = arith.constant 0 : i32
    return %arg0, %c0_i32 : i32, i32
  }
  func.func @transform_4(%arg0: i32) -> (i32, i32) {
    %c0_i32 = arith.constant 0 : i32
    %c0_i32_0 = arith.constant 0 : i32
    %c0_i32_1 = arith.constant 0 : i32
    return %c0_i32, %c0_i32_0 : i32, i32
  }
  func.func @transform_5(%arg0: i32) -> (i32, i32) {
    %c0_i32 = arith.constant 0 : i32
    %c0_i32_0 = arith.constant 0 : i32
    %c0_i32_1 = arith.constant 0 : i32
    return %c0_i32, %c0_i32_0 : i32, i32
  }
  func.func @transform_6(%arg0: i32) -> (i32, i32) {
    %c0_i32 = arith.constant 0 : i32
    %c0_i32_0 = arith.constant 0 : i32
    %c0_i32_1 = arith.constant 0 : i32
    return %c0_i32, %c0_i32_0 : i32, i32
  }
  func.func @transform_7(%arg0: i32) -> (i32, i32) {
    %c0_i32 = arith.constant 0 : i32
    %c0_i32_0 = arith.constant 0 : i32
    %c0_i32_1 = arith.constant 0 : i32
    return %c0_i32, %c0_i32_0 : i32, i32
  }
  func.func @transform_8(%arg0: i32) -> (i32, i32) {
    %c0_i32 = arith.constant 0 : i32
    %c0_i32_0 = arith.constant 0 : i32
    %c0_i32_1 = arith.constant 0 : i32
    return %c0_i32, %c0_i32_0 : i32, i32
  }
  func.func @transform_9(%arg0: i32) -> (i32, i32) {
    %c0_i32 = arith.constant 0 : i32
    %c0_i32_0 = arith.constant 0 : i32
    return %arg0, %c0_i32 : i32, i32
  }
  func.func @transform_10(%arg0: i32) -> (i32, i32) {
    %c0_i32 = arith.constant 0 : i32
    %c0_i32_0 = arith.constant 0 : i32
    return %arg0, %c0_i32 : i32, i32
  }
}

</mosaic_0001>

<sc_bundles>
// kernel: kernel.12.cloned.1.call-start
scs
__scs_entry_jumppad:
0x0: {  	(pc) =	sbr.rel $0x88, $3  }
0x1: {  	(tag) =	ssettag $0x0;
	lr =	simm.s32 $0x1  }
0x2: {  	[smem:$0x3F8A] =	sst lr;
	_ =	strace $0xD0000000  }
0x3: {  	_ = 	snop  }
0x4: {  	_ = 	snop  }
0x5: {  	_ = 	snop  }
0x6: {  	_ = 	snop  }
0x7: {  	_ = 	snop  }
__scs_overlays_trampoline_lowered:
0x8: {  	[smem:$0x3F99] =	sst s0  }
0x9: {  	[smem:$0x3F9A] =	sst s1  }
0xa: {  	[smem:$0x3F9B] =	sst s2  }
0xb: {  	[smem:$0x3F9C] =	sst s3  }
0xc: {  	[smem:$0x3F9D] =	sst s4  }
0xd: {  	[smem:$0x3F9E] =	sst s5  }
0xe: {  	[smem:$0x3F9F] =	sst s6  }
0xf: {  	[smem:$0x3FA0] =	sst s7  }
0x10: {  	[smem:$0x3FA1] =	sst s8  }
0x11: {  	[smem:$0x3FA2] =	sst s9;
	s0 =	simm.s32 @!p0 $0x0  }
0x12: {  	s1 =	sld [smem:$0x3F88];
	s0 =	simm.s32 @p0 $0x1  }
0x13: {  	[smem:$0x3FA3] =	sst s0;
	s0 =	simm.s32 @!p1 $0x0  }
0x14: {  	s2 =	sld [smem:$0x3F87];
	s0 =	simm.s32 @p1 $0x1  }
0x15: {  	[smem:$0x3FA4] =	sst s0;
	s0 =	simm.s32 @!p2 $0x0  }
0x16: {  	s3 =	sld [smem:$0x3FDB];
	s0 =	simm.s32 @p2 $0x1  }
0x17: {  	s4 =	simm.s32 $0x1BF5;
	[smem:$0x3FA6] =	sst s0  }
0x18: {  	s0 =	sld [smem:$0x3F89];
	_ =	swait.ge [sflag:s4], $0x0  }
0x19: {  	s7 =	sld [smem:$0x3F8A]  }
0x1a: {  	s8 =	sadd.s32 $0xFFFFE003, lr  }
0x1b: {  	s9 =	sadd.s32 $0xFFFFFEF7, lr;
	s5 =	simm.s32 $0xFFFFFFFF;
	p2 =	slt.u32 s8, $0xFFFFF086  }
0x1c: {  	p1 =	slt.u32 s9, $0xF7A;
	s5 =	simm.s32 @!p2 $0x0  }
0x1d: {  	s5 =	simm.s32 @p1 $0x1;
	p0 =	seq.s32 s7, s2  }
0x1e: {  	s7 =	smul.u32 @!p0 $0xF7A, s2;
	p2 =	seq.s32 @!p0 s5, $0x0  }
0x1f: {  	s9 =	smul.u32 $0xF7A, s1;
	s8 =	simm.s32 @!p0 $0x1BF5;
	p2 =	por !p2, p0  }
0x20: {  	[sflag:s8] =	ssyncset.s32 @!p0 $0xFFFFF086;
	s6 =	sadd.s32 @!p0 s3, s7;
	s7 =	simm.s32 @!p0 $0x108  }
0x21: {  	s3 =	sadd.s32 s3, s9;
	s6 =	sadd.s32 @!p0 $0x88, s6;
	s7 =	simm.s32 @p2 $0x1082  }
0x22: {  	[simem:s7], [sflag:s8] =	dma.local @!p0 [hbm:s6], $0xF7A  }
0x23: {  	s9 =	sor.u32 $0xD0000000, s2;
	s6 =	simm.s32 $0x108;
	_ =	swait.ge @!p0 [sflag:s8], $0x0  }
0x24: {  	s3 =	sadd.s32 $0x88, s3;
	s6 =	simm.s32 @!p1 $0x1082;
	[sflag:s4] =	ssyncset.s32 $0xFFFFF086  }
0x25: {  	[simem:s6], [sflag:s4] =	dma.local [hbm:s3], $0xF7A  }
0x26: {  	[smem:$0x3F8A] =	sst s1;
	(tag) =	ssettag s2;
	_ =	strace s9  }
0x27: {  	s1 =	sld [smem:$0x3F9A]  }
0x28: {  	s2 =	sld [smem:$0x3F9B]  }
0x29: {  	s4 =	sld [smem:$0x3F9D]  }
0x2a: {  	p0 =	seq.s32 s5, $0x0;
	s5 =	sld [smem:$0x3F9E]  }
0x2b: {  	s6 =	sld [smem:$0x3F9F]  }
0x2c: {  	s7 =	sld [smem:$0x3FA0]  }
0x2d: {  	s3 =	simm.s32 $0x108;
	s8 =	sld [smem:$0x3FA1]  }
0x2e: {  	s3 =	simm.s32 @!p0 $0x1082;
	s9 =	sld [smem:$0x3FA2]  }
0x2f: {  	lr =	sadd.s32 s0, s3;
	s0 =	sld [smem:$0x3F99]  }
0x30: {  	s3 =	sld [smem:$0x3F9C]  }
0x31: {  	[smem:$0x3FA5] =	sst s10  }
0x32: {  	s10 =	sld [smem:$0x3FA3];
	_ =	sdelay $0x3  }
0x33: {  	p0 =	seq.s32 s10, $0x1;
	s10 =	sld [smem:$0x3FA5];
	_ =	sdelay $0x3  }
0x34: {  	[smem:$0x3FA5] =	sst s10  }
0x35: {  	s10 =	sld [smem:$0x3FA4];
	_ =	sdelay $0x3  }
0x36: {  	p1 =	seq.s32 s10, $0x1;
	s10 =	sld [smem:$0x3FA5];
	_ =	sdelay $0x3  }
0x37: {  	[smem:$0x3FA5] =	sst s10  }
0x38: {  	s10 =	sld [smem:$0x3FA6]  }
0x39: {  	_ = 	snop;
	(pc) =	sbr.ind lr, $3  }
0x3a: {  	_ = 	snop  }
0x3b: {  	_ = 	snop  }
0x3c: {  	p2 =	seq.s32 s10, $0x1;
	s10 =	sld [smem:$0x3FA5]  }
0x3d: {  	_ =	shalt  }
0x3e: {  	_ =	shalt  }
0x3f: {  	_ =	shalt  }
0x40: {  	_ =	shalt  }
0x41: {  	_ =	shalt  }
0x42: {  	_ =	shalt  }
0x43: {  	_ =	shalt  }
0x44: {  	_ =	shalt  }
0x45: {  	_ =	shalt  }
0x46: {  	_ =	shalt  }
0x47: {  	_ =	shalt  }
0x48: {  	_ =	shalt  }
0x49: {  	_ =	shalt  }
0x4a: {  	_ =	shalt  }
0x4b: {  	_ =	shalt  }
0x4c: {  	_ =	shalt  }
0x4d: {  	_ =	shalt  }
0x4e: {  	_ =	shalt  }
0x4f: {  	_ =	shalt  }
0x50: {  	_ =	shalt  }
0x51: {  	_ =	shalt  }
0x52: {  	_ =	shalt  }
0x53: {  	_ =	shalt  }
0x54: {  	_ =	shalt  }
0x55: {  	_ =	shalt  }
0x56: {  	_ =	shalt  }
0x57: {  	_ =	shalt  }
0x58: {  	_ =	shalt  }
0x59: {  	_ =	shalt  }
0x5a: {  	_ =	shalt  }
0x5b: {  	_ =	shalt  }
0x5c: {  	_ =	shalt  }
0x5d: {  	_ =	shalt  }
0x5e: {  	_ =	shalt  }
0x5f: {  	_ =	shalt  }
0x60: {  	_ =	shalt  }
0x61: {  	_ =	shalt  }
0x62: {  	_ =	shalt  }
0x63: {  	_ =	shalt  }
0x64: {  	_ =	shalt  }
0x65: {  	_ =	shalt  }
0x66: {  	_ =	shalt  }
0x67: {  	_ =	shalt  }
0x68: {  	_ =	shalt  }
0x69: {  	_ =	shalt  }
0x6a: {  	_ =	shalt  }
0x6b: {  	_ =	shalt  }
0x6c: {  	_ =	shalt  }
0x6d: {  	_ =	shalt  }
0x6e: {  	_ =	shalt  }
0x6f: {  	_ =	shalt  }
0x70: {  	_ =	shalt  }
0x71: {  	_ =	shalt  }
0x72: {  	_ =	shalt  }
0x73: {  	_ =	shalt  }
0x74: {  	_ =	shalt  }
0x75: {  	_ =	shalt  }
0x76: {  	_ =	shalt  }
0x77: {  	_ =	shalt  }
0x78: {  	_ =	shalt  }
0x79: {  	_ =	shalt  }
0x7a: {  	_ =	shalt  }
0x7b: {  	_ =	shalt  }
0x7c: {  	_ =	shalt  }
0x7d: {  	_ =	shalt  }
0x7e: {  	_ =	shalt  }
0x7f: {  	_ =	shalt  }
0x80: {  	_ =	shalt  }
0x81: {  	_ =	shalt  }
0x82: {  	_ =	shalt  }
0x83: {  	_ =	shalt  }
0x84: {  	_ =	shalt  }
0x85: {  	_ =	shalt  }
0x86: {  	_ =	shalt  }
0x87: {  	_ =	shalt  }
.Lfunc_end0:
.L_simem_size_0:
called_computation_lowered:
.L_overlay_start_0:
0x88: {  	s2 =	sld [smem:$0x3FD9]  }
0x89: {  	s3 =	sld [smem:$0x3FFE];
	_ =	sdelay $0x1  }
0x8a: {  	s1 =	srdreg.scid  }
0x8b: {  	s0 =	sand.u32 $0x1, s1  }
0x8c: {  	s16 =	sshll.u32 s0, $0xA;
	s2 =	sadd.s32 s3, s2  }
0x8d: {  	s2 =	sadd.s32 s2, s16  }
0x8e: {  	[smem:$0x3FB1] =	sst s2  }
0x8f: {  	_ = 	snop  }
0x90: {  	(tm) =	ssettm $0x1  }
0x91: {  	s17 =	sld [smem:$0x3FFB];
	_ =	sdelay $0x3  }
0x92: {  	_ =	strace s17  }
0x93: {  	s2 =	sld [smem:$0x3FFC];
	_ =	sdelay $0x3  }
0x94: {  	_ =	strace s2  }
0x95: {  	s2 =	sld [smem:$0x3FFD];
	_ =	sdelay $0x3  }
0x96: {  	_ =	strace s2  }
0x97: {  	_ =	strace $0x8FFFFFFF  }
0x98: {  	s18 =	sld [smem:$0x3FDB];
	_ =	sdelay $0x1  }
0x99: {  	s19 =	simm.s32 $_scs_section_size  }
0x9a: {  	s4 =	simm.s32 $_size__tile_overlayer_lowered;
	s5 =	simm.s32 $_tile_overlayer_lowered  }
0x9b: {  	s22 =	simm.s32 $0x1BFF;
	s21 =	sshll.u32 s5, $0x1;
	s2 =	sadd.s32 s19, s18  }
0x9c: {  	s6 =	simm.s32 $0x0;
	s20 =	sshll.u32 s4, $0x1;
	s4 =	sadd.s32 s21, s2  }
0x9d: {  	[timem:s6], [sflag:s22] =	dma.local [hbm:s4], s20  }
0x9e: {  	_ =	swait.ge [sflag:s22], s20  }
0x9f: {  	s3 =	ssub.s32 $0x0, s20;
	[sflag:s22] =	ssyncset.done $0x0  }
0xa0: {  	[sflag:s22] =	ssyncadd.s32 s3;
	_ =	sdelay $0x1  }
0xa1: {  	s23 =	simm.s32 $0x1B8B  }
0xa2: {  	_ =	swait.ge [sflag:s23], $0x1  }
0xa3: {  	[sflag:s23] =	ssyncset.done $0x0  }
0xa4: {  	s25 =	simm.s32 $0x1B8E;
	s24 =	sld [smem:$0x3FFE];
	[sflag:s23] =	ssyncadd.s32 $0xFFFFFFFF  }
0xa5: {  	s26 =	simm.s32 $execute0_lowered;
	[smem:$0x3FD2] =	sst s25  }
0xa6: {  	s4 =	sshll.u32 s26, $0x1;
	_ =	strace $0x80000046;
	[dreg:$0x1] =	wrdreg $0xFFFFFFFF  }
0xa7: {  	s28 =	simm.s32 $_size_execute0_lowered;
	s2 =	sadd.s32 s2, s4;
	[dreg:$0x0] =	wrdreg $0x0  }
0xa8: {  	s4 =	sshll.u32 s28, $0x1;
	[dreg:$0x2] =	wrdreg s2  }
0xa9: {  	[dreg:$0x3] =	wrdreg s4  }
0xaa: {  	[dreg:$0x4] =	wrdreg $0xC0  }
0xab: {  	_ =	task [dreg:s6], $0x5FFFF  }
0xac: {  	[dreg:$0x1] =	wrdreg $0xFFFFFFFF  }
0xad: {  	[dreg:$0x0] =	wrdreg $0x60  }
0xae: {  	[dreg:$0x2] =	wrdreg s24  }
0xaf: {  	[dreg:$0x3] =	wrdreg $0x9  }
0xb0: {  	_ =	task.clear_ibuf [dreg:s6], $0x4FFFF;
	_ =	strace $0x90000046  }
0xb1: {  	s29 =	simm.s32 $0x9;
	_ =	strace $0x80000048  }
0xb2: {  	_ =	swait.ge [sflag:s29], $0x1  }
0xb3: {  	[sflag:s29] =	ssyncadd.s32 $0xFFFFFFFF  }
0xb4: {  	_ =	strace $0x90000048  }
0xb5: {  	_ =	sfence  }
0xb6: {  	s30 =	sld [smem:$0x0];
	_ =	sdelay $0x2  }
0xb7: {  	s31 =	sshll.u32 s1, $0xD;
	s1 =	sshrl.u32 s1, $0x2  }
0xb8: {  	s3 =	sand.u32 $0x4000, s31;
	s1 =	sadd.s32 s1, s30  }
0xb9: {  	s0 =	sor.u32 s3, s0;
	s1 =	sshll.u32 s1, $0x11  }
0xba: {  	s0 =	sor.u32 s1, s0  }
0xbb: {  	s0 =	sadd.s32 $0x8F2B, s0  }
0xbc: {  	[sflag:s0] =	ssyncadd.remote.s32 $0x1  }
0xbd: {  	_ =	sfence.sel $0xFFFF  }
0xbe: {  	[dreg:$0x0] =	wrdreg $0xFFFFFFFF;
	(pc) =	sbr.abs _section_cstart, $3  }
0xbf: {  	[dreg:$0x1] =	wrdreg $0xFFFFFFFF  }
0xc0: {  	_ =	task.clear_ibuf [dreg:s6], $0x2FFFF;
	_ =	strace $0x9FFFFFFF  }
0xc1: {  	(tm) =	ssettm $0x7FFFFFFF  }
tec
execute0_lowered:
.L_overlay_start_1:
0x0: {  	(tag) =	ssettag $0x1  }
0x1: {  	s4 =	rddreg [dreg:$0x0]  }
0x2: {  	s0 =	rddreg [dreg:$0x1];
	s2 =	simm.s32 $0x0  }
0x3: {  	s3 =	srdreg.scid;
	s1 =	stileid.u32;
	s11 =	simm.s32 $0x100  }
0x4: {  	s12 =	simm.s32 $0x900;
	s13 =	simm.s32 $0x1;
	s6 =	smul.u32 $0xC600, s1  }
0x5: {  	s14 =	simm.s32 $0x2;
	s5 =	sand.u32 $0x1, s3;
	s8 =	smul.u32 $0x18C00, s1  }
0x6: {  	s15 =	simm.s32 $0x0;
	[smem:$0x7FF] =	sst s2;
	s7 =	smul.u32 $0x6300, s5  }
0x7: {  	s3 =	sadd.s32 $0x1BE600, s4;
	s29 =	ssub.s32 $0x2, s5;
	s5 =	smul.u32 $0xC600, s5  }
0x8: {  	_ =	strace $0x80000047;
	s8 =	sadd.s32 s8, s4;
	s9 =	sshrl.u32 s29, $0x1  }
0x9: {  	s6 =	sadd.s32 s7, s6;
	s30 =	ssub.s32 s29, s9;
	s31 =	sadd.s32 s5, s8  }
0xa: {  	s9 =	simm.s32 $0x3;
	s6 =	sshrl.u32 s6, $0x3;
	s5 =	sadd.s32 $0x1D6E00, s31  }
0xb: {  	s10 =	sadd.s32 s6, s4;
	s4 =	smax.u32 s30, $0x1;
	s6 =	sadd.s32 $0x362E00, s31  }
0xc: {  	s7 =	sadd.s32 $0x6200, s10;
	s8 =	sadd.s32 $0xFB000, s10;
	s10 =	simm.s32 $0x80  }
.LBB2_1:
0xd: {  	s16 =	sadd.s32 $0x0, s8  }
0xe: {  	[tilespmem:s2], [sflag:$0x3] =	stream.linear.gather [hbm4b:s16+s2], $0x80, $0x38;
	[tilespmem:$0x1100] =	vst v63  }
0xf: {  	_ =	swait.ge [sflag:s9], $0x80  }
0x10: {  	[sflag:s9] =	ssyncset.done $0x0  }
0x11: {  	s31 =	sadd.s32 $0x0, s7;
	[sflag:s9] =	ssyncadd.s32 $0xFFFFFF80  }
0x12: {  	[tilespmem:s10], [sflag:$0x3] =	stream.linear.gather [hbm4b:s31+s2], $0x80, $0x38;
	[tilespmem:$0x1100] =	vst v63  }
0x13: {  	_ =	swait.ge [sflag:s9], $0x80  }
0x14: {  	[sflag:s9] =	ssyncset.done $0x0  }
0x15: {  	[sflag:s9] =	ssyncadd.s32 $0xFFFFFF80  }
0x16: {  	[tilespmem:s11], [sflag:$0x1] =	stream.indirect.gather [hbm4b:s3+s10], $0x10, s2, s10, $0xb8;
	[tilespmem:$0x1100] =	vst v63  }
0x17: {  	_ = 	snop  }
0x18: {  	[tilespmem:s12], [sflag:$0x2] =	stream.indirect.gather [hbm4b:s3+s10], $0x10, s10, s10, $0xb8;
	[tilespmem:$0x1100] =	vst v63  }
0x19: {  	_ =	swait.ge [sflag:s13], $0x800  }
0x1a: {  	[sflag:s13] =	ssyncset.done $0x0  }
0x1b: {  	[sflag:s13] =	ssyncadd.s32 $0xFFFFF800  }
0x1c: {  	_ =	swait.ge [sflag:s14], $0x800  }
0x1d: {  	[sflag:s14] =	ssyncset.done $0x0  }
0x1e: {  	[sflag:s14] =	ssyncadd.s32 $0xFFFFF800  }
0x1f: {  	[hbm4b:s6+s2] =	stream.linear.scatter [tilespmem:s11], [sflag:$0x3], $0x800, $0x38;
	[tilespmem:$0x1100] =	vst v63  }
0x20: {  	_ =	swait.ge [sflag:s9], $0x800  }
0x21: {  	[sflag:s9] =	ssyncset.done $0x0  }
0x22: {  	[sflag:s9] =	ssyncadd.s32 $0xFFFFF800  }
0x23: {  	[hbm4b:s5+s2] =	stream.linear.scatter [tilespmem:s12], [sflag:$0x3], $0x800, $0x38;
	[tilespmem:$0x1100] =	vst v63  }
0x24: {  	s18 =	simm.s32 $0x10;
	s19 =	simm.s32 $0x20;
	_ =	swait.ge [sflag:s9], $0x800  }
0x25: {  	s17 =	sadd.s32 $0x100, s6;
	s16 =	sadd.s32 $0x100, s5;
	[sflag:s9] =	ssyncset.done $0x0  }
.LBB2_2:
0x26: {  	s20 =	sadd.s32 s18, s8  }
0x27: {  	[sflag:s9] =	ssyncadd.s32 $0xFFFFF800;
	s21 =	smov.u32 s19;
	s22 =	sadd.s32 $0x10, s19  }
0x28: {  	[tilespmem:s2], [sflag:$0x3] =	stream.linear.gather [hbm4b:s20+s2], $0x80, $0x38;
	[tilespmem:$0x1100] =	vst v63  }
0x29: {  	p0 =	sne.s32 s19, $0xC50;
	_ =	swait.ge [sflag:s9], $0x80  }
0x2a: {  	[sflag:s9] =	ssyncset.done $0x0  }
0x2b: {  	s19 =	sadd.s32 s18, s7;
	s18 =	smov.u32 s21;
	[sflag:s9] =	ssyncadd.s32 $0xFFFFFF80  }
0x2c: {  	[tilespmem:s10], [sflag:$0x3] =	stream.linear.gather [hbm4b:s19+s2], $0x80, $0x38;
	[tilespmem:$0x1100] =	vst v63  }
0x2d: {  	_ =	swait.ge [sflag:s9], $0x80  }
0x2e: {  	[sflag:s9] =	ssyncset.done $0x0  }
0x2f: {  	[sflag:s9] =	ssyncadd.s32 $0xFFFFFF80  }
0x30: {  	[tilespmem:s11], [sflag:$0x1] =	stream.indirect.gather [hbm4b:s3+s10], $0x10, s2, s10, $0xb8;
	[tilespmem:$0x1100] =	vst v63  }
0x31: {  	_ = 	snop  }
0x32: {  	[tilespmem:s12], [sflag:$0x2] =	stream.indirect.gather [hbm4b:s3+s10], $0x10, s10, s10, $0xb8;
	[tilespmem:$0x1100] =	vst v63  }
0x33: {  	_ =	swait.ge [sflag:s13], $0x800  }
0x34: {  	[sflag:s13] =	ssyncset.done $0x0  }
0x35: {  	[sflag:s13] =	ssyncadd.s32 $0xFFFFF800  }
0x36: {  	_ =	swait.ge [sflag:s14], $0x800  }
0x37: {  	[sflag:s14] =	ssyncset.done $0x0  }
0x38: {  	[sflag:s14] =	ssyncadd.s32 $0xFFFFF800  }
0x39: {  	[hbm4b:s17+s2] =	stream.linear.scatter [tilespmem:s11], [sflag:$0x3], $0x800, $0x38;
	[tilespmem:$0x1100] =	vst v63  }
0x3a: {  	_ =	swait.ge [sflag:s9], $0x800  }
.Ltmp0:
0x3b: {  	[sflag:s9] =	ssyncset.done $0x0;
	(pc) =	sbr.rel @p0 .LBB2_2-.Ltmp0, $4  }
0x3c: {  	[sflag:s9] =	ssyncadd.s32 $0xFFFFF800  }
0x3d: {  	[hbm4b:s16+s2] =	stream.linear.scatter [tilespmem:s12], [sflag:$0x3], $0x800, $0x38;
	[tilespmem:$0x1100] =	vst v63  }
0x3e: {  	s19 =	smov.u32 s22;
	_ =	swait.ge [sflag:s9], $0x800  }
0x3f: {  	s17 =	sadd.s32 $0x100, s17;
	s16 =	sadd.s32 $0x100, s16;
	[sflag:s9] =	ssyncset.done $0x0  }
0x40: {  	s19 =	sadd.s32 s18, s8;
	[sflag:s9] =	ssyncadd.s32 $0xFFFFF800  }
0x41: {  	[tilespmem:s2], [sflag:$0x3] =	stream.linear.gather [hbm4b:s19+s2], $0x80, $0x38;
	[tilespmem:$0x1100] =	vst v63  }
0x42: {  	_ =	swait.ge [sflag:s9], $0x80  }
0x43: {  	[sflag:s9] =	ssyncset.done $0x0  }
0x44: {  	s31 =	sadd.s32 s18, s7;
	[sflag:s9] =	ssyncadd.s32 $0xFFFFFF80  }
0x45: {  	[tilespmem:s10], [sflag:$0x3] =	stream.linear.gather [hbm4b:s31+s2], $0x80, $0x38;
	[tilespmem:$0x1100] =	vst v63  }
0x46: {  	_ =	swait.ge [sflag:s9], $0x80  }
0x47: {  	[sflag:s9] =	ssyncset.done $0x0  }
0x48: {  	[sflag:s9] =	ssyncadd.s32 $0xFFFFFF80  }
0x49: {  	[tilespmem:s11], [sflag:$0x1] =	stream.indirect.gather [hbm4b:s3+s10], $0x10, s2, s10, $0xb8;
	[tilespmem:$0x1100] =	vst v63  }
0x4a: {  	_ = 	snop  }
0x4b: {  	[tilespmem:s12], [sflag:$0x2] =	stream.indirect.gather [hbm4b:s3+s10], $0x10, s10, s10, $0xb8;
	[tilespmem:$0x1100] =	vst v63  }
0x4c: {  	_ =	swait.ge [sflag:s13], $0x800  }
0x4d: {  	[sflag:s13] =	ssyncset.done $0x0  }
0x4e: {  	[sflag:s13] =	ssyncadd.s32 $0xFFFFF800  }
0x4f: {  	_ =	swait.ge [sflag:s14], $0x800  }
0x50: {  	[sflag:s14] =	ssyncset.done $0x0  }
0x51: {  	[sflag:s14] =	ssyncadd.s32 $0xFFFFF800  }
0x52: {  	[hbm4b:s17+s2] =	stream.linear.scatter [tilespmem:s11], [sflag:$0x3], $0x800, $0x38;
	[tilespmem:$0x1100] =	vst v63  }
0x53: {  	s15 =	sadd.s32 $0x1, s15;
	_ =	swait.ge [sflag:s9], $0x800  }
0x54: {  	p0 =	sne.s32 s15, s4;
	[sflag:s9] =	ssyncset.done $0x0  }
.Ltmp1:
0x55: {  	[sflag:s9] =	ssyncadd.s32 $0xFFFFF800;
	(pc) =	sbr.rel @p0 .LBB2_1-.Ltmp1, $4  }
0x56: {  	[hbm4b:s16+s2] =	stream.linear.scatter [tilespmem:s12], [sflag:$0x3], $0x800, $0x38;
	[tilespmem:$0x1100] =	vst v63  }
0x57: {  	_ =	swait.ge [sflag:s9], $0x800  }
0x58: {  	[sflag:s9] =	ssyncset.done $0x0  }
0x59: {  	[sflag:s9] =	ssyncadd.s32 $0xFFFFF800  }
0x5a: {  	_ =	sfence.sel $0x180000  }
0x5b: {  	[bflag:$0x0] =	sbarrier.arrive $0xFFFF  }
0x5c: {  	p0 =	sne.s32 s1, $0x0;
	_ =	strace $0x90000047  }
0x5d: {  	s0 =	sadd.s32 @!p0 $0x100000, s0;
	[bflag:$0x2] =	sbarrier.arrive $0xFFFF  }
0x5e: {  	[sflag:s0] =	ssyncadd.tile.s32 @!p0 $0x1;
	_ =	shalt  }
.Lfunc_end2:
_tile_overlayer_lowered:
.L_overlay_start_2:
0x5f: {  	(tag) =	ssettag $0x2  }
0x60: {  	s0 =	rddreg [dreg:$0x0];
	s2 =	stileid.u32  }
0x61: {  	s1 =	rddreg [dreg:$0x1];
	p0 =	sne.s32 s2, $0x0  }
0x62: {  	s3 =	rddreg [dreg:$0x2];
	[bflag:$0x3] =	sbarrier.arrive $0xFFFF;
	s2 =	simm.s32 @!p0 $0x1C03  }
0x63: {  	[timem:s3], [sflag:s2] =	dma.local @!p0 [hbm:s0], s1  }
0x64: {  	s0 =	simm.s32 @!p0 $0x3  }
0x65: {  	_ =	swait.ge @!p0 [sflag:s0], s1  }
0x66: {  	s1 =	ssub.s32 @!p0 $0x0, s1;
	[sflag:s0] =	ssyncset.done @!p0 $0x0  }
0x67: {  	[sflag:s0] =	ssyncadd.s32 @!p0 s1  }
0x68: {  	[bflag:$0x3] =	sbarrier.arrive $0xFFFF  }
0x69: {  	_ =	shalt  }

// kernel: kernel.15.cloned.1.call-start
scs
__scs_entry_jumppad:
0x0: {  	(pc) =	sbr.rel $0x88, $3  }
0x1: {  	(tag) =	ssettag $0x0;
	lr =	simm.s32 $0x1  }
0x2: {  	[smem:$0x3F8A] =	sst lr;
	_ =	strace $0xD0000000  }
0x3: {  	_ = 	snop  }
0x4: {  	_ = 	snop  }
0x5: {  	_ = 	snop  }
0x6: {  	_ = 	snop  }
0x7: {  	_ = 	snop  }
__scs_overlays_trampoline_lowered:
0x8: {  	[smem:$0x3F99] =	sst s0  }
0x9: {  	[smem:$0x3F9A] =	sst s1  }
0xa: {  	[smem:$0x3F9B] =	sst s2  }
0xb: {  	[smem:$0x3F9C] =	sst s3  }
0xc: {  	[smem:$0x3F9D] =	sst s4  }
0xd: {  	[smem:$0x3F9E] =	sst s5  }
0xe: {  	[smem:$0x3F9F] =	sst s6  }
0xf: {  	[smem:$0x3FA0] =	sst s7  }
0x10: {  	[smem:$0x3FA1] =	sst s8  }
0x11: {  	[smem:$0x3FA2] =	sst s9;
	s0 =	simm.s32 @!p0 $0x0  }
0x12: {  	s1 =	sld [smem:$0x3F88];
	s0 =	simm.s32 @p0 $0x1  }
0x13: {  	[smem:$0x3FA3] =	sst s0;
	s0 =	simm.s32 @!p1 $0x0  }
0x14: {  	s2 =	sld [smem:$0x3F87];
	s0 =	simm.s32 @p1 $0x1  }
0x15: {  	[smem:$0x3FA4] =	sst s0;
	s0 =	simm.s32 @!p2 $0x0  }
0x16: {  	s3 =	sld [smem:$0x3FDB];
	s0 =	simm.s32 @p2 $0x1  }
0x17: {  	s4 =	simm.s32 $0x1BF5;
	[smem:$0x3FA6] =	sst s0  }
0x18: {  	s0 =	sld [smem:$0x3F89];
	_ =	swait.ge [sflag:s4], $0x0  }
0x19: {  	s7 =	sld [smem:$0x3F8A]  }
0x1a: {  	s8 =	sadd.s32 $0xFFFFE003, lr  }
0x1b: {  	s9 =	sadd.s32 $0xFFFFFEF7, lr;
	s5 =	simm.s32 $0xFFFFFFFF;
	p2 =	slt.u32 s8, $0xFFFFF086  }
0x1c: {  	p1 =	slt.u32 s9, $0xF7A;
	s5 =	simm.s32 @!p2 $0x0  }
0x1d: {  	s5 =	simm.s32 @p1 $0x1;
	p0 =	seq.s32 s7, s2  }
0x1e: {  	s7 =	smul.u32 @!p0 $0xF7A, s2;
	p2 =	seq.s32 @!p0 s5, $0x0  }
0x1f: {  	s9 =	smul.u32 $0xF7A, s1;
	s8 =	simm.s32 @!p0 $0x1BF5;
	p2 =	por !p2, p0  }
0x20: {  	[sflag:s8] =	ssyncset.s32 @!p0 $0xFFFFF086;
	s6 =	sadd.s32 @!p0 s3, s7;
	s7 =	simm.s32 @!p0 $0x108  }
0x21: {  	s3 =	sadd.s32 s3, s9;
	s6 =	sadd.s32 @!p0 $0x88, s6;
	s7 =	simm.s32 @p2 $0x1082  }
0x22: {  	[simem:s7], [sflag:s8] =	dma.local @!p0 [hbm:s6], $0xF7A  }
0x23: {  	s9 =	sor.u32 $0xD0000000, s2;
	s6 =	simm.s32 $0x108;
	_ =	swait.ge @!p0 [sflag:s8], $0x0  }
0x24: {  	s3 =	sadd.s32 $0x88, s3;
	s6 =	simm.s32 @!p1 $0x1082;
	[sflag:s4] =	ssyncset.s32 $0xFFFFF086  }
0x25: {  	[simem:s6], [sflag:s4] =	dma.local [hbm:s3], $0xF7A  }
0x26: {  	[smem:$0x3F8A] =	sst s1;
	(tag) =	ssettag s2;
	_ =	strace s9  }
0x27: {  	s1 =	sld [smem:$0x3F9A]  }
0x28: {  	s2 =	sld [smem:$0x3F9B]  }
0x29: {  	s4 =	sld [smem:$0x3F9D]  }
0x2a: {  	p0 =	seq.s32 s5, $0x0;
	s5 =	sld [smem:$0x3F9E]  }
0x2b: {  	s6 =	sld [smem:$0x3F9F]  }
0x2c: {  	s7 =	sld [smem:$0x3FA0]  }
0x2d: {  	s3 =	simm.s32 $0x108;
	s8 =	sld [smem:$0x3FA1]  }
0x2e: {  	s3 =	simm.s32 @!p0 $0x1082;
	s9 =	sld [smem:$0x3FA2]  }
0x2f: {  	lr =	sadd.s32 s0, s3;
	s0 =	sld [smem:$0x3F99]  }
0x30: {  	s3 =	sld [smem:$0x3F9C]  }
0x31: {  	[smem:$0x3FA5] =	sst s10  }
0x32: {  	s10 =	sld [smem:$0x3FA3];
	_ =	sdelay $0x3  }
0x33: {  	p0 =	seq.s32 s10, $0x1;
	s10 =	sld [smem:$0x3FA5];
	_ =	sdelay $0x3  }
0x34: {  	[smem:$0x3FA5] =	sst s10  }
0x35: {  	s10 =	sld [smem:$0x3FA4];
	_ =	sdelay $0x3  }
0x36: {  	p1 =	seq.s32 s10, $0x1;
	s10 =	sld [smem:$0x3FA5];
	_ =	sdelay $0x3  }
0x37: {  	[smem:$0x3FA5] =	sst s10  }
0x38: {  	s10 =	sld [smem:$0x3FA6]  }
0x39: {  	_ = 	snop;
	(pc) =	sbr.ind lr, $3  }
0x3a: {  	_ = 	snop  }
0x3b: {  	_ = 	snop  }
0x3c: {  	p2 =	seq.s32 s10, $0x1;
	s10 =	sld [smem:$0x3FA5]  }
0x3d: {  	_ =	shalt  }
0x3e: {  	_ =	shalt  }
0x3f: {  	_ =	shalt  }
0x40: {  	_ =	shalt  }
0x41: {  	_ =	shalt  }
0x42: {  	_ =	shalt  }
0x43: {  	_ =	shalt  }
0x44: {  	_ =	shalt  }
0x45: {  	_ =	shalt  }
0x46: {  	_ =	shalt  }
0x47: {  	_ =	shalt  }
0x48: {  	_ =	shalt  }
0x49: {  	_ =	shalt  }
0x4a: {  	_ =	shalt  }
0x4b: {  	_ =	shalt  }
0x4c: {  	_ =	shalt  }
0x4d: {  	_ =	shalt  }
0x4e: {  	_ =	shalt  }
0x4f: {  	_ =	shalt  }
0x50: {  	_ =	shalt  }
0x51: {  	_ =	shalt  }
0x52: {  	_ =	shalt  }
0x53: {  	_ =	shalt  }
0x54: {  	_ =	shalt  }
0x55: {  	_ =	shalt  }
0x56: {  	_ =	shalt  }
0x57: {  	_ =	shalt  }
0x58: {  	_ =	shalt  }
0x59: {  	_ =	shalt  }
0x5a: {  	_ =	shalt  }
0x5b: {  	_ =	shalt  }
0x5c: {  	_ =	shalt  }
0x5d: {  	_ =	shalt  }
0x5e: {  	_ =	shalt  }
0x5f: {  	_ =	shalt  }
0x60: {  	_ =	shalt  }
0x61: {  	_ =	shalt  }
0x62: {  	_ =	shalt  }
0x63: {  	_ =	shalt  }
0x64: {  	_ =	shalt  }
0x65: {  	_ =	shalt  }
0x66: {  	_ =	shalt  }
0x67: {  	_ =	shalt  }
0x68: {  	_ =	shalt  }
0x69: {  	_ =	shalt  }
0x6a: {  	_ =	shalt  }
0x6b: {  	_ =	shalt  }
0x6c: {  	_ =	shalt  }
0x6d: {  	_ =	shalt  }
0x6e: {  	_ =	shalt  }
0x6f: {  	_ =	shalt  }
0x70: {  	_ =	shalt  }
0x71: {  	_ =	shalt  }
0x72: {  	_ =	shalt  }
0x73: {  	_ =	shalt  }
0x74: {  	_ =	shalt  }
0x75: {  	_ =	shalt  }
0x76: {  	_ =	shalt  }
0x77: {  	_ =	shalt  }
0x78: {  	_ =	shalt  }
0x79: {  	_ =	shalt  }
0x7a: {  	_ =	shalt  }
0x7b: {  	_ =	shalt  }
0x7c: {  	_ =	shalt  }
0x7d: {  	_ =	shalt  }
0x7e: {  	_ =	shalt  }
0x7f: {  	_ =	shalt  }
0x80: {  	_ =	shalt  }
0x81: {  	_ =	shalt  }
0x82: {  	_ =	shalt  }
0x83: {  	_ =	shalt  }
0x84: {  	_ =	shalt  }
0x85: {  	_ =	shalt  }
0x86: {  	_ =	shalt  }
0x87: {  	_ =	shalt  }
.Lfunc_end0:
.L_simem_size_0:
called_computation.1_lowered:
.L_overlay_start_0:
0x88: {  	s2 =	sld [smem:$0x3FD9]  }
0x89: {  	s3 =	sld [smem:$0x3FFE];
	_ =	sdelay $0x1  }
0x8a: {  	s1 =	srdreg.scid  }
0x8b: {  	s0 =	sand.u32 $0x1, s1  }
0x8c: {  	s17 =	sshll.u32 s0, $0xA;
	s2 =	sadd.s32 s3, s2  }
0x8d: {  	s2 =	sadd.s32 s2, s17  }
0x8e: {  	[smem:$0x3FB1] =	sst s2  }
0x8f: {  	_ = 	snop  }
0x90: {  	s2 =	sld [smem:$0x3FD0];
	(tm) =	ssettm $0x1  }
0x91: {  	s18 =	sld [smem:$0x3FFB];
	_ =	sdelay $0x3  }
0x92: {  	_ =	strace s18  }
0x93: {  	s3 =	sld [smem:$0x3FFC];
	_ =	sdelay $0x3  }
0x94: {  	_ =	strace s3  }
0x95: {  	s3 =	sld [smem:$0x3FFD];
	_ =	sdelay $0x3  }
0x96: {  	_ =	strace s3  }
0x97: {  	_ =	strace $0x8FFFFFFF  }
0x98: {  	s19 =	sld [smem:$0x3FDB];
	_ =	sdelay $0x1  }
0x99: {  	s4 =	simm.s32 $_scs_section_size  }
0x9a: {  	s5 =	simm.s32 $_size__tile_overlayer_lowered;
	s6 =	simm.s32 $_tile_overlayer_lowered  }
0x9b: {  	s22 =	simm.s32 $0x1BFF;
	s21 =	sshll.u32 s6, $0x1;
	s3 =	sadd.s32 s4, s19  }
0x9c: {  	s7 =	simm.s32 $0x0;
	s20 =	sshll.u32 s5, $0x1;
	s5 =	sadd.s32 s21, s3  }
0x9d: {  	[timem:s7], [sflag:s22] =	dma.local [hbm:s5], s20  }
0x9e: {  	_ =	swait.ge [sflag:s22], s20  }
0x9f: {  	s4 =	ssub.s32 $0x0, s20;
	[sflag:s22] =	ssyncset.done $0x0  }
0xa0: {  	[sflag:s22] =	ssyncadd.s32 s4;
	_ =	sdelay $0x1  }
0xa1: {  	s23 =	simm.s32 $0x1B8B  }
0xa2: {  	_ =	swait.ge [sflag:s23], $0x1  }
0xa3: {  	[sflag:s23] =	ssyncset.done $0x0  }
0xa4: {  	s25 =	simm.s32 $0x1B8E;
	s24 =	sld [smem:$0x3FFE];
	[sflag:s23] =	ssyncadd.s32 $0xFFFFFFFF  }
0xa5: {  	s26 =	simm.s32 $execute0_lowered;
	[smem:$0x3FD2] =	sst s25  }
0xa6: {  	s5 =	sshll.u32 s26, $0x1;
	_ =	strace $0x80000049;
	[dreg:$0x1] =	wrdreg $0xFFFFFFFF  }
0xa7: {  	s28 =	simm.s32 $_size_execute0_lowered;
	s3 =	sadd.s32 s3, s5;
	[dreg:$0x0] =	wrdreg $0x0  }
0xa8: {  	s5 =	sshll.u32 s28, $0x1;
	[dreg:$0x2] =	wrdreg s3  }
0xa9: {  	[dreg:$0x3] =	wrdreg s5  }
0xaa: {  	[dreg:$0x4] =	wrdreg $0xC0  }
0xab: {  	_ =	task [dreg:s7], $0x5FFFF  }
0xac: {  	[dreg:$0x1] =	wrdreg $0xFFFFFFFF  }
0xad: {  	[dreg:$0x0] =	wrdreg $0x60  }
0xae: {  	[dreg:$0x2] =	wrdreg s24  }
0xaf: {  	[dreg:$0x3] =	wrdreg s2  }
0xb0: {  	[dreg:$0x4] =	wrdreg $0x14800  }
0xb1: {  	[dreg:$0x5] =	wrdreg $0x9  }
0xb2: {  	_ =	task.clear_ibuf [dreg:s7], $0x6FFFF;
	_ =	strace $0x90000049  }
0xb3: {  	s29 =	simm.s32 $0x9;
	_ =	strace $0x8000004B  }
0xb4: {  	_ =	swait.ge [sflag:s29], $0x1  }
0xb5: {  	[sflag:s29] =	ssyncadd.s32 $0xFFFFFFFF  }
0xb6: {  	_ =	strace $0x9000004B  }
0xb7: {  	_ =	sfence  }
0xb8: {  	s30 =	sld [smem:$0x0];
	_ =	sdelay $0x2  }
0xb9: {  	s31 =	sshll.u32 s1, $0xD;
	s1 =	sshrl.u32 s1, $0x2  }
0xba: {  	s3 =	sand.u32 $0x4000, s31;
	s1 =	sadd.s32 s1, s30  }
0xbb: {  	s0 =	sor.u32 s3, s0;
	s1 =	sshll.u32 s1, $0x11  }
0xbc: {  	s0 =	sor.u32 s1, s0  }
0xbd: {  	s0 =	sadd.s32 $0x8F2B, s0  }
0xbe: {  	[sflag:s0] =	ssyncadd.remote.s32 $0x1  }
0xbf: {  	_ =	sfence.sel $0xFFFF  }
0xc0: {  	[dreg:$0x0] =	wrdreg $0xFFFFFFFF;
	(pc) =	sbr.abs _section_cstart, $3  }
0xc1: {  	[dreg:$0x1] =	wrdreg $0xFFFFFFFF  }
0xc2: {  	_ =	task.clear_ibuf [dreg:s7], $0x2FFFF;
	_ =	strace $0x9FFFFFFF  }
0xc3: {  	(tm) =	ssettm $0x7FFFFFFF  }
tec
execute0_lowered:
.L_overlay_start_1:
0x0: {  	(tag) =	ssettag $0x1  }
0x1: {  	s6 =	rddreg [dreg:$0x0]  }
0x2: {  	s1 =	rddreg [dreg:$0x1]  }
0x3: {  	s3 =	rddreg [dreg:$0x2]  }
0x4: {  	s0 =	rddreg [dreg:$0x3];
	s4 =	simm.s32 $0x0;
	s2 =	stileid.u32  }
0x5: {  	s5 =	srdreg.scid;
	s13 =	simm.s32 $0x80;
	s7 =	smul.u32 $0x1EA00, s2  }
0x6: {  	s14 =	simm.s32 $0x0;
	[smem:$0x7FF] =	sst s4;
	s8 =	smul.u32 $0x18C0, s2  }
0x7: {  	s9 =	sand.u32 $0x1, s5;
	s5 =	sadd.s32 $0x113C00, s6;
	s31 =	sshll.u32 s2, $0x6  }
0x8: {  	_ =	strace $0x8000004A;
	p0 =	seq.s32 s9, $0x1;
	s9 =	ssub.s32 $0x2, s9  }
0x9: {  	s10 =	sadd.s32 $0x1EA000, s7;
	s11 =	sadd.s32 s7, s3;
	s29 =	sshrl.u32 s9, $0x1  }
0xa: {  	s28 =	sadd.s32 s8, s6;
	s7 =	smov.u32 @p0 s10;
	s30 =	ssub.s32 s9, s29  }
0xb: {  	s9 =	smul.u32 $0x3DE00, s2;
	s10 =	sadd.s32 $0x1EE00, s28;
	s7 =	sshrl.u32 s7, $0x3  }
0xc: {  	s11 =	sshrl.u32 s11, $0x3;
	s12 =	sadd.s32 s7, s6;
	s6 =	sor.u32 $0x1C01, s31  }
0xd: {  	s7 =	smax.u32 s30, $0x1;
	s8 =	sadd.s32 $0x8CFC00, s12;
	s12 =	simm.s32 $0x1  }
.LBB2_1:
0xe: {  	[spmem:s11], [sflag:s6] =	dma.local [hbm:s1], $0x3D40  }
0xf: {  	_ =	swait.ge [sflag:s12], $0x3D40  }
0x10: {  	[sflag:s12] =	ssyncset.done $0x0  }
0x11: {  	[sflag:s12] =	ssyncadd.s32 $0xFFFFC2C0  }
0x12: {  	s15 =	sadd.s32 $0x0, s10;
	[bflag:$0x0] =	sbarrier.arrive $0xFFFF  }
0x13: {  	[tilespmem:s4], [sflag:$0x1] =	stream.linear.gather [hbm4b:s15+s4], $0x80, $0x38;
	[tilespmem:$0x1FE80] =	vst v63  }
0x14: {  	s16 =	smov.u32 s9;
	s15 =	sadd.s32 $0x3DE000, s9;
	_ =	swait.ge [sflag:s12], $0x80  }
0x15: {  	s16 =	smov.u32 @p0 s15;
	[sflag:s12] =	ssyncset.done $0x0  }
0x16: {  	s15 =	sadd.s32 s5, s16;
	[sflag:s12] =	ssyncadd.s32 $0xFFFFFF80  }
0x17: {  	[tilespmem:s13], [sflag:$0x1] =	stream.linear.gather [hbm4b:s15+s4], $0x1400, $0x38;
	[tilespmem:$0x1FE80] =	vst v63  }
0x18: {  	_ =	swait.ge [sflag:s12], $0x1400  }
0x19: {  	[sflag:s12] =	ssyncset.done $0x0  }
0x1a: {  	[sflag:s12] =	ssyncadd.s32 $0xFFFFEC00  }
0x1b: {  	[spmem:s3] =	stream.indirect.scatter.add.f32 [tilespmem:s13], [sflag:$0x1], $0x28, s4, s13, $0xb8;
	[tilespmem:$0x1FE80] =	vst v63  }
0x1c: {  	s17 =	simm.s32 $0x20;
	_ =	swait.ge [sflag:s12], $0x1400  }
0x1d: {  	s16 =	simm.s32 $0x10;
	s15 =	sadd.s32 $0x280, s9;
	[sflag:s12] =	ssyncset.done $0x0  }
.LBB2_2:
0x1e: {  	s18 =	sadd.s32 s16, s10;
	[sflag:s12] =	ssyncadd.s32 $0xFFFFEC00  }
0x1f: {  	s16 =	smov.u32 s17;
	s19 =	sadd.s32 $0x10, s17;
	p1 =	sne.s32 s17, $0x18B0  }
0x20: {  	[tilespmem:s4], [sflag:$0x1] =	stream.linear.gather [hbm4b:s18+s4], $0x80, $0x38;
	[tilespmem:$0x1FE80] =	vst v63  }
0x21: {  	s17 =	sadd.s32 $0x3DE000, s15;
	s18 =	smov.u32 s15;
	_ =	swait.ge [sflag:s12], $0x80  }
0x22: {  	s18 =	smov.u32 @p0 s17;
	[sflag:s12] =	ssyncset.done $0x0  }
0x23: {  	s17 =	sadd.s32 s5, s18;
	[sflag:s12] =	ssyncadd.s32 $0xFFFFFF80  }
0x24: {  	[tilespmem:s13], [sflag:$0x1] =	stream.linear.gather [hbm4b:s17+s4], $0x1400, $0x38;
	[tilespmem:$0x1FE80] =	vst v63  }
0x25: {  	_ =	swait.ge [sflag:s12], $0x1400  }
.Ltmp0:
0x26: {  	[sflag:s12] =	ssyncset.done $0x0;
	(pc) =	sbr.rel @p1 .LBB2_2-.Ltmp0, $4  }
0x27: {  	[sflag:s12] =	ssyncadd.s32 $0xFFFFEC00  }
0x28: {  	[spmem:s3] =	stream.indirect.scatter.add.f32 [tilespmem:s13], [sflag:$0x1], $0x28, s4, s13, $0xb8;
	[tilespmem:$0x1FE80] =	vst v63  }
0x29: {  	_ =	swait.ge [sflag:s12], $0x1400  }
0x2a: {  	s15 =	sadd.s32 $0x280, s15;
	s17 =	smov.u32 s19;
	[sflag:s12] =	ssyncset.done $0x0  }
0x2b: {  	s16 =	sadd.s32 s16, s10;
	[sflag:s12] =	ssyncadd.s32 $0xFFFFEC00  }
0x2c: {  	[tilespmem:s4], [sflag:$0x1] =	stream.linear.gather [hbm4b:s16+s4], $0x80, $0x38;
	[tilespmem:$0x1FE80] =	vst v63  }
0x2d: {  	s16 =	sadd.s32 $0x3DE000, s15;
	_ =	swait.ge [sflag:s12], $0x80  }
0x2e: {  	s15 =	smov.u32 @p0 s16;
	[sflag:s12] =	ssyncset.done $0x0  }
0x2f: {  	s15 =	sadd.s32 s5, s15;
	[sflag:s12] =	ssyncadd.s32 $0xFFFFFF80  }
0x30: {  	[tilespmem:s13], [sflag:$0x1] =	stream.linear.gather [hbm4b:s15+s4], $0x1400, $0x38;
	[tilespmem:$0x1FE80] =	vst v63  }
0x31: {  	_ =	swait.ge [sflag:s12], $0x1400  }
0x32: {  	[sflag:s12] =	ssyncset.done $0x0  }
0x33: {  	[sflag:s12] =	ssyncadd.s32 $0xFFFFEC00  }
0x34: {  	[spmem:s3] =	stream.indirect.scatter.add.f32 [tilespmem:s13], [sflag:$0x1], $0x28, s4, s13, $0xb8;
	[tilespmem:$0x1FE80] =	vst v63  }
0x35: {  	_ =	swait.ge [sflag:s12], $0x1400  }
0x36: {  	s14 =	sadd.s32 $0x1, s14;
	[sflag:s12] =	ssyncset.done $0x0  }
0x37: {  	p1 =	sne.s32 s14, s7;
	[sflag:s12] =	ssyncadd.s32 $0xFFFFEC00  }
.Ltmp1:
0x38: {  	[bflag:$0x0] =	sbarrier.arrive $0xFFFF;
	(pc) =	sbr.rel @p1 .LBB2_1-.Ltmp1, $4  }
0x39: {  	[hbm:s8], [sflag:s6] =	dma.local [spmem:s11], $0x3D40  }
0x3a: {  	_ =	swait.ge [sflag:s12], $0x3D40  }
0x3b: {  	[sflag:s12] =	ssyncset.done $0x0  }
0x3c: {  	[sflag:s12] =	ssyncadd.s32 $0xFFFFC2C0  }
0x3d: {  	_ =	sfence.sel $0x180000  }
0x3e: {  	[bflag:$0x0] =	sbarrier.arrive $0xFFFF  }
0x3f: {  	p0 =	sne.s32 s2, $0x0;
	_ =	strace $0x9000004A  }
0x40: {  	s0 =	sadd.s32 @!p0 $0x100000, s0;
	[bflag:$0x2] =	sbarrier.arrive $0xFFFF  }
0x41: {  	[sflag:s0] =	ssyncadd.tile.s32 @!p0 $0x1;
	_ =	shalt  }
.Lfunc_end2:
_tile_overlayer_lowered:
.L_overlay_start_2:
0x42: {  	(tag) =	ssettag $0x2  }
0x43: {  	s0 =	rddreg [dreg:$0x0];
	s2 =	stileid.u32  }
0x44: {  	s1 =	rddreg [dreg:$0x1];
	p0 =	sne.s32 s2, $0x0  }
0x45: {  	s3 =	rddreg [dreg:$0x2];
	[bflag:$0x3] =	sbarrier.arrive $0xFFFF;
	s2 =	simm.s32 @!p0 $0x1C01  }
0x46: {  	[timem:s3], [sflag:s2] =	dma.local @!p0 [hbm:s0], s1  }
0x47: {  	s0 =	simm.s32 @!p0 $0x1  }
0x48: {  	_ =	swait.ge @!p0 [sflag:s0], s1  }
0x49: {  	s1 =	ssub.s32 @!p0 $0x0, s1;
	[sflag:s0] =	ssyncset.done @!p0 $0x0  }
0x4a: {  	[sflag:s0] =	ssyncadd.s32 @!p0 s1  }
0x4b: {  	[bflag:$0x3] =	sbarrier.arrive $0xFFFF  }
0x4c: {  	_ =	shalt  }

// kernel: kernel.18.cloned.1.call-start
scs
__scs_entry_jumppad:
0x0: {  	(pc) =	sbr.rel $0x88, $3  }
0x1: {  	(tag) =	ssettag $0x0;
	lr =	simm.s32 $0x1  }
0x2: {  	[smem:$0x3F8A] =	sst lr;
	_ =	strace $0xD0000000  }
0x3: {  	_ = 	snop  }
0x4: {  	_ = 	snop  }
0x5: {  	_ = 	snop  }
0x6: {  	_ = 	snop  }
0x7: {  	_ = 	snop  }
__scs_overlays_trampoline_lowered:
0x8: {  	[smem:$0x3F99] =	sst s0  }
0x9: {  	[smem:$0x3F9A] =	sst s1  }
0xa: {  	[smem:$0x3F9B] =	sst s2  }
0xb: {  	[smem:$0x3F9C] =	sst s3  }
0xc: {  	[smem:$0x3F9D] =	sst s4  }
0xd: {  	[smem:$0x3F9E] =	sst s5  }
0xe: {  	[smem:$0x3F9F] =	sst s6  }
0xf: {  	[smem:$0x3FA0] =	sst s7  }
0x10: {  	[smem:$0x3FA1] =	sst s8  }
0x11: {  	[smem:$0x3FA2] =	sst s9;
	s0 =	simm.s32 @!p0 $0x0  }
0x12: {  	s1 =	sld [smem:$0x3F88];
	s0 =	simm.s32 @p0 $0x1  }
0x13: {  	[smem:$0x3FA3] =	sst s0;
	s0 =	simm.s32 @!p1 $0x0  }
0x14: {  	s2 =	sld [smem:$0x3F87];
	s0 =	simm.s32 @p1 $0x1  }
0x15: {  	[smem:$0x3FA4] =	sst s0;
	s0 =	simm.s32 @!p2 $0x0  }
0x16: {  	s3 =	sld [smem:$0x3FDB];
	s0 =	simm.s32 @p2 $0x1  }
0x17: {  	s4 =	simm.s32 $0x1BF5;
	[smem:$0x3FA6] =	sst s0  }
0x18: {  	s0 =	sld [smem:$0x3F89];
	_ =	swait.ge [sflag:s4], $0x0  }
0x19: {  	s7 =	sld [smem:$0x3F8A]  }
0x1a: {  	s8 =	sadd.s32 $0xFFFFE003, lr  }
0x1b: {  	s9 =	sadd.s32 $0xFFFFFEF7, lr;
	s5 =	simm.s32 $0xFFFFFFFF;
	p2 =	slt.u32 s8, $0xFFFFF086  }
0x1c: {  	p1 =	slt.u32 s9, $0xF7A;
	s5 =	simm.s32 @!p2 $0x0  }
0x1d: {  	s5 =	simm.s32 @p1 $0x1;
	p0 =	seq.s32 s7, s2  }
0x1e: {  	s7 =	smul.u32 @!p0 $0xF7A, s2;
	p2 =	seq.s32 @!p0 s5, $0x0  }
0x1f: {  	s9 =	smul.u32 $0xF7A, s1;
	s8 =	simm.s32 @!p0 $0x1BF5;
	p2 =	por !p2, p0  }
0x20: {  	[sflag:s8] =	ssyncset.s32 @!p0 $0xFFFFF086;
	s6 =	sadd.s32 @!p0 s3, s7;
	s7 =	simm.s32 @!p0 $0x108  }
0x21: {  	s3 =	sadd.s32 s3, s9;
	s6 =	sadd.s32 @!p0 $0x88, s6;
	s7 =	simm.s32 @p2 $0x1082  }
0x22: {  	[simem:s7], [sflag:s8] =	dma.local @!p0 [hbm:s6], $0xF7A  }
0x23: {  	s9 =	sor.u32 $0xD0000000, s2;
	s6 =	simm.s32 $0x108;
	_ =	swait.ge @!p0 [sflag:s8], $0x0  }
0x24: {  	s3 =	sadd.s32 $0x88, s3;
	s6 =	simm.s32 @!p1 $0x1082;
	[sflag:s4] =	ssyncset.s32 $0xFFFFF086  }
0x25: {  	[simem:s6], [sflag:s4] =	dma.local [hbm:s3], $0xF7A  }
0x26: {  	[smem:$0x3F8A] =	sst s1;
	(tag) =	ssettag s2;
	_ =	strace s9  }
0x27: {  	s1 =	sld [smem:$0x3F9A]  }
0x28: {  	s2 =	sld [smem:$0x3F9B]  }
0x29: {  	s4 =	sld [smem:$0x3F9D]  }
0x2a: {  	p0 =	seq.s32 s5, $0x0;
	s5 =	sld [smem:$0x3F9E]  }
0x2b: {  	s6 =	sld [smem:$0x3F9F]  }
0x2c: {  	s7 =	sld [smem:$0x3FA0]  }
0x2d: {  	s3 =	simm.s32 $0x108;
	s8 =	sld [smem:$0x3FA1]  }
0x2e: {  	s3 =	simm.s32 @!p0 $0x1082;
	s9 =	sld [smem:$0x3FA2]  }
0x2f: {  	lr =	sadd.s32 s0, s3;
	s0 =	sld [smem:$0x3F99]  }
0x30: {  	s3 =	sld [smem:$0x3F9C]  }
0x31: {  	[smem:$0x3FA5] =	sst s10  }
0x32: {  	s10 =	sld [smem:$0x3FA3];
	_ =	sdelay $0x3  }
0x33: {  	p0 =	seq.s32 s10, $0x1;
	s10 =	sld [smem:$0x3FA5];
	_ =	sdelay $0x3  }
0x34: {  	[smem:$0x3FA5] =	sst s10  }
0x35: {  	s10 =	sld [smem:$0x3FA4];
	_ =	sdelay $0x3  }
0x36: {  	p1 =	seq.s32 s10, $0x1;
	s10 =	sld [smem:$0x3FA5];
	_ =	sdelay $0x3  }
0x37: {  	[smem:$0x3FA5] =	sst s10  }
0x38: {  	s10 =	sld [smem:$0x3FA6]  }
0x39: {  	_ = 	snop;
	(pc) =	sbr.ind lr, $3  }
0x3a: {  	_ = 	snop  }
0x3b: {  	_ = 	snop  }
0x3c: {  	p2 =	seq.s32 s10, $0x1;
	s10 =	sld [smem:$0x3FA5]  }
0x3d: {  	_ =	shalt  }
0x3e: {  	_ =	shalt  }
0x3f: {  	_ =	shalt  }
0x40: {  	_ =	shalt  }
0x41: {  	_ =	shalt  }
0x42: {  	_ =	shalt  }
0x43: {  	_ =	shalt  }
0x44: {  	_ =	shalt  }
0x45: {  	_ =	shalt  }
0x46: {  	_ =	shalt  }
0x47: {  	_ =	shalt  }
0x48: {  	_ =	shalt  }
0x49: {  	_ =	shalt  }
0x4a: {  	_ =	shalt  }
0x4b: {  	_ =	shalt  }
0x4c: {  	_ =	shalt  }
0x4d: {  	_ =	shalt  }
0x4e: {  	_ =	shalt  }
0x4f: {  	_ =	shalt  }
0x50: {  	_ =	shalt  }
0x51: {  	_ =	shalt  }
0x52: {  	_ =	shalt  }
0x53: {  	_ =	shalt  }
0x54: {  	_ =	shalt  }
0x55: {  	_ =	shalt  }
0x56: {  	_ =	shalt  }
0x57: {  	_ =	shalt  }
0x58: {  	_ =	shalt  }
0x59: {  	_ =	shalt  }
0x5a: {  	_ =	shalt  }
0x5b: {  	_ =	shalt  }
0x5c: {  	_ =	shalt  }
0x5d: {  	_ =	shalt  }
0x5e: {  	_ =	shalt  }
0x5f: {  	_ =	shalt  }
0x60: {  	_ =	shalt  }
0x61: {  	_ =	shalt  }
0x62: {  	_ =	shalt  }
0x63: {  	_ =	shalt  }
0x64: {  	_ =	shalt  }
0x65: {  	_ =	shalt  }
0x66: {  	_ =	shalt  }
0x67: {  	_ =	shalt  }
0x68: {  	_ =	shalt  }
0x69: {  	_ =	shalt  }
0x6a: {  	_ =	shalt  }
0x6b: {  	_ =	shalt  }
0x6c: {  	_ =	shalt  }
0x6d: {  	_ =	shalt  }
0x6e: {  	_ =	shalt  }
0x6f: {  	_ =	shalt  }
0x70: {  	_ =	shalt  }
0x71: {  	_ =	shalt  }
0x72: {  	_ =	shalt  }
0x73: {  	_ =	shalt  }
0x74: {  	_ =	shalt  }
0x75: {  	_ =	shalt  }
0x76: {  	_ =	shalt  }
0x77: {  	_ =	shalt  }
0x78: {  	_ =	shalt  }
0x79: {  	_ =	shalt  }
0x7a: {  	_ =	shalt  }
0x7b: {  	_ =	shalt  }
0x7c: {  	_ =	shalt  }
0x7d: {  	_ =	shalt  }
0x7e: {  	_ =	shalt  }
0x7f: {  	_ =	shalt  }
0x80: {  	_ =	shalt  }
0x81: {  	_ =	shalt  }
0x82: {  	_ =	shalt  }
0x83: {  	_ =	shalt  }
0x84: {  	_ =	shalt  }
0x85: {  	_ =	shalt  }
0x86: {  	_ =	shalt  }
0x87: {  	_ =	shalt  }
.Lfunc_end0:
.L_simem_size_0:
called_computation.2_lowered:
.L_overlay_start_0:
0x88: {  	s2 =	sld [smem:$0x3FD9]  }
0x89: {  	s3 =	sld [smem:$0x3FFE];
	_ =	sdelay $0x1  }
0x8a: {  	s1 =	srdreg.scid  }
0x8b: {  	s0 =	sand.u32 $0x1, s1  }
0x8c: {  	s17 =	sshll.u32 s0, $0xA;
	s2 =	sadd.s32 s3, s2  }
0x8d: {  	s2 =	sadd.s32 s2, s17  }
0x8e: {  	[smem:$0x3FB1] =	sst s2  }
0x8f: {  	_ = 	snop  }
0x90: {  	s2 =	sld [smem:$0x3FD0];
	(tm) =	ssettm $0x1  }
0x91: {  	s18 =	sld [smem:$0x3FFB];
	_ =	sdelay $0x3  }
0x92: {  	_ =	strace s18  }
0x93: {  	s3 =	sld [smem:$0x3FFC];
	_ =	sdelay $0x3  }
0x94: {  	_ =	strace s3  }
0x95: {  	s3 =	sld [smem:$0x3FFD];
	_ =	sdelay $0x3  }
0x96: {  	_ =	strace s3  }
0x97: {  	_ =	strace $0x8FFFFFFF  }
0x98: {  	s19 =	sld [smem:$0x3FDB];
	_ =	sdelay $0x1  }
0x99: {  	s4 =	simm.s32 $_scs_section_size  }
0x9a: {  	s5 =	simm.s32 $_size__tile_overlayer_lowered;
	s6 =	simm.s32 $_tile_overlayer_lowered  }
0x9b: {  	s22 =	simm.s32 $0x1BFF;
	s21 =	sshll.u32 s6, $0x1;
	s3 =	sadd.s32 s4, s19  }
0x9c: {  	s7 =	simm.s32 $0x0;
	s20 =	sshll.u32 s5, $0x1;
	s5 =	sadd.s32 s21, s3  }
0x9d: {  	[timem:s7], [sflag:s22] =	dma.local [hbm:s5], s20  }
0x9e: {  	_ =	swait.ge [sflag:s22], s20  }
0x9f: {  	s4 =	ssub.s32 $0x0, s20;
	[sflag:s22] =	ssyncset.done $0x0  }
0xa0: {  	[sflag:s22] =	ssyncadd.s32 s4;
	_ =	sdelay $0x1  }
0xa1: {  	s23 =	simm.s32 $0x1B8B  }
0xa2: {  	_ =	swait.ge [sflag:s23], $0x1  }
0xa3: {  	[sflag:s23] =	ssyncset.done $0x0  }
0xa4: {  	s25 =	simm.s32 $0x1B8E;
	s24 =	sld [smem:$0x3FFE];
	[sflag:s23] =	ssyncadd.s32 $0xFFFFFFFF  }
0xa5: {  	s26 =	simm.s32 $execute0_lowered;
	[smem:$0x3FD2] =	sst s25  }
0xa6: {  	s5 =	sshll.u32 s26, $0x1;
	_ =	strace $0x8000004C;
	[dreg:$0x1] =	wrdreg $0xFFFFFFFF  }
0xa7: {  	s28 =	simm.s32 $_size_execute0_lowered;
	s3 =	sadd.s32 s3, s5;
	[dreg:$0x0] =	wrdreg $0x0  }
0xa8: {  	s5 =	sshll.u32 s28, $0x1;
	[dreg:$0x2] =	wrdreg s3  }
0xa9: {  	[dreg:$0x3] =	wrdreg s5  }
0xaa: {  	[dreg:$0x4] =	wrdreg $0xC0  }
0xab: {  	_ =	task [dreg:s7], $0x5FFFF  }
0xac: {  	[dreg:$0x1] =	wrdreg $0xFFFFFFFF  }
0xad: {  	[dreg:$0x0] =	wrdreg $0x60  }
0xae: {  	[dreg:$0x2] =	wrdreg s24  }
0xaf: {  	[dreg:$0x3] =	wrdreg s2  }
0xb0: {  	[dreg:$0x4] =	wrdreg $0x14300  }
0xb1: {  	[dreg:$0x5] =	wrdreg $0x9  }
0xb2: {  	_ =	task.clear_ibuf [dreg:s7], $0x6FFFF;
	_ =	strace $0x9000004C  }
0xb3: {  	s29 =	simm.s32 $0x9;
	_ =	strace $0x8000004E  }
0xb4: {  	_ =	swait.ge [sflag:s29], $0x1  }
0xb5: {  	[sflag:s29] =	ssyncadd.s32 $0xFFFFFFFF  }
0xb6: {  	_ =	strace $0x9000004E  }
0xb7: {  	_ =	sfence  }
0xb8: {  	s30 =	sld [smem:$0x0];
	_ =	sdelay $0x2  }
0xb9: {  	s31 =	sshll.u32 s1, $0xD;
	s1 =	sshrl.u32 s1, $0x2  }
0xba: {  	s3 =	sand.u32 $0x4000, s31;
	s1 =	sadd.s32 s1, s30  }
0xbb: {  	s0 =	sor.u32 s3, s0;
	s1 =	sshll.u32 s1, $0x11  }
0xbc: {  	s0 =	sor.u32 s1, s0  }
0xbd: {  	s0 =	sadd.s32 $0x8F2B, s0  }
0xbe: {  	[sflag:s0] =	ssyncadd.remote.s32 $0x1  }
0xbf: {  	_ =	sfence.sel $0xFFFF  }
0xc0: {  	[dreg:$0x0] =	wrdreg $0xFFFFFFFF;
	(pc) =	sbr.abs _section_cstart, $3  }
0xc1: {  	[dreg:$0x1] =	wrdreg $0xFFFFFFFF  }
0xc2: {  	_ =	task.clear_ibuf [dreg:s7], $0x2FFFF;
	_ =	strace $0x9FFFFFFF  }
0xc3: {  	(tm) =	ssettm $0x7FFFFFFF  }
tec
execute0_lowered:
.L_overlay_start_1:
0x0: {  	(tag) =	ssettag $0x1  }
0x1: {  	s10 =	rddreg [dreg:$0x0]  }
0x2: {  	s1 =	rddreg [dreg:$0x1]  }
0x3: {  	s3 =	rddreg [dreg:$0x2]  }
0x4: {  	s0 =	rddreg [dreg:$0x3];
	s4 =	simm.s32 $0x0;
	s2 =	stileid.u32  }
0x5: {  	s6 =	srdreg.scid;
	s18 =	simm.s32 $0x30;
	s19 =	simm.s32 $0x90  }
0x6: {  	s20 =	simm.s32 $0x690;
	s21 =	simm.s32 $0xC90;
	s22 =	simm.s32 $0x1  }
0x7: {  	s23 =	simm.s32 $0x2;
	s24 =	simm.s32 $0x3;
	s25 =	simm.s32 $0x60  }
0x8: {  	s26 =	simm.s32 $0x0;
	[smem:$0x7FF] =	sst s4;
	s11 =	smul.u32 $0x1EA00, s2  }
0x9: {  	s5 =	sadd.s32 $0xA94400, s10;
	s12 =	sand.u32 $0x1, s6;
	s6 =	sadd.s32 $0x113C00, s10  }
0xa: {  	s7 =	sadd.s32 $0xA56800, s10;
	s9 =	sadd.s32 $0x6200, s10;
	s13 =	sshll.u32 s2, $0x6  }
0xb: {  	_ =	strace $0x8000004D;
	p0 =	seq.s32 s12, $0x1;
	s29 =	ssub.s32 $0x2, s12  }
0xc: {  	s30 =	sshll.u32 s12, $0x4;
	s8 =	sadd.s32 $0x1EA000, s11;
	s15 =	sadd.s32 s11, s3  }
0xd: {  	s31 =	sshrl.u32 s29, $0x1;
	s16 =	sor.u32 s2, s30;
	s11 =	smov.u32 @p0 s8  }
0xe: {  	s8 =	sadd.s32 $0x8CFC00, s10;
	s17 =	ssub.s32 s29, s31;
	s11 =	sshrl.u32 s11, $0x3  }
0xf: {  	s12 =	smul.u32 $0x210, s16;
	s15 =	sshrl.u32 s15, $0x3;
	s14 =	sadd.s32 s11, s10  }
0x10: {  	s10 =	sor.u32 $0x1C04, s13;
	s11 =	smul.u32 $0x6300, s16;
	s13 =	smax.u32 s17, $0x1  }
0x11: {  	vm0 =	vcmask $0x1F24;
	s16 =	simm.s32 $0x4;
	s17 =	simm.s32 $0x1410;
	s14 =	sadd.s32 $0x900A00, s14  }
.LBB2_1:
0x12: {  	[spmem:s15], [sflag:s10] =	dma.local [hbm:s1], $0x3D40  }
0x13: {  	_ =	swait.ge [sflag:s16], $0x3D40  }
0x14: {  	[sflag:s16] =	ssyncset.done $0x0  }
0x15: {  	[sflag:s16] =	ssyncadd.s32 $0xFFFFC2C0  }
0x16: {  	[tilespmem:s17], [sflag:$0x4] =	stream.linear.gather [hbm4b:s9+s4], $0x20, $0x38;
	[tilespmem:$0x1FE30] =	vst v63  }
0x17: {  	_ =	swait.ge [sflag:s16], $0x20  }
0x18: {  	[sflag:s16] =	ssyncset.done $0x0  }
0x19: {  	[sflag:s16] =	ssyncadd.s32 $0xFFFFFFE0  }
0x1a: {  	s28 =	simm.s32 $0x0;
	[bflag:$0x0] =	sbarrier.arrive $0xFFFF  }
.LBB2_2:
0x1b: {  	s29 =	sadd.s32 s12, s28  }
0x1c: {  	s29 =	smul.u32 $0x12, s29;
	_ =	sdelay $0x1  }
0x1d: {  	s30 =	sadd.s32 s5, s29;
	s29 =	simm.s32 $0x0  }
0x1e: {  	[tilespmem:s29], [sflag:$0x4] =	stream.linear.gather [hbm4b:s30+s29], $0x90, $0x38;
	[tilespmem:$0x1FE30] =	vst v63  }
0x1f: {  	s30 =	smul.u32 $0x30, s28;
	_ =	swait.ge [sflag:s16], $0x90  }
0x20: {  	[sflag:s16] =	ssyncset.done $0x0  }
0x21: {  	s30 =	sadd.s32 s11, s30;
	[sflag:s16] =	ssyncadd.s32 $0xFFFFFF70  }
0x22: {  	[tilespmem:s19], [sflag:$0x1] =	stream.indirect.gather [hbm4b:s7+s18], $0x20, s29, s18, $0xb8;
	[tilespmem:$0x1FE30] =	vst v63  }
0x23: {  	s30 =	smul.u32 $0x5, s30  }
0x24: {  	[tilespmem:s20], [sflag:$0x2] =	stream.indirect.gather [hbm4b:s8+s18], $0x20, s18, s18, $0xb8;
	[tilespmem:$0x1FE30] =	vst v63  }
0x25: {  	s30 =	sadd.s32 s6, s30  }
0x26: {  	[tilespmem:s21], [sflag:$0x3] =	stream.linear.gather [hbm4b:s30+s29], $0x780, $0x38;
	[tilespmem:$0x1FE30] =	vst v63  }
0x27: {  	_ =	swait.ge [sflag:s22], $0x600  }
0x28: {  	[sflag:s22] =	ssyncset.done $0x0  }
0x29: {  	[sflag:s22] =	ssyncadd.s32 $0xFFFFFA00  }
0x2a: {  	_ =	swait.ge [sflag:s23], $0x600  }
0x2b: {  	[sflag:s23] =	ssyncset.done $0x0  }
0x2c: {  	[sflag:s23] =	ssyncadd.s32 $0xFFFFFA00  }
0x2d: {  	_ =	swait.ge [sflag:s24], $0x780  }
0x2e: {  	[sflag:s24] =	ssyncset.done $0x0  }
0x2f: {  	[sflag:s24] =	ssyncadd.s32 $0xFFFFF880  }
0x30: {  	v0 =	vld [tilespmem:$0x1410]  }
0x31: {  	s30 =	simm.s32 $0xCE0;
	v1 =	vld [tilespmem:$0x1420]  }
.LBB2_3:
0x32: {  	s31 =	sshra.s32 s29, $0x2  }
0x33: {  	v2 =	vld [tilespmem:s31+$0x90]  }
0x34: {  	v3 =	vld [tilespmem:s31+$0xA0]  }
0x35: {  	v4 =	vld [tilespmem:s31+$0x690]  }
0x36: {  	v5 =	vld [tilespmem:s31+$0x6A0]  }
0x37: {  	v6 =	vld [tilespmem:s30+$0xFFFFFFB0]  }
0x38: {  	v7 =	vld [tilespmem:s30+$0xFFFFFFC0];
	_ =	sdelay $0x1  }
0x39: {  	v4 =	vadd.f32 v4, v2  }
0x3a: {  	v5 =	vadd.f32 v5, v3  }
0x3b: {  	v4 =	vadd.f32 v6, v4  }
0x3c: {  	v5 =	vadd.f32 v7, v5  }
0x3d: {  	v6 =	vmul.f32 $2.000000030e-01, v4  }
0x3e: {  	v7 =	vmul.f32 $2.000000030e-01, v5  }
0x3f: {  	v4 =	vmax.f32 v4, v6  }
0x40: {  	v5 =	vmax.f32 v5, v7;
	v4 =	vmul.f32 v4, v0  }
0x41: {  	v5 =	vmul.f32 v5, v1  }
0x42: {  	(xrf2) =	vadd.scan.msk.f32 $0xffff, v4  }
0x43: {  	(xrf2) =	vadd.scan.msk.f32 $0xffff, v5;
	_ =	sdelay $0x8  }
0x44: {  	v4, _, _ =	vpop (xrf2)  }
0x45: {  	v5, _, _ =	vpop (xrf2);
	v4 =	vmul.f32 $1.442695020e+00, v4  }
0x46: {  	v5 =	vmul.f32 $1.442695020e+00, v5  }
0x47: {  	v4 =	vbroadcast v4, $0xF  }
0x48: {  	v5 =	vbroadcast v5, $0xF  }
0x49: {  	(erf) = vpow2.f32 v4  }
0x4a: {  	(erf) = vpow2.f32 v5;
	_ =	sdelay $0x7  }
0x4b: {  	v4 =	vpop (erf)  }
0x4c: {  	v5 =	vpop (erf)  }
0x4d: {  	v2 =	vmul.f32 v4, v2;
	v48 =	vsel vm0, v5, v4  }
0x4e: {  	v3 =	vmul.f32 v5, v3;
	[tilespmem:s30+$0xFFFFFFC8] =	vst v48  }
0x4f: {  	[tilespmem:s30+$0xFFFFFFB0] =	vst v2  }
0x50: {  	[tilespmem:s30+$0xFFFFFFC0] =	vst v3  }
0x51: {  	v2 =	vld [tilespmem:s31+$0xB0]  }
0x52: {  	v3 =	vld [tilespmem:s31+$0xC0]  }
0x53: {  	v49 =	vld [tilespmem:s31+$0x6B0]  }
0x54: {  	v50 =	vld [tilespmem:s31+$0x6C0]  }
0x55: {  	v51 =	vld [tilespmem:s30+$0xFFFFFFD8]  }
0x56: {  	v52 =	vld [tilespmem:s30+$0xFFFFFFE8];
	_ =	sdelay $0x1  }
0x57: {  	v4 =	vadd.f32 v49, v2  }
0x58: {  	v5 =	vadd.f32 v50, v3  }
0x59: {  	v4 =	vadd.f32 v51, v4  }
0x5a: {  	v5 =	vadd.f32 v52, v5  }
0x5b: {  	v6 =	vmul.f32 $2.000000030e-01, v4  }
0x5c: {  	v7 =	vmul.f32 $2.000000030e-01, v5  }
0x5d: {  	v4 =	vmax.f32 v4, v6  }
0x5e: {  	v5 =	vmax.f32 v5, v7;
	v4 =	vmul.f32 v4, v0  }
0x5f: {  	v5 =	vmul.f32 v5, v1  }
0x60: {  	(xrf2) =	vadd.scan.msk.f32 $0xffff, v4  }
0x61: {  	(xrf2) =	vadd.scan.msk.f32 $0xffff, v5;
	_ =	sdelay $0x8  }
0x62: {  	v4, _, _ =	vpop (xrf2)  }
0x63: {  	v5, _, _ =	vpop (xrf2);
	v4 =	vmul.f32 $1.442695020e+00, v4  }
0x64: {  	v5 =	vmul.f32 $1.442695020e+00, v5  }
0x65: {  	v4 =	vbroadcast v4, $0xF  }
0x66: {  	v5 =	vbroadcast v5, $0xF  }
0x67: {  	(erf) = vpow2.f32 v4  }
0x68: {  	(erf) = vpow2.f32 v5;
	_ =	sdelay $0x7  }
0x69: {  	v4 =	vpop (erf)  }
0x6a: {  	v5 =	vpop (erf)  }
0x6b: {  	v2 =	vmul.f32 v4, v2;
	v53 =	vsel vm0, v5, v4  }
0x6c: {  	v3 =	vmul.f32 v5, v3;
	[tilespmem:s30+$0xFFFFFFF0] =	vst v53  }
0x6d: {  	[tilespmem:s30+$0xFFFFFFD8] =	vst v2  }
0x6e: {  	[tilespmem:s30+$0xFFFFFFE8] =	vst v3  }
0x6f: {  	v2 =	vld [tilespmem:s31+$0xD0]  }
0x70: {  	v3 =	vld [tilespmem:s31+$0xE0]  }
0x71: {  	v54 =	vld [tilespmem:s31+$0x6D0]  }
0x72: {  	v55 =	vld [tilespmem:s31+$0x6E0]  }
0x73: {  	v56 =	vld [tilespmem:s30+$0x0]  }
0x74: {  	v57 =	vld [tilespmem:s30+$0x10];
	_ =	sdelay $0x1  }
0x75: {  	v4 =	vadd.f32 v54, v2  }
0x76: {  	v5 =	vadd.f32 v55, v3  }
0x77: {  	v4 =	vadd.f32 v56, v4  }
0x78: {  	v5 =	vadd.f32 v57, v5  }
0x79: {  	v6 =	vmul.f32 $2.000000030e-01, v4  }
0x7a: {  	v7 =	vmul.f32 $2.000000030e-01, v5  }
0x7b: {  	v4 =	vmax.f32 v4, v6  }
0x7c: {  	v5 =	vmax.f32 v5, v7;
	v4 =	vmul.f32 v4, v0  }
0x7d: {  	v5 =	vmul.f32 v5, v1  }
0x7e: {  	(xrf2) =	vadd.scan.msk.f32 $0xffff, v4  }
0x7f: {  	(xrf2) =	vadd.scan.msk.f32 $0xffff, v5;
	_ =	sdelay $0x8  }
0x80: {  	v4, _, _ =	vpop (xrf2)  }
0x81: {  	v5, _, _ =	vpop (xrf2);
	v4 =	vmul.f32 $1.442695020e+00, v4  }
0x82: {  	v5 =	vmul.f32 $1.442695020e+00, v5  }
0x83: {  	v4 =	vbroadcast v4, $0xF  }
0x84: {  	v5 =	vbroadcast v5, $0xF  }
0x85: {  	(erf) = vpow2.f32 v4  }
0x86: {  	(erf) = vpow2.f32 v5;
	_ =	sdelay $0x7  }
0x87: {  	v4 =	vpop (erf)  }
0x88: {  	v5 =	vpop (erf)  }
0x89: {  	v2 =	vmul.f32 v4, v2;
	v58 =	vsel vm0, v5, v4  }
0x8a: {  	v3 =	vmul.f32 v5, v3;
	[tilespmem:s30+$0x18] =	vst v58  }
0x8b: {  	[tilespmem:s30+$0x0] =	vst v2  }
0x8c: {  	[tilespmem:s30+$0x10] =	vst v3  }
0x8d: {  	v2 =	vld [tilespmem:s31+$0xF0]  }
0x8e: {  	v3 =	vld [tilespmem:s31+$0x100]  }
0x8f: {  	v59 =	vld [tilespmem:s31+$0x6F0]  }
0x90: {  	v60 =	vld [tilespmem:s31+$0x700]  }
0x91: {  	v61 =	vld [tilespmem:s30+$0x28]  }
0x92: {  	v62 =	vld [tilespmem:s30+$0x38];
	_ =	sdelay $0x1  }
0x93: {  	v4 =	vadd.f32 v59, v2  }
0x94: {  	v5 =	vadd.f32 v60, v3  }
0x95: {  	v4 =	vadd.f32 v61, v4  }
0x96: {  	v5 =	vadd.f32 v62, v5  }
0x97: {  	v6 =	vmul.f32 $2.000000030e-01, v4  }
0x98: {  	v7 =	vmul.f32 $2.000000030e-01, v5  }
0x99: {  	v4 =	vmax.f32 v4, v6  }
0x9a: {  	v5 =	vmax.f32 v5, v7;
	v4 =	vmul.f32 v4, v0  }
0x9b: {  	v5 =	vmul.f32 v5, v1  }
0x9c: {  	(xrf2) =	vadd.scan.msk.f32 $0xffff, v4  }
0x9d: {  	(xrf2) =	vadd.scan.msk.f32 $0xffff, v5;
	_ =	sdelay $0x8  }
0x9e: {  	v4, _, _ =	vpop (xrf2)  }
0x9f: {  	v5, _, _ =	vpop (xrf2);
	v4 =	vmul.f32 $1.442695020e+00, v4  }
0xa0: {  	v5 =	vmul.f32 $1.442695020e+00, v5  }
0xa1: {  	v4 =	vbroadcast v4, $0xF  }
0xa2: {  	v5 =	vbroadcast v5, $0xF  }
0xa3: {  	(erf) = vpow2.f32 v4  }
0xa4: {  	(erf) = vpow2.f32 v5;
	_ =	sdelay $0x7  }
0xa5: {  	p0 =	sne.s32 s29, $0x1600;
	v4 =	vpop (erf)  }
.Ltmp0:
0xa6: {  	v5 =	vpop (erf);
	(pc) =	sbr.rel @p0 .LBB2_3-.Ltmp0, $4  }
0xa7: {  	v2 =	vmul.f32 v4, v2;
	v63 =	vsel vm0, v5, v4  }
0xa8: {  	v3 =	vmul.f32 v5, v3;
	[tilespmem:s30+$0x40] =	vst v63  }
0xa9: {  	[tilespmem:s30+$0x28] =	vst v2  }
0xaa: {  	s29 =	sadd.s32 $0x200, s29;
	[tilespmem:s30+$0x38] =	vst v3;
	s30 =	sadd.s32 $0xA0, s30  }
0xab: {  	s28 =	sadd.s32 $0x1, s28  }
0xac: {  	p0 =	sne.s32 s28, $0x210  }
.Ltmp1:
0xad: {  	_ = 	snop;
	(pc) =	sbr.rel @p0 .LBB2_2-.Ltmp1, $4  }
0xae: {  	[spmem:s3] =	stream.indirect.scatter.add.f32 [tilespmem:s21], [sflag:$0x4], $0x28, s25, s18, $0xb8;
	[tilespmem:$0x1FE30] =	vst v63  }
0xaf: {  	_ =	swait.ge [sflag:s16], $0x780  }
0xb0: {  	[sflag:s16] =	ssyncset.done $0x0  }
0xb1: {  	[sflag:s16] =	ssyncadd.s32 $0xFFFFF880  }
0xb2: {  	s26 =	sadd.s32 $0x1, s26  }
0xb3: {  	p0 =	sne.s32 s26, s13  }
.Ltmp2:
0xb4: {  	[bflag:$0x0] =	sbarrier.arrive $0xFFFF;
	(pc) =	sbr.rel @p0 .LBB2_1-.Ltmp2, $4  }
0xb5: {  	[hbm:s14], [sflag:s10] =	dma.local [spmem:s15], $0x3D40  }
0xb6: {  	_ =	swait.ge [sflag:s16], $0x3D40  }
0xb7: {  	[sflag:s16] =	ssyncset.done $0x0  }
0xb8: {  	[sflag:s16] =	ssyncadd.s32 $0xFFFFC2C0  }
0xb9: {  	_ =	sfence.sel $0x180000  }
0xba: {  	[bflag:$0x0] =	sbarrier.arrive $0xFFFF  }
0xbb: {  	p0 =	sne.s32 s2, $0x0;
	_ =	strace $0x9000004D  }
0xbc: {  	s0 =	sadd.s32 @!p0 $0x100000, s0;
	[bflag:$0x2] =	sbarrier.arrive $0xFFFF  }
0xbd: {  	[sflag:s0] =	ssyncadd.tile.s32 @!p0 $0x1;
	_ =	shalt  }
.Lfunc_end2:
_tile_overlayer_lowered:
.L_overlay_start_2:
0xbe: {  	(tag) =	ssettag $0x2  }
0xbf: {  	s0 =	rddreg [dreg:$0x0];
	s2 =	stileid.u32  }
0xc0: {  	s1 =	rddreg [dreg:$0x1];
	p0 =	sne.s32 s2, $0x0  }
0xc1: {  	s3 =	rddreg [dreg:$0x2];
	[bflag:$0x3] =	sbarrier.arrive $0xFFFF;
	s2 =	simm.s32 @!p0 $0x1C04  }
0xc2: {  	[timem:s3], [sflag:s2] =	dma.local @!p0 [hbm:s0], s1  }
0xc3: {  	s0 =	simm.s32 @!p0 $0x4  }
0xc4: {  	_ =	swait.ge @!p0 [sflag:s0], s1  }
0xc5: {  	s1 =	ssub.s32 @!p0 $0x0, s1;
	[sflag:s0] =	ssyncset.done @!p0 $0x0  }
0xc6: {  	[sflag:s0] =	ssyncadd.s32 @!p0 s1  }
0xc7: {  	[bflag:$0x3] =	sbarrier.arrive $0xFFFF  }
0xc8: {  	_ =	shalt  }

// kernel: kernel.21.cloned.1.call-start
scs
__scs_entry_jumppad:
0x0: {  	(pc) =	sbr.rel $0x88, $3  }
0x1: {  	(tag) =	ssettag $0x0;
	lr =	simm.s32 $0x1  }
0x2: {  	[smem:$0x3F8A] =	sst lr;
	_ =	strace $0xD0000000  }
0x3: {  	_ = 	snop  }
0x4: {  	_ = 	snop  }
0x5: {  	_ = 	snop  }
0x6: {  	_ = 	snop  }
0x7: {  	_ = 	snop  }
__scs_overlays_trampoline_lowered:
0x8: {  	[smem:$0x3F99] =	sst s0  }
0x9: {  	[smem:$0x3F9A] =	sst s1  }
0xa: {  	[smem:$0x3F9B] =	sst s2  }
0xb: {  	[smem:$0x3F9C] =	sst s3  }
0xc: {  	[smem:$0x3F9D] =	sst s4  }
0xd: {  	[smem:$0x3F9E] =	sst s5  }
0xe: {  	[smem:$0x3F9F] =	sst s6  }
0xf: {  	[smem:$0x3FA0] =	sst s7  }
0x10: {  	[smem:$0x3FA1] =	sst s8  }
0x11: {  	[smem:$0x3FA2] =	sst s9;
	s0 =	simm.s32 @!p0 $0x0  }
0x12: {  	s1 =	sld [smem:$0x3F88];
	s0 =	simm.s32 @p0 $0x1  }
0x13: {  	[smem:$0x3FA3] =	sst s0;
	s0 =	simm.s32 @!p1 $0x0  }
0x14: {  	s2 =	sld [smem:$0x3F87];
	s0 =	simm.s32 @p1 $0x1  }
0x15: {  	[smem:$0x3FA4] =	sst s0;
	s0 =	simm.s32 @!p2 $0x0  }
0x16: {  	s3 =	sld [smem:$0x3FDB];
	s0 =	simm.s32 @p2 $0x1  }
0x17: {  	s4 =	simm.s32 $0x1BF5;
	[smem:$0x3FA6] =	sst s0  }
0x18: {  	s0 =	sld [smem:$0x3F89];
	_ =	swait.ge [sflag:s4], $0x0  }
0x19: {  	s7 =	sld [smem:$0x3F8A]  }
0x1a: {  	s8 =	sadd.s32 $0xFFFFE003, lr  }
0x1b: {  	s9 =	sadd.s32 $0xFFFFFEF7, lr;
	s5 =	simm.s32 $0xFFFFFFFF;
	p2 =	slt.u32 s8, $0xFFFFF086  }
0x1c: {  	p1 =	slt.u32 s9, $0xF7A;
	s5 =	simm.s32 @!p2 $0x0  }
0x1d: {  	s5 =	simm.s32 @p1 $0x1;
	p0 =	seq.s32 s7, s2  }
0x1e: {  	s7 =	smul.u32 @!p0 $0xF7A, s2;
	p2 =	seq.s32 @!p0 s5, $0x0  }
0x1f: {  	s9 =	smul.u32 $0xF7A, s1;
	s8 =	simm.s32 @!p0 $0x1BF5;
	p2 =	por !p2, p0  }
0x20: {  	[sflag:s8] =	ssyncset.s32 @!p0 $0xFFFFF086;
	s6 =	sadd.s32 @!p0 s3, s7;
	s7 =	simm.s32 @!p0 $0x108  }
0x21: {  	s3 =	sadd.s32 s3, s9;
	s6 =	sadd.s32 @!p0 $0x88, s6;
	s7 =	simm.s32 @p2 $0x1082  }
0x22: {  	[simem:s7], [sflag:s8] =	dma.local @!p0 [hbm:s6], $0xF7A  }
0x23: {  	s9 =	sor.u32 $0xD0000000, s2;
	s6 =	simm.s32 $0x108;
	_ =	swait.ge @!p0 [sflag:s8], $0x0  }
0x24: {  	s3 =	sadd.s32 $0x88, s3;
	s6 =	simm.s32 @!p1 $0x1082;
	[sflag:s4] =	ssyncset.s32 $0xFFFFF086  }
0x25: {  	[simem:s6], [sflag:s4] =	dma.local [hbm:s3], $0xF7A  }
0x26: {  	[smem:$0x3F8A] =	sst s1;
	(tag) =	ssettag s2;
	_ =	strace s9  }
0x27: {  	s1 =	sld [smem:$0x3F9A]  }
0x28: {  	s2 =	sld [smem:$0x3F9B]  }
0x29: {  	s4 =	sld [smem:$0x3F9D]  }
0x2a: {  	p0 =	seq.s32 s5, $0x0;
	s5 =	sld [smem:$0x3F9E]  }
0x2b: {  	s6 =	sld [smem:$0x3F9F]  }
0x2c: {  	s7 =	sld [smem:$0x3FA0]  }
0x2d: {  	s3 =	simm.s32 $0x108;
	s8 =	sld [smem:$0x3FA1]  }
0x2e: {  	s3 =	simm.s32 @!p0 $0x1082;
	s9 =	sld [smem:$0x3FA2]  }
0x2f: {  	lr =	sadd.s32 s0, s3;
	s0 =	sld [smem:$0x3F99]  }
0x30: {  	s3 =	sld [smem:$0x3F9C]  }
0x31: {  	[smem:$0x3FA5] =	sst s10  }
0x32: {  	s10 =	sld [smem:$0x3FA3];
	_ =	sdelay $0x3  }
0x33: {  	p0 =	seq.s32 s10, $0x1;
	s10 =	sld [smem:$0x3FA5];
	_ =	sdelay $0x3  }
0x34: {  	[smem:$0x3FA5] =	sst s10  }
0x35: {  	s10 =	sld [smem:$0x3FA4];
	_ =	sdelay $0x3  }
0x36: {  	p1 =	seq.s32 s10, $0x1;
	s10 =	sld [smem:$0x3FA5];
	_ =	sdelay $0x3  }
0x37: {  	[smem:$0x3FA5] =	sst s10  }
0x38: {  	s10 =	sld [smem:$0x3FA6]  }
0x39: {  	_ = 	snop;
	(pc) =	sbr.ind lr, $3  }
0x3a: {  	_ = 	snop  }
0x3b: {  	_ = 	snop  }
0x3c: {  	p2 =	seq.s32 s10, $0x1;
	s10 =	sld [smem:$0x3FA5]  }
0x3d: {  	_ =	shalt  }
0x3e: {  	_ =	shalt  }
0x3f: {  	_ =	shalt  }
0x40: {  	_ =	shalt  }
0x41: {  	_ =	shalt  }
0x42: {  	_ =	shalt  }
0x43: {  	_ =	shalt  }
0x44: {  	_ =	shalt  }
0x45: {  	_ =	shalt  }
0x46: {  	_ =	shalt  }
0x47: {  	_ =	shalt  }
0x48: {  	_ =	shalt  }
0x49: {  	_ =	shalt  }
0x4a: {  	_ =	shalt  }
0x4b: {  	_ =	shalt  }
0x4c: {  	_ =	shalt  }
0x4d: {  	_ =	shalt  }
0x4e: {  	_ =	shalt  }
0x4f: {  	_ =	shalt  }
0x50: {  	_ =	shalt  }
0x51: {  	_ =	shalt  }
0x52: {  	_ =	shalt  }
0x53: {  	_ =	shalt  }
0x54: {  	_ =	shalt  }
0x55: {  	_ =	shalt  }
0x56: {  	_ =	shalt  }
0x57: {  	_ =	shalt  }
0x58: {  	_ =	shalt  }
0x59: {  	_ =	shalt  }
0x5a: {  	_ =	shalt  }
0x5b: {  	_ =	shalt  }
0x5c: {  	_ =	shalt  }
0x5d: {  	_ =	shalt  }
0x5e: {  	_ =	shalt  }
0x5f: {  	_ =	shalt  }
0x60: {  	_ =	shalt  }
0x61: {  	_ =	shalt  }
0x62: {  	_ =	shalt  }
0x63: {  	_ =	shalt  }
0x64: {  	_ =	shalt  }
0x65: {  	_ =	shalt  }
0x66: {  	_ =	shalt  }
0x67: {  	_ =	shalt  }
0x68: {  	_ =	shalt  }
0x69: {  	_ =	shalt  }
0x6a: {  	_ =	shalt  }
0x6b: {  	_ =	shalt  }
0x6c: {  	_ =	shalt  }
0x6d: {  	_ =	shalt  }
0x6e: {  	_ =	shalt  }
0x6f: {  	_ =	shalt  }
0x70: {  	_ =	shalt  }
0x71: {  	_ =	shalt  }
0x72: {  	_ =	shalt  }
0x73: {  	_ =	shalt  }
0x74: {  	_ =	shalt  }
0x75: {  	_ =	shalt  }
0x76: {  	_ =	shalt  }
0x77: {  	_ =	shalt  }
0x78: {  	_ =	shalt  }
0x79: {  	_ =	shalt  }
0x7a: {  	_ =	shalt  }
0x7b: {  	_ =	shalt  }
0x7c: {  	_ =	shalt  }
0x7d: {  	_ =	shalt  }
0x7e: {  	_ =	shalt  }
0x7f: {  	_ =	shalt  }
0x80: {  	_ =	shalt  }
0x81: {  	_ =	shalt  }
0x82: {  	_ =	shalt  }
0x83: {  	_ =	shalt  }
0x84: {  	_ =	shalt  }
0x85: {  	_ =	shalt  }
0x86: {  	_ =	shalt  }
0x87: {  	_ =	shalt  }
.Lfunc_end0:
.L_simem_size_0:
called_computation.3_lowered:
.L_overlay_start_0:
0x88: {  	s2 =	sld [smem:$0x3FD9]  }
0x89: {  	s3 =	sld [smem:$0x3FFE];
	_ =	sdelay $0x1  }
0x8a: {  	s1 =	srdreg.scid  }
0x8b: {  	s0 =	sand.u32 $0x1, s1  }
0x8c: {  	s17 =	sshll.u32 s0, $0xA;
	s2 =	sadd.s32 s3, s2  }
0x8d: {  	s2 =	sadd.s32 s2, s17  }
0x8e: {  	[smem:$0x3FB1] =	sst s2  }
0x8f: {  	_ = 	snop  }
0x90: {  	s2 =	sld [smem:$0x3FD0];
	(tm) =	ssettm $0x1  }
0x91: {  	s18 =	sld [smem:$0x3FFB];
	_ =	sdelay $0x3  }
0x92: {  	_ =	strace s18  }
0x93: {  	s3 =	sld [smem:$0x3FFC];
	_ =	sdelay $0x3  }
0x94: {  	_ =	strace s3  }
0x95: {  	s3 =	sld [smem:$0x3FFD];
	_ =	sdelay $0x3  }
0x96: {  	_ =	strace s3  }
0x97: {  	_ =	strace $0x8FFFFFFF  }
0x98: {  	s19 =	sld [smem:$0x3FDB];
	_ =	sdelay $0x1  }
0x99: {  	s4 =	simm.s32 $_scs_section_size  }
0x9a: {  	s5 =	simm.s32 $_size__tile_overlayer_lowered;
	s6 =	simm.s32 $_tile_overlayer_lowered  }
0x9b: {  	s22 =	simm.s32 $0x1BFF;
	s21 =	sshll.u32 s6, $0x1;
	s3 =	sadd.s32 s4, s19  }
0x9c: {  	s7 =	simm.s32 $0x0;
	s20 =	sshll.u32 s5, $0x1;
	s5 =	sadd.s32 s21, s3  }
0x9d: {  	[timem:s7], [sflag:s22] =	dma.local [hbm:s5], s20  }
0x9e: {  	_ =	swait.ge [sflag:s22], s20  }
0x9f: {  	s4 =	ssub.s32 $0x0, s20;
	[sflag:s22] =	ssyncset.done $0x0  }
0xa0: {  	[sflag:s22] =	ssyncadd.s32 s4;
	_ =	sdelay $0x1  }
0xa1: {  	s23 =	simm.s32 $0x1B8B  }
0xa2: {  	_ =	swait.ge [sflag:s23], $0x1  }
0xa3: {  	[sflag:s23] =	ssyncset.done $0x0  }
0xa4: {  	s25 =	simm.s32 $0x1B8E;
	s24 =	sld [smem:$0x3FFE];
	[sflag:s23] =	ssyncadd.s32 $0xFFFFFFFF  }
0xa5: {  	s26 =	simm.s32 $execute0_lowered;
	[smem:$0x3FD2] =	sst s25  }
0xa6: {  	s5 =	sshll.u32 s26, $0x1;
	_ =	strace $0x8000004F;
	[dreg:$0x1] =	wrdreg $0xFFFFFFFF  }
0xa7: {  	s28 =	simm.s32 $_size_execute0_lowered;
	s3 =	sadd.s32 s3, s5;
	[dreg:$0x0] =	wrdreg $0x0  }
0xa8: {  	s5 =	sshll.u32 s28, $0x1;
	[dreg:$0x2] =	wrdreg s3  }
0xa9: {  	[dreg:$0x3] =	wrdreg s5  }
0xaa: {  	[dreg:$0x4] =	wrdreg $0xC0  }
0xab: {  	_ =	task [dreg:s7], $0x5FFFF  }
0xac: {  	[dreg:$0x1] =	wrdreg $0xFFFFFFFF  }
0xad: {  	[dreg:$0x0] =	wrdreg $0x60  }
0xae: {  	[dreg:$0x2] =	wrdreg s24  }
0xaf: {  	[dreg:$0x3] =	wrdreg s2  }
0xb0: {  	[dreg:$0x4] =	wrdreg $0x14300  }
0xb1: {  	[dreg:$0x5] =	wrdreg $0x9  }
0xb2: {  	_ =	task.clear_ibuf [dreg:s7], $0x6FFFF;
	_ =	strace $0x9000004F  }
0xb3: {  	s29 =	simm.s32 $0x9;
	_ =	strace $0x80000051  }
0xb4: {  	_ =	swait.ge [sflag:s29], $0x1  }
0xb5: {  	[sflag:s29] =	ssyncadd.s32 $0xFFFFFFFF  }
0xb6: {  	_ =	strace $0x90000051  }
0xb7: {  	_ =	sfence  }
0xb8: {  	s30 =	sld [smem:$0x0];
	_ =	sdelay $0x2  }
0xb9: {  	s31 =	sshll.u32 s1, $0xD;
	s1 =	sshrl.u32 s1, $0x2  }
0xba: {  	s3 =	sand.u32 $0x4000, s31;
	s1 =	sadd.s32 s1, s30  }
0xbb: {  	s0 =	sor.u32 s3, s0;
	s1 =	sshll.u32 s1, $0x11  }
0xbc: {  	s0 =	sor.u32 s1, s0  }
0xbd: {  	s0 =	sadd.s32 $0x8F2B, s0  }
0xbe: {  	[sflag:s0] =	ssyncadd.remote.s32 $0x1  }
0xbf: {  	_ =	sfence.sel $0xFFFF  }
0xc0: {  	[dreg:$0x0] =	wrdreg $0xFFFFFFFF;
	(pc) =	sbr.abs _section_cstart, $3  }
0xc1: {  	[dreg:$0x1] =	wrdreg $0xFFFFFFFF  }
0xc2: {  	_ =	task.clear_ibuf [dreg:s7], $0x2FFFF;
	_ =	strace $0x9FFFFFFF  }
0xc3: {  	(tm) =	ssettm $0x7FFFFFFF  }
tec
execute0_lowered:
.L_overlay_start_1:
0x0: {  	(tag) =	ssettag $0x1  }
0x1: {  	s10 =	rddreg [dreg:$0x0]  }
0x2: {  	s1 =	rddreg [dreg:$0x1]  }
0x3: {  	s3 =	rddreg [dreg:$0x2]  }
0x4: {  	s0 =	rddreg [dreg:$0x3];
	s4 =	simm.s32 $0x0;
	s2 =	stileid.u32  }
0x5: {  	s6 =	srdreg.scid;
	s18 =	simm.s32 $0x30;
	s19 =	simm.s32 $0x90  }
0x6: {  	s20 =	simm.s32 $0x690;
	s21 =	simm.s32 $0xC90;
	s22 =	simm.s32 $0x1  }
0x7: {  	s23 =	simm.s32 $0x2;
	s24 =	simm.s32 $0x3;
	s25 =	simm.s32 $0x60  }
0x8: {  	s26 =	simm.s32 $0x0;
	[smem:$0x7FF] =	sst s4;
	s11 =	smul.u32 $0x1EA00, s2  }
0x9: {  	s5 =	sadd.s32 $0xA94400, s10;
	s12 =	sand.u32 $0x1, s6;
	s6 =	sadd.s32 $0x113C00, s10  }
0xa: {  	s7 =	sadd.s32 $0x8CFC00, s10;
	s9 =	sadd.s32 $0xA87600, s10;
	s13 =	sshll.u32 s2, $0x6  }
0xb: {  	_ =	strace $0x80000050;
	p0 =	seq.s32 s12, $0x1;
	s29 =	ssub.s32 $0x2, s12  }
0xc: {  	s30 =	sshll.u32 s12, $0x4;
	s8 =	sadd.s32 $0x1EA000, s11;
	s15 =	sadd.s32 s11, s3  }
0xd: {  	s31 =	sshrl.u32 s29, $0x1;
	s16 =	sor.u32 s2, s30;
	s11 =	smov.u32 @p0 s8  }
0xe: {  	s8 =	sadd.s32 $0xC9800, s10;
	s17 =	ssub.s32 s29, s31;
	s11 =	sshrl.u32 s11, $0x3  }
0xf: {  	s12 =	smul.u32 $0x210, s16;
	s15 =	sshrl.u32 s15, $0x3;
	s14 =	sadd.s32 s11, s10  }
0x10: {  	s10 =	sor.u32 $0x1C04, s13;
	s11 =	smul.u32 $0x6300, s16;
	s13 =	smax.u32 s17, $0x1  }
0x11: {  	vm0 =	vcmask $0x1F24;
	s16 =	simm.s32 $0x4;
	s17 =	simm.s32 $0x1410;
	s14 =	sadd.s32 $0x900A00, s14  }
.LBB2_1:
0x12: {  	[spmem:s15], [sflag:s10] =	dma.local [hbm:s1], $0x3D40  }
0x13: {  	_ =	swait.ge [sflag:s16], $0x3D40  }
0x14: {  	[sflag:s16] =	ssyncset.done $0x0  }
0x15: {  	[sflag:s16] =	ssyncadd.s32 $0xFFFFC2C0  }
0x16: {  	[tilespmem:s17], [sflag:$0x4] =	stream.linear.gather [hbm4b:s9+s4], $0x20, $0x38;
	[tilespmem:$0x1FE30] =	vst v63  }
0x17: {  	_ =	swait.ge [sflag:s16], $0x20  }
0x18: {  	[sflag:s16] =	ssyncset.done $0x0  }
0x19: {  	[sflag:s16] =	ssyncadd.s32 $0xFFFFFFE0  }
0x1a: {  	s28 =	simm.s32 $0x0;
	[bflag:$0x0] =	sbarrier.arrive $0xFFFF  }
.LBB2_2:
0x1b: {  	s29 =	sadd.s32 s12, s28  }
0x1c: {  	s29 =	smul.u32 $0x12, s29;
	_ =	sdelay $0x1  }
0x1d: {  	s30 =	sadd.s32 s5, s29;
	s29 =	simm.s32 $0x0  }
0x1e: {  	[tilespmem:s29], [sflag:$0x4] =	stream.linear.gather [hbm4b:s30+s29], $0x90, $0x38;
	[tilespmem:$0x1FE30] =	vst v63  }
0x1f: {  	s30 =	smul.u32 $0x30, s28  }
0x20: {  	_ =	swait.ge [sflag:s16], $0x90  }
0x21: {  	[sflag:s16] =	ssyncset.done $0x0;
	s30 =	sadd.s32 s11, s30  }
0x22: {  	[sflag:s16] =	ssyncadd.s32 $0xFFFFFF70;
	s30 =	smul.u32 $0x28, s30  }
0x23: {  	[tilespmem:s19], [sflag:$0x1] =	stream.indirect.gather [hbm4b:s7+s18], $0x20, s29, s18, $0xb8;
	[tilespmem:$0x1FE30] =	vst v63  }
0x24: {  	s30 =	sshrl.u32 s30, $0x3  }
0x25: {  	[tilespmem:s20], [sflag:$0x2] =	stream.indirect.gather [hbm4b:s8+s18], $0x20, s18, s18, $0xb8;
	[tilespmem:$0x1FE30] =	vst v63  }
0x26: {  	s30 =	sadd.s32 s6, s30  }
0x27: {  	s30 =	sadd.s32 $0x3DE000, s30  }
0x28: {  	[tilespmem:s21], [sflag:$0x3] =	stream.linear.gather [hbm4b:s30+s29], $0x780, $0x38;
	[tilespmem:$0x1FE30] =	vst v63  }
0x29: {  	_ =	swait.ge [sflag:s22], $0x600  }
0x2a: {  	[sflag:s22] =	ssyncset.done $0x0  }
0x2b: {  	[sflag:s22] =	ssyncadd.s32 $0xFFFFFA00  }
0x2c: {  	_ =	swait.ge [sflag:s23], $0x600  }
0x2d: {  	[sflag:s23] =	ssyncset.done $0x0  }
0x2e: {  	[sflag:s23] =	ssyncadd.s32 $0xFFFFFA00  }
0x2f: {  	_ =	swait.ge [sflag:s24], $0x780  }
0x30: {  	[sflag:s24] =	ssyncset.done $0x0  }
0x31: {  	[sflag:s24] =	ssyncadd.s32 $0xFFFFF880  }
0x32: {  	v0 =	vld [tilespmem:$0x1410]  }
0x33: {  	s30 =	simm.s32 $0xCE0;
	v1 =	vld [tilespmem:$0x1420]  }
.LBB2_3:
0x34: {  	s31 =	sshra.s32 s29, $0x2  }
0x35: {  	v2 =	vld [tilespmem:s31+$0x90]  }
0x36: {  	v3 =	vld [tilespmem:s31+$0xA0]  }
0x37: {  	v4 =	vld [tilespmem:s31+$0x690]  }
0x38: {  	v5 =	vld [tilespmem:s31+$0x6A0]  }
0x39: {  	v6 =	vld [tilespmem:s30+$0xFFFFFFB0]  }
0x3a: {  	v7 =	vld [tilespmem:s30+$0xFFFFFFC0];
	_ =	sdelay $0x1  }
0x3b: {  	v4 =	vadd.f32 v4, v2  }
0x3c: {  	v5 =	vadd.f32 v5, v3  }
0x3d: {  	v4 =	vadd.f32 v6, v4  }
0x3e: {  	v5 =	vadd.f32 v7, v5  }
0x3f: {  	v6 =	vmul.f32 $2.000000030e-01, v4  }
0x40: {  	v7 =	vmul.f32 $2.000000030e-01, v5  }
0x41: {  	v4 =	vmax.f32 v4, v6  }
0x42: {  	v5 =	vmax.f32 v5, v7;
	v4 =	vmul.f32 v4, v0  }
0x43: {  	v5 =	vmul.f32 v5, v1  }
0x44: {  	(xrf2) =	vadd.scan.msk.f32 $0xffff, v4  }
0x45: {  	(xrf2) =	vadd.scan.msk.f32 $0xffff, v5;
	_ =	sdelay $0x8  }
0x46: {  	v4, _, _ =	vpop (xrf2)  }
0x47: {  	v5, _, _ =	vpop (xrf2);
	v4 =	vmul.f32 $1.442695020e+00, v4  }
0x48: {  	v5 =	vmul.f32 $1.442695020e+00, v5  }
0x49: {  	v4 =	vbroadcast v4, $0xF  }
0x4a: {  	v5 =	vbroadcast v5, $0xF  }
0x4b: {  	(erf) = vpow2.f32 v4  }
0x4c: {  	(erf) = vpow2.f32 v5;
	_ =	sdelay $0x7  }
0x4d: {  	v4 =	vpop (erf)  }
0x4e: {  	v5 =	vpop (erf)  }
0x4f: {  	v2 =	vmul.f32 v4, v2;
	v48 =	vsel vm0, v5, v4  }
0x50: {  	v3 =	vmul.f32 v5, v3;
	[tilespmem:s30+$0xFFFFFFC8] =	vst v48  }
0x51: {  	[tilespmem:s30+$0xFFFFFFB0] =	vst v2  }
0x52: {  	[tilespmem:s30+$0xFFFFFFC0] =	vst v3  }
0x53: {  	v2 =	vld [tilespmem:s31+$0xB0]  }
0x54: {  	v3 =	vld [tilespmem:s31+$0xC0]  }
0x55: {  	v49 =	vld [tilespmem:s31+$0x6B0]  }
0x56: {  	v50 =	vld [tilespmem:s31+$0x6C0]  }
0x57: {  	v51 =	vld [tilespmem:s30+$0xFFFFFFD8]  }
0x58: {  	v52 =	vld [tilespmem:s30+$0xFFFFFFE8];
	_ =	sdelay $0x1  }
0x59: {  	v4 =	vadd.f32 v49, v2  }
0x5a: {  	v5 =	vadd.f32 v50, v3  }
0x5b: {  	v4 =	vadd.f32 v51, v4  }
0x5c: {  	v5 =	vadd.f32 v52, v5  }
0x5d: {  	v6 =	vmul.f32 $2.000000030e-01, v4  }
0x5e: {  	v7 =	vmul.f32 $2.000000030e-01, v5  }
0x5f: {  	v4 =	vmax.f32 v4, v6  }
0x60: {  	v5 =	vmax.f32 v5, v7;
	v4 =	vmul.f32 v4, v0  }
0x61: {  	v5 =	vmul.f32 v5, v1  }
0x62: {  	(xrf2) =	vadd.scan.msk.f32 $0xffff, v4  }
0x63: {  	(xrf2) =	vadd.scan.msk.f32 $0xffff, v5;
	_ =	sdelay $0x8  }
0x64: {  	v4, _, _ =	vpop (xrf2)  }
0x65: {  	v5, _, _ =	vpop (xrf2);
	v4 =	vmul.f32 $1.442695020e+00, v4  }
0x66: {  	v5 =	vmul.f32 $1.442695020e+00, v5  }
0x67: {  	v4 =	vbroadcast v4, $0xF  }
0x68: {  	v5 =	vbroadcast v5, $0xF  }
0x69: {  	(erf) = vpow2.f32 v4  }
0x6a: {  	(erf) = vpow2.f32 v5;
	_ =	sdelay $0x7  }
0x6b: {  	v4 =	vpop (erf)  }
0x6c: {  	v5 =	vpop (erf)  }
0x6d: {  	v2 =	vmul.f32 v4, v2;
	v53 =	vsel vm0, v5, v4  }
0x6e: {  	v3 =	vmul.f32 v5, v3;
	[tilespmem:s30+$0xFFFFFFF0] =	vst v53  }
0x6f: {  	[tilespmem:s30+$0xFFFFFFD8] =	vst v2  }
0x70: {  	[tilespmem:s30+$0xFFFFFFE8] =	vst v3  }
0x71: {  	v2 =	vld [tilespmem:s31+$0xD0]  }
0x72: {  	v3 =	vld [tilespmem:s31+$0xE0]  }
0x73: {  	v54 =	vld [tilespmem:s31+$0x6D0]  }
0x74: {  	v55 =	vld [tilespmem:s31+$0x6E0]  }
0x75: {  	v56 =	vld [tilespmem:s30+$0x0]  }
0x76: {  	v57 =	vld [tilespmem:s30+$0x10];
	_ =	sdelay $0x1  }
0x77: {  	v4 =	vadd.f32 v54, v2  }
0x78: {  	v5 =	vadd.f32 v55, v3  }
0x79: {  	v4 =	vadd.f32 v56, v4  }
0x7a: {  	v5 =	vadd.f32 v57, v5  }
0x7b: {  	v6 =	vmul.f32 $2.000000030e-01, v4  }
0x7c: {  	v7 =	vmul.f32 $2.000000030e-01, v5  }
0x7d: {  	v4 =	vmax.f32 v4, v6  }
0x7e: {  	v5 =	vmax.f32 v5, v7;
	v4 =	vmul.f32 v4, v0  }
0x7f: {  	v5 =	vmul.f32 v5, v1  }
0x80: {  	(xrf2) =	vadd.scan.msk.f32 $0xffff, v4  }
0x81: {  	(xrf2) =	vadd.scan.msk.f32 $0xffff, v5;
	_ =	sdelay $0x8  }
0x82: {  	v4, _, _ =	vpop (xrf2)  }
0x83: {  	v5, _, _ =	vpop (xrf2);
	v4 =	vmul.f32 $1.442695020e+00, v4  }
0x84: {  	v5 =	vmul.f32 $1.442695020e+00, v5  }
0x85: {  	v4 =	vbroadcast v4, $0xF  }
0x86: {  	v5 =	vbroadcast v5, $0xF  }
0x87: {  	(erf) = vpow2.f32 v4  }
0x88: {  	(erf) = vpow2.f32 v5;
	_ =	sdelay $0x7  }
0x89: {  	v4 =	vpop (erf)  }
0x8a: {  	v5 =	vpop (erf)  }
0x8b: {  	v2 =	vmul.f32 v4, v2;
	v58 =	vsel vm0, v5, v4  }
0x8c: {  	v3 =	vmul.f32 v5, v3;
	[tilespmem:s30+$0x18] =	vst v58  }
0x8d: {  	[tilespmem:s30+$0x0] =	vst v2  }
0x8e: {  	[tilespmem:s30+$0x10] =	vst v3  }
0x8f: {  	v2 =	vld [tilespmem:s31+$0xF0]  }
0x90: {  	v3 =	vld [tilespmem:s31+$0x100]  }
0x91: {  	v59 =	vld [tilespmem:s31+$0x6F0]  }
0x92: {  	v60 =	vld [tilespmem:s31+$0x700]  }
0x93: {  	v61 =	vld [tilespmem:s30+$0x28]  }
0x94: {  	v62 =	vld [tilespmem:s30+$0x38];
	_ =	sdelay $0x1  }
0x95: {  	v4 =	vadd.f32 v59, v2  }
0x96: {  	v5 =	vadd.f32 v60, v3  }
0x97: {  	v4 =	vadd.f32 v61, v4  }
0x98: {  	v5 =	vadd.f32 v62, v5  }
0x99: {  	v6 =	vmul.f32 $2.000000030e-01, v4  }
0x9a: {  	v7 =	vmul.f32 $2.000000030e-01, v5  }
0x9b: {  	v4 =	vmax.f32 v4, v6  }
0x9c: {  	v5 =	vmax.f32 v5, v7;
	v4 =	vmul.f32 v4, v0  }
0x9d: {  	v5 =	vmul.f32 v5, v1  }
0x9e: {  	(xrf2) =	vadd.scan.msk.f32 $0xffff, v4  }
0x9f: {  	(xrf2) =	vadd.scan.msk.f32 $0xffff, v5;
	_ =	sdelay $0x8  }
0xa0: {  	v4, _, _ =	vpop (xrf2)  }
0xa1: {  	v5, _, _ =	vpop (xrf2);
	v4 =	vmul.f32 $1.442695020e+00, v4  }
0xa2: {  	v5 =	vmul.f32 $1.442695020e+00, v5  }
0xa3: {  	v4 =	vbroadcast v4, $0xF  }
0xa4: {  	v5 =	vbroadcast v5, $0xF  }
0xa5: {  	(erf) = vpow2.f32 v4  }
0xa6: {  	(erf) = vpow2.f32 v5;
	_ =	sdelay $0x7  }
0xa7: {  	p0 =	sne.s32 s29, $0x1600;
	v4 =	vpop (erf)  }
.Ltmp0:
0xa8: {  	v5 =	vpop (erf);
	(pc) =	sbr.rel @p0 .LBB2_3-.Ltmp0, $4  }
0xa9: {  	v2 =	vmul.f32 v4, v2;
	v63 =	vsel vm0, v5, v4  }
0xaa: {  	v3 =	vmul.f32 v5, v3;
	[tilespmem:s30+$0x40] =	vst v63  }
0xab: {  	[tilespmem:s30+$0x28] =	vst v2  }
0xac: {  	s29 =	sadd.s32 $0x200, s29;
	[tilespmem:s30+$0x38] =	vst v3;
	s30 =	sadd.s32 $0xA0, s30  }
0xad: {  	s28 =	sadd.s32 $0x1, s28  }
0xae: {  	p0 =	sne.s32 s28, $0x210  }
.Ltmp1:
0xaf: {  	_ = 	snop;
	(pc) =	sbr.rel @p0 .LBB2_2-.Ltmp1, $4  }
0xb0: {  	[spmem:s3] =	stream.indirect.scatter.add.f32 [tilespmem:s21], [sflag:$0x4], $0x28, s25, s18, $0xb8;
	[tilespmem:$0x1FE30] =	vst v63  }
0xb1: {  	_ =	swait.ge [sflag:s16], $0x780  }
0xb2: {  	[sflag:s16] =	ssyncset.done $0x0  }
0xb3: {  	[sflag:s16] =	ssyncadd.s32 $0xFFFFF880  }
0xb4: {  	s26 =	sadd.s32 $0x1, s26  }
0xb5: {  	p0 =	sne.s32 s26, s13  }
.Ltmp2:
0xb6: {  	[bflag:$0x0] =	sbarrier.arrive $0xFFFF;
	(pc) =	sbr.rel @p0 .LBB2_1-.Ltmp2, $4  }
0xb7: {  	[hbm:s14], [sflag:s10] =	dma.local [spmem:s15], $0x3D40  }
0xb8: {  	_ =	swait.ge [sflag:s16], $0x3D40  }
0xb9: {  	[sflag:s16] =	ssyncset.done $0x0  }
0xba: {  	[sflag:s16] =	ssyncadd.s32 $0xFFFFC2C0  }
0xbb: {  	_ =	sfence.sel $0x180000  }
0xbc: {  	[bflag:$0x0] =	sbarrier.arrive $0xFFFF  }
0xbd: {  	p0 =	sne.s32 s2, $0x0;
	_ =	strace $0x90000050  }
0xbe: {  	s0 =	sadd.s32 @!p0 $0x100000, s0;
	[bflag:$0x2] =	sbarrier.arrive $0xFFFF  }
0xbf: {  	[sflag:s0] =	ssyncadd.tile.s32 @!p0 $0x1;
	_ =	shalt  }
.Lfunc_end2:
_tile_overlayer_lowered:
.L_overlay_start_2:
0xc0: {  	(tag) =	ssettag $0x2  }
0xc1: {  	s0 =	rddreg [dreg:$0x0];
	s2 =	stileid.u32  }
0xc2: {  	s1 =	rddreg [dreg:$0x1];
	p0 =	sne.s32 s2, $0x0  }
0xc3: {  	s3 =	rddreg [dreg:$0x2];
	[bflag:$0x3] =	sbarrier.arrive $0xFFFF;
	s2 =	simm.s32 @!p0 $0x1C04  }
0xc4: {  	[timem:s3], [sflag:s2] =	dma.local @!p0 [hbm:s0], s1  }
0xc5: {  	s0 =	simm.s32 @!p0 $0x4  }
0xc6: {  	_ =	swait.ge @!p0 [sflag:s0], s1  }
0xc7: {  	s1 =	ssub.s32 @!p0 $0x0, s1;
	[sflag:s0] =	ssyncset.done @!p0 $0x0  }
0xc8: {  	[sflag:s0] =	ssyncadd.s32 @!p0 s1  }
0xc9: {  	[bflag:$0x3] =	sbarrier.arrive $0xFFFF  }
0xca: {  	_ =	shalt  }

// kernel: kernel.24.cloned.1.call-start
scs
__scs_entry_jumppad:
0x0: {  	(pc) =	sbr.rel $0x88, $3  }
0x1: {  	(tag) =	ssettag $0x0;
	lr =	simm.s32 $0x1  }
0x2: {  	[smem:$0x3F8A] =	sst lr;
	_ =	strace $0xD0000000  }
0x3: {  	_ = 	snop  }
0x4: {  	_ = 	snop  }
0x5: {  	_ = 	snop  }
0x6: {  	_ = 	snop  }
0x7: {  	_ = 	snop  }
__scs_overlays_trampoline_lowered:
0x8: {  	[smem:$0x3F99] =	sst s0  }
0x9: {  	[smem:$0x3F9A] =	sst s1  }
0xa: {  	[smem:$0x3F9B] =	sst s2  }
0xb: {  	[smem:$0x3F9C] =	sst s3  }
0xc: {  	[smem:$0x3F9D] =	sst s4  }
0xd: {  	[smem:$0x3F9E] =	sst s5  }
0xe: {  	[smem:$0x3F9F] =	sst s6  }
0xf: {  	[smem:$0x3FA0] =	sst s7  }
0x10: {  	[smem:$0x3FA1] =	sst s8  }
0x11: {  	[smem:$0x3FA2] =	sst s9;
	s0 =	simm.s32 @!p0 $0x0  }
0x12: {  	s1 =	sld [smem:$0x3F88];
	s0 =	simm.s32 @p0 $0x1  }
0x13: {  	[smem:$0x3FA3] =	sst s0;
	s0 =	simm.s32 @!p1 $0x0  }
0x14: {  	s2 =	sld [smem:$0x3F87];
	s0 =	simm.s32 @p1 $0x1  }
0x15: {  	[smem:$0x3FA4] =	sst s0;
	s0 =	simm.s32 @!p2 $0x0  }
0x16: {  	s3 =	sld [smem:$0x3FDB];
	s0 =	simm.s32 @p2 $0x1  }
0x17: {  	s4 =	simm.s32 $0x1BF5;
	[smem:$0x3FA6] =	sst s0  }
0x18: {  	s0 =	sld [smem:$0x3F89];
	_ =	swait.ge [sflag:s4], $0x0  }
0x19: {  	s7 =	sld [smem:$0x3F8A]  }
0x1a: {  	s8 =	sadd.s32 $0xFFFFE003, lr  }
0x1b: {  	s9 =	sadd.s32 $0xFFFFFEF7, lr;
	s5 =	simm.s32 $0xFFFFFFFF;
	p2 =	slt.u32 s8, $0xFFFFF086  }
0x1c: {  	p1 =	slt.u32 s9, $0xF7A;
	s5 =	simm.s32 @!p2 $0x0  }
0x1d: {  	s5 =	simm.s32 @p1 $0x1;
	p0 =	seq.s32 s7, s2  }
0x1e: {  	s7 =	smul.u32 @!p0 $0xF7A, s2;
	p2 =	seq.s32 @!p0 s5, $0x0  }
0x1f: {  	s9 =	smul.u32 $0xF7A, s1;
	s8 =	simm.s32 @!p0 $0x1BF5;
	p2 =	por !p2, p0  }
0x20: {  	[sflag:s8] =	ssyncset.s32 @!p0 $0xFFFFF086;
	s6 =	sadd.s32 @!p0 s3, s7;
	s7 =	simm.s32 @!p0 $0x108  }
0x21: {  	s3 =	sadd.s32 s3, s9;
	s6 =	sadd.s32 @!p0 $0x88, s6;
	s7 =	simm.s32 @p2 $0x1082  }
0x22: {  	[simem:s7], [sflag:s8] =	dma.local @!p0 [hbm:s6], $0xF7A  }
0x23: {  	s9 =	sor.u32 $0xD0000000, s2;
	s6 =	simm.s32 $0x108;
	_ =	swait.ge @!p0 [sflag:s8], $0x0  }
0x24: {  	s3 =	sadd.s32 $0x88, s3;
	s6 =	simm.s32 @!p1 $0x1082;
	[sflag:s4] =	ssyncset.s32 $0xFFFFF086  }
0x25: {  	[simem:s6], [sflag:s4] =	dma.local [hbm:s3], $0xF7A  }
0x26: {  	[smem:$0x3F8A] =	sst s1;
	(tag) =	ssettag s2;
	_ =	strace s9  }
0x27: {  	s1 =	sld [smem:$0x3F9A]  }
0x28: {  	s2 =	sld [smem:$0x3F9B]  }
0x29: {  	s4 =	sld [smem:$0x3F9D]  }
0x2a: {  	p0 =	seq.s32 s5, $0x0;
	s5 =	sld [smem:$0x3F9E]  }
0x2b: {  	s6 =	sld [smem:$0x3F9F]  }
0x2c: {  	s7 =	sld [smem:$0x3FA0]  }
0x2d: {  	s3 =	simm.s32 $0x108;
	s8 =	sld [smem:$0x3FA1]  }
0x2e: {  	s3 =	simm.s32 @!p0 $0x1082;
	s9 =	sld [smem:$0x3FA2]  }
0x2f: {  	lr =	sadd.s32 s0, s3;
	s0 =	sld [smem:$0x3F99]  }
0x30: {  	s3 =	sld [smem:$0x3F9C]  }
0x31: {  	[smem:$0x3FA5] =	sst s10  }
0x32: {  	s10 =	sld [smem:$0x3FA3];
	_ =	sdelay $0x3  }
0x33: {  	p0 =	seq.s32 s10, $0x1;
	s10 =	sld [smem:$0x3FA5];
	_ =	sdelay $0x3  }
0x34: {  	[smem:$0x3FA5] =	sst s10  }
0x35: {  	s10 =	sld [smem:$0x3FA4];
	_ =	sdelay $0x3  }
0x36: {  	p1 =	seq.s32 s10, $0x1;
	s10 =	sld [smem:$0x3FA5];
	_ =	sdelay $0x3  }
0x37: {  	[smem:$0x3FA5] =	sst s10  }
0x38: {  	s10 =	sld [smem:$0x3FA6]  }
0x39: {  	_ = 	snop;
	(pc) =	sbr.ind lr, $3  }
0x3a: {  	_ = 	snop  }
0x3b: {  	_ = 	snop  }
0x3c: {  	p2 =	seq.s32 s10, $0x1;
	s10 =	sld [smem:$0x3FA5]  }
0x3d: {  	_ =	shalt  }
0x3e: {  	_ =	shalt  }
0x3f: {  	_ =	shalt  }
0x40: {  	_ =	shalt  }
0x41: {  	_ =	shalt  }
0x42: {  	_ =	shalt  }
0x43: {  	_ =	shalt  }
0x44: {  	_ =	shalt  }
0x45: {  	_ =	shalt  }
0x46: {  	_ =	shalt  }
0x47: {  	_ =	shalt  }
0x48: {  	_ =	shalt  }
0x49: {  	_ =	shalt  }
0x4a: {  	_ =	shalt  }
0x4b: {  	_ =	shalt  }
0x4c: {  	_ =	shalt  }
0x4d: {  	_ =	shalt  }
0x4e: {  	_ =	shalt  }
0x4f: {  	_ =	shalt  }
0x50: {  	_ =	shalt  }
0x51: {  	_ =	shalt  }
0x52: {  	_ =	shalt  }
0x53: {  	_ =	shalt  }
0x54: {  	_ =	shalt  }
0x55: {  	_ =	shalt  }
0x56: {  	_ =	shalt  }
0x57: {  	_ =	shalt  }
0x58: {  	_ =	shalt  }
0x59: {  	_ =	shalt  }
0x5a: {  	_ =	shalt  }
0x5b: {  	_ =	shalt  }
0x5c: {  	_ =	shalt  }
0x5d: {  	_ =	shalt  }
0x5e: {  	_ =	shalt  }
0x5f: {  	_ =	shalt  }
0x60: {  	_ =	shalt  }
0x61: {  	_ =	shalt  }
0x62: {  	_ =	shalt  }
0x63: {  	_ =	shalt  }
0x64: {  	_ =	shalt  }
0x65: {  	_ =	shalt  }
0x66: {  	_ =	shalt  }
0x67: {  	_ =	shalt  }
0x68: {  	_ =	shalt  }
0x69: {  	_ =	shalt  }
0x6a: {  	_ =	shalt  }
0x6b: {  	_ =	shalt  }
0x6c: {  	_ =	shalt  }
0x6d: {  	_ =	shalt  }
0x6e: {  	_ =	shalt  }
0x6f: {  	_ =	shalt  }
0x70: {  	_ =	shalt  }
0x71: {  	_ =	shalt  }
0x72: {  	_ =	shalt  }
0x73: {  	_ =	shalt  }
0x74: {  	_ =	shalt  }
0x75: {  	_ =	shalt  }
0x76: {  	_ =	shalt  }
0x77: {  	_ =	shalt  }
0x78: {  	_ =	shalt  }
0x79: {  	_ =	shalt  }
0x7a: {  	_ =	shalt  }
0x7b: {  	_ =	shalt  }
0x7c: {  	_ =	shalt  }
0x7d: {  	_ =	shalt  }
0x7e: {  	_ =	shalt  }
0x7f: {  	_ =	shalt  }
0x80: {  	_ =	shalt  }
0x81: {  	_ =	shalt  }
0x82: {  	_ =	shalt  }
0x83: {  	_ =	shalt  }
0x84: {  	_ =	shalt  }
0x85: {  	_ =	shalt  }
0x86: {  	_ =	shalt  }
0x87: {  	_ =	shalt  }
.Lfunc_end0:
.L_simem_size_0:
called_computation.4_lowered:
.L_overlay_start_0:
0x88: {  	s2 =	sld [smem:$0x3FD9]  }
0x89: {  	s3 =	sld [smem:$0x3FFE];
	_ =	sdelay $0x1  }
0x8a: {  	s1 =	srdreg.scid  }
0x8b: {  	s0 =	sand.u32 $0x1, s1  }
0x8c: {  	s17 =	sshll.u32 s0, $0xA;
	s2 =	sadd.s32 s3, s2  }
0x8d: {  	s2 =	sadd.s32 s2, s17  }
0x8e: {  	[smem:$0x3FB1] =	sst s2  }
0x8f: {  	_ = 	snop  }
0x90: {  	s2 =	sld [smem:$0x3FD0];
	(tm) =	ssettm $0x1  }
0x91: {  	s18 =	sld [smem:$0x3FFB];
	_ =	sdelay $0x3  }
0x92: {  	_ =	strace s18  }
0x93: {  	s3 =	sld [smem:$0x3FFC];
	_ =	sdelay $0x3  }
0x94: {  	_ =	strace s3  }
0x95: {  	s3 =	sld [smem:$0x3FFD];
	_ =	sdelay $0x3  }
0x96: {  	_ =	strace s3  }
0x97: {  	_ =	strace $0x8FFFFFFF  }
0x98: {  	s19 =	sld [smem:$0x3FDB];
	_ =	sdelay $0x1  }
0x99: {  	s4 =	simm.s32 $_scs_section_size  }
0x9a: {  	s5 =	simm.s32 $_size__tile_overlayer_lowered;
	s6 =	simm.s32 $_tile_overlayer_lowered  }
0x9b: {  	s22 =	simm.s32 $0x1BFF;
	s21 =	sshll.u32 s6, $0x1;
	s3 =	sadd.s32 s4, s19  }
0x9c: {  	s7 =	simm.s32 $0x0;
	s20 =	sshll.u32 s5, $0x1;
	s5 =	sadd.s32 s21, s3  }
0x9d: {  	[timem:s7], [sflag:s22] =	dma.local [hbm:s5], s20  }
0x9e: {  	_ =	swait.ge [sflag:s22], s20  }
0x9f: {  	s4 =	ssub.s32 $0x0, s20;
	[sflag:s22] =	ssyncset.done $0x0  }
0xa0: {  	[sflag:s22] =	ssyncadd.s32 s4;
	_ =	sdelay $0x1  }
0xa1: {  	s23 =	simm.s32 $0x1B8B  }
0xa2: {  	_ =	swait.ge [sflag:s23], $0x1  }
0xa3: {  	[sflag:s23] =	ssyncset.done $0x0  }
0xa4: {  	s25 =	simm.s32 $0x1B8E;
	s24 =	sld [smem:$0x3FFE];
	[sflag:s23] =	ssyncadd.s32 $0xFFFFFFFF  }
0xa5: {  	s26 =	simm.s32 $execute0_lowered;
	[smem:$0x3FD2] =	sst s25  }
0xa6: {  	s5 =	sshll.u32 s26, $0x1;
	_ =	strace $0x80000052;
	[dreg:$0x1] =	wrdreg $0xFFFFFFFF  }
0xa7: {  	s28 =	simm.s32 $_size_execute0_lowered;
	s3 =	sadd.s32 s3, s5;
	[dreg:$0x0] =	wrdreg $0x0  }
0xa8: {  	s5 =	sshll.u32 s28, $0x1;
	[dreg:$0x2] =	wrdreg s3  }
0xa9: {  	[dreg:$0x3] =	wrdreg s5  }
0xaa: {  	[dreg:$0x4] =	wrdreg $0xC0  }
0xab: {  	_ =	task [dreg:s7], $0x5FFFF  }
0xac: {  	[dreg:$0x1] =	wrdreg $0xFFFFFFFF  }
0xad: {  	[dreg:$0x0] =	wrdreg $0x60  }
0xae: {  	[dreg:$0x2] =	wrdreg s24  }
0xaf: {  	[dreg:$0x3] =	wrdreg s2  }
0xb0: {  	[dreg:$0x4] =	wrdreg $0x14300  }
0xb1: {  	[dreg:$0x5] =	wrdreg $0x9  }
0xb2: {  	_ =	task.clear_ibuf [dreg:s7], $0x6FFFF;
	_ =	strace $0x90000052  }
0xb3: {  	s29 =	simm.s32 $0x9;
	_ =	strace $0x80000054  }
0xb4: {  	_ =	swait.ge [sflag:s29], $0x1  }
0xb5: {  	[sflag:s29] =	ssyncadd.s32 $0xFFFFFFFF  }
0xb6: {  	_ =	strace $0x90000054  }
0xb7: {  	_ =	sfence  }
0xb8: {  	s30 =	sld [smem:$0x0];
	_ =	sdelay $0x2  }
0xb9: {  	s31 =	sshll.u32 s1, $0xD;
	s1 =	sshrl.u32 s1, $0x2  }
0xba: {  	s3 =	sand.u32 $0x4000, s31;
	s1 =	sadd.s32 s1, s30  }
0xbb: {  	s0 =	sor.u32 s3, s0;
	s1 =	sshll.u32 s1, $0x11  }
0xbc: {  	s0 =	sor.u32 s1, s0  }
0xbd: {  	s0 =	sadd.s32 $0x8F2B, s0  }
0xbe: {  	[sflag:s0] =	ssyncadd.remote.s32 $0x1  }
0xbf: {  	_ =	sfence.sel $0xFFFF  }
0xc0: {  	[dreg:$0x0] =	wrdreg $0xFFFFFFFF;
	(pc) =	sbr.abs _section_cstart, $3  }
0xc1: {  	[dreg:$0x1] =	wrdreg $0xFFFFFFFF  }
0xc2: {  	_ =	task.clear_ibuf [dreg:s7], $0x2FFFF;
	_ =	strace $0x9FFFFFFF  }
0xc3: {  	(tm) =	ssettm $0x7FFFFFFF  }
tec
execute0_lowered:
.L_overlay_start_1:
0x0: {  	(tag) =	ssettag $0x1  }
0x1: {  	s10 =	rddreg [dreg:$0x0]  }
0x2: {  	s1 =	rddreg [dreg:$0x1]  }
0x3: {  	s3 =	rddreg [dreg:$0x2]  }
0x4: {  	s0 =	rddreg [dreg:$0x3];
	s4 =	simm.s32 $0x0;
	s2 =	stileid.u32  }
0x5: {  	s6 =	srdreg.scid;
	s18 =	simm.s32 $0x30;
	s19 =	simm.s32 $0x90  }
0x6: {  	s20 =	simm.s32 $0x690;
	s21 =	simm.s32 $0xC90;
	s22 =	simm.s32 $0x1  }
0x7: {  	s23 =	simm.s32 $0x2;
	s24 =	simm.s32 $0x3;
	s25 =	simm.s32 $0x60  }
0x8: {  	s26 =	simm.s32 $0x0;
	[smem:$0x7FF] =	sst s4;
	s11 =	smul.u32 $0x1EA00, s2  }
0x9: {  	s5 =	sadd.s32 $0xA94400, s10;
	s12 =	sand.u32 $0x1, s6;
	s6 =	sadd.s32 $0x113C00, s10  }
0xa: {  	s7 =	sadd.s32 $0x6200, s10;
	s9 =	sadd.s32 $0xA87600, s10;
	s13 =	sshll.u32 s2, $0x6  }
0xb: {  	_ =	strace $0x80000053;
	p0 =	seq.s32 s12, $0x1;
	s29 =	ssub.s32 $0x2, s12  }
0xc: {  	s30 =	sshll.u32 s12, $0x4;
	s8 =	sadd.s32 $0x1EA000, s11;
	s15 =	sadd.s32 s11, s3  }
0xd: {  	s31 =	sshrl.u32 s29, $0x1;
	s16 =	sor.u32 s2, s30;
	s11 =	smov.u32 @p0 s8  }
0xe: {  	s8 =	sadd.s32 $0xA56800, s10;
	s17 =	ssub.s32 s29, s31;
	s11 =	sshrl.u32 s11, $0x3  }
0xf: {  	s12 =	smul.u32 $0x210, s16;
	s15 =	sshrl.u32 s15, $0x3;
	s14 =	sadd.s32 s11, s10  }
0x10: {  	s10 =	sor.u32 $0x1C04, s13;
	s11 =	smul.u32 $0x6300, s16;
	s13 =	smax.u32 s17, $0x1  }
0x11: {  	vm0 =	vcmask $0x1F24;
	s16 =	simm.s32 $0x4;
	s17 =	simm.s32 $0x1410;
	s14 =	sadd.s32 $0x37000, s14  }
.LBB2_1:
0x12: {  	[spmem:s15], [sflag:s10] =	dma.local [hbm:s1], $0x3D40  }
0x13: {  	_ =	swait.ge [sflag:s16], $0x3D40  }
0x14: {  	[sflag:s16] =	ssyncset.done $0x0  }
0x15: {  	[sflag:s16] =	ssyncadd.s32 $0xFFFFC2C0  }
0x16: {  	[tilespmem:s17], [sflag:$0x4] =	stream.linear.gather [hbm4b:s9+s4], $0x20, $0x38;
	[tilespmem:$0x1FE30] =	vst v63  }
0x17: {  	_ =	swait.ge [sflag:s16], $0x20  }
0x18: {  	[sflag:s16] =	ssyncset.done $0x0  }
0x19: {  	[sflag:s16] =	ssyncadd.s32 $0xFFFFFFE0  }
0x1a: {  	s28 =	simm.s32 $0x0;
	[bflag:$0x0] =	sbarrier.arrive $0xFFFF  }
.LBB2_2:
0x1b: {  	s29 =	sadd.s32 s12, s28  }
0x1c: {  	s29 =	smul.u32 $0x12, s29;
	_ =	sdelay $0x1  }
0x1d: {  	s30 =	sadd.s32 s5, s29;
	s29 =	simm.s32 $0x0  }
0x1e: {  	[tilespmem:s29], [sflag:$0x4] =	stream.linear.gather [hbm4b:s30+s29], $0x90, $0x38;
	[tilespmem:$0x1FE30] =	vst v63  }
0x1f: {  	s30 =	smul.u32 $0x30, s28  }
0x20: {  	_ =	swait.ge [sflag:s16], $0x90  }
0x21: {  	[sflag:s16] =	ssyncset.done $0x0;
	s30 =	sadd.s32 s11, s30  }
0x22: {  	[sflag:s16] =	ssyncadd.s32 $0xFFFFFF70;
	s30 =	smul.u32 $0x28, s30  }
0x23: {  	[tilespmem:s19], [sflag:$0x1] =	stream.indirect.gather [hbm4b:s7+s18], $0x20, s29, s18, $0xb8;
	[tilespmem:$0x1FE30] =	vst v63  }
0x24: {  	s30 =	sshrl.u32 s30, $0x3  }
0x25: {  	[tilespmem:s20], [sflag:$0x2] =	stream.indirect.gather [hbm4b:s8+s18], $0x20, s18, s18, $0xb8;
	[tilespmem:$0x1FE30] =	vst v63  }
0x26: {  	s30 =	sadd.s32 s6, s30  }
0x27: {  	s30 =	sadd.s32 $0x3DE000, s30  }
0x28: {  	[tilespmem:s21], [sflag:$0x3] =	stream.linear.gather [hbm4b:s30+s29], $0x780, $0x38;
	[tilespmem:$0x1FE30] =	vst v63  }
0x29: {  	_ =	swait.ge [sflag:s22], $0x600  }
0x2a: {  	[sflag:s22] =	ssyncset.done $0x0  }
0x2b: {  	[sflag:s22] =	ssyncadd.s32 $0xFFFFFA00  }
0x2c: {  	_ =	swait.ge [sflag:s23], $0x600  }
0x2d: {  	[sflag:s23] =	ssyncset.done $0x0  }
0x2e: {  	[sflag:s23] =	ssyncadd.s32 $0xFFFFFA00  }
0x2f: {  	_ =	swait.ge [sflag:s24], $0x780  }
0x30: {  	[sflag:s24] =	ssyncset.done $0x0  }
0x31: {  	[sflag:s24] =	ssyncadd.s32 $0xFFFFF880  }
0x32: {  	v0 =	vld [tilespmem:$0x1410]  }
0x33: {  	s30 =	simm.s32 $0xCE0;
	v1 =	vld [tilespmem:$0x1420]  }
.LBB2_3:
0x34: {  	s31 =	sshra.s32 s29, $0x2  }
0x35: {  	v2 =	vld [tilespmem:s31+$0x90]  }
0x36: {  	v3 =	vld [tilespmem:s31+$0xA0]  }
0x37: {  	v4 =	vld [tilespmem:s31+$0x690]  }
0x38: {  	v5 =	vld [tilespmem:s31+$0x6A0]  }
0x39: {  	v6 =	vld [tilespmem:s30+$0xFFFFFFB0]  }
0x3a: {  	v7 =	vld [tilespmem:s30+$0xFFFFFFC0];
	_ =	sdelay $0x1  }
0x3b: {  	v4 =	vadd.f32 v4, v2  }
0x3c: {  	v5 =	vadd.f32 v5, v3  }
0x3d: {  	v4 =	vadd.f32 v6, v4  }
0x3e: {  	v5 =	vadd.f32 v7, v5  }
0x3f: {  	v6 =	vmul.f32 $2.000000030e-01, v4  }
0x40: {  	v7 =	vmul.f32 $2.000000030e-01, v5  }
0x41: {  	v4 =	vmax.f32 v4, v6  }
0x42: {  	v5 =	vmax.f32 v5, v7;
	v4 =	vmul.f32 v4, v0  }
0x43: {  	v5 =	vmul.f32 v5, v1  }
0x44: {  	(xrf2) =	vadd.scan.msk.f32 $0xffff, v4  }
0x45: {  	(xrf2) =	vadd.scan.msk.f32 $0xffff, v5;
	_ =	sdelay $0x8  }
0x46: {  	v4, _, _ =	vpop (xrf2)  }
0x47: {  	v5, _, _ =	vpop (xrf2);
	v4 =	vmul.f32 $1.442695020e+00, v4  }
0x48: {  	v5 =	vmul.f32 $1.442695020e+00, v5  }
0x49: {  	v4 =	vbroadcast v4, $0xF  }
0x4a: {  	v5 =	vbroadcast v5, $0xF  }
0x4b: {  	(erf) = vpow2.f32 v4  }
0x4c: {  	(erf) = vpow2.f32 v5;
	_ =	sdelay $0x7  }
0x4d: {  	v4 =	vpop (erf)  }
0x4e: {  	v5 =	vpop (erf)  }
0x4f: {  	v2 =	vmul.f32 v4, v2;
	v48 =	vsel vm0, v5, v4  }
0x50: {  	v3 =	vmul.f32 v5, v3;
	[tilespmem:s30+$0xFFFFFFC8] =	vst v48  }
0x51: {  	[tilespmem:s30+$0xFFFFFFB0] =	vst v2  }
0x52: {  	[tilespmem:s30+$0xFFFFFFC0] =	vst v3  }
0x53: {  	v2 =	vld [tilespmem:s31+$0xB0]  }
0x54: {  	v3 =	vld [tilespmem:s31+$0xC0]  }
0x55: {  	v49 =	vld [tilespmem:s31+$0x6B0]  }
0x56: {  	v50 =	vld [tilespmem:s31+$0x6C0]  }
0x57: {  	v51 =	vld [tilespmem:s30+$0xFFFFFFD8]  }
0x58: {  	v52 =	vld [tilespmem:s30+$0xFFFFFFE8];
	_ =	sdelay $0x1  }
0x59: {  	v4 =	vadd.f32 v49, v2  }
0x5a: {  	v5 =	vadd.f32 v50, v3  }
0x5b: {  	v4 =	vadd.f32 v51, v4  }
0x5c: {  	v5 =	vadd.f32 v52, v5  }
0x5d: {  	v6 =	vmul.f32 $2.000000030e-01, v4  }
0x5e: {  	v7 =	vmul.f32 $2.000000030e-01, v5  }
0x5f: {  	v4 =	vmax.f32 v4, v6  }
0x60: {  	v5 =	vmax.f32 v5, v7;
	v4 =	vmul.f32 v4, v0  }
0x61: {  	v5 =	vmul.f32 v5, v1  }
0x62: {  	(xrf2) =	vadd.scan.msk.f32 $0xffff, v4  }
0x63: {  	(xrf2) =	vadd.scan.msk.f32 $0xffff, v5;
	_ =	sdelay $0x8  }
0x64: {  	v4, _, _ =	vpop (xrf2)  }
0x65: {  	v5, _, _ =	vpop (xrf2);
	v4 =	vmul.f32 $1.442695020e+00, v4  }
0x66: {  	v5 =	vmul.f32 $1.442695020e+00, v5  }
0x67: {  	v4 =	vbroadcast v4, $0xF  }
0x68: {  	v5 =	vbroadcast v5, $0xF  }
0x69: {  	(erf) = vpow2.f32 v4  }
0x6a: {  	(erf) = vpow2.f32 v5;
	_ =	sdelay $0x7  }
0x6b: {  	v4 =	vpop (erf)  }
0x6c: {  	v5 =	vpop (erf)  }
0x6d: {  	v2 =	vmul.f32 v4, v2;
	v53 =	vsel vm0, v5, v4  }
0x6e: {  	v3 =	vmul.f32 v5, v3;
	[tilespmem:s30+$0xFFFFFFF0] =	vst v53  }
0x6f: {  	[tilespmem:s30+$0xFFFFFFD8] =	vst v2  }
0x70: {  	[tilespmem:s30+$0xFFFFFFE8] =	vst v3  }
0x71: {  	v2 =	vld [tilespmem:s31+$0xD0]  }
0x72: {  	v3 =	vld [tilespmem:s31+$0xE0]  }
0x73: {  	v54 =	vld [tilespmem:s31+$0x6D0]  }
0x74: {  	v55 =	vld [tilespmem:s31+$0x6E0]  }
0x75: {  	v56 =	vld [tilespmem:s30+$0x0]  }
0x76: {  	v57 =	vld [tilespmem:s30+$0x10];
	_ =	sdelay $0x1  }
0x77: {  	v4 =	vadd.f32 v54, v2  }
0x78: {  	v5 =	vadd.f32 v55, v3  }
0x79: {  	v4 =	vadd.f32 v56, v4  }
0x7a: {  	v5 =	vadd.f32 v57, v5  }
0x7b: {  	v6 =	vmul.f32 $2.000000030e-01, v4  }
0x7c: {  	v7 =	vmul.f32 $2.000000030e-01, v5  }
0x7d: {  	v4 =	vmax.f32 v4, v6  }
0x7e: {  	v5 =	vmax.f32 v5, v7;
	v4 =	vmul.f32 v4, v0  }
0x7f: {  	v5 =	vmul.f32 v5, v1  }
0x80: {  	(xrf2) =	vadd.scan.msk.f32 $0xffff, v4  }
0x81: {  	(xrf2) =	vadd.scan.msk.f32 $0xffff, v5;
	_ =	sdelay $0x8  }
0x82: {  	v4, _, _ =	vpop (xrf2)  }
0x83: {  	v5, _, _ =	vpop (xrf2);
	v4 =	vmul.f32 $1.442695020e+00, v4  }
0x84: {  	v5 =	vmul.f32 $1.442695020e+00, v5  }
0x85: {  	v4 =	vbroadcast v4, $0xF  }
0x86: {  	v5 =	vbroadcast v5, $0xF  }
0x87: {  	(erf) = vpow2.f32 v4  }
0x88: {  	(erf) = vpow2.f32 v5;
	_ =	sdelay $0x7  }
0x89: {  	v4 =	vpop (erf)  }
0x8a: {  	v5 =	vpop (erf)  }
0x8b: {  	v2 =	vmul.f32 v4, v2;
	v58 =	vsel vm0, v5, v4  }
0x8c: {  	v3 =	vmul.f32 v5, v3;
	[tilespmem:s30+$0x18] =	vst v58  }
0x8d: {  	[tilespmem:s30+$0x0] =	vst v2  }
0x8e: {  	[tilespmem:s30+$0x10] =	vst v3  }
0x8f: {  	v2 =	vld [tilespmem:s31+$0xF0]  }
0x90: {  	v3 =	vld [tilespmem:s31+$0x100]  }
0x91: {  	v59 =	vld [tilespmem:s31+$0x6F0]  }
0x92: {  	v60 =	vld [tilespmem:s31+$0x700]  }
0x93: {  	v61 =	vld [tilespmem:s30+$0x28]  }
0x94: {  	v62 =	vld [tilespmem:s30+$0x38];
	_ =	sdelay $0x1  }
0x95: {  	v4 =	vadd.f32 v59, v2  }
0x96: {  	v5 =	vadd.f32 v60, v3  }
0x97: {  	v4 =	vadd.f32 v61, v4  }
0x98: {  	v5 =	vadd.f32 v62, v5  }
0x99: {  	v6 =	vmul.f32 $2.000000030e-01, v4  }
0x9a: {  	v7 =	vmul.f32 $2.000000030e-01, v5  }
0x9b: {  	v4 =	vmax.f32 v4, v6  }
0x9c: {  	v5 =	vmax.f32 v5, v7;
	v4 =	vmul.f32 v4, v0  }
0x9d: {  	v5 =	vmul.f32 v5, v1  }
0x9e: {  	(xrf2) =	vadd.scan.msk.f32 $0xffff, v4  }
0x9f: {  	(xrf2) =	vadd.scan.msk.f32 $0xffff, v5;
	_ =	sdelay $0x8  }
0xa0: {  	v4, _, _ =	vpop (xrf2)  }
0xa1: {  	v5, _, _ =	vpop (xrf2);
	v4 =	vmul.f32 $1.442695020e+00, v4  }
0xa2: {  	v5 =	vmul.f32 $1.442695020e+00, v5  }
0xa3: {  	v4 =	vbroadcast v4, $0xF  }
0xa4: {  	v5 =	vbroadcast v5, $0xF  }
0xa5: {  	(erf) = vpow2.f32 v4  }
0xa6: {  	(erf) = vpow2.f32 v5;
	_ =	sdelay $0x7  }
0xa7: {  	p0 =	sne.s32 s29, $0x1600;
	v4 =	vpop (erf)  }
.Ltmp0:
0xa8: {  	v5 =	vpop (erf);
	(pc) =	sbr.rel @p0 .LBB2_3-.Ltmp0, $4  }
0xa9: {  	v2 =	vmul.f32 v4, v2;
	v63 =	vsel vm0, v5, v4  }
0xaa: {  	v3 =	vmul.f32 v5, v3;
	[tilespmem:s30+$0x40] =	vst v63  }
0xab: {  	[tilespmem:s30+$0x28] =	vst v2  }
0xac: {  	s29 =	sadd.s32 $0x200, s29;
	[tilespmem:s30+$0x38] =	vst v3;
	s30 =	sadd.s32 $0xA0, s30  }
0xad: {  	s28 =	sadd.s32 $0x1, s28  }
0xae: {  	p0 =	sne.s32 s28, $0x210  }
.Ltmp1:
0xaf: {  	_ = 	snop;
	(pc) =	sbr.rel @p0 .LBB2_2-.Ltmp1, $4  }
0xb0: {  	[spmem:s3] =	stream.indirect.scatter.add.f32 [tilespmem:s21], [sflag:$0x4], $0x28, s25, s18, $0xb8;
	[tilespmem:$0x1FE30] =	vst v63  }
0xb1: {  	_ =	swait.ge [sflag:s16], $0x780  }
0xb2: {  	[sflag:s16] =	ssyncset.done $0x0  }
0xb3: {  	[sflag:s16] =	ssyncadd.s32 $0xFFFFF880  }
0xb4: {  	s26 =	sadd.s32 $0x1, s26  }
0xb5: {  	p0 =	sne.s32 s26, s13  }
.Ltmp2:
0xb6: {  	[bflag:$0x0] =	sbarrier.arrive $0xFFFF;
	(pc) =	sbr.rel @p0 .LBB2_1-.Ltmp2, $4  }
0xb7: {  	[hbm:s14], [sflag:s10] =	dma.local [spmem:s15], $0x3D40  }
0xb8: {  	_ =	swait.ge [sflag:s16], $0x3D40  }
0xb9: {  	[sflag:s16] =	ssyncset.done $0x0  }
0xba: {  	[sflag:s16] =	ssyncadd.s32 $0xFFFFC2C0  }
0xbb: {  	_ =	sfence.sel $0x180000  }
0xbc: {  	[bflag:$0x0] =	sbarrier.arrive $0xFFFF  }
0xbd: {  	p0 =	sne.s32 s2, $0x0;
	_ =	strace $0x90000053  }
0xbe: {  	s0 =	sadd.s32 @!p0 $0x100000, s0;
	[bflag:$0x2] =	sbarrier.arrive $0xFFFF  }
0xbf: {  	[sflag:s0] =	ssyncadd.tile.s32 @!p0 $0x1;
	_ =	shalt  }
.Lfunc_end2:
_tile_overlayer_lowered:
.L_overlay_start_2:
0xc0: {  	(tag) =	ssettag $0x2  }
0xc1: {  	s0 =	rddreg [dreg:$0x0];
	s2 =	stileid.u32  }
0xc2: {  	s1 =	rddreg [dreg:$0x1];
	p0 =	sne.s32 s2, $0x0  }
0xc3: {  	s3 =	rddreg [dreg:$0x2];
	[bflag:$0x3] =	sbarrier.arrive $0xFFFF;
	s2 =	simm.s32 @!p0 $0x1C04  }
0xc4: {  	[timem:s3], [sflag:s2] =	dma.local @!p0 [hbm:s0], s1  }
0xc5: {  	s0 =	simm.s32 @!p0 $0x4  }
0xc6: {  	_ =	swait.ge @!p0 [sflag:s0], s1  }
0xc7: {  	s1 =	ssub.s32 @!p0 $0x0, s1;
	[sflag:s0] =	ssyncset.done @!p0 $0x0  }
0xc8: {  	[sflag:s0] =	ssyncadd.s32 @!p0 s1  }
0xc9: {  	[bflag:$0x3] =	sbarrier.arrive $0xFFFF  }
0xca: {  	_ =	shalt  }

</sc_bundles>
